<compile_context>
chip_gen: v7x
topology: tpu7x:2x2x1
jax: 0.10.2.dev20260603
libtpu: 0.0.44.dev20260713+nightly
codegen_flags: <defaults>
</compile_context>

<pallas_src>
import functools

import jax
import jax.numpy as jnp
from jax import lax
from jax.experimental import pallas as pl
from jax.experimental.pallas import tpu as pltpu
from jax.experimental.pallas import tpu_sc as plsc

N = 10000
E = 320000
D = 128
H = 16

NC = 2
NS = 16
L = 16
NW = NC * NS
EPW = E // NW
RPT = N // NS
CH = 80
NCH = EPW // CH
RING = 5
CPV = CH // L
RW = 640
RSTEP = 624

_mesh = plsc.VectorSubcoreMesh(
    core_axis_name="c", subcore_axis_name="s", num_cores=NC, num_subcores=NS
)
_sc_params = pltpu.CompilerParams(
    use_tc_tiling_on_sc=False, needs_layout_passes=False
)


def _worker_id():
    return lax.axis_index("s") * NC + lax.axis_index("c")


def _cross_tile_reduce(stage_sp, redbuf, outbuf, start):
    pltpu.sync_copy(stage_sp.at[:, pl.ds(start, RW)], redbuf)

    def red_body(i, carry):
        v = redbuf[0, pl.ds(i * L, L)]
        for j in range(1, NS):
            v = v + redbuf[j, pl.ds(i * L, L)]
        outbuf[pl.ds(i * L, L)] = v
        return carry

    lax.fori_loop(0, RW // L, red_body, 0, unroll=2)


@functools.partial(
    pl.kernel,
    out_type=jax.ShapeDtypeStruct((NC, 2, N), jnp.float32),
    mesh=_mesh,
    compiler_params=_sc_params,
    scratch_types=[
        pltpu.VMEM((NCH, CH), jnp.int32),
        pltpu.VMEM((NCH, CH), jnp.int32),
        pltpu.VMEM((N,), jnp.float32),
        pltpu.VMEM((N,), jnp.float32),
        pltpu.VMEM((NS, RW), jnp.float32),
        pltpu.VMEM((RW,), jnp.float32),
        pltpu.VMEM_SHARED((NS, N), jnp.float32),
        pltpu.VMEM_SHARED((NS, N), jnp.float32),
    ],
)
def _sc_degrees(
    esh_hbm, out_hbm, src_v, dst_v, hist_s, hist_d, redbuf, outbuf, hs_sp,
    hd_sp,
):
    c = lax.axis_index("c")
    s = lax.axis_index("s")
    w = s * NC + c
    pltpu.sync_copy(esh_hbm.at[0, pl.ds(w * NCH, NCH)], src_v)
    pltpu.sync_copy(esh_hbm.at[1, pl.ds(w * NCH, NCH)], dst_v)

    zeros = jnp.zeros((L,), jnp.float32)

    def zero_body(i, carry):
        hist_s[pl.ds(i * L, L)] = zeros
        hist_d[pl.ds(i * L, L)] = zeros
        return carry

    lax.fori_loop(0, N // L, zero_body, 0, unroll=8)

    ones = jnp.ones((L,), jnp.float32)

    def body(r, carry):
        for j in range(CPV):
            si = src_v[r, pl.ds(j * L, L)]
            plsc.addupdate_scatter(hist_s, [si], ones)
            di = dst_v[r, pl.ds(j * L, L)]
            plsc.addupdate_scatter(hist_d, [di], ones)
        return carry

    lax.fori_loop(0, NCH, body, 0, unroll=2)

    pltpu.sync_copy(hist_s, hs_sp.at[s])
    pltpu.sync_copy(hist_d, hd_sp.at[s])
    plsc.subcore_barrier()

    start = s * RSTEP
    _cross_tile_reduce(hs_sp, redbuf, outbuf, start)
    pltpu.sync_copy(outbuf, out_hbm.at[c, 0, pl.ds(start, RW)])
    _cross_tile_reduce(hd_sp, redbuf, outbuf, start)
    pltpu.sync_copy(outbuf, out_hbm.at[c, 1, pl.ds(start, RW)])


def _fast_rsqrt(x):
    i = plsc.bitcast(x, jnp.int32)
    i = 0x5F3759DF - lax.shift_right_arithmetic(i, 1)
    y = plsc.bitcast(i, jnp.float32)
    for _ in range(3):
        y = y * (1.5 - 0.5 * x * y * y)
    return y


@functools.partial(
    pl.kernel,
    out_type=(
        jax.ShapeDtypeStruct((NC, N, H), jnp.float32),
        jax.ShapeDtypeStruct((N, H), jnp.float32),
        jax.ShapeDtypeStruct((N,), jnp.float32),
        jax.ShapeDtypeStruct((N,), jnp.float32),
    ),
    mesh=_mesh,
    compiler_params=_sc_params,
    scratch_types=[
        pltpu.VMEM((NCH, CH), jnp.int32),
        pltpu.VMEM((NCH, CH), jnp.int32),
        pltpu.VMEM((RING, CH, H), jnp.float32),
        pltpu.VMEM((RPT, H), jnp.float32),
        pltpu.VMEM((RW, H), jnp.float32),
        pltpu.VMEM((RW,), jnp.float32),
        pltpu.VMEM((RW,), jnp.float32),
        pltpu.VMEM((RW,), jnp.float32),
        pltpu.VMEM((RW,), jnp.float32),
        pltpu.VMEM_SHARED((N, H), jnp.float32),
        pltpu.VMEM_SHARED((N, H), jnp.float32),
        pltpu.SemaphoreType.DMA((RING,)),
        pltpu.SemaphoreType.DMA((RING,)),
    ],
)
def _sc_agg_rows(
    h0_hbm, degp_hbm, esh_hbm, out_hbm, g0out_hbm, dii_hbm,
    dio_hbm, idx_sv, idx_dv, rows, zbuf, h0_v, dii_v, dio_v, dtmp_v, dtmp2_v,
    acc_sp, g0_sp, gsem, ssem,
):
    c = lax.axis_index("c")
    s = lax.axis_index("s")
    w = s * NC + c
    start = s * RSTEP

    ld = [
        pltpu.async_copy(
            esh_hbm.at[0, pl.ds(w * NCH, NCH)], idx_sv, gsem.at[0]
        ),
        pltpu.async_copy(
            esh_hbm.at[1, pl.ds(w * NCH, NCH)], idx_dv, gsem.at[1]
        ),
        pltpu.async_copy(h0_hbm.at[pl.ds(start, RW)], h0_v, gsem.at[2]),
    ]
    dld = [
        pltpu.async_copy(
            degp_hbm.at[0, 0, pl.ds(start, RW)], dio_v, ssem.at[0]
        ),
        pltpu.async_copy(
            degp_hbm.at[1, 0, pl.ds(start, RW)], dtmp_v, ssem.at[1]
        ),
    ]

    zeros = jnp.zeros((L,), jnp.float32)

    def zero_body(i, carry):
        zbuf[i, :] = zeros
        return carry

    lax.fori_loop(0, RPT, zero_body, 0, unroll=8)
    for d in dld:
        d.wait()

    def dio_body(t, carry):
        d = dio_v[pl.ds(t * L, L)] + dtmp_v[pl.ds(t * L, L)] + 1.0
        dio_v[pl.ds(t * L, L)] = _fast_rsqrt(d)
        return carry

    dld = [
        pltpu.async_copy(
            degp_hbm.at[0, 1, pl.ds(start, RW)], dii_v, ssem.at[0]
        ),
        pltpu.async_copy(
            degp_hbm.at[1, 1, pl.ds(start, RW)], dtmp2_v, ssem.at[1]
        ),
    ]
    lax.fori_loop(0, RW // L, dio_body, 0, unroll=2)
    for d in dld:
        d.wait()

    def dii_body(t, carry):
        d = dii_v[pl.ds(t * L, L)] + dtmp2_v[pl.ds(t * L, L)] + 1.0
        dii_v[pl.ds(t * L, L)] = _fast_rsqrt(d)
        return carry

    lax.fori_loop(0, RW // L, dii_body, 0, unroll=2)

    pltpu.sync_copy(dio_v, dio_hbm.at[pl.ds(start, RW)])
    pltpu.sync_copy(dii_v, dii_hbm.at[pl.ds(start, RW)])

    ld[2].wait()

    def scale_body(t, carry):
        dv = dio_v[pl.ds(t * L, L)]
        for ln in range(L):
            i = t * L + ln
            h0_v[i, :] = h0_v[i, :] * dv[ln]
        return carry

    lax.fori_loop(0, RW // L, scale_body, 0)

    pltpu.sync_copy(h0_v, g0_sp.at[pl.ds(start, RW)])
    pltpu.sync_copy(h0_v, g0out_hbm.at[pl.ds(start, RW)])
    pltpu.sync_copy(zbuf, acc_sp.at[pl.ds(s * RPT, RPT)])
    ld[0].wait()
    ld[1].wait()
    plsc.subcore_barrier()

    def _wait_gather(k, j):
        pltpu.make_async_copy(
            g0_sp.at[idx_sv.at[k]], rows.at[j], gsem.at[j]
        ).wait()

    def _scatter(k, j):
        pltpu.async_copy(
            rows.at[j], acc_sp.at[idx_dv.at[k]], ssem.at[j], add=True
        )

    def _wait_scatter(k, j):
        pltpu.make_async_copy(
            rows.at[j], acc_sp.at[idx_dv.at[k]], ssem.at[j]
        ).wait()

    for j in range(RING):
        pltpu.async_copy(g0_sp.at[idx_sv.at[j]], rows.at[j], gsem.at[j])

    NIT = (NCH - RING) // RING
    TAIL = NCH - RING * (NIT + 1)

    def ring_body(i, carry):
        for j in range(RING):
            k = i * RING + j
            _wait_gather(k, j)
            _scatter(k, j)
            _wait_scatter(k, j)
            pltpu.async_copy(
                g0_sp.at[idx_sv.at[k + RING]], rows.at[j], gsem.at[j]
            )
        return carry

    lax.fori_loop(0, NIT, ring_body, 0)

    for j in range(RING):
        k = NIT * RING + j
        _wait_gather(k, j)
        _scatter(k, j)
        _wait_scatter(k, j)
        if j < TAIL:
            kk = (NIT + 1) * RING + j
            pltpu.async_copy(
                g0_sp.at[idx_sv.at[kk]], rows.at[j], gsem.at[j]
            )
    for j in range(TAIL):
        k = (NIT + 1) * RING + j
        _wait_gather(k, j)
        _scatter(k, j)
        _wait_scatter(k, j)
    plsc.subcore_barrier()

    pltpu.sync_copy(
        acc_sp.at[pl.ds(s * RPT, RPT)], out_hbm.at[c, pl.ds(s * RPT, RPT)]
    )


@functools.partial(
    pl.kernel,
    out_type=(
        jax.ShapeDtypeStruct((NC, N), jnp.float32),
        jax.ShapeDtypeStruct((N,), jnp.float32),
    ),
    mesh=_mesh,
    compiler_params=_sc_params,
    scratch_types=[
        pltpu.VMEM((N,), jnp.float32),
        pltpu.VMEM((NCH, CH), jnp.int32),
        pltpu.VMEM((NCH, CH), jnp.int32),
        pltpu.VMEM((N,), jnp.float32),
        pltpu.VMEM((NS, RW), jnp.float32),
        pltpu.VMEM((RW,), jnp.float32),
        pltpu.VMEM_SHARED((NS, N), jnp.float32),
        pltpu.VMEM((RW, H), jnp.float32),
        pltpu.VMEM((RW, H), jnp.float32),
        pltpu.VMEM((RW, H), jnp.float32),
        pltpu.VMEM((RW,), jnp.float32),
        pltpu.VMEM((RW,), jnp.float32),
        pltpu.VMEM((RW,), jnp.float32),
        pltpu.VMEM((H,), jnp.float32),
        pltpu.VMEM((H,), jnp.float32),
        pltpu.VMEM_SHARED((N,), jnp.float32),
        pltpu.SemaphoreType.DMA((9,)),
    ],
)
def _sc_agg_scalar(
    accp_hbm, g0_hbm, dii_hbm, dio_hbm, b0_hbm, w1_hbm, esh_hbm,
    out_hbm, g1out_hbm, g1_v, idx_s2, idx_d2, acc_v, redbuf, outbuf, acc_sp,
    a0_v, a1_v, gg_v, di_v, do_v, g1s_v, b0_v, w1_v, g1_sp, lsem,
):
    c = lax.axis_index("c")
    s = lax.axis_index("s")
    w = s * NC + c
    start = s * RSTEP

    ld = [
        pltpu.async_copy(accp_hbm.at[0, pl.ds(start, RW)], a0_v, lsem.at[0]),
        pltpu.async_copy(accp_hbm.at[1, pl.ds(start, RW)], a1_v, lsem.at[1]),
        pltpu.async_copy(g0_hbm.at[pl.ds(start, RW)], gg_v, lsem.at[2]),
        pltpu.async_copy(dii_hbm.at[pl.ds(start, RW)], di_v, lsem.at[3]),
        pltpu.async_copy(dio_hbm.at[pl.ds(start, RW)], do_v, lsem.at[4]),
        pltpu.async_copy(b0_hbm, b0_v, lsem.at[5]),
        pltpu.async_copy(w1_hbm, w1_v, lsem.at[6]),
        pltpu.async_copy(
            esh_hbm.at[0, pl.ds(w * NCH, NCH)], idx_s2, lsem.at[7]
        ),
        pltpu.async_copy(
            esh_hbm.at[1, pl.ds(w * NCH, NCH)], idx_d2, lsem.at[8]
        ),
    ]

    zeros = jnp.zeros((L,), jnp.float32)

    def zero_acc(i, carry):
        acc_v[pl.ds(i * L, L)] = zeros
        return carry

    lax.fori_loop(0, N // L, zero_acc, 0, unroll=8)
    for d in ld[:7]:
        d.wait()

    b0r = b0_v[...]
    w1r = w1_v[...]
    lane = lax.iota(jnp.int32, L)

    def g1_body(t, carry):
        base_i = t * L
        div16 = di_v[pl.ds(base_i, L)]
        dov16 = do_v[pl.ds(base_i, L)]
        zvec = jnp.zeros((L,), jnp.float32)
        for ln in range(L):
            i = base_i + ln
            row = a0_v[i, :] + a1_v[i, :] + gg_v[i, :]
            pre = row * div16[ln] + b0r
            h1 = jnp.maximum(pre, 0.0)
            zs = jnp.sum(h1 * w1r)
            zvec = jnp.where(lane == ln, zs, zvec)
        g1s_v[pl.ds(base_i, L)] = zvec * dov16
        return carry

    lax.fori_loop(0, RW // L, g1_body, 0)

    pltpu.sync_copy(g1s_v, g1_sp.at[pl.ds(start, RW)])
    pltpu.sync_copy(g1s_v, g1out_hbm.at[pl.ds(start, RW)])
    ld[7].wait()
    ld[8].wait()
    plsc.subcore_barrier()
    pltpu.sync_copy(g1_sp, g1_v)

    def body(r, carry):
        for j in range(CPV):
            iv = idx_s2[r, pl.ds(j * L, L)]
            vals = plsc.load_gather(g1_v, [iv])
            jv = idx_d2[r, pl.ds(j * L, L)]
            plsc.addupdate_scatter(acc_v, [jv], vals)
        return carry

    lax.fori_loop(0, NCH, body, 0, unroll=2)

    pltpu.sync_copy(acc_v, acc_sp.at[s])
    plsc.subcore_barrier()

    _cross_tile_reduce(acc_sp, redbuf, outbuf, start)
    pltpu.sync_copy(outbuf, out_hbm.at[c, pl.ds(start, RW)])


def _tc0_body(x_ref, w0_ref, h0_ref):
    h0_ref[...] = jnp.dot(
        x_ref[...], w0_ref[...], preferred_element_type=jnp.float32
    )


def _tc0(x, w0):
    return pl.pallas_call(
        _tc0_body,
        out_shape=jax.ShapeDtypeStruct((N, H), jnp.float32),
    )(x, w0)


def _tc3_body(accp_ref, g1_ref, dii_ref, b1_ref, out_ref):
    acc = accp_ref[0] + accp_ref[1] + g1_ref[...]
    pre = acc * dii_ref[...] + b1_ref[0]
    out_ref[...] = jax.nn.sigmoid(pre)[:, None]


def _tc3(accp, g1, dinv_in, b1):
    return pl.pallas_call(
        _tc3_body,
        out_shape=jax.ShapeDtypeStruct((N, 1), jnp.float32),
    )(accp, g1, dinv_in, b1)


def kernel(x, edge_index, W0, b0, W1, b1):
    esh = edge_index.reshape(2, NW * NCH, CH)
    degp = _sc_degrees(esh)
    h0 = _tc0(x, W0)
    accp0, g0, dinv_in, dinv_out = _sc_agg_rows(h0, degp, esh)
    accp1, g1 = _sc_agg_scalar(
        accp0, g0, dinv_in, dinv_out, b0, W1.reshape(H), esh
    )
    return _tc3(accp1, g1, dinv_in, b1)

# --- scband reference (transcript-rebuilt; emitter-appended) ---
"""Pipeline reference for scband-gnn-53300544143387 (READ-ONLY COPY).

The authoritative reference and input builder live on the scoring server;
editing this copy changes nothing except your own understanding.
"""

import jax, jax.numpy as jnp
import numpy as np

N = 10000
E = 320000
D = 128
H = 16
O = 1


def setup_inputs(seed: int = 0) -> dict:
    key = jax.random.key(seed)
    k1, k2, k3, k4 = jax.random.split(key, 4)
    x = jax.random.normal(k1, (N, D), dtype=jnp.float32)
    edge_index = jax.random.randint(k2, (2, E), 0, N, dtype=jnp.int32)
    W0 = jax.random.normal(k3, (D, H), dtype=jnp.float32) * 0.05
    b0 = jnp.zeros((H,), dtype=jnp.float32)
    W1 = jax.random.normal(k4, (H, O), dtype=jnp.float32) * 0.05
    b1 = jnp.zeros((O,), dtype=jnp.float32)
    return {"x": x, "edge_index": edge_index, "W0": W0, "b0": b0, "W1": W1, "b1": b1}


def _gcn_propagate(h, src, dst, n):
    # GCN normalized propagation with self-loops: D^{-1/2} (A + I) D^{-1/2} h
    loop = jnp.arange(n, dtype=src.dtype)
    src2 = jnp.concatenate([src, loop])
    dst2 = jnp.concatenate([dst, loop])
    ones = jnp.ones(src2.shape[0], dtype=h.dtype)
    deg_out = jax.ops.segment_sum(ones, src2, num_segments=n)
    deg_in = jax.ops.segment_sum(ones, dst2, num_segments=n)
    norm = (deg_out ** -0.5)[src2] * (deg_in ** -0.5)[dst2]
    msgs = h[src2] * norm[:, None]
    return jax.ops.segment_sum(msgs, dst2, num_segments=n)


def reference(x, edge_index, W0, b0, W1, b1):
    n = x.shape[0]
    src = edge_index[0]
    dst = edge_index[1]
    mask = jnp.ones((n, 1), dtype=x.dtype)  # self.mask = np.ones(n_nodes)
    # GCNConv layer 0: A_norm @ (X W0) + b0, relu activation
    h = _gcn_propagate(x @ W0, src, dst, n) + b0
    h = jax.nn.relu(h) * mask
    # Dropout(0.5) is identity at inference
    # GCNConv layer 1: A_norm @ (h W1) + b1, sigmoid activation
    h = _gcn_propagate(h @ W1, src, dst, n) + b1
    out = jax.nn.sigmoid(h) * mask
    return out

if __name__ == "__main__":
    import jax
    _d = setup_inputs()
    print(jax.jit(kernel)(*tuple(_d.values())))

</pallas_src>

<mosaic_0001>
#map = affine_map<(d0, d1) -> (0, 0, 0)>
#map1 = affine_map<(d0, d1) -> (0, 0)>
#map2 = affine_map<(d0, d1) -> (0)>
module attributes {stable_mosaic.version = 14 : i64} {
  func.func @_sc_agg_scalar(%arg0: i32, %arg1: i32, %arg2: memref<2x10000x16xf32, #tpu.memory_space<hbm>>, %arg3: memref<10000x16xf32, #tpu.memory_space<hbm>>, %arg4: memref<10000xf32, #tpu.memory_space<hbm>>, %arg5: memref<10000xf32, #tpu.memory_space<hbm>>, %arg6: memref<16xf32, #tpu.memory_space<hbm>>, %arg7: memref<16xf32, #tpu.memory_space<hbm>>, %arg8: memref<2x4000x80xi32, #tpu.memory_space<hbm>>, %arg9: memref<2x10000xf32, #tpu.memory_space<hbm>>, %arg10: memref<10000xf32, #tpu.memory_space<hbm>>, %arg11: memref<10000xf32, #tpu.memory_space<vmem>>, %arg12: memref<125x80xi32, #tpu.memory_space<vmem>>, %arg13: memref<125x80xi32, #tpu.memory_space<vmem>>, %arg14: memref<10000xf32, #tpu.memory_space<vmem>>, %arg15: memref<16x640xf32, #tpu.memory_space<vmem>>, %arg16: memref<640xf32, #tpu.memory_space<vmem>>, %arg17: memref<16x10000xf32, #tpu.memory_space<vmem_shared>>, %arg18: memref<640x16xf32, #tpu.memory_space<vmem>>, %arg19: memref<640x16xf32, #tpu.memory_space<vmem>>, %arg20: memref<640x16xf32, #tpu.memory_space<vmem>>, %arg21: memref<640xf32, #tpu.memory_space<vmem>>, %arg22: memref<640xf32, #tpu.memory_space<vmem>>, %arg23: memref<640xf32, #tpu.memory_space<vmem>>, %arg24: memref<16xf32, #tpu.memory_space<vmem>>, %arg25: memref<16xf32, #tpu.memory_space<vmem>>, %arg26: memref<10000xf32, #tpu.memory_space<vmem_shared>>, %arg27: memref<9x!tpu.dma_semaphore, #tpu.memory_space<semaphore_mem>>) attributes {dimension_semantics = [#tpu.dimension_semantics<core_parallel>, #tpu.dimension_semantics<subcore_parallel>], iteration_bounds = array<i64: 2, 16>, scalar_prefetch = 0 : i64, scratch_operands = 17 : i64, tpu.core_type = #tpu.core_type<sc_vector_subcore>, window_params = [{transform_indices = #map}, {transform_indices = #map1}, {transform_indices = #map2}, {transform_indices = #map2}, {transform_indices = #map2}, {transform_indices = #map2}, {transform_indices = #map}, {transform_indices = #map1}, {transform_indices = #map2}]} {
    %mul3A = arith.constant 2 : i32
    %mul3A_0 = arith.muli %arg1, %mul3A : i32
    %add3A = arith.addi %mul3A_0, %arg0 : i32
    %mul3A_1 = arith.constant 624 : i32
    %mul3A_2 = arith.muli %arg1, %mul3A_1 : i32
    %dma_start3A = arith.constant 0 : i32
    %dma_start3A_3 = arith.constant 0 : i32
    %dma_start3A_4 = arith.constant 0 : i32
    %dma_start3A_5 = tpu.memref_slice %arg2[%dma_start3A, %mul3A_2, %dma_start3A_4] : memref<2x10000x16xf32, #tpu.memory_space<hbm>> -> memref<1x640x16xf32, #tpu.memory_space<hbm>>
    %dma_start3A_6 = tpu.memref_squeeze %dma_start3A_5 : memref<1x640x16xf32, #tpu.memory_space<hbm>> -> memref<640x16xf32, #tpu.memory_space<hbm>>
    %dma_start3A_7 = tpu.memref_slice %arg27[%dma_start3A_3] : memref<9x!tpu.dma_semaphore, #tpu.memory_space<semaphore_mem>> -> memref<1x!tpu.dma_semaphore, #tpu.memory_space<semaphore_mem>>
    %dma_start3A_8 = tpu.memref_squeeze %dma_start3A_7 : memref<1x!tpu.dma_semaphore, #tpu.memory_space<semaphore_mem>> -> memref<!tpu.dma_semaphore, #tpu.memory_space<semaphore_mem>>
    %dma_start3A_9 = arith.constant 0 : i32
    %dma_start3A_10 = tpu.memref_slice %arg2[%dma_start3A, %mul3A_2, %dma_start3A_9] : memref<2x10000x16xf32, #tpu.memory_space<hbm>> -> memref<1x640x16xf32, #tpu.memory_space<hbm>>
    %dma_start3A_11 = tpu.memref_squeeze %dma_start3A_10 : memref<1x640x16xf32, #tpu.memory_space<hbm>> -> memref<640x16xf32, #tpu.memory_space<hbm>>
    tpu.enqueue_dma source(%dma_start3A_11 : memref<640x16xf32, #tpu.memory_space<hbm>>) target(%arg18 : memref<640x16xf32, #tpu.memory_space<vmem>>) target_semaphore(%dma_start3A_8 : memref<!tpu.dma_semaphore, #tpu.memory_space<semaphore_mem>>)
    %dma_start3A_12 = arith.constant 1 : i32
    %dma_start3A_13 = arith.constant 1 : i32
    %dma_start3A_14 = arith.constant 0 : i32
    %dma_start3A_15 = tpu.memref_slice %arg2[%dma_start3A_12, %mul3A_2, %dma_start3A_14] : memref<2x10000x16xf32, #tpu.memory_space<hbm>> -> memref<1x640x16xf32, #tpu.memory_space<hbm>>
    %dma_start3A_16 = tpu.memref_squeeze %dma_start3A_15 : memref<1x640x16xf32, #tpu.memory_space<hbm>> -> memref<640x16xf32, #tpu.memory_space<hbm>>
    %dma_start3A_17 = tpu.memref_slice %arg27[%dma_start3A_13] : memref<9x!tpu.dma_semaphore, #tpu.memory_space<semaphore_mem>> -> memref<1x!tpu.dma_semaphore, #tpu.memory_space<semaphore_mem>>
    %dma_start3A_18 = tpu.memref_squeeze %dma_start3A_17 : memref<1x!tpu.dma_semaphore, #tpu.memory_space<semaphore_mem>> -> memref<!tpu.dma_semaphore, #tpu.memory_space<semaphore_mem>>
    %dma_start3A_19 = arith.constant 0 : i32
    %dma_start3A_20 = tpu.memref_slice %arg2[%dma_start3A_12, %mul3A_2, %dma_start3A_19] : memref<2x10000x16xf32, #tpu.memory_space<hbm>> -> memref<1x640x16xf32, #tpu.memory_space<hbm>>
    %dma_start3A_21 = tpu.memref_squeeze %dma_start3A_20 : memref<1x640x16xf32, #tpu.memory_space<hbm>> -> memref<640x16xf32, #tpu.memory_space<hbm>>
    tpu.enqueue_dma source(%dma_start3A_21 : memref<640x16xf32, #tpu.memory_space<hbm>>) target(%arg19 : memref<640x16xf32, #tpu.memory_space<vmem>>) target_semaphore(%dma_start3A_18 : memref<!tpu.dma_semaphore, #tpu.memory_space<semaphore_mem>>)
    %dma_start3A_22 = arith.constant 2 : i32
    %dma_start3A_23 = arith.constant 0 : i32
    %dma_start3A_24 = tpu.memref_slice %arg3[%mul3A_2, %dma_start3A_23] : memref<10000x16xf32, #tpu.memory_space<hbm>> -> memref<640x16xf32, #tpu.memory_space<hbm>>
    %dma_start3A_25 = tpu.memref_slice %arg27[%dma_start3A_22] : memref<9x!tpu.dma_semaphore, #tpu.memory_space<semaphore_mem>> -> memref<1x!tpu.dma_semaphore, #tpu.memory_space<semaphore_mem>>
    %dma_start3A_26 = tpu.memref_squeeze %dma_start3A_25 : memref<1x!tpu.dma_semaphore, #tpu.memory_space<semaphore_mem>> -> memref<!tpu.dma_semaphore, #tpu.memory_space<semaphore_mem>>
    %dma_start3A_27 = arith.constant 0 : i32
    %dma_start3A_28 = tpu.memref_slice %arg3[%mul3A_2, %dma_start3A_27] : memref<10000x16xf32, #tpu.memory_space<hbm>> -> memref<640x16xf32, #tpu.memory_space<hbm>>
    tpu.enqueue_dma source(%dma_start3A_28 : memref<640x16xf32, #tpu.memory_space<hbm>>) target(%arg20 : memref<640x16xf32, #tpu.memory_space<vmem>>) target_semaphore(%dma_start3A_26 : memref<!tpu.dma_semaphore, #tpu.memory_space<semaphore_mem>>)
    %dma_start3A_29 = arith.constant 3 : i32
    %dma_start3A_30 = tpu.memref_slice %arg4[%mul3A_2] : memref<10000xf32, #tpu.memory_space<hbm>> -> memref<640xf32, #tpu.memory_space<hbm>>
    %dma_start3A_31 = tpu.memref_slice %arg27[%dma_start3A_29] : memref<9x!tpu.dma_semaphore, #tpu.memory_space<semaphore_mem>> -> memref<1x!tpu.dma_semaphore, #tpu.memory_space<semaphore_mem>>
    %dma_start3A_32 = tpu.memref_squeeze %dma_start3A_31 : memref<1x!tpu.dma_semaphore, #tpu.memory_space<semaphore_mem>> -> memref<!tpu.dma_semaphore, #tpu.memory_space<semaphore_mem>>
    %dma_start3A_33 = tpu.memref_slice %arg4[%mul3A_2] : memref<10000xf32, #tpu.memory_space<hbm>> -> memref<640xf32, #tpu.memory_space<hbm>>
    tpu.enqueue_dma source(%dma_start3A_33 : memref<640xf32, #tpu.memory_space<hbm>>) target(%arg21 : memref<640xf32, #tpu.memory_space<vmem>>) target_semaphore(%dma_start3A_32 : memref<!tpu.dma_semaphore, #tpu.memory_space<semaphore_mem>>)
    %dma_start3A_34 = arith.constant 4 : i32
    %dma_start3A_35 = tpu.memref_slice %arg5[%mul3A_2] : memref<10000xf32, #tpu.memory_space<hbm>> -> memref<640xf32, #tpu.memory_space<hbm>>
    %dma_start3A_36 = tpu.memref_slice %arg27[%dma_start3A_34] : memref<9x!tpu.dma_semaphore, #tpu.memory_space<semaphore_mem>> -> memref<1x!tpu.dma_semaphore, #tpu.memory_space<semaphore_mem>>
    %dma_start3A_37 = tpu.memref_squeeze %dma_start3A_36 : memref<1x!tpu.dma_semaphore, #tpu.memory_space<semaphore_mem>> -> memref<!tpu.dma_semaphore, #tpu.memory_space<semaphore_mem>>
    %dma_start3A_38 = tpu.memref_slice %arg5[%mul3A_2] : memref<10000xf32, #tpu.memory_space<hbm>> -> memref<640xf32, #tpu.memory_space<hbm>>
    tpu.enqueue_dma source(%dma_start3A_38 : memref<640xf32, #tpu.memory_space<hbm>>) target(%arg22 : memref<640xf32, #tpu.memory_space<vmem>>) target_semaphore(%dma_start3A_37 : memref<!tpu.dma_semaphore, #tpu.memory_space<semaphore_mem>>)
    %dma_start3A_39 = arith.constant 5 : i32
    %dma_start3A_40 = tpu.memref_slice %arg27[%dma_start3A_39] : memref<9x!tpu.dma_semaphore, #tpu.memory_space<semaphore_mem>> -> memref<1x!tpu.dma_semaphore, #tpu.memory_space<semaphore_mem>>
    %dma_start3A_41 = tpu.memref_squeeze %dma_start3A_40 : memref<1x!tpu.dma_semaphore, #tpu.memory_space<semaphore_mem>> -> memref<!tpu.dma_semaphore, #tpu.memory_space<semaphore_mem>>
    tpu.enqueue_dma source(%arg6 : memref<16xf32, #tpu.memory_space<hbm>>) target(%arg24 : memref<16xf32, #tpu.memory_space<vmem>>) target_semaphore(%dma_start3A_41 : memref<!tpu.dma_semaphore, #tpu.memory_space<semaphore_mem>>)
    %dma_start3A_42 = arith.constant 6 : i32
    %dma_start3A_43 = tpu.memref_slice %arg27[%dma_start3A_42] : memref<9x!tpu.dma_semaphore, #tpu.memory_space<semaphore_mem>> -> memref<1x!tpu.dma_semaphore, #tpu.memory_space<semaphore_mem>>
    %dma_start3A_44 = tpu.memref_squeeze %dma_start3A_43 : memref<1x!tpu.dma_semaphore, #tpu.memory_space<semaphore_mem>> -> memref<!tpu.dma_semaphore, #tpu.memory_space<semaphore_mem>>
    tpu.enqueue_dma source(%arg7 : memref<16xf32, #tpu.memory_space<hbm>>) target(%arg25 : memref<16xf32, #tpu.memory_space<vmem>>) target_semaphore(%dma_start3A_44 : memref<!tpu.dma_semaphore, #tpu.memory_space<semaphore_mem>>)
    %mul3A_45 = arith.constant 125 : i32
    %mul3A_46 = arith.muli %add3A, %mul3A_45 : i32
    %dma_start3A_47 = arith.constant 0 : i32
    %dma_start3A_48 = arith.constant 7 : i32
    %dma_start3A_49 = arith.constant 0 : i32
    %dma_start3A_50 = tpu.memref_slice %arg8[%dma_start3A_47, %mul3A_46, %dma_start3A_49] : memref<2x4000x80xi32, #tpu.memory_space<hbm>> -> memref<1x125x80xi32, #tpu.memory_space<hbm>>
    %dma_start3A_51 = tpu.memref_squeeze %dma_start3A_50 : memref<1x125x80xi32, #tpu.memory_space<hbm>> -> memref<125x80xi32, #tpu.memory_space<hbm>>
    %dma_start3A_52 = tpu.memref_slice %arg27[%dma_start3A_48] : memref<9x!tpu.dma_semaphore, #tpu.memory_space<semaphore_mem>> -> memref<1x!tpu.dma_semaphore, #tpu.memory_space<semaphore_mem>>
    %dma_start3A_53 = tpu.memref_squeeze %dma_start3A_52 : memref<1x!tpu.dma_semaphore, #tpu.memory_space<semaphore_mem>> -> memref<!tpu.dma_semaphore, #tpu.memory_space<semaphore_mem>>
    %dma_start3A_54 = arith.constant 0 : i32
    %dma_start3A_55 = tpu.memref_slice %arg8[%dma_start3A_47, %mul3A_46, %dma_start3A_54] : memref<2x4000x80xi32, #tpu.memory_space<hbm>> -> memref<1x125x80xi32, #tpu.memory_space<hbm>>
    %dma_start3A_56 = tpu.memref_squeeze %dma_start3A_55 : memref<1x125x80xi32, #tpu.memory_space<hbm>> -> memref<125x80xi32, #tpu.memory_space<hbm>>
    tpu.enqueue_dma source(%dma_start3A_56 : memref<125x80xi32, #tpu.memory_space<hbm>>) target(%arg12 : memref<125x80xi32, #tpu.memory_space<vmem>>) target_semaphore(%dma_start3A_53 : memref<!tpu.dma_semaphore, #tpu.memory_space<semaphore_mem>>)
    %mul3A_57 = arith.constant 125 : i32
    %mul3A_58 = arith.muli %add3A, %mul3A_57 : i32
    %dma_start3A_59 = arith.constant 1 : i32
    %dma_start3A_60 = arith.constant 8 : i32
    %dma_start3A_61 = arith.constant 0 : i32
    %dma_start3A_62 = tpu.memref_slice %arg8[%dma_start3A_59, %mul3A_58, %dma_start3A_61] : memref<2x4000x80xi32, #tpu.memory_space<hbm>> -> memref<1x125x80xi32, #tpu.memory_space<hbm>>
    %dma_start3A_63 = tpu.memref_squeeze %dma_start3A_62 : memref<1x125x80xi32, #tpu.memory_space<hbm>> -> memref<125x80xi32, #tpu.memory_space<hbm>>
    %dma_start3A_64 = tpu.memref_slice %arg27[%dma_start3A_60] : memref<9x!tpu.dma_semaphore, #tpu.memory_space<semaphore_mem>> -> memref<1x!tpu.dma_semaphore, #tpu.memory_space<semaphore_mem>>
    %dma_start3A_65 = tpu.memref_squeeze %dma_start3A_64 : memref<1x!tpu.dma_semaphore, #tpu.memory_space<semaphore_mem>> -> memref<!tpu.dma_semaphore, #tpu.memory_space<semaphore_mem>>
    %dma_start3A_66 = arith.constant 0 : i32
    %dma_start3A_67 = tpu.memref_slice %arg8[%dma_start3A_59, %mul3A_58, %dma_start3A_66] : memref<2x4000x80xi32, #tpu.memory_space<hbm>> -> memref<1x125x80xi32, #tpu.memory_space<hbm>>
    %dma_start3A_68 = tpu.memref_squeeze %dma_start3A_67 : memref<1x125x80xi32, #tpu.memory_space<hbm>> -> memref<125x80xi32, #tpu.memory_space<hbm>>
    tpu.enqueue_dma source(%dma_start3A_68 : memref<125x80xi32, #tpu.memory_space<hbm>>) target(%arg13 : memref<125x80xi32, #tpu.memory_space<vmem>>) target_semaphore(%dma_start3A_65 : memref<!tpu.dma_semaphore, #tpu.memory_space<semaphore_mem>>)
    %broadcast_in_dim3A = arith.constant 0.000000e+00 : f32
    %broadcast_in_dim3A_69 = vector.broadcast %broadcast_in_dim3A : f32 to vector<16xf32>
    %scan3A = arith.constant 0 : i32
    %scan3A_70 = arith.constant 0 : i32
    %scan3A_71 = arith.constant 624 : i32
    %scan3A_72 = arith.addi %scan3A_70, %scan3A_71 : i32
    %scan3A_73 = arith.constant 8 : i32
    scf.for %scan3A_200 = %scan3A_70 to %scan3A_72 step %scan3A_73  : i32 {
      %mul3A_201 = arith.constant 16 : i32
      %mul3A_202 = arith.muli %scan3A_200, %mul3A_201 : i32
      %swap3A_203 = arith.index_cast %mul3A_202 : i32 to index
      %swap3A_204 = tpu.vector_load %arg14[%swap3A_203] {strides = array<i32>} : memref<10000xf32, #tpu.memory_space<vmem>>, vector<16xf32>,
      tpu.vector_store %arg14[%swap3A_203], %broadcast_in_dim3A_69 {strides = array<i32>} : memref<10000xf32, #tpu.memory_space<vmem>>, vector<16xf32>,
      %scan3A_205 = arith.constant 1 : i32
      %scan3A_206 = arith.addi %scan3A_200, %scan3A_205 : i32
      %mul3A_207 = arith.constant 16 : i32
      %mul3A_208 = arith.muli %scan3A_206, %mul3A_207 : i32
      %swap3A_209 = arith.index_cast %mul3A_208 : i32 to index
      %swap3A_210 = tpu.vector_load %arg14[%swap3A_209] {strides = array<i32>} : memref<10000xf32, #tpu.memory_space<vmem>>, vector<16xf32>,
      tpu.vector_store %arg14[%swap3A_209], %broadcast_in_dim3A_69 {strides = array<i32>} : memref<10000xf32, #tpu.memory_space<vmem>>, vector<16xf32>,
      %scan3A_211 = arith.constant 2 : i32
      %scan3A_212 = arith.addi %scan3A_200, %scan3A_211 : i32
      %mul3A_213 = arith.constant 16 : i32
      %mul3A_214 = arith.muli %scan3A_212, %mul3A_213 : i32
      %swap3A_215 = arith.index_cast %mul3A_214 : i32 to index
      %swap3A_216 = tpu.vector_load %arg14[%swap3A_215] {strides = array<i32>} : memref<10000xf32, #tpu.memory_space<vmem>>, vector<16xf32>,
      tpu.vector_store %arg14[%swap3A_215], %broadcast_in_dim3A_69 {strides = array<i32>} : memref<10000xf32, #tpu.memory_space<vmem>>, vector<16xf32>,
      %scan3A_217 = arith.constant 3 : i32
      %scan3A_218 = arith.addi %scan3A_200, %scan3A_217 : i32
      %mul3A_219 = arith.constant 16 : i32
      %mul3A_220 = arith.muli %scan3A_218, %mul3A_219 : i32
      %swap3A_221 = arith.index_cast %mul3A_220 : i32 to index
      %swap3A_222 = tpu.vector_load %arg14[%swap3A_221] {strides = array<i32>} : memref<10000xf32, #tpu.memory_space<vmem>>, vector<16xf32>,
      tpu.vector_store %arg14[%swap3A_221], %broadcast_in_dim3A_69 {strides = array<i32>} : memref<10000xf32, #tpu.memory_space<vmem>>, vector<16xf32>,
      %scan3A_223 = arith.constant 4 : i32
      %scan3A_224 = arith.addi %scan3A_200, %scan3A_223 : i32
      %mul3A_225 = arith.constant 16 : i32
      %mul3A_226 = arith.muli %scan3A_224, %mul3A_225 : i32
      %swap3A_227 = arith.index_cast %mul3A_226 : i32 to index
      %swap3A_228 = tpu.vector_load %arg14[%swap3A_227] {strides = array<i32>} : memref<10000xf32, #tpu.memory_space<vmem>>, vector<16xf32>,
      tpu.vector_store %arg14[%swap3A_227], %broadcast_in_dim3A_69 {strides = array<i32>} : memref<10000xf32, #tpu.memory_space<vmem>>, vector<16xf32>,
      %scan3A_229 = arith.constant 5 : i32
      %scan3A_230 = arith.addi %scan3A_200, %scan3A_229 : i32
      %mul3A_231 = arith.constant 16 : i32
      %mul3A_232 = arith.muli %scan3A_230, %mul3A_231 : i32
      %swap3A_233 = arith.index_cast %mul3A_232 : i32 to index
      %swap3A_234 = tpu.vector_load %arg14[%swap3A_233] {strides = array<i32>} : memref<10000xf32, #tpu.memory_space<vmem>>, vector<16xf32>,
      tpu.vector_store %arg14[%swap3A_233], %broadcast_in_dim3A_69 {strides = array<i32>} : memref<10000xf32, #tpu.memory_space<vmem>>, vector<16xf32>,
      %scan3A_235 = arith.constant 6 : i32
      %scan3A_236 = arith.addi %scan3A_200, %scan3A_235 : i32
      %mul3A_237 = arith.constant 16 : i32
      %mul3A_238 = arith.muli %scan3A_236, %mul3A_237 : i32
      %swap3A_239 = arith.index_cast %mul3A_238 : i32 to index
      %swap3A_240 = tpu.vector_load %arg14[%swap3A_239] {strides = array<i32>} : memref<10000xf32, #tpu.memory_space<vmem>>, vector<16xf32>,
      tpu.vector_store %arg14[%swap3A_239], %broadcast_in_dim3A_69 {strides = array<i32>} : memref<10000xf32, #tpu.memory_space<vmem>>, vector<16xf32>,
      %scan3A_241 = arith.constant 7 : i32
      %scan3A_242 = arith.addi %scan3A_200, %scan3A_241 : i32
      %mul3A_243 = arith.constant 16 : i32
      %mul3A_244 = arith.muli %scan3A_242, %mul3A_243 : i32
      %swap3A_245 = arith.index_cast %mul3A_244 : i32 to index
      %swap3A_246 = tpu.vector_load %arg14[%swap3A_245] {strides = array<i32>} : memref<10000xf32, #tpu.memory_space<vmem>>, vector<16xf32>,
      tpu.vector_store %arg14[%swap3A_245], %broadcast_in_dim3A_69 {strides = array<i32>} : memref<10000xf32, #tpu.memory_space<vmem>>, vector<16xf32>,
    }
    %scan3A_74 = arith.constant 624 : i32
    %scan3A_75 = arith.addi %scan3A_70, %scan3A_74 : i32
    %mul3A_76 = arith.constant 16 : i32
    %mul3A_77 = arith.muli %scan3A_75, %mul3A_76 : i32
    %swap3A = arith.index_cast %mul3A_77 : i32 to index
    %swap3A_78 = tpu.vector_load %arg14[%swap3A] {strides = array<i32>} : memref<10000xf32, #tpu.memory_space<vmem>>, vector<16xf32>,
    tpu.vector_store %arg14[%swap3A], %broadcast_in_dim3A_69 {strides = array<i32>} : memref<10000xf32, #tpu.memory_space<vmem>>, vector<16xf32>,
    %scan3A_79 = arith.constant 625 : i32
    %dma_wait3A = arith.constant 0 : i32
    %dma_wait3A_80 = arith.constant 0 : i32
    %dma_wait3A_81 = arith.constant 0 : i32
    %dma_wait3A_82 = tpu.memref_slice %arg2[%dma_wait3A, %mul3A_2, %dma_wait3A_81] : memref<2x10000x16xf32, #tpu.memory_space<hbm>> -> memref<1x640x16xf32, #tpu.memory_space<hbm>>
    %dma_wait3A_83 = tpu.memref_squeeze %dma_wait3A_82 : memref<1x640x16xf32, #tpu.memory_space<hbm>> -> memref<640x16xf32, #tpu.memory_space<hbm>>
    %dma_wait3A_84 = tpu.memref_slice %arg27[%dma_wait3A_80] : memref<9x!tpu.dma_semaphore, #tpu.memory_space<semaphore_mem>> -> memref<1x!tpu.dma_semaphore, #tpu.memory_space<semaphore_mem>>
    %dma_wait3A_85 = tpu.memref_squeeze %dma_wait3A_84 : memref<1x!tpu.dma_semaphore, #tpu.memory_space<semaphore_mem>> -> memref<!tpu.dma_semaphore, #tpu.memory_space<semaphore_mem>>
    %dma_wait3A_86 = arith.constant 0 : i32
    %dma_wait3A_87 = tpu.memref_slice %arg2[%dma_wait3A, %mul3A_2, %dma_wait3A_86] : memref<2x10000x16xf32, #tpu.memory_space<hbm>> -> memref<1x640x16xf32, #tpu.memory_space<hbm>>
    %dma_wait3A_88 = tpu.memref_squeeze %dma_wait3A_87 : memref<1x640x16xf32, #tpu.memory_space<hbm>> -> memref<640x16xf32, #tpu.memory_space<hbm>>
    tpu.wait_dma2 semaphore(%dma_wait3A_85 : memref<!tpu.dma_semaphore, #tpu.memory_space<semaphore_mem>>) src(%dma_wait3A_88 : memref<640x16xf32, #tpu.memory_space<hbm>>) dst(%arg18 : memref<640x16xf32, #tpu.memory_space<vmem>>)
    %dma_wait3A_89 = arith.constant 1 : i32
    %dma_wait3A_90 = arith.constant 1 : i32
    %dma_wait3A_91 = arith.constant 0 : i32
    %dma_wait3A_92 = tpu.memref_slice %arg2[%dma_wait3A_89, %mul3A_2, %dma_wait3A_91] : memref<2x10000x16xf32, #tpu.memory_space<hbm>> -> memref<1x640x16xf32, #tpu.memory_space<hbm>>
    %dma_wait3A_93 = tpu.memref_squeeze %dma_wait3A_92 : memref<1x640x16xf32, #tpu.memory_space<hbm>> -> memref<640x16xf32, #tpu.memory_space<hbm>>
    %dma_wait3A_94 = tpu.memref_slice %arg27[%dma_wait3A_90] : memref<9x!tpu.dma_semaphore, #tpu.memory_space<semaphore_mem>> -> memref<1x!tpu.dma_semaphore, #tpu.memory_space<semaphore_mem>>
    %dma_wait3A_95 = tpu.memref_squeeze %dma_wait3A_94 : memref<1x!tpu.dma_semaphore, #tpu.memory_space<semaphore_mem>> -> memref<!tpu.dma_semaphore, #tpu.memory_space<semaphore_mem>>
    %dma_wait3A_96 = arith.constant 0 : i32
    %dma_wait3A_97 = tpu.memref_slice %arg2[%dma_wait3A_89, %mul3A_2, %dma_wait3A_96] : memref<2x10000x16xf32, #tpu.memory_space<hbm>> -> memref<1x640x16xf32, #tpu.memory_space<hbm>>
    %dma_wait3A_98 = tpu.memref_squeeze %dma_wait3A_97 : memref<1x640x16xf32, #tpu.memory_space<hbm>> -> memref<640x16xf32, #tpu.memory_space<hbm>>
    tpu.wait_dma2 semaphore(%dma_wait3A_95 : memref<!tpu.dma_semaphore, #tpu.memory_space<semaphore_mem>>) src(%dma_wait3A_98 : memref<640x16xf32, #tpu.memory_space<hbm>>) dst(%arg19 : memref<640x16xf32, #tpu.memory_space<vmem>>)
    %dma_wait3A_99 = arith.constant 2 : i32
    %dma_wait3A_100 = arith.constant 0 : i32
    %dma_wait3A_101 = tpu.memref_slice %arg3[%mul3A_2, %dma_wait3A_100] : memref<10000x16xf32, #tpu.memory_space<hbm>> -> memref<640x16xf32, #tpu.memory_space<hbm>>
    %dma_wait3A_102 = tpu.memref_slice %arg27[%dma_wait3A_99] : memref<9x!tpu.dma_semaphore, #tpu.memory_space<semaphore_mem>> -> memref<1x!tpu.dma_semaphore, #tpu.memory_space<semaphore_mem>>
    %dma_wait3A_103 = tpu.memref_squeeze %dma_wait3A_102 : memref<1x!tpu.dma_semaphore, #tpu.memory_space<semaphore_mem>> -> memref<!tpu.dma_semaphore, #tpu.memory_space<semaphore_mem>>
    %dma_wait3A_104 = arith.constant 0 : i32
    %dma_wait3A_105 = tpu.memref_slice %arg3[%mul3A_2, %dma_wait3A_104] : memref<10000x16xf32, #tpu.memory_space<hbm>> -> memref<640x16xf32, #tpu.memory_space<hbm>>
    tpu.wait_dma2 semaphore(%dma_wait3A_103 : memref<!tpu.dma_semaphore, #tpu.memory_space<semaphore_mem>>) src(%dma_wait3A_105 : memref<640x16xf32, #tpu.memory_space<hbm>>) dst(%arg20 : memref<640x16xf32, #tpu.memory_space<vmem>>)
    %dma_wait3A_106 = arith.constant 3 : i32
    %dma_wait3A_107 = tpu.memref_slice %arg4[%mul3A_2] : memref<10000xf32, #tpu.memory_space<hbm>> -> memref<640xf32, #tpu.memory_space<hbm>>
    %dma_wait3A_108 = tpu.memref_slice %arg27[%dma_wait3A_106] : memref<9x!tpu.dma_semaphore, #tpu.memory_space<semaphore_mem>> -> memref<1x!tpu.dma_semaphore, #tpu.memory_space<semaphore_mem>>
    %dma_wait3A_109 = tpu.memref_squeeze %dma_wait3A_108 : memref<1x!tpu.dma_semaphore, #tpu.memory_space<semaphore_mem>> -> memref<!tpu.dma_semaphore, #tpu.memory_space<semaphore_mem>>
    %dma_wait3A_110 = tpu.memref_slice %arg4[%mul3A_2] : memref<10000xf32, #tpu.memory_space<hbm>> -> memref<640xf32, #tpu.memory_space<hbm>>
    tpu.wait_dma2 semaphore(%dma_wait3A_109 : memref<!tpu.dma_semaphore, #tpu.memory_space<semaphore_mem>>) src(%dma_wait3A_110 : memref<640xf32, #tpu.memory_space<hbm>>) dst(%arg21 : memref<640xf32, #tpu.memory_space<vmem>>)
    %dma_wait3A_111 = arith.constant 4 : i32
    %dma_wait3A_112 = tpu.memref_slice %arg5[%mul3A_2] : memref<10000xf32, #tpu.memory_space<hbm>> -> memref<640xf32, #tpu.memory_space<hbm>>
    %dma_wait3A_113 = tpu.memref_slice %arg27[%dma_wait3A_111] : memref<9x!tpu.dma_semaphore, #tpu.memory_space<semaphore_mem>> -> memref<1x!tpu.dma_semaphore, #tpu.memory_space<semaphore_mem>>
    %dma_wait3A_114 = tpu.memref_squeeze %dma_wait3A_113 : memref<1x!tpu.dma_semaphore, #tpu.memory_space<semaphore_mem>> -> memref<!tpu.dma_semaphore, #tpu.memory_space<semaphore_mem>>
    %dma_wait3A_115 = tpu.memref_slice %arg5[%mul3A_2] : memref<10000xf32, #tpu.memory_space<hbm>> -> memref<640xf32, #tpu.memory_space<hbm>>
    tpu.wait_dma2 semaphore(%dma_wait3A_114 : memref<!tpu.dma_semaphore, #tpu.memory_space<semaphore_mem>>) src(%dma_wait3A_115 : memref<640xf32, #tpu.memory_space<hbm>>) dst(%arg22 : memref<640xf32, #tpu.memory_space<vmem>>)
    %dma_wait3A_116 = arith.constant 5 : i32
    %dma_wait3A_117 = tpu.memref_slice %arg27[%dma_wait3A_116] : memref<9x!tpu.dma_semaphore, #tpu.memory_space<semaphore_mem>> -> memref<1x!tpu.dma_semaphore, #tpu.memory_space<semaphore_mem>>
    %dma_wait3A_118 = tpu.memref_squeeze %dma_wait3A_117 : memref<1x!tpu.dma_semaphore, #tpu.memory_space<semaphore_mem>> -> memref<!tpu.dma_semaphore, #tpu.memory_space<semaphore_mem>>
    tpu.wait_dma2 semaphore(%dma_wait3A_118 : memref<!tpu.dma_semaphore, #tpu.memory_space<semaphore_mem>>) src(%arg6 : memref<16xf32, #tpu.memory_space<hbm>>) dst(%arg24 : memref<16xf32, #tpu.memory_space<vmem>>)
    %dma_wait3A_119 = arith.constant 6 : i32
    %dma_wait3A_120 = tpu.memref_slice %arg27[%dma_wait3A_119] : memref<9x!tpu.dma_semaphore, #tpu.memory_space<semaphore_mem>> -> memref<1x!tpu.dma_semaphore, #tpu.memory_space<semaphore_mem>>
    %dma_wait3A_121 = tpu.memref_squeeze %dma_wait3A_120 : memref<1x!tpu.dma_semaphore, #tpu.memory_space<semaphore_mem>> -> memref<!tpu.dma_semaphore, #tpu.memory_space<semaphore_mem>>
    tpu.wait_dma2 semaphore(%dma_wait3A_121 : memref<!tpu.dma_semaphore, #tpu.memory_space<semaphore_mem>>) src(%arg7 : memref<16xf32, #tpu.memory_space<hbm>>) dst(%arg25 : memref<16xf32, #tpu.memory_space<vmem>>)
    %get3A = arith.constant 0 : index
    %get3A_122 = tpu.vector_load %arg24[%get3A] {strides = array<i32>} : memref<16xf32, #tpu.memory_space<vmem>>, vector<16xf32>,
    %get3A_123 = arith.constant 0 : index
    %get3A_124 = tpu.vector_load %arg25[%get3A_123] {strides = array<i32>} : memref<16xf32, #tpu.memory_space<vmem>>, vector<16xf32>,
    %iota3A = tpu.iota {dimensions = array<i32: 0>} : vector<16xi32>
    %scan3A_125 = arith.constant 0 : i32
    %scan3A_126 = arith.constant 0 : i32
    %scan3A_127 = arith.constant 40 : i32
    %scan3A_128 = arith.addi %scan3A_126, %scan3A_127 : i32
    %scan3A_129 = arith.constant 1 : i32
    scf.for %scan3A_200 = %scan3A_126 to %scan3A_128 step %scan3A_129  : i32 {
      %mul3A_201 = arith.constant 16 : i32
      %mul3A_202 = arith.muli %scan3A_200, %mul3A_201 : i32
      %get3A_203 = arith.index_cast %mul3A_202 : i32 to index
      %get3A_204 = tpu.vector_load %arg21[%get3A_203] {strides = array<i32>} : memref<640xf32, #tpu.memory_space<vmem>>, vector<16xf32>,
      %get3A_205 = arith.index_cast %mul3A_202 : i32 to index
      %get3A_206 = tpu.vector_load %arg22[%get3A_205] {strides = array<i32>} : memref<640xf32, #tpu.memory_space<vmem>>, vector<16xf32>,
      %broadcast_in_dim3A_207 = arith.constant 0.000000e+00 : f32
      %broadcast_in_dim3A_208 = vector.broadcast %broadcast_in_dim3A_207 : f32 to vector<16xf32>
      %add3A_209 = arith.constant 0 : i32
      %add3A_210 = arith.addi %mul3A_202, %add3A_209 : i32
      %get3A_211 = arith.index_cast %add3A_210 : i32 to index
      %get3A_212 = arith.constant 0 : index
      %get3A_213 = tpu.vector_load %arg18[%get3A_211, %get3A_212] {strides = array<i32>} : memref<640x16xf32, #tpu.memory_space<vmem>>, vector<16xf32>,
      %get3A_214 = arith.index_cast %add3A_210 : i32 to index
      %get3A_215 = arith.constant 0 : index
      %get3A_216 = tpu.vector_load %arg19[%get3A_214, %get3A_215] {strides = array<i32>} : memref<640x16xf32, #tpu.memory_space<vmem>>, vector<16xf32>,
      %add3A_217 = arith.addf %get3A_213, %get3A_216 : vector<16xf32>
      %get3A_218 = arith.index_cast %add3A_210 : i32 to index
      %get3A_219 = arith.constant 0 : index
      %get3A_220 = tpu.vector_load %arg20[%get3A_218, %get3A_219] {strides = array<i32>} : memref<640x16xf32, #tpu.memory_space<vmem>>, vector<16xf32>,
      %add3A_221 = arith.addf %add3A_217, %get3A_220 : vector<16xf32>
      %slice3A = vector.extract_strided_slice %get3A_204 {offsets = [0], sizes = [1], strides = [1]} : vector<16xf32> to vector<1xf32>
      %squeeze3A = vector.extract %slice3A[0] : f32 from vector<1xf32>
      %mul3A_222 = vector.broadcast %squeeze3A : f32 to vector<16xf32>
      %mul3A_223 = arith.mulf %add3A_221, %mul3A_222 : vector<16xf32>
      %add3A_224 = arith.addf %mul3A_223, %get3A_122 : vector<16xf32>
      %max3A = arith.constant 0.000000e+00 : f32
      %max3A_225 = vector.broadcast %max3A : f32 to vector<16xf32>
      %max3A_226 = arith.maximumf %add3A_224, %max3A_225 : vector<16xf32>
      %mul3A_227 = arith.mulf %max3A_226, %get3A_124 : vector<16xf32>
      %reduce_sum3A = arith.constant true
      %reduce_sum3A_228 = vector.broadcast %reduce_sum3A : i1 to vector<16xi1>
      %reduce_sum3A_229 = tpu.scan <sum>, %mul3A_227 masked %reduce_sum3A_228 : vector<16xf32>, vector<16xi1> -> vector<16xf32>
      %reduce_sum3A_230 = vector.extract %reduce_sum3A_229[15] : f32 from vector<16xf32>
      %eq3A = arith.constant 0 : i32
      %eq3A_231 = vector.broadcast %eq3A : i32 to vector<16xi32>
      %eq3A_232 = arith.cmpi eq, %iota3A, %eq3A_231 : vector<16xi32>
      %broadcast_in_dim3A_233 = vector.broadcast %reduce_sum3A_230 : f32 to vector<16xf32>
      %select_n3A = arith.select %eq3A_232, %broadcast_in_dim3A_233, %broadcast_in_dim3A_208 : vector<16xi1>, vector<16xf32>
      %add3A_234 = arith.constant 1 : i32
      %add3A_235 = arith.addi %mul3A_202, %add3A_234 : i32
      %get3A_236 = arith.index_cast %add3A_235 : i32 to index
      %get3A_237 = arith.constant 0 : index
      %get3A_238 = tpu.vector_load %arg18[%get3A_236, %get3A_237] {strides = array<i32>} : memref<640x16xf32, #tpu.memory_space<vmem>>, vector<16xf32>,
      %get3A_239 = arith.index_cast %add3A_235 : i32 to index
      %get3A_240 = arith.constant 0 : index
      %get3A_241 = tpu.vector_load %arg19[%get3A_239, %get3A_240] {strides = array<i32>} : memref<640x16xf32, #tpu.memory_space<vmem>>, vector<16xf32>,
      %add3A_242 = arith.addf %get3A_238, %get3A_241 : vector<16xf32>
      %get3A_243 = arith.index_cast %add3A_235 : i32 to index
      %get3A_244 = arith.constant 0 : index
      %get3A_245 = tpu.vector_load %arg20[%get3A_243, %get3A_244] {strides = array<i32>} : memref<640x16xf32, #tpu.memory_space<vmem>>, vector<16xf32>,
      %add3A_246 = arith.addf %add3A_242, %get3A_245 : vector<16xf32>
      %slice3A_247 = vector.extract_strided_slice %get3A_204 {offsets = [1], sizes = [1], strides = [1]} : vector<16xf32> to vector<1xf32>
      %squeeze3A_248 = vector.extract %slice3A_247[0] : f32 from vector<1xf32>
      %mul3A_249 = vector.broadcast %squeeze3A_248 : f32 to vector<16xf32>
      %mul3A_250 = arith.mulf %add3A_246, %mul3A_249 : vector<16xf32>
      %add3A_251 = arith.addf %mul3A_250, %get3A_122 : vector<16xf32>
      %max3A_252 = arith.constant 0.000000e+00 : f32
      %max3A_253 = vector.broadcast %max3A_252 : f32 to vector<16xf32>
      %max3A_254 = arith.maximumf %add3A_251, %max3A_253 : vector<16xf32>
      %mul3A_255 = arith.mulf %max3A_254, %get3A_124 : vector<16xf32>
      %reduce_sum3A_256 = arith.constant true
      %reduce_sum3A_257 = vector.broadcast %reduce_sum3A_256 : i1 to vector<16xi1>
      %reduce_sum3A_258 = tpu.scan <sum>, %mul3A_255 masked %reduce_sum3A_257 : vector<16xf32>, vector<16xi1> -> vector<16xf32>
      %reduce_sum3A_259 = vector.extract %reduce_sum3A_258[15] : f32 from vector<16xf32>
      %eq3A_260 = arith.constant 1 : i32
      %eq3A_261 = vector.broadcast %eq3A_260 : i32 to vector<16xi32>
      %eq3A_262 = arith.cmpi eq, %iota3A, %eq3A_261 : vector<16xi32>
      %broadcast_in_dim3A_263 = vector.broadcast %reduce_sum3A_259 : f32 to vector<16xf32>
      %select_n3A_264 = arith.select %eq3A_262, %broadcast_in_dim3A_263, %select_n3A : vector<16xi1>, vector<16xf32>
      %add3A_265 = arith.constant 2 : i32
      %add3A_266 = arith.addi %mul3A_202, %add3A_265 : i32
      %get3A_267 = arith.index_cast %add3A_266 : i32 to index
      %get3A_268 = arith.constant 0 : index
      %get3A_269 = tpu.vector_load %arg18[%get3A_267, %get3A_268] {strides = array<i32>} : memref<640x16xf32, #tpu.memory_space<vmem>>, vector<16xf32>,
      %get3A_270 = arith.index_cast %add3A_266 : i32 to index
      %get3A_271 = arith.constant 0 : index
      %get3A_272 = tpu.vector_load %arg19[%get3A_270, %get3A_271] {strides = array<i32>} : memref<640x16xf32, #tpu.memory_space<vmem>>, vector<16xf32>,
      %add3A_273 = arith.addf %get3A_269, %get3A_272 : vector<16xf32>
      %get3A_274 = arith.index_cast %add3A_266 : i32 to index
      %get3A_275 = arith.constant 0 : index
      %get3A_276 = tpu.vector_load %arg20[%get3A_274, %get3A_275] {strides = array<i32>} : memref<640x16xf32, #tpu.memory_space<vmem>>, vector<16xf32>,
      %add3A_277 = arith.addf %add3A_273, %get3A_276 : vector<16xf32>
      %slice3A_278 = vector.extract_strided_slice %get3A_204 {offsets = [2], sizes = [1], strides = [1]} : vector<16xf32> to vector<1xf32>
      %squeeze3A_279 = vector.extract %slice3A_278[0] : f32 from vector<1xf32>
      %mul3A_280 = vector.broadcast %squeeze3A_279 : f32 to vector<16xf32>
      %mul3A_281 = arith.mulf %add3A_277, %mul3A_280 : vector<16xf32>
      %add3A_282 = arith.addf %mul3A_281, %get3A_122 : vector<16xf32>
      %max3A_283 = arith.constant 0.000000e+00 : f32
      %max3A_284 = vector.broadcast %max3A_283 : f32 to vector<16xf32>
      %max3A_285 = arith.maximumf %add3A_282, %max3A_284 : vector<16xf32>
      %mul3A_286 = arith.mulf %max3A_285, %get3A_124 : vector<16xf32>
      %reduce_sum3A_287 = arith.constant true
      %reduce_sum3A_288 = vector.broadcast %reduce_sum3A_287 : i1 to vector<16xi1>
      %reduce_sum3A_289 = tpu.scan <sum>, %mul3A_286 masked %reduce_sum3A_288 : vector<16xf32>, vector<16xi1> -> vector<16xf32>
      %reduce_sum3A_290 = vector.extract %reduce_sum3A_289[15] : f32 from vector<16xf32>
      %eq3A_291 = arith.constant 2 : i32
      %eq3A_292 = vector.broadcast %eq3A_291 : i32 to vector<16xi32>
      %eq3A_293 = arith.cmpi eq, %iota3A, %eq3A_292 : vector<16xi32>
      %broadcast_in_dim3A_294 = vector.broadcast %reduce_sum3A_290 : f32 to vector<16xf32>
      %select_n3A_295 = arith.select %eq3A_293, %broadcast_in_dim3A_294, %select_n3A_264 : vector<16xi1>, vector<16xf32>
      %add3A_296 = arith.constant 3 : i32
      %add3A_297 = arith.addi %mul3A_202, %add3A_296 : i32
      %get3A_298 = arith.index_cast %add3A_297 : i32 to index
      %get3A_299 = arith.constant 0 : index
      %get3A_300 = tpu.vector_load %arg18[%get3A_298, %get3A_299] {strides = array<i32>} : memref<640x16xf32, #tpu.memory_space<vmem>>, vector<16xf32>,
      %get3A_301 = arith.index_cast %add3A_297 : i32 to index
      %get3A_302 = arith.constant 0 : index
      %get3A_303 = tpu.vector_load %arg19[%get3A_301, %get3A_302] {strides = array<i32>} : memref<640x16xf32, #tpu.memory_space<vmem>>, vector<16xf32>,
      %add3A_304 = arith.addf %get3A_300, %get3A_303 : vector<16xf32>
      %get3A_305 = arith.index_cast %add3A_297 : i32 to index
      %get3A_306 = arith.constant 0 : index
      %get3A_307 = tpu.vector_load %arg20[%get3A_305, %get3A_306] {strides = array<i32>} : memref<640x16xf32, #tpu.memory_space<vmem>>, vector<16xf32>,
      %add3A_308 = arith.addf %add3A_304, %get3A_307 : vector<16xf32>
      %slice3A_309 = vector.extract_strided_slice %get3A_204 {offsets = [3], sizes = [1], strides = [1]} : vector<16xf32> to vector<1xf32>
      %squeeze3A_310 = vector.extract %slice3A_309[0] : f32 from vector<1xf32>
      %mul3A_311 = vector.broadcast %squeeze3A_310 : f32 to vector<16xf32>
      %mul3A_312 = arith.mulf %add3A_308, %mul3A_311 : vector<16xf32>
      %add3A_313 = arith.addf %mul3A_312, %get3A_122 : vector<16xf32>
      %max3A_314 = arith.constant 0.000000e+00 : f32
      %max3A_315 = vector.broadcast %max3A_314 : f32 to vector<16xf32>
      %max3A_316 = arith.maximumf %add3A_313, %max3A_315 : vector<16xf32>
      %mul3A_317 = arith.mulf %max3A_316, %get3A_124 : vector<16xf32>
      %reduce_sum3A_318 = arith.constant true
      %reduce_sum3A_319 = vector.broadcast %reduce_sum3A_318 : i1 to vector<16xi1>
      %reduce_sum3A_320 = tpu.scan <sum>, %mul3A_317 masked %reduce_sum3A_319 : vector<16xf32>, vector<16xi1> -> vector<16xf32>
      %reduce_sum3A_321 = vector.extract %reduce_sum3A_320[15] : f32 from vector<16xf32>
      %eq3A_322 = arith.constant 3 : i32
      %eq3A_323 = vector.broadcast %eq3A_322 : i32 to vector<16xi32>
      %eq3A_324 = arith.cmpi eq, %iota3A, %eq3A_323 : vector<16xi32>
      %broadcast_in_dim3A_325 = vector.broadcast %reduce_sum3A_321 : f32 to vector<16xf32>
      %select_n3A_326 = arith.select %eq3A_324, %broadcast_in_dim3A_325, %select_n3A_295 : vector<16xi1>, vector<16xf32>
      %add3A_327 = arith.constant 4 : i32
      %add3A_328 = arith.addi %mul3A_202, %add3A_327 : i32
      %get3A_329 = arith.index_cast %add3A_328 : i32 to index
      %get3A_330 = arith.constant 0 : index
      %get3A_331 = tpu.vector_load %arg18[%get3A_329, %get3A_330] {strides = array<i32>} : memref<640x16xf32, #tpu.memory_space<vmem>>, vector<16xf32>,
      %get3A_332 = arith.index_cast %add3A_328 : i32 to index
      %get3A_333 = arith.constant 0 : index
      %get3A_334 = tpu.vector_load %arg19[%get3A_332, %get3A_333] {strides = array<i32>} : memref<640x16xf32, #tpu.memory_space<vmem>>, vector<16xf32>,
      %add3A_335 = arith.addf %get3A_331, %get3A_334 : vector<16xf32>
      %get3A_336 = arith.index_cast %add3A_328 : i32 to index
      %get3A_337 = arith.constant 0 : index
      %get3A_338 = tpu.vector_load %arg20[%get3A_336, %get3A_337] {strides = array<i32>} : memref<640x16xf32, #tpu.memory_space<vmem>>, vector<16xf32>,
      %add3A_339 = arith.addf %add3A_335, %get3A_338 : vector<16xf32>
      %slice3A_340 = vector.extract_strided_slice %get3A_204 {offsets = [4], sizes = [1], strides = [1]} : vector<16xf32> to vector<1xf32>
      %squeeze3A_341 = vector.extract %slice3A_340[0] : f32 from vector<1xf32>
      %mul3A_342 = vector.broadcast %squeeze3A_341 : f32 to vector<16xf32>
      %mul3A_343 = arith.mulf %add3A_339, %mul3A_342 : vector<16xf32>
      %add3A_344 = arith.addf %mul3A_343, %get3A_122 : vector<16xf32>
      %max3A_345 = arith.constant 0.000000e+00 : f32
      %max3A_346 = vector.broadcast %max3A_345 : f32 to vector<16xf32>
      %max3A_347 = arith.maximumf %add3A_344, %max3A_346 : vector<16xf32>
      %mul3A_348 = arith.mulf %max3A_347, %get3A_124 : vector<16xf32>
      %reduce_sum3A_349 = arith.constant true
      %reduce_sum3A_350 = vector.broadcast %reduce_sum3A_349 : i1 to vector<16xi1>
      %reduce_sum3A_351 = tpu.scan <sum>, %mul3A_348 masked %reduce_sum3A_350 : vector<16xf32>, vector<16xi1> -> vector<16xf32>
      %reduce_sum3A_352 = vector.extract %reduce_sum3A_351[15] : f32 from vector<16xf32>
      %eq3A_353 = arith.constant 4 : i32
      %eq3A_354 = vector.broadcast %eq3A_353 : i32 to vector<16xi32>
      %eq3A_355 = arith.cmpi eq, %iota3A, %eq3A_354 : vector<16xi32>
      %broadcast_in_dim3A_356 = vector.broadcast %reduce_sum3A_352 : f32 to vector<16xf32>
      %select_n3A_357 = arith.select %eq3A_355, %broadcast_in_dim3A_356, %select_n3A_326 : vector<16xi1>, vector<16xf32>
      %add3A_358 = arith.constant 5 : i32
      %add3A_359 = arith.addi %mul3A_202, %add3A_358 : i32
      %get3A_360 = arith.index_cast %add3A_359 : i32 to index
      %get3A_361 = arith.constant 0 : index
      %get3A_362 = tpu.vector_load %arg18[%get3A_360, %get3A_361] {strides = array<i32>} : memref<640x16xf32, #tpu.memory_space<vmem>>, vector<16xf32>,
      %get3A_363 = arith.index_cast %add3A_359 : i32 to index
      %get3A_364 = arith.constant 0 : index
      %get3A_365 = tpu.vector_load %arg19[%get3A_363, %get3A_364] {strides = array<i32>} : memref<640x16xf32, #tpu.memory_space<vmem>>, vector<16xf32>,
      %add3A_366 = arith.addf %get3A_362, %get3A_365 : vector<16xf32>
      %get3A_367 = arith.index_cast %add3A_359 : i32 to index
      %get3A_368 = arith.constant 0 : index
      %get3A_369 = tpu.vector_load %arg20[%get3A_367, %get3A_368] {strides = array<i32>} : memref<640x16xf32, #tpu.memory_space<vmem>>, vector<16xf32>,
      %add3A_370 = arith.addf %add3A_366, %get3A_369 : vector<16xf32>
      %slice3A_371 = vector.extract_strided_slice %get3A_204 {offsets = [5], sizes = [1], strides = [1]} : vector<16xf32> to vector<1xf32>
      %squeeze3A_372 = vector.extract %slice3A_371[0] : f32 from vector<1xf32>
      %mul3A_373 = vector.broadcast %squeeze3A_372 : f32 to vector<16xf32>
      %mul3A_374 = arith.mulf %add3A_370, %mul3A_373 : vector<16xf32>
      %add3A_375 = arith.addf %mul3A_374, %get3A_122 : vector<16xf32>
      %max3A_376 = arith.constant 0.000000e+00 : f32
      %max3A_377 = vector.broadcast %max3A_376 : f32 to vector<16xf32>
      %max3A_378 = arith.maximumf %add3A_375, %max3A_377 : vector<16xf32>
      %mul3A_379 = arith.mulf %max3A_378, %get3A_124 : vector<16xf32>
      %reduce_sum3A_380 = arith.constant true
      %reduce_sum3A_381 = vector.broadcast %reduce_sum3A_380 : i1 to vector<16xi1>
      %reduce_sum3A_382 = tpu.scan <sum>, %mul3A_379 masked %reduce_sum3A_381 : vector<16xf32>, vector<16xi1> -> vector<16xf32>
      %reduce_sum3A_383 = vector.extract %reduce_sum3A_382[15] : f32 from vector<16xf32>
      %eq3A_384 = arith.constant 5 : i32
      %eq3A_385 = vector.broadcast %eq3A_384 : i32 to vector<16xi32>
      %eq3A_386 = arith.cmpi eq, %iota3A, %eq3A_385 : vector<16xi32>
      %broadcast_in_dim3A_387 = vector.broadcast %reduce_sum3A_383 : f32 to vector<16xf32>
      %select_n3A_388 = arith.select %eq3A_386, %broadcast_in_dim3A_387, %select_n3A_357 : vector<16xi1>, vector<16xf32>
      %add3A_389 = arith.constant 6 : i32
      %add3A_390 = arith.addi %mul3A_202, %add3A_389 : i32
      %get3A_391 = arith.index_cast %add3A_390 : i32 to index
      %get3A_392 = arith.constant 0 : index
      %get3A_393 = tpu.vector_load %arg18[%get3A_391, %get3A_392] {strides = array<i32>} : memref<640x16xf32, #tpu.memory_space<vmem>>, vector<16xf32>,
      %get3A_394 = arith.index_cast %add3A_390 : i32 to index
      %get3A_395 = arith.constant 0 : index
      %get3A_396 = tpu.vector_load %arg19[%get3A_394, %get3A_395] {strides = array<i32>} : memref<640x16xf32, #tpu.memory_space<vmem>>, vector<16xf32>,
      %add3A_397 = arith.addf %get3A_393, %get3A_396 : vector<16xf32>
      %get3A_398 = arith.index_cast %add3A_390 : i32 to index
      %get3A_399 = arith.constant 0 : index
      %get3A_400 = tpu.vector_load %arg20[%get3A_398, %get3A_399] {strides = array<i32>} : memref<640x16xf32, #tpu.memory_space<vmem>>, vector<16xf32>,
      %add3A_401 = arith.addf %add3A_397, %get3A_400 : vector<16xf32>
      %slice3A_402 = vector.extract_strided_slice %get3A_204 {offsets = [6], sizes = [1], strides = [1]} : vector<16xf32> to vector<1xf32>
      %squeeze3A_403 = vector.extract %slice3A_402[0] : f32 from vector<1xf32>
      %mul3A_404 = vector.broadcast %squeeze3A_403 : f32 to vector<16xf32>
      %mul3A_405 = arith.mulf %add3A_401, %mul3A_404 : vector<16xf32>
      %add3A_406 = arith.addf %mul3A_405, %get3A_122 : vector<16xf32>
      %max3A_407 = arith.constant 0.000000e+00 : f32
      %max3A_408 = vector.broadcast %max3A_407 : f32 to vector<16xf32>
      %max3A_409 = arith.maximumf %add3A_406, %max3A_408 : vector<16xf32>
      %mul3A_410 = arith.mulf %max3A_409, %get3A_124 : vector<16xf32>
      %reduce_sum3A_411 = arith.constant true
      %reduce_sum3A_412 = vector.broadcast %reduce_sum3A_411 : i1 to vector<16xi1>
      %reduce_sum3A_413 = tpu.scan <sum>, %mul3A_410 masked %reduce_sum3A_412 : vector<16xf32>, vector<16xi1> -> vector<16xf32>
      %reduce_sum3A_414 = vector.extract %reduce_sum3A_413[15] : f32 from vector<16xf32>
      %eq3A_415 = arith.constant 6 : i32
      %eq3A_416 = vector.broadcast %eq3A_415 : i32 to vector<16xi32>
      %eq3A_417 = arith.cmpi eq, %iota3A, %eq3A_416 : vector<16xi32>
      %broadcast_in_dim3A_418 = vector.broadcast %reduce_sum3A_414 : f32 to vector<16xf32>
      %select_n3A_419 = arith.select %eq3A_417, %broadcast_in_dim3A_418, %select_n3A_388 : vector<16xi1>, vector<16xf32>
      %add3A_420 = arith.constant 7 : i32
      %add3A_421 = arith.addi %mul3A_202, %add3A_420 : i32
      %get3A_422 = arith.index_cast %add3A_421 : i32 to index
      %get3A_423 = arith.constant 0 : index
      %get3A_424 = tpu.vector_load %arg18[%get3A_422, %get3A_423] {strides = array<i32>} : memref<640x16xf32, #tpu.memory_space<vmem>>, vector<16xf32>,
      %get3A_425 = arith.index_cast %add3A_421 : i32 to index
      %get3A_426 = arith.constant 0 : index
      %get3A_427 = tpu.vector_load %arg19[%get3A_425, %get3A_426] {strides = array<i32>} : memref<640x16xf32, #tpu.memory_space<vmem>>, vector<16xf32>,
      %add3A_428 = arith.addf %get3A_424, %get3A_427 : vector<16xf32>
      %get3A_429 = arith.index_cast %add3A_421 : i32 to index
      %get3A_430 = arith.constant 0 : index
      %get3A_431 = tpu.vector_load %arg20[%get3A_429, %get3A_430] {strides = array<i32>} : memref<640x16xf32, #tpu.memory_space<vmem>>, vector<16xf32>,
      %add3A_432 = arith.addf %add3A_428, %get3A_431 : vector<16xf32>
      %slice3A_433 = vector.extract_strided_slice %get3A_204 {offsets = [7], sizes = [1], strides = [1]} : vector<16xf32> to vector<1xf32>
      %squeeze3A_434 = vector.extract %slice3A_433[0] : f32 from vector<1xf32>
      %mul3A_435 = vector.broadcast %squeeze3A_434 : f32 to vector<16xf32>
      %mul3A_436 = arith.mulf %add3A_432, %mul3A_435 : vector<16xf32>
      %add3A_437 = arith.addf %mul3A_436, %get3A_122 : vector<16xf32>
      %max3A_438 = arith.constant 0.000000e+00 : f32
      %max3A_439 = vector.broadcast %max3A_438 : f32 to vector<16xf32>
      %max3A_440 = arith.maximumf %add3A_437, %max3A_439 : vector<16xf32>
      %mul3A_441 = arith.mulf %max3A_440, %get3A_124 : vector<16xf32>
      %reduce_sum3A_442 = arith.constant true
      %reduce_sum3A_443 = vector.broadcast %reduce_sum3A_442 : i1 to vector<16xi1>
      %reduce_sum3A_444 = tpu.scan <sum>, %mul3A_441 masked %reduce_sum3A_443 : vector<16xf32>, vector<16xi1> -> vector<16xf32>
      %reduce_sum3A_445 = vector.extract %reduce_sum3A_444[15] : f32 from vector<16xf32>
      %eq3A_446 = arith.constant 7 : i32
      %eq3A_447 = vector.broadcast %eq3A_446 : i32 to vector<16xi32>
      %eq3A_448 = arith.cmpi eq, %iota3A, %eq3A_447 : vector<16xi32>
      %broadcast_in_dim3A_449 = vector.broadcast %reduce_sum3A_445 : f32 to vector<16xf32>
      %select_n3A_450 = arith.select %eq3A_448, %broadcast_in_dim3A_449, %select_n3A_419 : vector<16xi1>, vector<16xf32>
      %add3A_451 = arith.constant 8 : i32
      %add3A_452 = arith.addi %mul3A_202, %add3A_451 : i32
      %get3A_453 = arith.index_cast %add3A_452 : i32 to index
      %get3A_454 = arith.constant 0 : index
      %get3A_455 = tpu.vector_load %arg18[%get3A_453, %get3A_454] {strides = array<i32>} : memref<640x16xf32, #tpu.memory_space<vmem>>, vector<16xf32>,
      %get3A_456 = arith.index_cast %add3A_452 : i32 to index
      %get3A_457 = arith.constant 0 : index
      %get3A_458 = tpu.vector_load %arg19[%get3A_456, %get3A_457] {strides = array<i32>} : memref<640x16xf32, #tpu.memory_space<vmem>>, vector<16xf32>,
      %add3A_459 = arith.addf %get3A_455, %get3A_458 : vector<16xf32>
      %get3A_460 = arith.index_cast %add3A_452 : i32 to index
      %get3A_461 = arith.constant 0 : index
      %get3A_462 = tpu.vector_load %arg20[%get3A_460, %get3A_461] {strides = array<i32>} : memref<640x16xf32, #tpu.memory_space<vmem>>, vector<16xf32>,
      %add3A_463 = arith.addf %add3A_459, %get3A_462 : vector<16xf32>
      %slice3A_464 = vector.extract_strided_slice %get3A_204 {offsets = [8], sizes = [1], strides = [1]} : vector<16xf32> to vector<1xf32>
      %squeeze3A_465 = vector.extract %slice3A_464[0] : f32 from vector<1xf32>
      %mul3A_466 = vector.broadcast %squeeze3A_465 : f32 to vector<16xf32>
      %mul3A_467 = arith.mulf %add3A_463, %mul3A_466 : vector<16xf32>
      %add3A_468 = arith.addf %mul3A_467, %get3A_122 : vector<16xf32>
      %max3A_469 = arith.constant 0.000000e+00 : f32
      %max3A_470 = vector.broadcast %max3A_469 : f32 to vector<16xf32>
      %max3A_471 = arith.maximumf %add3A_468, %max3A_470 : vector<16xf32>
      %mul3A_472 = arith.mulf %max3A_471, %get3A_124 : vector<16xf32>
      %reduce_sum3A_473 = arith.constant true
      %reduce_sum3A_474 = vector.broadcast %reduce_sum3A_473 : i1 to vector<16xi1>
      %reduce_sum3A_475 = tpu.scan <sum>, %mul3A_472 masked %reduce_sum3A_474 : vector<16xf32>, vector<16xi1> -> vector<16xf32>
      %reduce_sum3A_476 = vector.extract %reduce_sum3A_475[15] : f32 from vector<16xf32>
      %eq3A_477 = arith.constant 8 : i32
      %eq3A_478 = vector.broadcast %eq3A_477 : i32 to vector<16xi32>
      %eq3A_479 = arith.cmpi eq, %iota3A, %eq3A_478 : vector<16xi32>
      %broadcast_in_dim3A_480 = vector.broadcast %reduce_sum3A_476 : f32 to vector<16xf32>
      %select_n3A_481 = arith.select %eq3A_479, %broadcast_in_dim3A_480, %select_n3A_450 : vector<16xi1>, vector<16xf32>
      %add3A_482 = arith.constant 9 : i32
      %add3A_483 = arith.addi %mul3A_202, %add3A_482 : i32
      %get3A_484 = arith.index_cast %add3A_483 : i32 to index
      %get3A_485 = arith.constant 0 : index
      %get3A_486 = tpu.vector_load %arg18[%get3A_484, %get3A_485] {strides = array<i32>} : memref<640x16xf32, #tpu.memory_space<vmem>>, vector<16xf32>,
      %get3A_487 = arith.index_cast %add3A_483 : i32 to index
      %get3A_488 = arith.constant 0 : index
      %get3A_489 = tpu.vector_load %arg19[%get3A_487, %get3A_488] {strides = array<i32>} : memref<640x16xf32, #tpu.memory_space<vmem>>, vector<16xf32>,
      %add3A_490 = arith.addf %get3A_486, %get3A_489 : vector<16xf32>
      %get3A_491 = arith.index_cast %add3A_483 : i32 to index
      %get3A_492 = arith.constant 0 : index
      %get3A_493 = tpu.vector_load %arg20[%get3A_491, %get3A_492] {strides = array<i32>} : memref<640x16xf32, #tpu.memory_space<vmem>>, vector<16xf32>,
      %add3A_494 = arith.addf %add3A_490, %get3A_493 : vector<16xf32>
      %slice3A_495 = vector.extract_strided_slice %get3A_204 {offsets = [9], sizes = [1], strides = [1]} : vector<16xf32> to vector<1xf32>
      %squeeze3A_496 = vector.extract %slice3A_495[0] : f32 from vector<1xf32>
      %mul3A_497 = vector.broadcast %squeeze3A_496 : f32 to vector<16xf32>
      %mul3A_498 = arith.mulf %add3A_494, %mul3A_497 : vector<16xf32>
      %add3A_499 = arith.addf %mul3A_498, %get3A_122 : vector<16xf32>
      %max3A_500 = arith.constant 0.000000e+00 : f32
      %max3A_501 = vector.broadcast %max3A_500 : f32 to vector<16xf32>
      %max3A_502 = arith.maximumf %add3A_499, %max3A_501 : vector<16xf32>
      %mul3A_503 = arith.mulf %max3A_502, %get3A_124 : vector<16xf32>
      %reduce_sum3A_504 = arith.constant true
      %reduce_sum3A_505 = vector.broadcast %reduce_sum3A_504 : i1 to vector<16xi1>
      %reduce_sum3A_506 = tpu.scan <sum>, %mul3A_503 masked %reduce_sum3A_505 : vector<16xf32>, vector<16xi1> -> vector<16xf32>
      %reduce_sum3A_507 = vector.extract %reduce_sum3A_506[15] : f32 from vector<16xf32>
      %eq3A_508 = arith.constant 9 : i32
      %eq3A_509 = vector.broadcast %eq3A_508 : i32 to vector<16xi32>
      %eq3A_510 = arith.cmpi eq, %iota3A, %eq3A_509 : vector<16xi32>
      %broadcast_in_dim3A_511 = vector.broadcast %reduce_sum3A_507 : f32 to vector<16xf32>
      %select_n3A_512 = arith.select %eq3A_510, %broadcast_in_dim3A_511, %select_n3A_481 : vector<16xi1>, vector<16xf32>
      %add3A_513 = arith.constant 10 : i32
      %add3A_514 = arith.addi %mul3A_202, %add3A_513 : i32
      %get3A_515 = arith.index_cast %add3A_514 : i32 to index
      %get3A_516 = arith.constant 0 : index
      %get3A_517 = tpu.vector_load %arg18[%get3A_515, %get3A_516] {strides = array<i32>} : memref<640x16xf32, #tpu.memory_space<vmem>>, vector<16xf32>,
      %get3A_518 = arith.index_cast %add3A_514 : i32 to index
      %get3A_519 = arith.constant 0 : index
      %get3A_520 = tpu.vector_load %arg19[%get3A_518, %get3A_519] {strides = array<i32>} : memref<640x16xf32, #tpu.memory_space<vmem>>, vector<16xf32>,
      %add3A_521 = arith.addf %get3A_517, %get3A_520 : vector<16xf32>
      %get3A_522 = arith.index_cast %add3A_514 : i32 to index
      %get3A_523 = arith.constant 0 : index
      %get3A_524 = tpu.vector_load %arg20[%get3A_522, %get3A_523] {strides = array<i32>} : memref<640x16xf32, #tpu.memory_space<vmem>>, vector<16xf32>,
      %add3A_525 = arith.addf %add3A_521, %get3A_524 : vector<16xf32>
      %slice3A_526 = vector.extract_strided_slice %get3A_204 {offsets = [10], sizes = [1], strides = [1]} : vector<16xf32> to vector<1xf32>
      %squeeze3A_527 = vector.extract %slice3A_526[0] : f32 from vector<1xf32>
      %mul3A_528 = vector.broadcast %squeeze3A_527 : f32 to vector<16xf32>
      %mul3A_529 = arith.mulf %add3A_525, %mul3A_528 : vector<16xf32>
      %add3A_530 = arith.addf %mul3A_529, %get3A_122 : vector<16xf32>
      %max3A_531 = arith.constant 0.000000e+00 : f32
      %max3A_532 = vector.broadcast %max3A_531 : f32 to vector<16xf32>
      %max3A_533 = arith.maximumf %add3A_530, %max3A_532 : vector<16xf32>
      %mul3A_534 = arith.mulf %max3A_533, %get3A_124 : vector<16xf32>
      %reduce_sum3A_535 = arith.constant true
      %reduce_sum3A_536 = vector.broadcast %reduce_sum3A_535 : i1 to vector<16xi1>
      %reduce_sum3A_537 = tpu.scan <sum>, %mul3A_534 masked %reduce_sum3A_536 : vector<16xf32>, vector<16xi1> -> vector<16xf32>
      %reduce_sum3A_538 = vector.extract %reduce_sum3A_537[15] : f32 from vector<16xf32>
      %eq3A_539 = arith.constant 10 : i32
      %eq3A_540 = vector.broadcast %eq3A_539 : i32 to vector<16xi32>
      %eq3A_541 = arith.cmpi eq, %iota3A, %eq3A_540 : vector<16xi32>
      %broadcast_in_dim3A_542 = vector.broadcast %reduce_sum3A_538 : f32 to vector<16xf32>
      %select_n3A_543 = arith.select %eq3A_541, %broadcast_in_dim3A_542, %select_n3A_512 : vector<16xi1>, vector<16xf32>
      %add3A_544 = arith.constant 11 : i32
      %add3A_545 = arith.addi %mul3A_202, %add3A_544 : i32
      %get3A_546 = arith.index_cast %add3A_545 : i32 to index
      %get3A_547 = arith.constant 0 : index
      %get3A_548 = tpu.vector_load %arg18[%get3A_546, %get3A_547] {strides = array<i32>} : memref<640x16xf32, #tpu.memory_space<vmem>>, vector<16xf32>,
      %get3A_549 = arith.index_cast %add3A_545 : i32 to index
      %get3A_550 = arith.constant 0 : index
      %get3A_551 = tpu.vector_load %arg19[%get3A_549, %get3A_550] {strides = array<i32>} : memref<640x16xf32, #tpu.memory_space<vmem>>, vector<16xf32>,
      %add3A_552 = arith.addf %get3A_548, %get3A_551 : vector<16xf32>
      %get3A_553 = arith.index_cast %add3A_545 : i32 to index
      %get3A_554 = arith.constant 0 : index
      %get3A_555 = tpu.vector_load %arg20[%get3A_553, %get3A_554] {strides = array<i32>} : memref<640x16xf32, #tpu.memory_space<vmem>>, vector<16xf32>,
      %add3A_556 = arith.addf %add3A_552, %get3A_555 : vector<16xf32>
      %slice3A_557 = vector.extract_strided_slice %get3A_204 {offsets = [11], sizes = [1], strides = [1]} : vector<16xf32> to vector<1xf32>
      %squeeze3A_558 = vector.extract %slice3A_557[0] : f32 from vector<1xf32>
      %mul3A_559 = vector.broadcast %squeeze3A_558 : f32 to vector<16xf32>
      %mul3A_560 = arith.mulf %add3A_556, %mul3A_559 : vector<16xf32>
      %add3A_561 = arith.addf %mul3A_560, %get3A_122 : vector<16xf32>
      %max3A_562 = arith.constant 0.000000e+00 : f32
      %max3A_563 = vector.broadcast %max3A_562 : f32 to vector<16xf32>
      %max3A_564 = arith.maximumf %add3A_561, %max3A_563 : vector<16xf32>
      %mul3A_565 = arith.mulf %max3A_564, %get3A_124 : vector<16xf32>
      %reduce_sum3A_566 = arith.constant true
      %reduce_sum3A_567 = vector.broadcast %reduce_sum3A_566 : i1 to vector<16xi1>
      %reduce_sum3A_568 = tpu.scan <sum>, %mul3A_565 masked %reduce_sum3A_567 : vector<16xf32>, vector<16xi1> -> vector<16xf32>
      %reduce_sum3A_569 = vector.extract %reduce_sum3A_568[15] : f32 from vector<16xf32>
      %eq3A_570 = arith.constant 11 : i32
      %eq3A_571 = vector.broadcast %eq3A_570 : i32 to vector<16xi32>
      %eq3A_572 = arith.cmpi eq, %iota3A, %eq3A_571 : vector<16xi32>
      %broadcast_in_dim3A_573 = vector.broadcast %reduce_sum3A_569 : f32 to vector<16xf32>
      %select_n3A_574 = arith.select %eq3A_572, %broadcast_in_dim3A_573, %select_n3A_543 : vector<16xi1>, vector<16xf32>
      %add3A_575 = arith.constant 12 : i32
      %add3A_576 = arith.addi %mul3A_202, %add3A_575 : i32
      %get3A_577 = arith.index_cast %add3A_576 : i32 to index
      %get3A_578 = arith.constant 0 : index
      %get3A_579 = tpu.vector_load %arg18[%get3A_577, %get3A_578] {strides = array<i32>} : memref<640x16xf32, #tpu.memory_space<vmem>>, vector<16xf32>,
      %get3A_580 = arith.index_cast %add3A_576 : i32 to index
      %get3A_581 = arith.constant 0 : index
      %get3A_582 = tpu.vector_load %arg19[%get3A_580, %get3A_581] {strides = array<i32>} : memref<640x16xf32, #tpu.memory_space<vmem>>, vector<16xf32>,
      %add3A_583 = arith.addf %get3A_579, %get3A_582 : vector<16xf32>
      %get3A_584 = arith.index_cast %add3A_576 : i32 to index
      %get3A_585 = arith.constant 0 : index
      %get3A_586 = tpu.vector_load %arg20[%get3A_584, %get3A_585] {strides = array<i32>} : memref<640x16xf32, #tpu.memory_space<vmem>>, vector<16xf32>,
      %add3A_587 = arith.addf %add3A_583, %get3A_586 : vector<16xf32>
      %slice3A_588 = vector.extract_strided_slice %get3A_204 {offsets = [12], sizes = [1], strides = [1]} : vector<16xf32> to vector<1xf32>
      %squeeze3A_589 = vector.extract %slice3A_588[0] : f32 from vector<1xf32>
      %mul3A_590 = vector.broadcast %squeeze3A_589 : f32 to vector<16xf32>
      %mul3A_591 = arith.mulf %add3A_587, %mul3A_590 : vector<16xf32>
      %add3A_592 = arith.addf %mul3A_591, %get3A_122 : vector<16xf32>
      %max3A_593 = arith.constant 0.000000e+00 : f32
      %max3A_594 = vector.broadcast %max3A_593 : f32 to vector<16xf32>
      %max3A_595 = arith.maximumf %add3A_592, %max3A_594 : vector<16xf32>
      %mul3A_596 = arith.mulf %max3A_595, %get3A_124 : vector<16xf32>
      %reduce_sum3A_597 = arith.constant true
      %reduce_sum3A_598 = vector.broadcast %reduce_sum3A_597 : i1 to vector<16xi1>
      %reduce_sum3A_599 = tpu.scan <sum>, %mul3A_596 masked %reduce_sum3A_598 : vector<16xf32>, vector<16xi1> -> vector<16xf32>
      %reduce_sum3A_600 = vector.extract %reduce_sum3A_599[15] : f32 from vector<16xf32>
      %eq3A_601 = arith.constant 12 : i32
      %eq3A_602 = vector.broadcast %eq3A_601 : i32 to vector<16xi32>
      %eq3A_603 = arith.cmpi eq, %iota3A, %eq3A_602 : vector<16xi32>
      %broadcast_in_dim3A_604 = vector.broadcast %reduce_sum3A_600 : f32 to vector<16xf32>
      %select_n3A_605 = arith.select %eq3A_603, %broadcast_in_dim3A_604, %select_n3A_574 : vector<16xi1>, vector<16xf32>
      %add3A_606 = arith.constant 13 : i32
      %add3A_607 = arith.addi %mul3A_202, %add3A_606 : i32
      %get3A_608 = arith.index_cast %add3A_607 : i32 to index
      %get3A_609 = arith.constant 0 : index
      %get3A_610 = tpu.vector_load %arg18[%get3A_608, %get3A_609] {strides = array<i32>} : memref<640x16xf32, #tpu.memory_space<vmem>>, vector<16xf32>,
      %get3A_611 = arith.index_cast %add3A_607 : i32 to index
      %get3A_612 = arith.constant 0 : index
      %get3A_613 = tpu.vector_load %arg19[%get3A_611, %get3A_612] {strides = array<i32>} : memref<640x16xf32, #tpu.memory_space<vmem>>, vector<16xf32>,
      %add3A_614 = arith.addf %get3A_610, %get3A_613 : vector<16xf32>
      %get3A_615 = arith.index_cast %add3A_607 : i32 to index
      %get3A_616 = arith.constant 0 : index
      %get3A_617 = tpu.vector_load %arg20[%get3A_615, %get3A_616] {strides = array<i32>} : memref<640x16xf32, #tpu.memory_space<vmem>>, vector<16xf32>,
      %add3A_618 = arith.addf %add3A_614, %get3A_617 : vector<16xf32>
      %slice3A_619 = vector.extract_strided_slice %get3A_204 {offsets = [13], sizes = [1], strides = [1]} : vector<16xf32> to vector<1xf32>
      %squeeze3A_620 = vector.extract %slice3A_619[0] : f32 from vector<1xf32>
      %mul3A_621 = vector.broadcast %squeeze3A_620 : f32 to vector<16xf32>
      %mul3A_622 = arith.mulf %add3A_618, %mul3A_621 : vector<16xf32>
      %add3A_623 = arith.addf %mul3A_622, %get3A_122 : vector<16xf32>
      %max3A_624 = arith.constant 0.000000e+00 : f32
      %max3A_625 = vector.broadcast %max3A_624 : f32 to vector<16xf32>
      %max3A_626 = arith.maximumf %add3A_623, %max3A_625 : vector<16xf32>
      %mul3A_627 = arith.mulf %max3A_626, %get3A_124 : vector<16xf32>
      %reduce_sum3A_628 = arith.constant true
      %reduce_sum3A_629 = vector.broadcast %reduce_sum3A_628 : i1 to vector<16xi1>
      %reduce_sum3A_630 = tpu.scan <sum>, %mul3A_627 masked %reduce_sum3A_629 : vector<16xf32>, vector<16xi1> -> vector<16xf32>
      %reduce_sum3A_631 = vector.extract %reduce_sum3A_630[15] : f32 from vector<16xf32>
      %eq3A_632 = arith.constant 13 : i32
      %eq3A_633 = vector.broadcast %eq3A_632 : i32 to vector<16xi32>
      %eq3A_634 = arith.cmpi eq, %iota3A, %eq3A_633 : vector<16xi32>
      %broadcast_in_dim3A_635 = vector.broadcast %reduce_sum3A_631 : f32 to vector<16xf32>
      %select_n3A_636 = arith.select %eq3A_634, %broadcast_in_dim3A_635, %select_n3A_605 : vector<16xi1>, vector<16xf32>
      %add3A_637 = arith.constant 14 : i32
      %add3A_638 = arith.addi %mul3A_202, %add3A_637 : i32
      %get3A_639 = arith.index_cast %add3A_638 : i32 to index
      %get3A_640 = arith.constant 0 : index
      %get3A_641 = tpu.vector_load %arg18[%get3A_639, %get3A_640] {strides = array<i32>} : memref<640x16xf32, #tpu.memory_space<vmem>>, vector<16xf32>,
      %get3A_642 = arith.index_cast %add3A_638 : i32 to index
      %get3A_643 = arith.constant 0 : index
      %get3A_644 = tpu.vector_load %arg19[%get3A_642, %get3A_643] {strides = array<i32>} : memref<640x16xf32, #tpu.memory_space<vmem>>, vector<16xf32>,
      %add3A_645 = arith.addf %get3A_641, %get3A_644 : vector<16xf32>
      %get3A_646 = arith.index_cast %add3A_638 : i32 to index
      %get3A_647 = arith.constant 0 : index
      %get3A_648 = tpu.vector_load %arg20[%get3A_646, %get3A_647] {strides = array<i32>} : memref<640x16xf32, #tpu.memory_space<vmem>>, vector<16xf32>,
      %add3A_649 = arith.addf %add3A_645, %get3A_648 : vector<16xf32>
      %slice3A_650 = vector.extract_strided_slice %get3A_204 {offsets = [14], sizes = [1], strides = [1]} : vector<16xf32> to vector<1xf32>
      %squeeze3A_651 = vector.extract %slice3A_650[0] : f32 from vector<1xf32>
      %mul3A_652 = vector.broadcast %squeeze3A_651 : f32 to vector<16xf32>
      %mul3A_653 = arith.mulf %add3A_649, %mul3A_652 : vector<16xf32>
      %add3A_654 = arith.addf %mul3A_653, %get3A_122 : vector<16xf32>
      %max3A_655 = arith.constant 0.000000e+00 : f32
      %max3A_656 = vector.broadcast %max3A_655 : f32 to vector<16xf32>
      %max3A_657 = arith.maximumf %add3A_654, %max3A_656 : vector<16xf32>
      %mul3A_658 = arith.mulf %max3A_657, %get3A_124 : vector<16xf32>
      %reduce_sum3A_659 = arith.constant true
      %reduce_sum3A_660 = vector.broadcast %reduce_sum3A_659 : i1 to vector<16xi1>
      %reduce_sum3A_661 = tpu.scan <sum>, %mul3A_658 masked %reduce_sum3A_660 : vector<16xf32>, vector<16xi1> -> vector<16xf32>
      %reduce_sum3A_662 = vector.extract %reduce_sum3A_661[15] : f32 from vector<16xf32>
      %eq3A_663 = arith.constant 14 : i32
      %eq3A_664 = vector.broadcast %eq3A_663 : i32 to vector<16xi32>
      %eq3A_665 = arith.cmpi eq, %iota3A, %eq3A_664 : vector<16xi32>
      %broadcast_in_dim3A_666 = vector.broadcast %reduce_sum3A_662 : f32 to vector<16xf32>
      %select_n3A_667 = arith.select %eq3A_665, %broadcast_in_dim3A_666, %select_n3A_636 : vector<16xi1>, vector<16xf32>
      %add3A_668 = arith.constant 15 : i32
      %add3A_669 = arith.addi %mul3A_202, %add3A_668 : i32
      %get3A_670 = arith.index_cast %add3A_669 : i32 to index
      %get3A_671 = arith.constant 0 : index
      %get3A_672 = tpu.vector_load %arg18[%get3A_670, %get3A_671] {strides = array<i32>} : memref<640x16xf32, #tpu.memory_space<vmem>>, vector<16xf32>,
      %get3A_673 = arith.index_cast %add3A_669 : i32 to index
      %get3A_674 = arith.constant 0 : index
      %get3A_675 = tpu.vector_load %arg19[%get3A_673, %get3A_674] {strides = array<i32>} : memref<640x16xf32, #tpu.memory_space<vmem>>, vector<16xf32>,
      %add3A_676 = arith.addf %get3A_672, %get3A_675 : vector<16xf32>
      %get3A_677 = arith.index_cast %add3A_669 : i32 to index
      %get3A_678 = arith.constant 0 : index
      %get3A_679 = tpu.vector_load %arg20[%get3A_677, %get3A_678] {strides = array<i32>} : memref<640x16xf32, #tpu.memory_space<vmem>>, vector<16xf32>,
      %add3A_680 = arith.addf %add3A_676, %get3A_679 : vector<16xf32>
      %slice3A_681 = vector.extract_strided_slice %get3A_204 {offsets = [15], sizes = [1], strides = [1]} : vector<16xf32> to vector<1xf32>
      %squeeze3A_682 = vector.extract %slice3A_681[0] : f32 from vector<1xf32>
      %mul3A_683 = vector.broadcast %squeeze3A_682 : f32 to vector<16xf32>
      %mul3A_684 = arith.mulf %add3A_680, %mul3A_683 : vector<16xf32>
      %add3A_685 = arith.addf %mul3A_684, %get3A_122 : vector<16xf32>
      %max3A_686 = arith.constant 0.000000e+00 : f32
      %max3A_687 = vector.broadcast %max3A_686 : f32 to vector<16xf32>
      %max3A_688 = arith.maximumf %add3A_685, %max3A_687 : vector<16xf32>
      %mul3A_689 = arith.mulf %max3A_688, %get3A_124 : vector<16xf32>
      %reduce_sum3A_690 = arith.constant true
      %reduce_sum3A_691 = vector.broadcast %reduce_sum3A_690 : i1 to vector<16xi1>
      %reduce_sum3A_692 = tpu.scan <sum>, %mul3A_689 masked %reduce_sum3A_691 : vector<16xf32>, vector<16xi1> -> vector<16xf32>
      %reduce_sum3A_693 = vector.extract %reduce_sum3A_692[15] : f32 from vector<16xf32>
      %eq3A_694 = arith.constant 15 : i32
      %eq3A_695 = vector.broadcast %eq3A_694 : i32 to vector<16xi32>
      %eq3A_696 = arith.cmpi eq, %iota3A, %eq3A_695 : vector<16xi32>
      %broadcast_in_dim3A_697 = vector.broadcast %reduce_sum3A_693 : f32 to vector<16xf32>
      %select_n3A_698 = arith.select %eq3A_696, %broadcast_in_dim3A_697, %select_n3A_667 : vector<16xi1>, vector<16xf32>
      %mul3A_699 = arith.mulf %select_n3A_698, %get3A_206 : vector<16xf32>
      %swap3A_700 = arith.index_cast %mul3A_202 : i32 to index
      %swap3A_701 = tpu.vector_load %arg23[%swap3A_700] {strides = array<i32>} : memref<640xf32, #tpu.memory_space<vmem>>, vector<16xf32>,
      tpu.vector_store %arg23[%swap3A_700], %mul3A_699 {strides = array<i32>} : memref<640xf32, #tpu.memory_space<vmem>>, vector<16xf32>,
    }
    %scan3A_130 = arith.constant 40 : i32
    "tpu.region"() ({
      %run_scoped3A = tpu.sem_alloc : memref<!tpu.dma_semaphore, #tpu.memory_space<semaphore_mem>>
      %dma_start3A_200 = tpu.memref_slice %arg26[%mul3A_2] : memref<10000xf32, #tpu.memory_space<vmem_shared>> -> memref<640xf32, #tpu.memory_space<vmem_shared>>
      %dma_start3A_201 = tpu.memref_slice %arg26[%mul3A_2] : memref<10000xf32, #tpu.memory_space<vmem_shared>> -> memref<640xf32, #tpu.memory_space<vmem_shared>>
      tpu.enqueue_dma source(%arg23 : memref<640xf32, #tpu.memory_space<vmem>>) target(%dma_start3A_201 : memref<640xf32, #tpu.memory_space<vmem_shared>>) target_semaphore(%run_scoped3A : memref<!tpu.dma_semaphore, #tpu.memory_space<semaphore_mem>>)
      %dma_wait3A_202 = tpu.memref_slice %arg26[%mul3A_2] : memref<10000xf32, #tpu.memory_space<vmem_shared>> -> memref<640xf32, #tpu.memory_space<vmem_shared>>
      %dma_wait3A_203 = tpu.memref_slice %arg26[%mul3A_2] : memref<10000xf32, #tpu.memory_space<vmem_shared>> -> memref<640xf32, #tpu.memory_space<vmem_shared>>
      tpu.wait_dma2 semaphore(%run_scoped3A : memref<!tpu.dma_semaphore, #tpu.memory_space<semaphore_mem>>) src(%arg23 : memref<640xf32, #tpu.memory_space<vmem>>) dst(%dma_wait3A_203 : memref<640xf32, #tpu.memory_space<vmem_shared>>)
      tpu.yield
    }) : () -> ()
    "tpu.region"() ({
      %run_scoped3A = tpu.sem_alloc : memref<!tpu.dma_semaphore, #tpu.memory_space<semaphore_mem>>
      %dma_start3A_200 = tpu.memref_slice %arg10[%mul3A_2] : memref<10000xf32, #tpu.memory_space<hbm>> -> memref<640xf32, #tpu.memory_space<hbm>>
      %dma_start3A_201 = tpu.memref_slice %arg10[%mul3A_2] : memref<10000xf32, #tpu.memory_space<hbm>> -> memref<640xf32, #tpu.memory_space<hbm>>
      tpu.enqueue_dma source(%arg23 : memref<640xf32, #tpu.memory_space<vmem>>) target(%dma_start3A_201 : memref<640xf32, #tpu.memory_space<hbm>>) target_semaphore(%run_scoped3A : memref<!tpu.dma_semaphore, #tpu.memory_space<semaphore_mem>>)
      %dma_wait3A_202 = tpu.memref_slice %arg10[%mul3A_2] : memref<10000xf32, #tpu.memory_space<hbm>> -> memref<640xf32, #tpu.memory_space<hbm>>
      %dma_wait3A_203 = tpu.memref_slice %arg10[%mul3A_2] : memref<10000xf32, #tpu.memory_space<hbm>> -> memref<640xf32, #tpu.memory_space<hbm>>
      tpu.wait_dma2 semaphore(%run_scoped3A : memref<!tpu.dma_semaphore, #tpu.memory_space<semaphore_mem>>) src(%arg23 : memref<640xf32, #tpu.memory_space<vmem>>) dst(%dma_wait3A_203 : memref<640xf32, #tpu.memory_space<hbm>>)
      tpu.yield
    }) : () -> ()
    %dma_wait3A_131 = arith.constant 0 : i32
    %dma_wait3A_132 = arith.constant 7 : i32
    %dma_wait3A_133 = arith.constant 0 : i32
    %dma_wait3A_134 = tpu.memref_slice %arg8[%dma_wait3A_131, %mul3A_46, %dma_wait3A_133] : memref<2x4000x80xi32, #tpu.memory_space<hbm>> -> memref<1x125x80xi32, #tpu.memory_space<hbm>>
    %dma_wait3A_135 = tpu.memref_squeeze %dma_wait3A_134 : memref<1x125x80xi32, #tpu.memory_space<hbm>> -> memref<125x80xi32, #tpu.memory_space<hbm>>
    %dma_wait3A_136 = tpu.memref_slice %arg27[%dma_wait3A_132] : memref<9x!tpu.dma_semaphore, #tpu.memory_space<semaphore_mem>> -> memref<1x!tpu.dma_semaphore, #tpu.memory_space<semaphore_mem>>
    %dma_wait3A_137 = tpu.memref_squeeze %dma_wait3A_136 : memref<1x!tpu.dma_semaphore, #tpu.memory_space<semaphore_mem>> -> memref<!tpu.dma_semaphore, #tpu.memory_space<semaphore_mem>>
    %dma_wait3A_138 = arith.constant 0 : i32
    %dma_wait3A_139 = tpu.memref_slice %arg8[%dma_wait3A_131, %mul3A_46, %dma_wait3A_138] : memref<2x4000x80xi32, #tpu.memory_space<hbm>> -> memref<1x125x80xi32, #tpu.memory_space<hbm>>
    %dma_wait3A_140 = tpu.memref_squeeze %dma_wait3A_139 : memref<1x125x80xi32, #tpu.memory_space<hbm>> -> memref<125x80xi32, #tpu.memory_space<hbm>>
    tpu.wait_dma2 semaphore(%dma_wait3A_137 : memref<!tpu.dma_semaphore, #tpu.memory_space<semaphore_mem>>) src(%dma_wait3A_140 : memref<125x80xi32, #tpu.memory_space<hbm>>) dst(%arg12 : memref<125x80xi32, #tpu.memory_space<vmem>>)
    %dma_wait3A_141 = arith.constant 1 : i32
    %dma_wait3A_142 = arith.constant 8 : i32
    %dma_wait3A_143 = arith.constant 0 : i32
    %dma_wait3A_144 = tpu.memref_slice %arg8[%dma_wait3A_141, %mul3A_58, %dma_wait3A_143] : memref<2x4000x80xi32, #tpu.memory_space<hbm>> -> memref<1x125x80xi32, #tpu.memory_space<hbm>>
    %dma_wait3A_145 = tpu.memref_squeeze %dma_wait3A_144 : memref<1x125x80xi32, #tpu.memory_space<hbm>> -> memref<125x80xi32, #tpu.memory_space<hbm>>
    %dma_wait3A_146 = tpu.memref_slice %arg27[%dma_wait3A_142] : memref<9x!tpu.dma_semaphore, #tpu.memory_space<semaphore_mem>> -> memref<1x!tpu.dma_semaphore, #tpu.memory_space<semaphore_mem>>
    %dma_wait3A_147 = tpu.memref_squeeze %dma_wait3A_146 : memref<1x!tpu.dma_semaphore, #tpu.memory_space<semaphore_mem>> -> memref<!tpu.dma_semaphore, #tpu.memory_space<semaphore_mem>>
    %dma_wait3A_148 = arith.constant 0 : i32
    %dma_wait3A_149 = tpu.memref_slice %arg8[%dma_wait3A_141, %mul3A_58, %dma_wait3A_148] : memref<2x4000x80xi32, #tpu.memory_space<hbm>> -> memref<1x125x80xi32, #tpu.memory_space<hbm>>
    %dma_wait3A_150 = tpu.memref_squeeze %dma_wait3A_149 : memref<1x125x80xi32, #tpu.memory_space<hbm>> -> memref<125x80xi32, #tpu.memory_space<hbm>>
    tpu.wait_dma2 semaphore(%dma_wait3A_147 : memref<!tpu.dma_semaphore, #tpu.memory_space<semaphore_mem>>) src(%dma_wait3A_150 : memref<125x80xi32, #tpu.memory_space<hbm>>) dst(%arg13 : memref<125x80xi32, #tpu.memory_space<vmem>>)
    %barrier3A = arith.constant 0 : index
    tpu.barrier barrier_id(%barrier3A)
    "tpu.region"() ({
      %run_scoped3A = tpu.sem_alloc : memref<!tpu.dma_semaphore, #tpu.memory_space<semaphore_mem>>
      tpu.enqueue_dma source(%arg26 : memref<10000xf32, #tpu.memory_space<vmem_shared>>) target(%arg11 : memref<10000xf32, #tpu.memory_space<vmem>>) target_semaphore(%run_scoped3A : memref<!tpu.dma_semaphore, #tpu.memory_space<semaphore_mem>>)
      tpu.wait_dma2 semaphore(%run_scoped3A : memref<!tpu.dma_semaphore, #tpu.memory_space<semaphore_mem>>) src(%arg26 : memref<10000xf32, #tpu.memory_space<vmem_shared>>) dst(%arg11 : memref<10000xf32, #tpu.memory_space<vmem>>)
      tpu.yield
    }) : () -> ()
    %scan3A_151 = arith.constant 0 : i32
    %scan3A_152 = arith.constant 0 : i32
    %scan3A_153 = arith.constant 124 : i32
    %scan3A_154 = arith.addi %scan3A_152, %scan3A_153 : i32
    %scan3A_155 = arith.constant 2 : i32
    scf.for %scan3A_200 = %scan3A_152 to %scan3A_154 step %scan3A_155  : i32 {
      %get3A_201 = arith.index_cast %scan3A_200 : i32 to index
      %get3A_202 = arith.constant 0 : index
      %get3A_203 = tpu.vector_load %arg12[%get3A_201, %get3A_202] {strides = array<i32>} : memref<125x80xi32, #tpu.memory_space<vmem>>, vector<16xi32>,
      %gather3A_204 = tpu.vector_load_idx %arg11[%get3A_203] : memref<10000xf32, #tpu.memory_space<vmem>>[vector<16xi32>], vector<16xf32>,
      %get3A_205 = arith.index_cast %scan3A_200 : i32 to index
      %get3A_206 = arith.constant 0 : index
      %get3A_207 = tpu.vector_load %arg13[%get3A_205, %get3A_206] {strides = array<i32>} : memref<125x80xi32, #tpu.memory_space<vmem>>, vector<16xi32>,
      tpu.vector_store_idx %arg14[%get3A_207], %gather3A_204 {add = true} : memref<10000xf32, #tpu.memory_space<vmem>>[vector<16xi32>], vector<16xf32>,
      %get3A_208 = arith.index_cast %scan3A_200 : i32 to index
      %get3A_209 = arith.constant 16 : index
      %get3A_210 = tpu.vector_load %arg12[%get3A_208, %get3A_209] {strides = array<i32>} : memref<125x80xi32, #tpu.memory_space<vmem>>, vector<16xi32>,
      %gather3A_211 = tpu.vector_load_idx %arg11[%get3A_210] : memref<10000xf32, #tpu.memory_space<vmem>>[vector<16xi32>], vector<16xf32>,
      %get3A_212 = arith.index_cast %scan3A_200 : i32 to index
      %get3A_213 = arith.constant 16 : index
      %get3A_214 = tpu.vector_load %arg13[%get3A_212, %get3A_213] {strides = array<i32>} : memref<125x80xi32, #tpu.memory_space<vmem>>, vector<16xi32>,
      tpu.vector_store_idx %arg14[%get3A_214], %gather3A_211 {add = true} : memref<10000xf32, #tpu.memory_space<vmem>>[vector<16xi32>], vector<16xf32>,
      %get3A_215 = arith.index_cast %scan3A_200 : i32 to index
      %get3A_216 = arith.constant 32 : index
      %get3A_217 = tpu.vector_load %arg12[%get3A_215, %get3A_216] {strides = array<i32>} : memref<125x80xi32, #tpu.memory_space<vmem>>, vector<16xi32>,
      %gather3A_218 = tpu.vector_load_idx %arg11[%get3A_217] : memref<10000xf32, #tpu.memory_space<vmem>>[vector<16xi32>], vector<16xf32>,
      %get3A_219 = arith.index_cast %scan3A_200 : i32 to index
      %get3A_220 = arith.constant 32 : index
      %get3A_221 = tpu.vector_load %arg13[%get3A_219, %get3A_220] {strides = array<i32>} : memref<125x80xi32, #tpu.memory_space<vmem>>, vector<16xi32>,
      tpu.vector_store_idx %arg14[%get3A_221], %gather3A_218 {add = true} : memref<10000xf32, #tpu.memory_space<vmem>>[vector<16xi32>], vector<16xf32>,
      %get3A_222 = arith.index_cast %scan3A_200 : i32 to index
      %get3A_223 = arith.constant 48 : index
      %get3A_224 = tpu.vector_load %arg12[%get3A_222, %get3A_223] {strides = array<i32>} : memref<125x80xi32, #tpu.memory_space<vmem>>, vector<16xi32>,
      %gather3A_225 = tpu.vector_load_idx %arg11[%get3A_224] : memref<10000xf32, #tpu.memory_space<vmem>>[vector<16xi32>], vector<16xf32>,
      %get3A_226 = arith.index_cast %scan3A_200 : i32 to index
      %get3A_227 = arith.constant 48 : index
      %get3A_228 = tpu.vector_load %arg13[%get3A_226, %get3A_227] {strides = array<i32>} : memref<125x80xi32, #tpu.memory_space<vmem>>, vector<16xi32>,
      tpu.vector_store_idx %arg14[%get3A_228], %gather3A_225 {add = true} : memref<10000xf32, #tpu.memory_space<vmem>>[vector<16xi32>], vector<16xf32>,
      %get3A_229 = arith.index_cast %scan3A_200 : i32 to index
      %get3A_230 = arith.constant 64 : index
      %get3A_231 = tpu.vector_load %arg12[%get3A_229, %get3A_230] {strides = array<i32>} : memref<125x80xi32, #tpu.memory_space<vmem>>, vector<16xi32>,
      %gather3A_232 = tpu.vector_load_idx %arg11[%get3A_231] : memref<10000xf32, #tpu.memory_space<vmem>>[vector<16xi32>], vector<16xf32>,
      %get3A_233 = arith.index_cast %scan3A_200 : i32 to index
      %get3A_234 = arith.constant 64 : index
      %get3A_235 = tpu.vector_load %arg13[%get3A_233, %get3A_234] {strides = array<i32>} : memref<125x80xi32, #tpu.memory_space<vmem>>, vector<16xi32>,
      tpu.vector_store_idx %arg14[%get3A_235], %gather3A_232 {add = true} : memref<10000xf32, #tpu.memory_space<vmem>>[vector<16xi32>], vector<16xf32>,
      %scan3A_236 = arith.constant 1 : i32
      %scan3A_237 = arith.addi %scan3A_200, %scan3A_236 : i32
      %get3A_238 = arith.index_cast %scan3A_237 : i32 to index
      %get3A_239 = arith.constant 0 : index
      %get3A_240 = tpu.vector_load %arg12[%get3A_238, %get3A_239] {strides = array<i32>} : memref<125x80xi32, #tpu.memory_space<vmem>>, vector<16xi32>,
      %gather3A_241 = tpu.vector_load_idx %arg11[%get3A_240] : memref<10000xf32, #tpu.memory_space<vmem>>[vector<16xi32>], vector<16xf32>,
      %get3A_242 = arith.index_cast %scan3A_237 : i32 to index
      %get3A_243 = arith.constant 0 : index
      %get3A_244 = tpu.vector_load %arg13[%get3A_242, %get3A_243] {strides = array<i32>} : memref<125x80xi32, #tpu.memory_space<vmem>>, vector<16xi32>,
      tpu.vector_store_idx %arg14[%get3A_244], %gather3A_241 {add = true} : memref<10000xf32, #tpu.memory_space<vmem>>[vector<16xi32>], vector<16xf32>,
      %get3A_245 = arith.index_cast %scan3A_237 : i32 to index
      %get3A_246 = arith.constant 16 : index
      %get3A_247 = tpu.vector_load %arg12[%get3A_245, %get3A_246] {strides = array<i32>} : memref<125x80xi32, #tpu.memory_space<vmem>>, vector<16xi32>,
      %gather3A_248 = tpu.vector_load_idx %arg11[%get3A_247] : memref<10000xf32, #tpu.memory_space<vmem>>[vector<16xi32>], vector<16xf32>,
      %get3A_249 = arith.index_cast %scan3A_237 : i32 to index
      %get3A_250 = arith.constant 16 : index
      %get3A_251 = tpu.vector_load %arg13[%get3A_249, %get3A_250] {strides = array<i32>} : memref<125x80xi32, #tpu.memory_space<vmem>>, vector<16xi32>,
      tpu.vector_store_idx %arg14[%get3A_251], %gather3A_248 {add = true} : memref<10000xf32, #tpu.memory_space<vmem>>[vector<16xi32>], vector<16xf32>,
      %get3A_252 = arith.index_cast %scan3A_237 : i32 to index
      %get3A_253 = arith.constant 32 : index
      %get3A_254 = tpu.vector_load %arg12[%get3A_252, %get3A_253] {strides = array<i32>} : memref<125x80xi32, #tpu.memory_space<vmem>>, vector<16xi32>,
      %gather3A_255 = tpu.vector_load_idx %arg11[%get3A_254] : memref<10000xf32, #tpu.memory_space<vmem>>[vector<16xi32>], vector<16xf32>,
      %get3A_256 = arith.index_cast %scan3A_237 : i32 to index
      %get3A_257 = arith.constant 32 : index
      %get3A_258 = tpu.vector_load %arg13[%get3A_256, %get3A_257] {strides = array<i32>} : memref<125x80xi32, #tpu.memory_space<vmem>>, vector<16xi32>,
      tpu.vector_store_idx %arg14[%get3A_258], %gather3A_255 {add = true} : memref<10000xf32, #tpu.memory_space<vmem>>[vector<16xi32>], vector<16xf32>,
      %get3A_259 = arith.index_cast %scan3A_237 : i32 to index
      %get3A_260 = arith.constant 48 : index
      %get3A_261 = tpu.vector_load %arg12[%get3A_259, %get3A_260] {strides = array<i32>} : memref<125x80xi32, #tpu.memory_space<vmem>>, vector<16xi32>,
      %gather3A_262 = tpu.vector_load_idx %arg11[%get3A_261] : memref<10000xf32, #tpu.memory_space<vmem>>[vector<16xi32>], vector<16xf32>,
      %get3A_263 = arith.index_cast %scan3A_237 : i32 to index
      %get3A_264 = arith.constant 48 : index
      %get3A_265 = tpu.vector_load %arg13[%get3A_263, %get3A_264] {strides = array<i32>} : memref<125x80xi32, #tpu.memory_space<vmem>>, vector<16xi32>,
      tpu.vector_store_idx %arg14[%get3A_265], %gather3A_262 {add = true} : memref<10000xf32, #tpu.memory_space<vmem>>[vector<16xi32>], vector<16xf32>,
      %get3A_266 = arith.index_cast %scan3A_237 : i32 to index
      %get3A_267 = arith.constant 64 : index
      %get3A_268 = tpu.vector_load %arg12[%get3A_266, %get3A_267] {strides = array<i32>} : memref<125x80xi32, #tpu.memory_space<vmem>>, vector<16xi32>,
      %gather3A_269 = tpu.vector_load_idx %arg11[%get3A_268] : memref<10000xf32, #tpu.memory_space<vmem>>[vector<16xi32>], vector<16xf32>,
      %get3A_270 = arith.index_cast %scan3A_237 : i32 to index
      %get3A_271 = arith.constant 64 : index
      %get3A_272 = tpu.vector_load %arg13[%get3A_270, %get3A_271] {strides = array<i32>} : memref<125x80xi32, #tpu.memory_space<vmem>>, vector<16xi32>,
      tpu.vector_store_idx %arg14[%get3A_272], %gather3A_269 {add = true} : memref<10000xf32, #tpu.memory_space<vmem>>[vector<16xi32>], vector<16xf32>,
    }
    %scan3A_156 = arith.constant 124 : i32
    %scan3A_157 = arith.addi %scan3A_152, %scan3A_156 : i32
    %get3A_158 = arith.index_cast %scan3A_157 : i32 to index
    %get3A_159 = arith.constant 0 : index
    %get3A_160 = tpu.vector_load %arg12[%get3A_158, %get3A_159] {strides = array<i32>} : memref<125x80xi32, #tpu.memory_space<vmem>>, vector<16xi32>,
    %gather3A = tpu.vector_load_idx %arg11[%get3A_160] : memref<10000xf32, #tpu.memory_space<vmem>>[vector<16xi32>], vector<16xf32>,
    %get3A_161 = arith.index_cast %scan3A_157 : i32 to index
    %get3A_162 = arith.constant 0 : index
    %get3A_163 = tpu.vector_load %arg13[%get3A_161, %get3A_162] {strides = array<i32>} : memref<125x80xi32, #tpu.memory_space<vmem>>, vector<16xi32>,
    tpu.vector_store_idx %arg14[%get3A_163], %gather3A {add = true} : memref<10000xf32, #tpu.memory_space<vmem>>[vector<16xi32>], vector<16xf32>,
    %get3A_164 = arith.index_cast %scan3A_157 : i32 to index
    %get3A_165 = arith.constant 16 : index
    %get3A_166 = tpu.vector_load %arg12[%get3A_164, %get3A_165] {strides = array<i32>} : memref<125x80xi32, #tpu.memory_space<vmem>>, vector<16xi32>,
    %gather3A_167 = tpu.vector_load_idx %arg11[%get3A_166] : memref<10000xf32, #tpu.memory_space<vmem>>[vector<16xi32>], vector<16xf32>,
    %get3A_168 = arith.index_cast %scan3A_157 : i32 to index
    %get3A_169 = arith.constant 16 : index
    %get3A_170 = tpu.vector_load %arg13[%get3A_168, %get3A_169] {strides = array<i32>} : memref<125x80xi32, #tpu.memory_space<vmem>>, vector<16xi32>,
    tpu.vector_store_idx %arg14[%get3A_170], %gather3A_167 {add = true} : memref<10000xf32, #tpu.memory_space<vmem>>[vector<16xi32>], vector<16xf32>,
    %get3A_171 = arith.index_cast %scan3A_157 : i32 to index
    %get3A_172 = arith.constant 32 : index
    %get3A_173 = tpu.vector_load %arg12[%get3A_171, %get3A_172] {strides = array<i32>} : memref<125x80xi32, #tpu.memory_space<vmem>>, vector<16xi32>,
    %gather3A_174 = tpu.vector_load_idx %arg11[%get3A_173] : memref<10000xf32, #tpu.memory_space<vmem>>[vector<16xi32>], vector<16xf32>,
    %get3A_175 = arith.index_cast %scan3A_157 : i32 to index
    %get3A_176 = arith.constant 32 : index
    %get3A_177 = tpu.vector_load %arg13[%get3A_175, %get3A_176] {strides = array<i32>} : memref<125x80xi32, #tpu.memory_space<vmem>>, vector<16xi32>,
    tpu.vector_store_idx %arg14[%get3A_177], %gather3A_174 {add = true} : memref<10000xf32, #tpu.memory_space<vmem>>[vector<16xi32>], vector<16xf32>,
    %get3A_178 = arith.index_cast %scan3A_157 : i32 to index
    %get3A_179 = arith.constant 48 : index
    %get3A_180 = tpu.vector_load %arg12[%get3A_178, %get3A_179] {strides = array<i32>} : memref<125x80xi32, #tpu.memory_space<vmem>>, vector<16xi32>,
    %gather3A_181 = tpu.vector_load_idx %arg11[%get3A_180] : memref<10000xf32, #tpu.memory_space<vmem>>[vector<16xi32>], vector<16xf32>,
    %get3A_182 = arith.index_cast %scan3A_157 : i32 to index
    %get3A_183 = arith.constant 48 : index
    %get3A_184 = tpu.vector_load %arg13[%get3A_182, %get3A_183] {strides = array<i32>} : memref<125x80xi32, #tpu.memory_space<vmem>>, vector<16xi32>,
    tpu.vector_store_idx %arg14[%get3A_184], %gather3A_181 {add = true} : memref<10000xf32, #tpu.memory_space<vmem>>[vector<16xi32>], vector<16xf32>,
    %get3A_185 = arith.index_cast %scan3A_157 : i32 to index
    %get3A_186 = arith.constant 64 : index
    %get3A_187 = tpu.vector_load %arg12[%get3A_185, %get3A_186] {strides = array<i32>} : memref<125x80xi32, #tpu.memory_space<vmem>>, vector<16xi32>,
    %gather3A_188 = tpu.vector_load_idx %arg11[%get3A_187] : memref<10000xf32, #tpu.memory_space<vmem>>[vector<16xi32>], vector<16xf32>,
    %get3A_189 = arith.index_cast %scan3A_157 : i32 to index
    %get3A_190 = arith.constant 64 : index
    %get3A_191 = tpu.vector_load %arg13[%get3A_189, %get3A_190] {strides = array<i32>} : memref<125x80xi32, #tpu.memory_space<vmem>>, vector<16xi32>,
    tpu.vector_store_idx %arg14[%get3A_191], %gather3A_188 {add = true} : memref<10000xf32, #tpu.memory_space<vmem>>[vector<16xi32>], vector<16xf32>,
    %scan3A_192 = arith.constant 125 : i32
    "tpu.region"() ({
      %run_scoped3A = tpu.sem_alloc : memref<!tpu.dma_semaphore, #tpu.memory_space<semaphore_mem>>
      %dma_start3A_200 = arith.constant 0 : i32
      %dma_start3A_201 = tpu.memref_slice %arg17[%arg1, %dma_start3A_200] : memref<16x10000xf32, #tpu.memory_space<vmem_shared>> -> memref<1x10000xf32, #tpu.memory_space<vmem_shared>>
      %dma_start3A_202 = tpu.memref_squeeze %dma_start3A_201 : memref<1x10000xf32, #tpu.memory_space<vmem_shared>> -> memref<10000xf32, #tpu.memory_space<vmem_shared>>
      %dma_start3A_203 = arith.constant 0 : i32
      %dma_start3A_204 = tpu.memref_slice %arg17[%arg1, %dma_start3A_203] : memref<16x10000xf32, #tpu.memory_space<vmem_shared>> -> memref<1x10000xf32, #tpu.memory_space<vmem_shared>>
      %dma_start3A_205 = tpu.memref_squeeze %dma_start3A_204 : memref<1x10000xf32, #tpu.memory_space<vmem_shared>> -> memref<10000xf32, #tpu.memory_space<vmem_shared>>
      tpu.enqueue_dma source(%arg14 : memref<10000xf32, #tpu.memory_space<vmem>>) target(%dma_start3A_205 : memref<10000xf32, #tpu.memory_space<vmem_shared>>) target_semaphore(%run_scoped3A : memref<!tpu.dma_semaphore, #tpu.memory_space<semaphore_mem>>)
      %dma_wait3A_206 = arith.constant 0 : i32
      %dma_wait3A_207 = tpu.memref_slice %arg17[%arg1, %dma_wait3A_206] : memref<16x10000xf32, #tpu.memory_space<vmem_shared>> -> memref<1x10000xf32, #tpu.memory_space<vmem_shared>>
      %dma_wait3A_208 = tpu.memref_squeeze %dma_wait3A_207 : memref<1x10000xf32, #tpu.memory_space<vmem_shared>> -> memref<10000xf32, #tpu.memory_space<vmem_shared>>
      %dma_wait3A_209 = arith.constant 0 : i32
      %dma_wait3A_210 = tpu.memref_slice %arg17[%arg1, %dma_wait3A_209] : memref<16x10000xf32, #tpu.memory_space<vmem_shared>> -> memref<1x10000xf32, #tpu.memory_space<vmem_shared>>
      %dma_wait3A_211 = tpu.memref_squeeze %dma_wait3A_210 : memref<1x10000xf32, #tpu.memory_space<vmem_shared>> -> memref<10000xf32, #tpu.memory_space<vmem_shared>>
      tpu.wait_dma2 semaphore(%run_scoped3A : memref<!tpu.dma_semaphore, #tpu.memory_space<semaphore_mem>>) src(%arg14 : memref<10000xf32, #tpu.memory_space<vmem>>) dst(%dma_wait3A_211 : memref<10000xf32, #tpu.memory_space<vmem_shared>>)
      tpu.yield
    }) : () -> ()
    %barrier3A_193 = arith.constant 0 : index
    tpu.barrier barrier_id(%barrier3A_193)
    "tpu.region"() ({
      %run_scoped3A = tpu.sem_alloc : memref<!tpu.dma_semaphore, #tpu.memory_space<semaphore_mem>>
      %dma_start3A_200 = arith.constant 0 : i32
      %dma_start3A_201 = tpu.memref_slice %arg17[%dma_start3A_200, %mul3A_2] : memref<16x10000xf32, #tpu.memory_space<vmem_shared>> -> memref<16x640xf32, #tpu.memory_space<vmem_shared>>
      %dma_start3A_202 = arith.constant 0 : i32
      %dma_start3A_203 = tpu.memref_slice %arg17[%dma_start3A_202, %mul3A_2] : memref<16x10000xf32, #tpu.memory_space<vmem_shared>> -> memref<16x640xf32, #tpu.memory_space<vmem_shared>>
      tpu.enqueue_dma source(%dma_start3A_203 : memref<16x640xf32, #tpu.memory_space<vmem_shared>>) target(%arg15 : memref<16x640xf32, #tpu.memory_space<vmem>>) target_semaphore(%run_scoped3A : memref<!tpu.dma_semaphore, #tpu.memory_space<semaphore_mem>>)
      %dma_wait3A_204 = arith.constant 0 : i32
      %dma_wait3A_205 = tpu.memref_slice %arg17[%dma_wait3A_204, %mul3A_2] : memref<16x10000xf32, #tpu.memory_space<vmem_shared>> -> memref<16x640xf32, #tpu.memory_space<vmem_shared>>
      %dma_wait3A_206 = arith.constant 0 : i32
      %dma_wait3A_207 = tpu.memref_slice %arg17[%dma_wait3A_206, %mul3A_2] : memref<16x10000xf32, #tpu.memory_space<vmem_shared>> -> memref<16x640xf32, #tpu.memory_space<vmem_shared>>
      tpu.wait_dma2 semaphore(%run_scoped3A : memref<!tpu.dma_semaphore, #tpu.memory_space<semaphore_mem>>) src(%dma_wait3A_207 : memref<16x640xf32, #tpu.memory_space<vmem_shared>>) dst(%arg15 : memref<16x640xf32, #tpu.memory_space<vmem>>)
      tpu.yield
    }) : () -> ()
    %scan3A_194 = arith.constant 0 : i32
    %scan3A_195 = arith.constant 0 : i32
    %scan3A_196 = arith.constant 40 : i32
    %scan3A_197 = arith.addi %scan3A_195, %scan3A_196 : i32
    %scan3A_198 = arith.constant 2 : i32
    scf.for %scan3A_200 = %scan3A_195 to %scan3A_197 step %scan3A_198  : i32 {
      %mul3A_201 = arith.constant 16 : i32
      %mul3A_202 = arith.muli %scan3A_200, %mul3A_201 : i32
      %get3A_203 = arith.constant 0 : i32
      %get3A_204 = arith.index_cast %get3A_203 : i32 to index
      %get3A_205 = arith.index_cast %mul3A_202 : i32 to index
      %get3A_206 = tpu.vector_load %arg15[%get3A_204, %get3A_205] {strides = array<i32>} : memref<16x640xf32, #tpu.memory_space<vmem>>, vector<16xf32>,
      %mul3A_207 = arith.constant 16 : i32
      %mul3A_208 = arith.muli %scan3A_200, %mul3A_207 : i32
      %get3A_209 = arith.constant 1 : i32
      %get3A_210 = arith.index_cast %get3A_209 : i32 to index
      %get3A_211 = arith.index_cast %mul3A_208 : i32 to index
      %get3A_212 = tpu.vector_load %arg15[%get3A_210, %get3A_211] {strides = array<i32>} : memref<16x640xf32, #tpu.memory_space<vmem>>, vector<16xf32>,
      %add3A_213 = arith.addf %get3A_206, %get3A_212 : vector<16xf32>
      %mul3A_214 = arith.constant 16 : i32
      %mul3A_215 = arith.muli %scan3A_200, %mul3A_214 : i32
      %get3A_216 = arith.constant 2 : i32
      %get3A_217 = arith.index_cast %get3A_216 : i32 to index
      %get3A_218 = arith.index_cast %mul3A_215 : i32 to index
      %get3A_219 = tpu.vector_load %arg15[%get3A_217, %get3A_218] {strides = array<i32>} : memref<16x640xf32, #tpu.memory_space<vmem>>, vector<16xf32>,
      %add3A_220 = arith.addf %add3A_213, %get3A_219 : vector<16xf32>
      %mul3A_221 = arith.constant 16 : i32
      %mul3A_222 = arith.muli %scan3A_200, %mul3A_221 : i32
      %get3A_223 = arith.constant 3 : i32
      %get3A_224 = arith.index_cast %get3A_223 : i32 to index
      %get3A_225 = arith.index_cast %mul3A_222 : i32 to index
      %get3A_226 = tpu.vector_load %arg15[%get3A_224, %get3A_225] {strides = array<i32>} : memref<16x640xf32, #tpu.memory_space<vmem>>, vector<16xf32>,
      %add3A_227 = arith.addf %add3A_220, %get3A_226 : vector<16xf32>
      %mul3A_228 = arith.constant 16 : i32
      %mul3A_229 = arith.muli %scan3A_200, %mul3A_228 : i32
      %get3A_230 = arith.constant 4 : i32
      %get3A_231 = arith.index_cast %get3A_230 : i32 to index
      %get3A_232 = arith.index_cast %mul3A_229 : i32 to index
      %get3A_233 = tpu.vector_load %arg15[%get3A_231, %get3A_232] {strides = array<i32>} : memref<16x640xf32, #tpu.memory_space<vmem>>, vector<16xf32>,
      %add3A_234 = arith.addf %add3A_227, %get3A_233 : vector<16xf32>
      %mul3A_235 = arith.constant 16 : i32
      %mul3A_236 = arith.muli %scan3A_200, %mul3A_235 : i32
      %get3A_237 = arith.constant 5 : i32
      %get3A_238 = arith.index_cast %get3A_237 : i32 to index
      %get3A_239 = arith.index_cast %mul3A_236 : i32 to index
      %get3A_240 = tpu.vector_load %arg15[%get3A_238, %get3A_239] {strides = array<i32>} : memref<16x640xf32, #tpu.memory_space<vmem>>, vector<16xf32>,
      %add3A_241 = arith.addf %add3A_234, %get3A_240 : vector<16xf32>
      %mul3A_242 = arith.constant 16 : i32
      %mul3A_243 = arith.muli %scan3A_200, %mul3A_242 : i32
      %get3A_244 = arith.constant 6 : i32
      %get3A_245 = arith.index_cast %get3A_244 : i32 to index
      %get3A_246 = arith.index_cast %mul3A_243 : i32 to index
      %get3A_247 = tpu.vector_load %arg15[%get3A_245, %get3A_246] {strides = array<i32>} : memref<16x640xf32, #tpu.memory_space<vmem>>, vector<16xf32>,
      %add3A_248 = arith.addf %add3A_241, %get3A_247 : vector<16xf32>
      %mul3A_249 = arith.constant 16 : i32
      %mul3A_250 = arith.muli %scan3A_200, %mul3A_249 : i32
      %get3A_251 = arith.constant 7 : i32
      %get3A_252 = arith.index_cast %get3A_251 : i32 to index
      %get3A_253 = arith.index_cast %mul3A_250 : i32 to index
      %get3A_254 = tpu.vector_load %arg15[%get3A_252, %get3A_253] {strides = array<i32>} : memref<16x640xf32, #tpu.memory_space<vmem>>, vector<16xf32>,
      %add3A_255 = arith.addf %add3A_248, %get3A_254 : vector<16xf32>
      %mul3A_256 = arith.constant 16 : i32
      %mul3A_257 = arith.muli %scan3A_200, %mul3A_256 : i32
      %get3A_258 = arith.constant 8 : i32
      %get3A_259 = arith.index_cast %get3A_258 : i32 to index
      %get3A_260 = arith.index_cast %mul3A_257 : i32 to index
      %get3A_261 = tpu.vector_load %arg15[%get3A_259, %get3A_260] {strides = array<i32>} : memref<16x640xf32, #tpu.memory_space<vmem>>, vector<16xf32>,
      %add3A_262 = arith.addf %add3A_255, %get3A_261 : vector<16xf32>
      %mul3A_263 = arith.constant 16 : i32
      %mul3A_264 = arith.muli %scan3A_200, %mul3A_263 : i32
      %get3A_265 = arith.constant 9 : i32
      %get3A_266 = arith.index_cast %get3A_265 : i32 to index
      %get3A_267 = arith.index_cast %mul3A_264 : i32 to index
      %get3A_268 = tpu.vector_load %arg15[%get3A_266, %get3A_267] {strides = array<i32>} : memref<16x640xf32, #tpu.memory_space<vmem>>, vector<16xf32>,
      %add3A_269 = arith.addf %add3A_262, %get3A_268 : vector<16xf32>
      %mul3A_270 = arith.constant 16 : i32
      %mul3A_271 = arith.muli %scan3A_200, %mul3A_270 : i32
      %get3A_272 = arith.constant 10 : i32
      %get3A_273 = arith.index_cast %get3A_272 : i32 to index
      %get3A_274 = arith.index_cast %mul3A_271 : i32 to index
      %get3A_275 = tpu.vector_load %arg15[%get3A_273, %get3A_274] {strides = array<i32>} : memref<16x640xf32, #tpu.memory_space<vmem>>, vector<16xf32>,
      %add3A_276 = arith.addf %add3A_269, %get3A_275 : vector<16xf32>
      %mul3A_277 = arith.constant 16 : i32
      %mul3A_278 = arith.muli %scan3A_200, %mul3A_277 : i32
      %get3A_279 = arith.constant 11 : i32
      %get3A_280 = arith.index_cast %get3A_279 : i32 to index
      %get3A_281 = arith.index_cast %mul3A_278 : i32 to index
      %get3A_282 = tpu.vector_load %arg15[%get3A_280, %get3A_281] {strides = array<i32>} : memref<16x640xf32, #tpu.memory_space<vmem>>, vector<16xf32>,
      %add3A_283 = arith.addf %add3A_276, %get3A_282 : vector<16xf32>
      %mul3A_284 = arith.constant 16 : i32
      %mul3A_285 = arith.muli %scan3A_200, %mul3A_284 : i32
      %get3A_286 = arith.constant 12 : i32
      %get3A_287 = arith.index_cast %get3A_286 : i32 to index
      %get3A_288 = arith.index_cast %mul3A_285 : i32 to index
      %get3A_289 = tpu.vector_load %arg15[%get3A_287, %get3A_288] {strides = array<i32>} : memref<16x640xf32, #tpu.memory_space<vmem>>, vector<16xf32>,
      %add3A_290 = arith.addf %add3A_283, %get3A_289 : vector<16xf32>
      %mul3A_291 = arith.constant 16 : i32
      %mul3A_292 = arith.muli %scan3A_200, %mul3A_291 : i32
      %get3A_293 = arith.constant 13 : i32
      %get3A_294 = arith.index_cast %get3A_293 : i32 to index
      %get3A_295 = arith.index_cast %mul3A_292 : i32 to index
      %get3A_296 = tpu.vector_load %arg15[%get3A_294, %get3A_295] {strides = array<i32>} : memref<16x640xf32, #tpu.memory_space<vmem>>, vector<16xf32>,
      %add3A_297 = arith.addf %add3A_290, %get3A_296 : vector<16xf32>
      %mul3A_298 = arith.constant 16 : i32
      %mul3A_299 = arith.muli %scan3A_200, %mul3A_298 : i32
      %get3A_300 = arith.constant 14 : i32
      %get3A_301 = arith.index_cast %get3A_300 : i32 to index
      %get3A_302 = arith.index_cast %mul3A_299 : i32 to index
      %get3A_303 = tpu.vector_load %arg15[%get3A_301, %get3A_302] {strides = array<i32>} : memref<16x640xf32, #tpu.memory_space<vmem>>, vector<16xf32>,
      %add3A_304 = arith.addf %add3A_297, %get3A_303 : vector<16xf32>
      %mul3A_305 = arith.constant 16 : i32
      %mul3A_306 = arith.muli %scan3A_200, %mul3A_305 : i32
      %get3A_307 = arith.constant 15 : i32
      %get3A_308 = arith.index_cast %get3A_307 : i32 to index
      %get3A_309 = arith.index_cast %mul3A_306 : i32 to index
      %get3A_310 = tpu.vector_load %arg15[%get3A_308, %get3A_309] {strides = array<i32>} : memref<16x640xf32, #tpu.memory_space<vmem>>, vector<16xf32>,
      %add3A_311 = arith.addf %add3A_304, %get3A_310 : vector<16xf32>
      %mul3A_312 = arith.constant 16 : i32
      %mul3A_313 = arith.muli %scan3A_200, %mul3A_312 : i32
      %swap3A_314 = arith.index_cast %mul3A_313 : i32 to index
      %swap3A_315 = tpu.vector_load %arg16[%swap3A_314] {strides = array<i32>} : memref<640xf32, #tpu.memory_space<vmem>>, vector<16xf32>,
      tpu.vector_store %arg16[%swap3A_314], %add3A_311 {strides = array<i32>} : memref<640xf32, #tpu.memory_space<vmem>>, vector<16xf32>,
      %scan3A_316 = arith.constant 1 : i32
      %scan3A_317 = arith.addi %scan3A_200, %scan3A_316 : i32
      %mul3A_318 = arith.constant 16 : i32
      %mul3A_319 = arith.muli %scan3A_317, %mul3A_318 : i32
      %get3A_320 = arith.constant 0 : i32
      %get3A_321 = arith.index_cast %get3A_320 : i32 to index
      %get3A_322 = arith.index_cast %mul3A_319 : i32 to index
      %get3A_323 = tpu.vector_load %arg15[%get3A_321, %get3A_322] {strides = array<i32>} : memref<16x640xf32, #tpu.memory_space<vmem>>, vector<16xf32>,
      %mul3A_324 = arith.constant 16 : i32
      %mul3A_325 = arith.muli %scan3A_317, %mul3A_324 : i32
      %get3A_326 = arith.constant 1 : i32
      %get3A_327 = arith.index_cast %get3A_326 : i32 to index
      %get3A_328 = arith.index_cast %mul3A_325 : i32 to index
      %get3A_329 = tpu.vector_load %arg15[%get3A_327, %get3A_328] {strides = array<i32>} : memref<16x640xf32, #tpu.memory_space<vmem>>, vector<16xf32>,
      %add3A_330 = arith.addf %get3A_323, %get3A_329 : vector<16xf32>
      %mul3A_331 = arith.constant 16 : i32
      %mul3A_332 = arith.muli %scan3A_317, %mul3A_331 : i32
      %get3A_333 = arith.constant 2 : i32
      %get3A_334 = arith.index_cast %get3A_333 : i32 to index
      %get3A_335 = arith.index_cast %mul3A_332 : i32 to index
      %get3A_336 = tpu.vector_load %arg15[%get3A_334, %get3A_335] {strides = array<i32>} : memref<16x640xf32, #tpu.memory_space<vmem>>, vector<16xf32>,
      %add3A_337 = arith.addf %add3A_330, %get3A_336 : vector<16xf32>
      %mul3A_338 = arith.constant 16 : i32
      %mul3A_339 = arith.muli %scan3A_317, %mul3A_338 : i32
      %get3A_340 = arith.constant 3 : i32
      %get3A_341 = arith.index_cast %get3A_340 : i32 to index
      %get3A_342 = arith.index_cast %mul3A_339 : i32 to index
      %get3A_343 = tpu.vector_load %arg15[%get3A_341, %get3A_342] {strides = array<i32>} : memref<16x640xf32, #tpu.memory_space<vmem>>, vector<16xf32>,
      %add3A_344 = arith.addf %add3A_337, %get3A_343 : vector<16xf32>
      %mul3A_345 = arith.constant 16 : i32
      %mul3A_346 = arith.muli %scan3A_317, %mul3A_345 : i32
      %get3A_347 = arith.constant 4 : i32
      %get3A_348 = arith.index_cast %get3A_347 : i32 to index
      %get3A_349 = arith.index_cast %mul3A_346 : i32 to index
      %get3A_350 = tpu.vector_load %arg15[%get3A_348, %get3A_349] {strides = array<i32>} : memref<16x640xf32, #tpu.memory_space<vmem>>, vector<16xf32>,
      %add3A_351 = arith.addf %add3A_344, %get3A_350 : vector<16xf32>
      %mul3A_352 = arith.constant 16 : i32
      %mul3A_353 = arith.muli %scan3A_317, %mul3A_352 : i32
      %get3A_354 = arith.constant 5 : i32
      %get3A_355 = arith.index_cast %get3A_354 : i32 to index
      %get3A_356 = arith.index_cast %mul3A_353 : i32 to index
      %get3A_357 = tpu.vector_load %arg15[%get3A_355, %get3A_356] {strides = array<i32>} : memref<16x640xf32, #tpu.memory_space<vmem>>, vector<16xf32>,
      %add3A_358 = arith.addf %add3A_351, %get3A_357 : vector<16xf32>
      %mul3A_359 = arith.constant 16 : i32
      %mul3A_360 = arith.muli %scan3A_317, %mul3A_359 : i32
      %get3A_361 = arith.constant 6 : i32
      %get3A_362 = arith.index_cast %get3A_361 : i32 to index
      %get3A_363 = arith.index_cast %mul3A_360 : i32 to index
      %get3A_364 = tpu.vector_load %arg15[%get3A_362, %get3A_363] {strides = array<i32>} : memref<16x640xf32, #tpu.memory_space<vmem>>, vector<16xf32>,
      %add3A_365 = arith.addf %add3A_358, %get3A_364 : vector<16xf32>
      %mul3A_366 = arith.constant 16 : i32
      %mul3A_367 = arith.muli %scan3A_317, %mul3A_366 : i32
      %get3A_368 = arith.constant 7 : i32
      %get3A_369 = arith.index_cast %get3A_368 : i32 to index
      %get3A_370 = arith.index_cast %mul3A_367 : i32 to index
      %get3A_371 = tpu.vector_load %arg15[%get3A_369, %get3A_370] {strides = array<i32>} : memref<16x640xf32, #tpu.memory_space<vmem>>, vector<16xf32>,
      %add3A_372 = arith.addf %add3A_365, %get3A_371 : vector<16xf32>
      %mul3A_373 = arith.constant 16 : i32
      %mul3A_374 = arith.muli %scan3A_317, %mul3A_373 : i32
      %get3A_375 = arith.constant 8 : i32
      %get3A_376 = arith.index_cast %get3A_375 : i32 to index
      %get3A_377 = arith.index_cast %mul3A_374 : i32 to index
      %get3A_378 = tpu.vector_load %arg15[%get3A_376, %get3A_377] {strides = array<i32>} : memref<16x640xf32, #tpu.memory_space<vmem>>, vector<16xf32>,
      %add3A_379 = arith.addf %add3A_372, %get3A_378 : vector<16xf32>
      %mul3A_380 = arith.constant 16 : i32
      %mul3A_381 = arith.muli %scan3A_317, %mul3A_380 : i32
      %get3A_382 = arith.constant 9 : i32
      %get3A_383 = arith.index_cast %get3A_382 : i32 to index
      %get3A_384 = arith.index_cast %mul3A_381 : i32 to index
      %get3A_385 = tpu.vector_load %arg15[%get3A_383, %get3A_384] {strides = array<i32>} : memref<16x640xf32, #tpu.memory_space<vmem>>, vector<16xf32>,
      %add3A_386 = arith.addf %add3A_379, %get3A_385 : vector<16xf32>
      %mul3A_387 = arith.constant 16 : i32
      %mul3A_388 = arith.muli %scan3A_317, %mul3A_387 : i32
      %get3A_389 = arith.constant 10 : i32
      %get3A_390 = arith.index_cast %get3A_389 : i32 to index
      %get3A_391 = arith.index_cast %mul3A_388 : i32 to index
      %get3A_392 = tpu.vector_load %arg15[%get3A_390, %get3A_391] {strides = array<i32>} : memref<16x640xf32, #tpu.memory_space<vmem>>, vector<16xf32>,
      %add3A_393 = arith.addf %add3A_386, %get3A_392 : vector<16xf32>
      %mul3A_394 = arith.constant 16 : i32
      %mul3A_395 = arith.muli %scan3A_317, %mul3A_394 : i32
      %get3A_396 = arith.constant 11 : i32
      %get3A_397 = arith.index_cast %get3A_396 : i32 to index
      %get3A_398 = arith.index_cast %mul3A_395 : i32 to index
      %get3A_399 = tpu.vector_load %arg15[%get3A_397, %get3A_398] {strides = array<i32>} : memref<16x640xf32, #tpu.memory_space<vmem>>, vector<16xf32>,
      %add3A_400 = arith.addf %add3A_393, %get3A_399 : vector<16xf32>
      %mul3A_401 = arith.constant 16 : i32
      %mul3A_402 = arith.muli %scan3A_317, %mul3A_401 : i32
      %get3A_403 = arith.constant 12 : i32
      %get3A_404 = arith.index_cast %get3A_403 : i32 to index
      %get3A_405 = arith.index_cast %mul3A_402 : i32 to index
      %get3A_406 = tpu.vector_load %arg15[%get3A_404, %get3A_405] {strides = array<i32>} : memref<16x640xf32, #tpu.memory_space<vmem>>, vector<16xf32>,
      %add3A_407 = arith.addf %add3A_400, %get3A_406 : vector<16xf32>
      %mul3A_408 = arith.constant 16 : i32
      %mul3A_409 = arith.muli %scan3A_317, %mul3A_408 : i32
      %get3A_410 = arith.constant 13 : i32
      %get3A_411 = arith.index_cast %get3A_410 : i32 to index
      %get3A_412 = arith.index_cast %mul3A_409 : i32 to index
      %get3A_413 = tpu.vector_load %arg15[%get3A_411, %get3A_412] {strides = array<i32>} : memref<16x640xf32, #tpu.memory_space<vmem>>, vector<16xf32>,
      %add3A_414 = arith.addf %add3A_407, %get3A_413 : vector<16xf32>
      %mul3A_415 = arith.constant 16 : i32
      %mul3A_416 = arith.muli %scan3A_317, %mul3A_415 : i32
      %get3A_417 = arith.constant 14 : i32
      %get3A_418 = arith.index_cast %get3A_417 : i32 to index
      %get3A_419 = arith.index_cast %mul3A_416 : i32 to index
      %get3A_420 = tpu.vector_load %arg15[%get3A_418, %get3A_419] {strides = array<i32>} : memref<16x640xf32, #tpu.memory_space<vmem>>, vector<16xf32>,
      %add3A_421 = arith.addf %add3A_414, %get3A_420 : vector<16xf32>
      %mul3A_422 = arith.constant 16 : i32
      %mul3A_423 = arith.muli %scan3A_317, %mul3A_422 : i32
      %get3A_424 = arith.constant 15 : i32
      %get3A_425 = arith.index_cast %get3A_424 : i32 to index
      %get3A_426 = arith.index_cast %mul3A_423 : i32 to index
      %get3A_427 = tpu.vector_load %arg15[%get3A_425, %get3A_426] {strides = array<i32>} : memref<16x640xf32, #tpu.memory_space<vmem>>, vector<16xf32>,
      %add3A_428 = arith.addf %add3A_421, %get3A_427 : vector<16xf32>
      %mul3A_429 = arith.constant 16 : i32
      %mul3A_430 = arith.muli %scan3A_317, %mul3A_429 : i32
      %swap3A_431 = arith.index_cast %mul3A_430 : i32 to index
      %swap3A_432 = tpu.vector_load %arg16[%swap3A_431] {strides = array<i32>} : memref<640xf32, #tpu.memory_space<vmem>>, vector<16xf32>,
      tpu.vector_store %arg16[%swap3A_431], %add3A_428 {strides = array<i32>} : memref<640xf32, #tpu.memory_space<vmem>>, vector<16xf32>,
    }
    %scan3A_199 = arith.constant 40 : i32
    "tpu.region"() ({
      %run_scoped3A = tpu.sem_alloc : memref<!tpu.dma_semaphore, #tpu.memory_space<semaphore_mem>>
      %dma_start3A_200 = tpu.memref_slice %arg9[%arg0, %mul3A_2] : memref<2x10000xf32, #tpu.memory_space<hbm>> -> memref<1x640xf32, #tpu.memory_space<hbm>>
      %dma_start3A_201 = tpu.memref_squeeze %dma_start3A_200 : memref<1x640xf32, #tpu.memory_space<hbm>> -> memref<640xf32, #tpu.memory_space<hbm>>
      %dma_start3A_202 = tpu.memref_slice %arg9[%arg0, %mul3A_2] : memref<2x10000xf32, #tpu.memory_space<hbm>> -> memref<1x640xf32, #tpu.memory_space<hbm>>
      %dma_start3A_203 = tpu.memref_squeeze %dma_start3A_202 : memref<1x640xf32, #tpu.memory_space<hbm>> -> memref<640xf32, #tpu.memory_space<hbm>>
      tpu.enqueue_dma source(%arg16 : memref<640xf32, #tpu.memory_space<vmem>>) target(%dma_start3A_203 : memref<640xf32, #tpu.memory_space<hbm>>) target_semaphore(%run_scoped3A : memref<!tpu.dma_semaphore, #tpu.memory_space<semaphore_mem>>)
      %dma_wait3A_204 = tpu.memref_slice %arg9[%arg0, %mul3A_2] : memref<2x10000xf32, #tpu.memory_space<hbm>> -> memref<1x640xf32, #tpu.memory_space<hbm>>
      %dma_wait3A_205 = tpu.memref_squeeze %dma_wait3A_204 : memref<1x640xf32, #tpu.memory_space<hbm>> -> memref<640xf32, #tpu.memory_space<hbm>>
      %dma_wait3A_206 = tpu.memref_slice %arg9[%arg0, %mul3A_2] : memref<2x10000xf32, #tpu.memory_space<hbm>> -> memref<1x640xf32, #tpu.memory_space<hbm>>
      %dma_wait3A_207 = tpu.memref_squeeze %dma_wait3A_206 : memref<1x640xf32, #tpu.memory_space<hbm>> -> memref<640xf32, #tpu.memory_space<hbm>>
      tpu.wait_dma2 semaphore(%run_scoped3A : memref<!tpu.dma_semaphore, #tpu.memory_space<semaphore_mem>>) src(%arg16 : memref<640xf32, #tpu.memory_space<vmem>>) dst(%dma_wait3A_207 : memref<640xf32, #tpu.memory_space<hbm>>)
      tpu.yield
    }) : () -> ()
    return
  }
}

#map = affine_map<(d0, d1) -> (0, 0, 0)>
module attributes {stable_mosaic.version = 14 : i64} {
  func.func @_sc_degrees(%arg0: i32, %arg1: i32, %arg2: memref<2x4000x80xi32, #tpu.memory_space<hbm>>, %arg3: memref<2x2x10000xf32, #tpu.memory_space<hbm>>, %arg4: memref<125x80xi32, #tpu.memory_space<vmem>>, %arg5: memref<125x80xi32, #tpu.memory_space<vmem>>, %arg6: memref<10000xf32, #tpu.memory_space<vmem>>, %arg7: memref<10000xf32, #tpu.memory_space<vmem>>, %arg8: memref<16x640xf32, #tpu.memory_space<vmem>>, %arg9: memref<640xf32, #tpu.memory_space<vmem>>, %arg10: memref<16x10000xf32, #tpu.memory_space<vmem_shared>>, %arg11: memref<16x10000xf32, #tpu.memory_space<vmem_shared>>) attributes {dimension_semantics = [#tpu.dimension_semantics<core_parallel>, #tpu.dimension_semantics<subcore_parallel>], iteration_bounds = array<i64: 2, 16>, scalar_prefetch = 0 : i64, scratch_operands = 8 : i64, tpu.core_type = #tpu.core_type<sc_vector_subcore>, window_params = [{transform_indices = #map}, {transform_indices = #map}]} {
    %mul3A = arith.constant 2 : i32
    %mul3A_0 = arith.muli %arg1, %mul3A : i32
    %add3A = arith.addi %mul3A_0, %arg0 : i32
    %mul3A_1 = arith.constant 125 : i32
    %mul3A_2 = arith.muli %add3A, %mul3A_1 : i32
    %run_scoped3A = arith.constant 0 : i32
    "tpu.region"() ({
      %run_scoped3A_76 = tpu.sem_alloc : memref<!tpu.dma_semaphore, #tpu.memory_space<semaphore_mem>>
      %dma_start3A = arith.constant 0 : i32
      %dma_start3A_77 = tpu.memref_slice %arg2[%run_scoped3A, %mul3A_2, %dma_start3A] : memref<2x4000x80xi32, #tpu.memory_space<hbm>> -> memref<1x125x80xi32, #tpu.memory_space<hbm>>
      %dma_start3A_78 = tpu.memref_squeeze %dma_start3A_77 : memref<1x125x80xi32, #tpu.memory_space<hbm>> -> memref<125x80xi32, #tpu.memory_space<hbm>>
      %dma_start3A_79 = arith.constant 0 : i32
      %dma_start3A_80 = tpu.memref_slice %arg2[%run_scoped3A, %mul3A_2, %dma_start3A_79] : memref<2x4000x80xi32, #tpu.memory_space<hbm>> -> memref<1x125x80xi32, #tpu.memory_space<hbm>>
      %dma_start3A_81 = tpu.memref_squeeze %dma_start3A_80 : memref<1x125x80xi32, #tpu.memory_space<hbm>> -> memref<125x80xi32, #tpu.memory_space<hbm>>
      tpu.enqueue_dma source(%dma_start3A_81 : memref<125x80xi32, #tpu.memory_space<hbm>>) target(%arg4 : memref<125x80xi32, #tpu.memory_space<vmem>>) target_semaphore(%run_scoped3A_76 : memref<!tpu.dma_semaphore, #tpu.memory_space<semaphore_mem>>)
      %dma_wait3A = arith.constant 0 : i32
      %dma_wait3A_82 = tpu.memref_slice %arg2[%run_scoped3A, %mul3A_2, %dma_wait3A] : memref<2x4000x80xi32, #tpu.memory_space<hbm>> -> memref<1x125x80xi32, #tpu.memory_space<hbm>>
      %dma_wait3A_83 = tpu.memref_squeeze %dma_wait3A_82 : memref<1x125x80xi32, #tpu.memory_space<hbm>> -> memref<125x80xi32, #tpu.memory_space<hbm>>
      %dma_wait3A_84 = arith.constant 0 : i32
      %dma_wait3A_85 = tpu.memref_slice %arg2[%run_scoped3A, %mul3A_2, %dma_wait3A_84] : memref<2x4000x80xi32, #tpu.memory_space<hbm>> -> memref<1x125x80xi32, #tpu.memory_space<hbm>>
      %dma_wait3A_86 = tpu.memref_squeeze %dma_wait3A_85 : memref<1x125x80xi32, #tpu.memory_space<hbm>> -> memref<125x80xi32, #tpu.memory_space<hbm>>
      tpu.wait_dma2 semaphore(%run_scoped3A_76 : memref<!tpu.dma_semaphore, #tpu.memory_space<semaphore_mem>>) src(%dma_wait3A_86 : memref<125x80xi32, #tpu.memory_space<hbm>>) dst(%arg4 : memref<125x80xi32, #tpu.memory_space<vmem>>)
      tpu.yield
    }) : () -> ()
    %mul3A_3 = arith.constant 125 : i32
    %mul3A_4 = arith.muli %add3A, %mul3A_3 : i32
    %run_scoped3A_5 = arith.constant 1 : i32
    "tpu.region"() ({
      %run_scoped3A_76 = tpu.sem_alloc : memref<!tpu.dma_semaphore, #tpu.memory_space<semaphore_mem>>
      %dma_start3A = arith.constant 0 : i32
      %dma_start3A_77 = tpu.memref_slice %arg2[%run_scoped3A_5, %mul3A_4, %dma_start3A] : memref<2x4000x80xi32, #tpu.memory_space<hbm>> -> memref<1x125x80xi32, #tpu.memory_space<hbm>>
      %dma_start3A_78 = tpu.memref_squeeze %dma_start3A_77 : memref<1x125x80xi32, #tpu.memory_space<hbm>> -> memref<125x80xi32, #tpu.memory_space<hbm>>
      %dma_start3A_79 = arith.constant 0 : i32
      %dma_start3A_80 = tpu.memref_slice %arg2[%run_scoped3A_5, %mul3A_4, %dma_start3A_79] : memref<2x4000x80xi32, #tpu.memory_space<hbm>> -> memref<1x125x80xi32, #tpu.memory_space<hbm>>
      %dma_start3A_81 = tpu.memref_squeeze %dma_start3A_80 : memref<1x125x80xi32, #tpu.memory_space<hbm>> -> memref<125x80xi32, #tpu.memory_space<hbm>>
      tpu.enqueue_dma source(%dma_start3A_81 : memref<125x80xi32, #tpu.memory_space<hbm>>) target(%arg5 : memref<125x80xi32, #tpu.memory_space<vmem>>) target_semaphore(%run_scoped3A_76 : memref<!tpu.dma_semaphore, #tpu.memory_space<semaphore_mem>>)
      %dma_wait3A = arith.constant 0 : i32
      %dma_wait3A_82 = tpu.memref_slice %arg2[%run_scoped3A_5, %mul3A_4, %dma_wait3A] : memref<2x4000x80xi32, #tpu.memory_space<hbm>> -> memref<1x125x80xi32, #tpu.memory_space<hbm>>
      %dma_wait3A_83 = tpu.memref_squeeze %dma_wait3A_82 : memref<1x125x80xi32, #tpu.memory_space<hbm>> -> memref<125x80xi32, #tpu.memory_space<hbm>>
      %dma_wait3A_84 = arith.constant 0 : i32
      %dma_wait3A_85 = tpu.memref_slice %arg2[%run_scoped3A_5, %mul3A_4, %dma_wait3A_84] : memref<2x4000x80xi32, #tpu.memory_space<hbm>> -> memref<1x125x80xi32, #tpu.memory_space<hbm>>
      %dma_wait3A_86 = tpu.memref_squeeze %dma_wait3A_85 : memref<1x125x80xi32, #tpu.memory_space<hbm>> -> memref<125x80xi32, #tpu.memory_space<hbm>>
      tpu.wait_dma2 semaphore(%run_scoped3A_76 : memref<!tpu.dma_semaphore, #tpu.memory_space<semaphore_mem>>) src(%dma_wait3A_86 : memref<125x80xi32, #tpu.memory_space<hbm>>) dst(%arg5 : memref<125x80xi32, #tpu.memory_space<vmem>>)
      tpu.yield
    }) : () -> ()
    %broadcast_in_dim3A = arith.constant 0.000000e+00 : f32
    %broadcast_in_dim3A_6 = vector.broadcast %broadcast_in_dim3A : f32 to vector<16xf32>
    %scan3A = arith.constant 0 : i32
    %scan3A_7 = arith.constant 0 : i32
    %scan3A_8 = arith.constant 624 : i32
    %scan3A_9 = arith.addi %scan3A_7, %scan3A_8 : i32
    %scan3A_10 = arith.constant 8 : i32
    scf.for %scan3A_76 = %scan3A_7 to %scan3A_9 step %scan3A_10  : i32 {
      %mul3A_77 = arith.constant 16 : i32
      %mul3A_78 = arith.muli %scan3A_76, %mul3A_77 : i32
      %swap3A_79 = arith.index_cast %mul3A_78 : i32 to index
      %swap3A_80 = tpu.vector_load %arg6[%swap3A_79] {strides = array<i32>} : memref<10000xf32, #tpu.memory_space<vmem>>, vector<16xf32>,
      tpu.vector_store %arg6[%swap3A_79], %broadcast_in_dim3A_6 {strides = array<i32>} : memref<10000xf32, #tpu.memory_space<vmem>>, vector<16xf32>,
      %mul3A_81 = arith.constant 16 : i32
      %mul3A_82 = arith.muli %scan3A_76, %mul3A_81 : i32
      %swap3A_83 = arith.index_cast %mul3A_82 : i32 to index
      %swap3A_84 = tpu.vector_load %arg7[%swap3A_83] {strides = array<i32>} : memref<10000xf32, #tpu.memory_space<vmem>>, vector<16xf32>,
      tpu.vector_store %arg7[%swap3A_83], %broadcast_in_dim3A_6 {strides = array<i32>} : memref<10000xf32, #tpu.memory_space<vmem>>, vector<16xf32>,
      %scan3A_85 = arith.constant 1 : i32
      %scan3A_86 = arith.addi %scan3A_76, %scan3A_85 : i32
      %mul3A_87 = arith.constant 16 : i32
      %mul3A_88 = arith.muli %scan3A_86, %mul3A_87 : i32
      %swap3A_89 = arith.index_cast %mul3A_88 : i32 to index
      %swap3A_90 = tpu.vector_load %arg6[%swap3A_89] {strides = array<i32>} : memref<10000xf32, #tpu.memory_space<vmem>>, vector<16xf32>,
      tpu.vector_store %arg6[%swap3A_89], %broadcast_in_dim3A_6 {strides = array<i32>} : memref<10000xf32, #tpu.memory_space<vmem>>, vector<16xf32>,
      %mul3A_91 = arith.constant 16 : i32
      %mul3A_92 = arith.muli %scan3A_86, %mul3A_91 : i32
      %swap3A_93 = arith.index_cast %mul3A_92 : i32 to index
      %swap3A_94 = tpu.vector_load %arg7[%swap3A_93] {strides = array<i32>} : memref<10000xf32, #tpu.memory_space<vmem>>, vector<16xf32>,
      tpu.vector_store %arg7[%swap3A_93], %broadcast_in_dim3A_6 {strides = array<i32>} : memref<10000xf32, #tpu.memory_space<vmem>>, vector<16xf32>,
      %scan3A_95 = arith.constant 2 : i32
      %scan3A_96 = arith.addi %scan3A_76, %scan3A_95 : i32
      %mul3A_97 = arith.constant 16 : i32
      %mul3A_98 = arith.muli %scan3A_96, %mul3A_97 : i32
      %swap3A_99 = arith.index_cast %mul3A_98 : i32 to index
      %swap3A_100 = tpu.vector_load %arg6[%swap3A_99] {strides = array<i32>} : memref<10000xf32, #tpu.memory_space<vmem>>, vector<16xf32>,
      tpu.vector_store %arg6[%swap3A_99], %broadcast_in_dim3A_6 {strides = array<i32>} : memref<10000xf32, #tpu.memory_space<vmem>>, vector<16xf32>,
      %mul3A_101 = arith.constant 16 : i32
      %mul3A_102 = arith.muli %scan3A_96, %mul3A_101 : i32
      %swap3A_103 = arith.index_cast %mul3A_102 : i32 to index
      %swap3A_104 = tpu.vector_load %arg7[%swap3A_103] {strides = array<i32>} : memref<10000xf32, #tpu.memory_space<vmem>>, vector<16xf32>,
      tpu.vector_store %arg7[%swap3A_103], %broadcast_in_dim3A_6 {strides = array<i32>} : memref<10000xf32, #tpu.memory_space<vmem>>, vector<16xf32>,
      %scan3A_105 = arith.constant 3 : i32
      %scan3A_106 = arith.addi %scan3A_76, %scan3A_105 : i32
      %mul3A_107 = arith.constant 16 : i32
      %mul3A_108 = arith.muli %scan3A_106, %mul3A_107 : i32
      %swap3A_109 = arith.index_cast %mul3A_108 : i32 to index
      %swap3A_110 = tpu.vector_load %arg6[%swap3A_109] {strides = array<i32>} : memref<10000xf32, #tpu.memory_space<vmem>>, vector<16xf32>,
      tpu.vector_store %arg6[%swap3A_109], %broadcast_in_dim3A_6 {strides = array<i32>} : memref<10000xf32, #tpu.memory_space<vmem>>, vector<16xf32>,
      %mul3A_111 = arith.constant 16 : i32
      %mul3A_112 = arith.muli %scan3A_106, %mul3A_111 : i32
      %swap3A_113 = arith.index_cast %mul3A_112 : i32 to index
      %swap3A_114 = tpu.vector_load %arg7[%swap3A_113] {strides = array<i32>} : memref<10000xf32, #tpu.memory_space<vmem>>, vector<16xf32>,
      tpu.vector_store %arg7[%swap3A_113], %broadcast_in_dim3A_6 {strides = array<i32>} : memref<10000xf32, #tpu.memory_space<vmem>>, vector<16xf32>,
      %scan3A_115 = arith.constant 4 : i32
      %scan3A_116 = arith.addi %scan3A_76, %scan3A_115 : i32
      %mul3A_117 = arith.constant 16 : i32
      %mul3A_118 = arith.muli %scan3A_116, %mul3A_117 : i32
      %swap3A_119 = arith.index_cast %mul3A_118 : i32 to index
      %swap3A_120 = tpu.vector_load %arg6[%swap3A_119] {strides = array<i32>} : memref<10000xf32, #tpu.memory_space<vmem>>, vector<16xf32>,
      tpu.vector_store %arg6[%swap3A_119], %broadcast_in_dim3A_6 {strides = array<i32>} : memref<10000xf32, #tpu.memory_space<vmem>>, vector<16xf32>,
      %mul3A_121 = arith.constant 16 : i32
      %mul3A_122 = arith.muli %scan3A_116, %mul3A_121 : i32
      %swap3A_123 = arith.index_cast %mul3A_122 : i32 to index
      %swap3A_124 = tpu.vector_load %arg7[%swap3A_123] {strides = array<i32>} : memref<10000xf32, #tpu.memory_space<vmem>>, vector<16xf32>,
      tpu.vector_store %arg7[%swap3A_123], %broadcast_in_dim3A_6 {strides = array<i32>} : memref<10000xf32, #tpu.memory_space<vmem>>, vector<16xf32>,
      %scan3A_125 = arith.constant 5 : i32
      %scan3A_126 = arith.addi %scan3A_76, %scan3A_125 : i32
      %mul3A_127 = arith.constant 16 : i32
      %mul3A_128 = arith.muli %scan3A_126, %mul3A_127 : i32
      %swap3A_129 = arith.index_cast %mul3A_128 : i32 to index
      %swap3A_130 = tpu.vector_load %arg6[%swap3A_129] {strides = array<i32>} : memref<10000xf32, #tpu.memory_space<vmem>>, vector<16xf32>,
      tpu.vector_store %arg6[%swap3A_129], %broadcast_in_dim3A_6 {strides = array<i32>} : memref<10000xf32, #tpu.memory_space<vmem>>, vector<16xf32>,
      %mul3A_131 = arith.constant 16 : i32
      %mul3A_132 = arith.muli %scan3A_126, %mul3A_131 : i32
      %swap3A_133 = arith.index_cast %mul3A_132 : i32 to index
      %swap3A_134 = tpu.vector_load %arg7[%swap3A_133] {strides = array<i32>} : memref<10000xf32, #tpu.memory_space<vmem>>, vector<16xf32>,
      tpu.vector_store %arg7[%swap3A_133], %broadcast_in_dim3A_6 {strides = array<i32>} : memref<10000xf32, #tpu.memory_space<vmem>>, vector<16xf32>,
      %scan3A_135 = arith.constant 6 : i32
      %scan3A_136 = arith.addi %scan3A_76, %scan3A_135 : i32
      %mul3A_137 = arith.constant 16 : i32
      %mul3A_138 = arith.muli %scan3A_136, %mul3A_137 : i32
      %swap3A_139 = arith.index_cast %mul3A_138 : i32 to index
      %swap3A_140 = tpu.vector_load %arg6[%swap3A_139] {strides = array<i32>} : memref<10000xf32, #tpu.memory_space<vmem>>, vector<16xf32>,
      tpu.vector_store %arg6[%swap3A_139], %broadcast_in_dim3A_6 {strides = array<i32>} : memref<10000xf32, #tpu.memory_space<vmem>>, vector<16xf32>,
      %mul3A_141 = arith.constant 16 : i32
      %mul3A_142 = arith.muli %scan3A_136, %mul3A_141 : i32
      %swap3A_143 = arith.index_cast %mul3A_142 : i32 to index
      %swap3A_144 = tpu.vector_load %arg7[%swap3A_143] {strides = array<i32>} : memref<10000xf32, #tpu.memory_space<vmem>>, vector<16xf32>,
      tpu.vector_store %arg7[%swap3A_143], %broadcast_in_dim3A_6 {strides = array<i32>} : memref<10000xf32, #tpu.memory_space<vmem>>, vector<16xf32>,
      %scan3A_145 = arith.constant 7 : i32
      %scan3A_146 = arith.addi %scan3A_76, %scan3A_145 : i32
      %mul3A_147 = arith.constant 16 : i32
      %mul3A_148 = arith.muli %scan3A_146, %mul3A_147 : i32
      %swap3A_149 = arith.index_cast %mul3A_148 : i32 to index
      %swap3A_150 = tpu.vector_load %arg6[%swap3A_149] {strides = array<i32>} : memref<10000xf32, #tpu.memory_space<vmem>>, vector<16xf32>,
      tpu.vector_store %arg6[%swap3A_149], %broadcast_in_dim3A_6 {strides = array<i32>} : memref<10000xf32, #tpu.memory_space<vmem>>, vector<16xf32>,
      %mul3A_151 = arith.constant 16 : i32
      %mul3A_152 = arith.muli %scan3A_146, %mul3A_151 : i32
      %swap3A_153 = arith.index_cast %mul3A_152 : i32 to index
      %swap3A_154 = tpu.vector_load %arg7[%swap3A_153] {strides = array<i32>} : memref<10000xf32, #tpu.memory_space<vmem>>, vector<16xf32>,
      tpu.vector_store %arg7[%swap3A_153], %broadcast_in_dim3A_6 {strides = array<i32>} : memref<10000xf32, #tpu.memory_space<vmem>>, vector<16xf32>,
    }
    %scan3A_11 = arith.constant 624 : i32
    %scan3A_12 = arith.addi %scan3A_7, %scan3A_11 : i32
    %mul3A_13 = arith.constant 16 : i32
    %mul3A_14 = arith.muli %scan3A_12, %mul3A_13 : i32
    %swap3A = arith.index_cast %mul3A_14 : i32 to index
    %swap3A_15 = tpu.vector_load %arg6[%swap3A] {strides = array<i32>} : memref<10000xf32, #tpu.memory_space<vmem>>, vector<16xf32>,
    tpu.vector_store %arg6[%swap3A], %broadcast_in_dim3A_6 {strides = array<i32>} : memref<10000xf32, #tpu.memory_space<vmem>>, vector<16xf32>,
    %mul3A_16 = arith.constant 16 : i32
    %mul3A_17 = arith.muli %scan3A_12, %mul3A_16 : i32
    %swap3A_18 = arith.index_cast %mul3A_17 : i32 to index
    %swap3A_19 = tpu.vector_load %arg7[%swap3A_18] {strides = array<i32>} : memref<10000xf32, #tpu.memory_space<vmem>>, vector<16xf32>,
    tpu.vector_store %arg7[%swap3A_18], %broadcast_in_dim3A_6 {strides = array<i32>} : memref<10000xf32, #tpu.memory_space<vmem>>, vector<16xf32>,
    %scan3A_20 = arith.constant 625 : i32
    %broadcast_in_dim3A_21 = arith.constant 1.000000e+00 : f32
    %broadcast_in_dim3A_22 = vector.broadcast %broadcast_in_dim3A_21 : f32 to vector<16xf32>
    %scan3A_23 = arith.constant 0 : i32
    %scan3A_24 = arith.constant 0 : i32
    %scan3A_25 = arith.constant 124 : i32
    %scan3A_26 = arith.addi %scan3A_24, %scan3A_25 : i32
    %scan3A_27 = arith.constant 2 : i32
    scf.for %scan3A_76 = %scan3A_24 to %scan3A_26 step %scan3A_27  : i32 {
      %get3A_77 = arith.index_cast %scan3A_76 : i32 to index
      %get3A_78 = arith.constant 0 : index
      %get3A_79 = tpu.vector_load %arg4[%get3A_77, %get3A_78] {strides = array<i32>} : memref<125x80xi32, #tpu.memory_space<vmem>>, vector<16xi32>,
      tpu.vector_store_idx %arg6[%get3A_79], %broadcast_in_dim3A_22 {add = true} : memref<10000xf32, #tpu.memory_space<vmem>>[vector<16xi32>], vector<16xf32>,
      %get3A_80 = arith.index_cast %scan3A_76 : i32 to index
      %get3A_81 = arith.constant 0 : index
      %get3A_82 = tpu.vector_load %arg5[%get3A_80, %get3A_81] {strides = array<i32>} : memref<125x80xi32, #tpu.memory_space<vmem>>, vector<16xi32>,
      tpu.vector_store_idx %arg7[%get3A_82], %broadcast_in_dim3A_22 {add = true} : memref<10000xf32, #tpu.memory_space<vmem>>[vector<16xi32>], vector<16xf32>,
      %get3A_83 = arith.index_cast %scan3A_76 : i32 to index
      %get3A_84 = arith.constant 16 : index
      %get3A_85 = tpu.vector_load %arg4[%get3A_83, %get3A_84] {strides = array<i32>} : memref<125x80xi32, #tpu.memory_space<vmem>>, vector<16xi32>,
      tpu.vector_store_idx %arg6[%get3A_85], %broadcast_in_dim3A_22 {add = true} : memref<10000xf32, #tpu.memory_space<vmem>>[vector<16xi32>], vector<16xf32>,
      %get3A_86 = arith.index_cast %scan3A_76 : i32 to index
      %get3A_87 = arith.constant 16 : index
      %get3A_88 = tpu.vector_load %arg5[%get3A_86, %get3A_87] {strides = array<i32>} : memref<125x80xi32, #tpu.memory_space<vmem>>, vector<16xi32>,
      tpu.vector_store_idx %arg7[%get3A_88], %broadcast_in_dim3A_22 {add = true} : memref<10000xf32, #tpu.memory_space<vmem>>[vector<16xi32>], vector<16xf32>,
      %get3A_89 = arith.index_cast %scan3A_76 : i32 to index
      %get3A_90 = arith.constant 32 : index
      %get3A_91 = tpu.vector_load %arg4[%get3A_89, %get3A_90] {strides = array<i32>} : memref<125x80xi32, #tpu.memory_space<vmem>>, vector<16xi32>,
      tpu.vector_store_idx %arg6[%get3A_91], %broadcast_in_dim3A_22 {add = true} : memref<10000xf32, #tpu.memory_space<vmem>>[vector<16xi32>], vector<16xf32>,
      %get3A_92 = arith.index_cast %scan3A_76 : i32 to index
      %get3A_93 = arith.constant 32 : index
      %get3A_94 = tpu.vector_load %arg5[%get3A_92, %get3A_93] {strides = array<i32>} : memref<125x80xi32, #tpu.memory_space<vmem>>, vector<16xi32>,
      tpu.vector_store_idx %arg7[%get3A_94], %broadcast_in_dim3A_22 {add = true} : memref<10000xf32, #tpu.memory_space<vmem>>[vector<16xi32>], vector<16xf32>,
      %get3A_95 = arith.index_cast %scan3A_76 : i32 to index
      %get3A_96 = arith.constant 48 : index
      %get3A_97 = tpu.vector_load %arg4[%get3A_95, %get3A_96] {strides = array<i32>} : memref<125x80xi32, #tpu.memory_space<vmem>>, vector<16xi32>,
      tpu.vector_store_idx %arg6[%get3A_97], %broadcast_in_dim3A_22 {add = true} : memref<10000xf32, #tpu.memory_space<vmem>>[vector<16xi32>], vector<16xf32>,
      %get3A_98 = arith.index_cast %scan3A_76 : i32 to index
      %get3A_99 = arith.constant 48 : index
      %get3A_100 = tpu.vector_load %arg5[%get3A_98, %get3A_99] {strides = array<i32>} : memref<125x80xi32, #tpu.memory_space<vmem>>, vector<16xi32>,
      tpu.vector_store_idx %arg7[%get3A_100], %broadcast_in_dim3A_22 {add = true} : memref<10000xf32, #tpu.memory_space<vmem>>[vector<16xi32>], vector<16xf32>,
      %get3A_101 = arith.index_cast %scan3A_76 : i32 to index
      %get3A_102 = arith.constant 64 : index
      %get3A_103 = tpu.vector_load %arg4[%get3A_101, %get3A_102] {strides = array<i32>} : memref<125x80xi32, #tpu.memory_space<vmem>>, vector<16xi32>,
      tpu.vector_store_idx %arg6[%get3A_103], %broadcast_in_dim3A_22 {add = true} : memref<10000xf32, #tpu.memory_space<vmem>>[vector<16xi32>], vector<16xf32>,
      %get3A_104 = arith.index_cast %scan3A_76 : i32 to index
      %get3A_105 = arith.constant 64 : index
      %get3A_106 = tpu.vector_load %arg5[%get3A_104, %get3A_105] {strides = array<i32>} : memref<125x80xi32, #tpu.memory_space<vmem>>, vector<16xi32>,
      tpu.vector_store_idx %arg7[%get3A_106], %broadcast_in_dim3A_22 {add = true} : memref<10000xf32, #tpu.memory_space<vmem>>[vector<16xi32>], vector<16xf32>,
      %scan3A_107 = arith.constant 1 : i32
      %scan3A_108 = arith.addi %scan3A_76, %scan3A_107 : i32
      %get3A_109 = arith.index_cast %scan3A_108 : i32 to index
      %get3A_110 = arith.constant 0 : index
      %get3A_111 = tpu.vector_load %arg4[%get3A_109, %get3A_110] {strides = array<i32>} : memref<125x80xi32, #tpu.memory_space<vmem>>, vector<16xi32>,
      tpu.vector_store_idx %arg6[%get3A_111], %broadcast_in_dim3A_22 {add = true} : memref<10000xf32, #tpu.memory_space<vmem>>[vector<16xi32>], vector<16xf32>,
      %get3A_112 = arith.index_cast %scan3A_108 : i32 to index
      %get3A_113 = arith.constant 0 : index
      %get3A_114 = tpu.vector_load %arg5[%get3A_112, %get3A_113] {strides = array<i32>} : memref<125x80xi32, #tpu.memory_space<vmem>>, vector<16xi32>,
      tpu.vector_store_idx %arg7[%get3A_114], %broadcast_in_dim3A_22 {add = true} : memref<10000xf32, #tpu.memory_space<vmem>>[vector<16xi32>], vector<16xf32>,
      %get3A_115 = arith.index_cast %scan3A_108 : i32 to index
      %get3A_116 = arith.constant 16 : index
      %get3A_117 = tpu.vector_load %arg4[%get3A_115, %get3A_116] {strides = array<i32>} : memref<125x80xi32, #tpu.memory_space<vmem>>, vector<16xi32>,
      tpu.vector_store_idx %arg6[%get3A_117], %broadcast_in_dim3A_22 {add = true} : memref<10000xf32, #tpu.memory_space<vmem>>[vector<16xi32>], vector<16xf32>,
      %get3A_118 = arith.index_cast %scan3A_108 : i32 to index
      %get3A_119 = arith.constant 16 : index
      %get3A_120 = tpu.vector_load %arg5[%get3A_118, %get3A_119] {strides = array<i32>} : memref<125x80xi32, #tpu.memory_space<vmem>>, vector<16xi32>,
      tpu.vector_store_idx %arg7[%get3A_120], %broadcast_in_dim3A_22 {add = true} : memref<10000xf32, #tpu.memory_space<vmem>>[vector<16xi32>], vector<16xf32>,
      %get3A_121 = arith.index_cast %scan3A_108 : i32 to index
      %get3A_122 = arith.constant 32 : index
      %get3A_123 = tpu.vector_load %arg4[%get3A_121, %get3A_122] {strides = array<i32>} : memref<125x80xi32, #tpu.memory_space<vmem>>, vector<16xi32>,
      tpu.vector_store_idx %arg6[%get3A_123], %broadcast_in_dim3A_22 {add = true} : memref<10000xf32, #tpu.memory_space<vmem>>[vector<16xi32>], vector<16xf32>,
      %get3A_124 = arith.index_cast %scan3A_108 : i32 to index
      %get3A_125 = arith.constant 32 : index
      %get3A_126 = tpu.vector_load %arg5[%get3A_124, %get3A_125] {strides = array<i32>} : memref<125x80xi32, #tpu.memory_space<vmem>>, vector<16xi32>,
      tpu.vector_store_idx %arg7[%get3A_126], %broadcast_in_dim3A_22 {add = true} : memref<10000xf32, #tpu.memory_space<vmem>>[vector<16xi32>], vector<16xf32>,
      %get3A_127 = arith.index_cast %scan3A_108 : i32 to index
      %get3A_128 = arith.constant 48 : index
      %get3A_129 = tpu.vector_load %arg4[%get3A_127, %get3A_128] {strides = array<i32>} : memref<125x80xi32, #tpu.memory_space<vmem>>, vector<16xi32>,
      tpu.vector_store_idx %arg6[%get3A_129], %broadcast_in_dim3A_22 {add = true} : memref<10000xf32, #tpu.memory_space<vmem>>[vector<16xi32>], vector<16xf32>,
      %get3A_130 = arith.index_cast %scan3A_108 : i32 to index
      %get3A_131 = arith.constant 48 : index
      %get3A_132 = tpu.vector_load %arg5[%get3A_130, %get3A_131] {strides = array<i32>} : memref<125x80xi32, #tpu.memory_space<vmem>>, vector<16xi32>,
      tpu.vector_store_idx %arg7[%get3A_132], %broadcast_in_dim3A_22 {add = true} : memref<10000xf32, #tpu.memory_space<vmem>>[vector<16xi32>], vector<16xf32>,
      %get3A_133 = arith.index_cast %scan3A_108 : i32 to index
      %get3A_134 = arith.constant 64 : index
      %get3A_135 = tpu.vector_load %arg4[%get3A_133, %get3A_134] {strides = array<i32>} : memref<125x80xi32, #tpu.memory_space<vmem>>, vector<16xi32>,
      tpu.vector_store_idx %arg6[%get3A_135], %broadcast_in_dim3A_22 {add = true} : memref<10000xf32, #tpu.memory_space<vmem>>[vector<16xi32>], vector<16xf32>,
      %get3A_136 = arith.index_cast %scan3A_108 : i32 to index
      %get3A_137 = arith.constant 64 : index
      %get3A_138 = tpu.vector_load %arg5[%get3A_136, %get3A_137] {strides = array<i32>} : memref<125x80xi32, #tpu.memory_space<vmem>>, vector<16xi32>,
      tpu.vector_store_idx %arg7[%get3A_138], %broadcast_in_dim3A_22 {add = true} : memref<10000xf32, #tpu.memory_space<vmem>>[vector<16xi32>], vector<16xf32>,
    }
    %scan3A_28 = arith.constant 124 : i32
    %scan3A_29 = arith.addi %scan3A_24, %scan3A_28 : i32
    %get3A = arith.index_cast %scan3A_29 : i32 to index
    %get3A_30 = arith.constant 0 : index
    %get3A_31 = tpu.vector_load %arg4[%get3A, %get3A_30] {strides = array<i32>} : memref<125x80xi32, #tpu.memory_space<vmem>>, vector<16xi32>,
    tpu.vector_store_idx %arg6[%get3A_31], %broadcast_in_dim3A_22 {add = true} : memref<10000xf32, #tpu.memory_space<vmem>>[vector<16xi32>], vector<16xf32>,
    %get3A_32 = arith.index_cast %scan3A_29 : i32 to index
    %get3A_33 = arith.constant 0 : index
    %get3A_34 = tpu.vector_load %arg5[%get3A_32, %get3A_33] {strides = array<i32>} : memref<125x80xi32, #tpu.memory_space<vmem>>, vector<16xi32>,
    tpu.vector_store_idx %arg7[%get3A_34], %broadcast_in_dim3A_22 {add = true} : memref<10000xf32, #tpu.memory_space<vmem>>[vector<16xi32>], vector<16xf32>,
    %get3A_35 = arith.index_cast %scan3A_29 : i32 to index
    %get3A_36 = arith.constant 16 : index
    %get3A_37 = tpu.vector_load %arg4[%get3A_35, %get3A_36] {strides = array<i32>} : memref<125x80xi32, #tpu.memory_space<vmem>>, vector<16xi32>,
    tpu.vector_store_idx %arg6[%get3A_37], %broadcast_in_dim3A_22 {add = true} : memref<10000xf32, #tpu.memory_space<vmem>>[vector<16xi32>], vector<16xf32>,
    %get3A_38 = arith.index_cast %scan3A_29 : i32 to index
    %get3A_39 = arith.constant 16 : index
    %get3A_40 = tpu.vector_load %arg5[%get3A_38, %get3A_39] {strides = array<i32>} : memref<125x80xi32, #tpu.memory_space<vmem>>, vector<16xi32>,
    tpu.vector_store_idx %arg7[%get3A_40], %broadcast_in_dim3A_22 {add = true} : memref<10000xf32, #tpu.memory_space<vmem>>[vector<16xi32>], vector<16xf32>,
    %get3A_41 = arith.index_cast %scan3A_29 : i32 to index
    %get3A_42 = arith.constant 32 : index
    %get3A_43 = tpu.vector_load %arg4[%get3A_41, %get3A_42] {strides = array<i32>} : memref<125x80xi32, #tpu.memory_space<vmem>>, vector<16xi32>,
    tpu.vector_store_idx %arg6[%get3A_43], %broadcast_in_dim3A_22 {add = true} : memref<10000xf32, #tpu.memory_space<vmem>>[vector<16xi32>], vector<16xf32>,
    %get3A_44 = arith.index_cast %scan3A_29 : i32 to index
    %get3A_45 = arith.constant 32 : index
    %get3A_46 = tpu.vector_load %arg5[%get3A_44, %get3A_45] {strides = array<i32>} : memref<125x80xi32, #tpu.memory_space<vmem>>, vector<16xi32>,
    tpu.vector_store_idx %arg7[%get3A_46], %broadcast_in_dim3A_22 {add = true} : memref<10000xf32, #tpu.memory_space<vmem>>[vector<16xi32>], vector<16xf32>,
    %get3A_47 = arith.index_cast %scan3A_29 : i32 to index
    %get3A_48 = arith.constant 48 : index
    %get3A_49 = tpu.vector_load %arg4[%get3A_47, %get3A_48] {strides = array<i32>} : memref<125x80xi32, #tpu.memory_space<vmem>>, vector<16xi32>,
    tpu.vector_store_idx %arg6[%get3A_49], %broadcast_in_dim3A_22 {add = true} : memref<10000xf32, #tpu.memory_space<vmem>>[vector<16xi32>], vector<16xf32>,
    %get3A_50 = arith.index_cast %scan3A_29 : i32 to index
    %get3A_51 = arith.constant 48 : index
    %get3A_52 = tpu.vector_load %arg5[%get3A_50, %get3A_51] {strides = array<i32>} : memref<125x80xi32, #tpu.memory_space<vmem>>, vector<16xi32>,
    tpu.vector_store_idx %arg7[%get3A_52], %broadcast_in_dim3A_22 {add = true} : memref<10000xf32, #tpu.memory_space<vmem>>[vector<16xi32>], vector<16xf32>,
    %get3A_53 = arith.index_cast %scan3A_29 : i32 to index
    %get3A_54 = arith.constant 64 : index
    %get3A_55 = tpu.vector_load %arg4[%get3A_53, %get3A_54] {strides = array<i32>} : memref<125x80xi32, #tpu.memory_space<vmem>>, vector<16xi32>,
    tpu.vector_store_idx %arg6[%get3A_55], %broadcast_in_dim3A_22 {add = true} : memref<10000xf32, #tpu.memory_space<vmem>>[vector<16xi32>], vector<16xf32>,
    %get3A_56 = arith.index_cast %scan3A_29 : i32 to index
    %get3A_57 = arith.constant 64 : index
    %get3A_58 = tpu.vector_load %arg5[%get3A_56, %get3A_57] {strides = array<i32>} : memref<125x80xi32, #tpu.memory_space<vmem>>, vector<16xi32>,
    tpu.vector_store_idx %arg7[%get3A_58], %broadcast_in_dim3A_22 {add = true} : memref<10000xf32, #tpu.memory_space<vmem>>[vector<16xi32>], vector<16xf32>,
    %scan3A_59 = arith.constant 125 : i32
    "tpu.region"() ({
      %run_scoped3A_76 = tpu.sem_alloc : memref<!tpu.dma_semaphore, #tpu.memory_space<semaphore_mem>>
      %dma_start3A = arith.constant 0 : i32
      %dma_start3A_77 = tpu.memref_slice %arg10[%arg1, %dma_start3A] : memref<16x10000xf32, #tpu.memory_space<vmem_shared>> -> memref<1x10000xf32, #tpu.memory_space<vmem_shared>>
      %dma_start3A_78 = tpu.memref_squeeze %dma_start3A_77 : memref<1x10000xf32, #tpu.memory_space<vmem_shared>> -> memref<10000xf32, #tpu.memory_space<vmem_shared>>
      %dma_start3A_79 = arith.constant 0 : i32
      %dma_start3A_80 = tpu.memref_slice %arg10[%arg1, %dma_start3A_79] : memref<16x10000xf32, #tpu.memory_space<vmem_shared>> -> memref<1x10000xf32, #tpu.memory_space<vmem_shared>>
      %dma_start3A_81 = tpu.memref_squeeze %dma_start3A_80 : memref<1x10000xf32, #tpu.memory_space<vmem_shared>> -> memref<10000xf32, #tpu.memory_space<vmem_shared>>
      tpu.enqueue_dma source(%arg6 : memref<10000xf32, #tpu.memory_space<vmem>>) target(%dma_start3A_81 : memref<10000xf32, #tpu.memory_space<vmem_shared>>) target_semaphore(%run_scoped3A_76 : memref<!tpu.dma_semaphore, #tpu.memory_space<semaphore_mem>>)
      %dma_wait3A = arith.constant 0 : i32
      %dma_wait3A_82 = tpu.memref_slice %arg10[%arg1, %dma_wait3A] : memref<16x10000xf32, #tpu.memory_space<vmem_shared>> -> memref<1x10000xf32, #tpu.memory_space<vmem_shared>>
      %dma_wait3A_83 = tpu.memref_squeeze %dma_wait3A_82 : memref<1x10000xf32, #tpu.memory_space<vmem_shared>> -> memref<10000xf32, #tpu.memory_space<vmem_shared>>
      %dma_wait3A_84 = arith.constant 0 : i32
      %dma_wait3A_85 = tpu.memref_slice %arg10[%arg1, %dma_wait3A_84] : memref<16x10000xf32, #tpu.memory_space<vmem_shared>> -> memref<1x10000xf32, #tpu.memory_space<vmem_shared>>
      %dma_wait3A_86 = tpu.memref_squeeze %dma_wait3A_85 : memref<1x10000xf32, #tpu.memory_space<vmem_shared>> -> memref<10000xf32, #tpu.memory_space<vmem_shared>>
      tpu.wait_dma2 semaphore(%run_scoped3A_76 : memref<!tpu.dma_semaphore, #tpu.memory_space<semaphore_mem>>) src(%arg6 : memref<10000xf32, #tpu.memory_space<vmem>>) dst(%dma_wait3A_86 : memref<10000xf32, #tpu.memory_space<vmem_shared>>)
      tpu.yield
    }) : () -> ()
    "tpu.region"() ({
      %run_scoped3A_76 = tpu.sem_alloc : memref<!tpu.dma_semaphore, #tpu.memory_space<semaphore_mem>>
      %dma_start3A = arith.constant 0 : i32
      %dma_start3A_77 = tpu.memref_slice %arg11[%arg1, %dma_start3A] : memref<16x10000xf32, #tpu.memory_space<vmem_shared>> -> memref<1x10000xf32, #tpu.memory_space<vmem_shared>>
      %dma_start3A_78 = tpu.memref_squeeze %dma_start3A_77 : memref<1x10000xf32, #tpu.memory_space<vmem_shared>> -> memref<10000xf32, #tpu.memory_space<vmem_shared>>
      %dma_start3A_79 = arith.constant 0 : i32
      %dma_start3A_80 = tpu.memref_slice %arg11[%arg1, %dma_start3A_79] : memref<16x10000xf32, #tpu.memory_space<vmem_shared>> -> memref<1x10000xf32, #tpu.memory_space<vmem_shared>>
      %dma_start3A_81 = tpu.memref_squeeze %dma_start3A_80 : memref<1x10000xf32, #tpu.memory_space<vmem_shared>> -> memref<10000xf32, #tpu.memory_space<vmem_shared>>
      tpu.enqueue_dma source(%arg7 : memref<10000xf32, #tpu.memory_space<vmem>>) target(%dma_start3A_81 : memref<10000xf32, #tpu.memory_space<vmem_shared>>) target_semaphore(%run_scoped3A_76 : memref<!tpu.dma_semaphore, #tpu.memory_space<semaphore_mem>>)
      %dma_wait3A = arith.constant 0 : i32
      %dma_wait3A_82 = tpu.memref_slice %arg11[%arg1, %dma_wait3A] : memref<16x10000xf32, #tpu.memory_space<vmem_shared>> -> memref<1x10000xf32, #tpu.memory_space<vmem_shared>>
      %dma_wait3A_83 = tpu.memref_squeeze %dma_wait3A_82 : memref<1x10000xf32, #tpu.memory_space<vmem_shared>> -> memref<10000xf32, #tpu.memory_space<vmem_shared>>
      %dma_wait3A_84 = arith.constant 0 : i32
      %dma_wait3A_85 = tpu.memref_slice %arg11[%arg1, %dma_wait3A_84] : memref<16x10000xf32, #tpu.memory_space<vmem_shared>> -> memref<1x10000xf32, #tpu.memory_space<vmem_shared>>
      %dma_wait3A_86 = tpu.memref_squeeze %dma_wait3A_85 : memref<1x10000xf32, #tpu.memory_space<vmem_shared>> -> memref<10000xf32, #tpu.memory_space<vmem_shared>>
      tpu.wait_dma2 semaphore(%run_scoped3A_76 : memref<!tpu.dma_semaphore, #tpu.memory_space<semaphore_mem>>) src(%arg7 : memref<10000xf32, #tpu.memory_space<vmem>>) dst(%dma_wait3A_86 : memref<10000xf32, #tpu.memory_space<vmem_shared>>)
      tpu.yield
    }) : () -> ()
    %barrier3A = arith.constant 0 : index
    tpu.barrier barrier_id(%barrier3A)
    %mul3A_60 = arith.constant 624 : i32
    %mul3A_61 = arith.muli %arg1, %mul3A_60 : i32
    "tpu.region"() ({
      %run_scoped3A_76 = tpu.sem_alloc : memref<!tpu.dma_semaphore, #tpu.memory_space<semaphore_mem>>
      %dma_start3A = arith.constant 0 : i32
      %dma_start3A_77 = tpu.memref_slice %arg10[%dma_start3A, %mul3A_61] : memref<16x10000xf32, #tpu.memory_space<vmem_shared>> -> memref<16x640xf32, #tpu.memory_space<vmem_shared>>
      %dma_start3A_78 = arith.constant 0 : i32
      %dma_start3A_79 = tpu.memref_slice %arg10[%dma_start3A_78, %mul3A_61] : memref<16x10000xf32, #tpu.memory_space<vmem_shared>> -> memref<16x640xf32, #tpu.memory_space<vmem_shared>>
      tpu.enqueue_dma source(%dma_start3A_79 : memref<16x640xf32, #tpu.memory_space<vmem_shared>>) target(%arg8 : memref<16x640xf32, #tpu.memory_space<vmem>>) target_semaphore(%run_scoped3A_76 : memref<!tpu.dma_semaphore, #tpu.memory_space<semaphore_mem>>)
      %dma_wait3A = arith.constant 0 : i32
      %dma_wait3A_80 = tpu.memref_slice %arg10[%dma_wait3A, %mul3A_61] : memref<16x10000xf32, #tpu.memory_space<vmem_shared>> -> memref<16x640xf32, #tpu.memory_space<vmem_shared>>
      %dma_wait3A_81 = arith.constant 0 : i32
      %dma_wait3A_82 = tpu.memref_slice %arg10[%dma_wait3A_81, %mul3A_61] : memref<16x10000xf32, #tpu.memory_space<vmem_shared>> -> memref<16x640xf32, #tpu.memory_space<vmem_shared>>
      tpu.wait_dma2 semaphore(%run_scoped3A_76 : memref<!tpu.dma_semaphore, #tpu.memory_space<semaphore_mem>>) src(%dma_wait3A_82 : memref<16x640xf32, #tpu.memory_space<vmem_shared>>) dst(%arg8 : memref<16x640xf32, #tpu.memory_space<vmem>>)
      tpu.yield
    }) : () -> ()
    %scan3A_62 = arith.constant 0 : i32
    %scan3A_63 = arith.constant 0 : i32
    %scan3A_64 = arith.constant 40 : i32
    %scan3A_65 = arith.addi %scan3A_63, %scan3A_64 : i32
    %scan3A_66 = arith.constant 2 : i32
    scf.for %scan3A_76 = %scan3A_63 to %scan3A_65 step %scan3A_66  : i32 {
      %mul3A_77 = arith.constant 16 : i32
      %mul3A_78 = arith.muli %scan3A_76, %mul3A_77 : i32
      %get3A_79 = arith.constant 0 : i32
      %get3A_80 = arith.index_cast %get3A_79 : i32 to index
      %get3A_81 = arith.index_cast %mul3A_78 : i32 to index
      %get3A_82 = tpu.vector_load %arg8[%get3A_80, %get3A_81] {strides = array<i32>} : memref<16x640xf32, #tpu.memory_space<vmem>>, vector<16xf32>,
      %mul3A_83 = arith.constant 16 : i32
      %mul3A_84 = arith.muli %scan3A_76, %mul3A_83 : i32
      %get3A_85 = arith.constant 1 : i32
      %get3A_86 = arith.index_cast %get3A_85 : i32 to index
      %get3A_87 = arith.index_cast %mul3A_84 : i32 to index
      %get3A_88 = tpu.vector_load %arg8[%get3A_86, %get3A_87] {strides = array<i32>} : memref<16x640xf32, #tpu.memory_space<vmem>>, vector<16xf32>,
      %add3A_89 = arith.addf %get3A_82, %get3A_88 : vector<16xf32>
      %mul3A_90 = arith.constant 16 : i32
      %mul3A_91 = arith.muli %scan3A_76, %mul3A_90 : i32
      %get3A_92 = arith.constant 2 : i32
      %get3A_93 = arith.index_cast %get3A_92 : i32 to index
      %get3A_94 = arith.index_cast %mul3A_91 : i32 to index
      %get3A_95 = tpu.vector_load %arg8[%get3A_93, %get3A_94] {strides = array<i32>} : memref<16x640xf32, #tpu.memory_space<vmem>>, vector<16xf32>,
      %add3A_96 = arith.addf %add3A_89, %get3A_95 : vector<16xf32>
      %mul3A_97 = arith.constant 16 : i32
      %mul3A_98 = arith.muli %scan3A_76, %mul3A_97 : i32
      %get3A_99 = arith.constant 3 : i32
      %get3A_100 = arith.index_cast %get3A_99 : i32 to index
      %get3A_101 = arith.index_cast %mul3A_98 : i32 to index
      %get3A_102 = tpu.vector_load %arg8[%get3A_100, %get3A_101] {strides = array<i32>} : memref<16x640xf32, #tpu.memory_space<vmem>>, vector<16xf32>,
      %add3A_103 = arith.addf %add3A_96, %get3A_102 : vector<16xf32>
      %mul3A_104 = arith.constant 16 : i32
      %mul3A_105 = arith.muli %scan3A_76, %mul3A_104 : i32
      %get3A_106 = arith.constant 4 : i32
      %get3A_107 = arith.index_cast %get3A_106 : i32 to index
      %get3A_108 = arith.index_cast %mul3A_105 : i32 to index
      %get3A_109 = tpu.vector_load %arg8[%get3A_107, %get3A_108] {strides = array<i32>} : memref<16x640xf32, #tpu.memory_space<vmem>>, vector<16xf32>,
      %add3A_110 = arith.addf %add3A_103, %get3A_109 : vector<16xf32>
      %mul3A_111 = arith.constant 16 : i32
      %mul3A_112 = arith.muli %scan3A_76, %mul3A_111 : i32
      %get3A_113 = arith.constant 5 : i32
      %get3A_114 = arith.index_cast %get3A_113 : i32 to index
      %get3A_115 = arith.index_cast %mul3A_112 : i32 to index
      %get3A_116 = tpu.vector_load %arg8[%get3A_114, %get3A_115] {strides = array<i32>} : memref<16x640xf32, #tpu.memory_space<vmem>>, vector<16xf32>,
      %add3A_117 = arith.addf %add3A_110, %get3A_116 : vector<16xf32>
      %mul3A_118 = arith.constant 16 : i32
      %mul3A_119 = arith.muli %scan3A_76, %mul3A_118 : i32
      %get3A_120 = arith.constant 6 : i32
      %get3A_121 = arith.index_cast %get3A_120 : i32 to index
      %get3A_122 = arith.index_cast %mul3A_119 : i32 to index
      %get3A_123 = tpu.vector_load %arg8[%get3A_121, %get3A_122] {strides = array<i32>} : memref<16x640xf32, #tpu.memory_space<vmem>>, vector<16xf32>,
      %add3A_124 = arith.addf %add3A_117, %get3A_123 : vector<16xf32>
      %mul3A_125 = arith.constant 16 : i32
      %mul3A_126 = arith.muli %scan3A_76, %mul3A_125 : i32
      %get3A_127 = arith.constant 7 : i32
      %get3A_128 = arith.index_cast %get3A_127 : i32 to index
      %get3A_129 = arith.index_cast %mul3A_126 : i32 to index
      %get3A_130 = tpu.vector_load %arg8[%get3A_128, %get3A_129] {strides = array<i32>} : memref<16x640xf32, #tpu.memory_space<vmem>>, vector<16xf32>,
      %add3A_131 = arith.addf %add3A_124, %get3A_130 : vector<16xf32>
      %mul3A_132 = arith.constant 16 : i32
      %mul3A_133 = arith.muli %scan3A_76, %mul3A_132 : i32
      %get3A_134 = arith.constant 8 : i32
      %get3A_135 = arith.index_cast %get3A_134 : i32 to index
      %get3A_136 = arith.index_cast %mul3A_133 : i32 to index
      %get3A_137 = tpu.vector_load %arg8[%get3A_135, %get3A_136] {strides = array<i32>} : memref<16x640xf32, #tpu.memory_space<vmem>>, vector<16xf32>,
      %add3A_138 = arith.addf %add3A_131, %get3A_137 : vector<16xf32>
      %mul3A_139 = arith.constant 16 : i32
      %mul3A_140 = arith.muli %scan3A_76, %mul3A_139 : i32
      %get3A_141 = arith.constant 9 : i32
      %get3A_142 = arith.index_cast %get3A_141 : i32 to index
      %get3A_143 = arith.index_cast %mul3A_140 : i32 to index
      %get3A_144 = tpu.vector_load %arg8[%get3A_142, %get3A_143] {strides = array<i32>} : memref<16x640xf32, #tpu.memory_space<vmem>>, vector<16xf32>,
      %add3A_145 = arith.addf %add3A_138, %get3A_144 : vector<16xf32>
      %mul3A_146 = arith.constant 16 : i32
      %mul3A_147 = arith.muli %scan3A_76, %mul3A_146 : i32
      %get3A_148 = arith.constant 10 : i32
      %get3A_149 = arith.index_cast %get3A_148 : i32 to index
      %get3A_150 = arith.index_cast %mul3A_147 : i32 to index
      %get3A_151 = tpu.vector_load %arg8[%get3A_149, %get3A_150] {strides = array<i32>} : memref<16x640xf32, #tpu.memory_space<vmem>>, vector<16xf32>,
      %add3A_152 = arith.addf %add3A_145, %get3A_151 : vector<16xf32>
      %mul3A_153 = arith.constant 16 : i32
      %mul3A_154 = arith.muli %scan3A_76, %mul3A_153 : i32
      %get3A_155 = arith.constant 11 : i32
      %get3A_156 = arith.index_cast %get3A_155 : i32 to index
      %get3A_157 = arith.index_cast %mul3A_154 : i32 to index
      %get3A_158 = tpu.vector_load %arg8[%get3A_156, %get3A_157] {strides = array<i32>} : memref<16x640xf32, #tpu.memory_space<vmem>>, vector<16xf32>,
      %add3A_159 = arith.addf %add3A_152, %get3A_158 : vector<16xf32>
      %mul3A_160 = arith.constant 16 : i32
      %mul3A_161 = arith.muli %scan3A_76, %mul3A_160 : i32
      %get3A_162 = arith.constant 12 : i32
      %get3A_163 = arith.index_cast %get3A_162 : i32 to index
      %get3A_164 = arith.index_cast %mul3A_161 : i32 to index
      %get3A_165 = tpu.vector_load %arg8[%get3A_163, %get3A_164] {strides = array<i32>} : memref<16x640xf32, #tpu.memory_space<vmem>>, vector<16xf32>,
      %add3A_166 = arith.addf %add3A_159, %get3A_165 : vector<16xf32>
      %mul3A_167 = arith.constant 16 : i32
      %mul3A_168 = arith.muli %scan3A_76, %mul3A_167 : i32
      %get3A_169 = arith.constant 13 : i32
      %get3A_170 = arith.index_cast %get3A_169 : i32 to index
      %get3A_171 = arith.index_cast %mul3A_168 : i32 to index
      %get3A_172 = tpu.vector_load %arg8[%get3A_170, %get3A_171] {strides = array<i32>} : memref<16x640xf32, #tpu.memory_space<vmem>>, vector<16xf32>,
      %add3A_173 = arith.addf %add3A_166, %get3A_172 : vector<16xf32>
      %mul3A_174 = arith.constant 16 : i32
      %mul3A_175 = arith.muli %scan3A_76, %mul3A_174 : i32
      %get3A_176 = arith.constant 14 : i32
      %get3A_177 = arith.index_cast %get3A_176 : i32 to index
      %get3A_178 = arith.index_cast %mul3A_175 : i32 to index
      %get3A_179 = tpu.vector_load %arg8[%get3A_177, %get3A_178] {strides = array<i32>} : memref<16x640xf32, #tpu.memory_space<vmem>>, vector<16xf32>,
      %add3A_180 = arith.addf %add3A_173, %get3A_179 : vector<16xf32>
      %mul3A_181 = arith.constant 16 : i32
      %mul3A_182 = arith.muli %scan3A_76, %mul3A_181 : i32
      %get3A_183 = arith.constant 15 : i32
      %get3A_184 = arith.index_cast %get3A_183 : i32 to index
      %get3A_185 = arith.index_cast %mul3A_182 : i32 to index
      %get3A_186 = tpu.vector_load %arg8[%get3A_184, %get3A_185] {strides = array<i32>} : memref<16x640xf32, #tpu.memory_space<vmem>>, vector<16xf32>,
      %add3A_187 = arith.addf %add3A_180, %get3A_186 : vector<16xf32>
      %mul3A_188 = arith.constant 16 : i32
      %mul3A_189 = arith.muli %scan3A_76, %mul3A_188 : i32
      %swap3A_190 = arith.index_cast %mul3A_189 : i32 to index
      %swap3A_191 = tpu.vector_load %arg9[%swap3A_190] {strides = array<i32>} : memref<640xf32, #tpu.memory_space<vmem>>, vector<16xf32>,
      tpu.vector_store %arg9[%swap3A_190], %add3A_187 {strides = array<i32>} : memref<640xf32, #tpu.memory_space<vmem>>, vector<16xf32>,
      %scan3A_192 = arith.constant 1 : i32
      %scan3A_193 = arith.addi %scan3A_76, %scan3A_192 : i32
      %mul3A_194 = arith.constant 16 : i32
      %mul3A_195 = arith.muli %scan3A_193, %mul3A_194 : i32
      %get3A_196 = arith.constant 0 : i32
      %get3A_197 = arith.index_cast %get3A_196 : i32 to index
      %get3A_198 = arith.index_cast %mul3A_195 : i32 to index
      %get3A_199 = tpu.vector_load %arg8[%get3A_197, %get3A_198] {strides = array<i32>} : memref<16x640xf32, #tpu.memory_space<vmem>>, vector<16xf32>,
      %mul3A_200 = arith.constant 16 : i32
      %mul3A_201 = arith.muli %scan3A_193, %mul3A_200 : i32
      %get3A_202 = arith.constant 1 : i32
      %get3A_203 = arith.index_cast %get3A_202 : i32 to index
      %get3A_204 = arith.index_cast %mul3A_201 : i32 to index
      %get3A_205 = tpu.vector_load %arg8[%get3A_203, %get3A_204] {strides = array<i32>} : memref<16x640xf32, #tpu.memory_space<vmem>>, vector<16xf32>,
      %add3A_206 = arith.addf %get3A_199, %get3A_205 : vector<16xf32>
      %mul3A_207 = arith.constant 16 : i32
      %mul3A_208 = arith.muli %scan3A_193, %mul3A_207 : i32
      %get3A_209 = arith.constant 2 : i32
      %get3A_210 = arith.index_cast %get3A_209 : i32 to index
      %get3A_211 = arith.index_cast %mul3A_208 : i32 to index
      %get3A_212 = tpu.vector_load %arg8[%get3A_210, %get3A_211] {strides = array<i32>} : memref<16x640xf32, #tpu.memory_space<vmem>>, vector<16xf32>,
      %add3A_213 = arith.addf %add3A_206, %get3A_212 : vector<16xf32>
      %mul3A_214 = arith.constant 16 : i32
      %mul3A_215 = arith.muli %scan3A_193, %mul3A_214 : i32
      %get3A_216 = arith.constant 3 : i32
      %get3A_217 = arith.index_cast %get3A_216 : i32 to index
      %get3A_218 = arith.index_cast %mul3A_215 : i32 to index
      %get3A_219 = tpu.vector_load %arg8[%get3A_217, %get3A_218] {strides = array<i32>} : memref<16x640xf32, #tpu.memory_space<vmem>>, vector<16xf32>,
      %add3A_220 = arith.addf %add3A_213, %get3A_219 : vector<16xf32>
      %mul3A_221 = arith.constant 16 : i32
      %mul3A_222 = arith.muli %scan3A_193, %mul3A_221 : i32
      %get3A_223 = arith.constant 4 : i32
      %get3A_224 = arith.index_cast %get3A_223 : i32 to index
      %get3A_225 = arith.index_cast %mul3A_222 : i32 to index
      %get3A_226 = tpu.vector_load %arg8[%get3A_224, %get3A_225] {strides = array<i32>} : memref<16x640xf32, #tpu.memory_space<vmem>>, vector<16xf32>,
      %add3A_227 = arith.addf %add3A_220, %get3A_226 : vector<16xf32>
      %mul3A_228 = arith.constant 16 : i32
      %mul3A_229 = arith.muli %scan3A_193, %mul3A_228 : i32
      %get3A_230 = arith.constant 5 : i32
      %get3A_231 = arith.index_cast %get3A_230 : i32 to index
      %get3A_232 = arith.index_cast %mul3A_229 : i32 to index
      %get3A_233 = tpu.vector_load %arg8[%get3A_231, %get3A_232] {strides = array<i32>} : memref<16x640xf32, #tpu.memory_space<vmem>>, vector<16xf32>,
      %add3A_234 = arith.addf %add3A_227, %get3A_233 : vector<16xf32>
      %mul3A_235 = arith.constant 16 : i32
      %mul3A_236 = arith.muli %scan3A_193, %mul3A_235 : i32
      %get3A_237 = arith.constant 6 : i32
      %get3A_238 = arith.index_cast %get3A_237 : i32 to index
      %get3A_239 = arith.index_cast %mul3A_236 : i32 to index
      %get3A_240 = tpu.vector_load %arg8[%get3A_238, %get3A_239] {strides = array<i32>} : memref<16x640xf32, #tpu.memory_space<vmem>>, vector<16xf32>,
      %add3A_241 = arith.addf %add3A_234, %get3A_240 : vector<16xf32>
      %mul3A_242 = arith.constant 16 : i32
      %mul3A_243 = arith.muli %scan3A_193, %mul3A_242 : i32
      %get3A_244 = arith.constant 7 : i32
      %get3A_245 = arith.index_cast %get3A_244 : i32 to index
      %get3A_246 = arith.index_cast %mul3A_243 : i32 to index
      %get3A_247 = tpu.vector_load %arg8[%get3A_245, %get3A_246] {strides = array<i32>} : memref<16x640xf32, #tpu.memory_space<vmem>>, vector<16xf32>,
      %add3A_248 = arith.addf %add3A_241, %get3A_247 : vector<16xf32>
      %mul3A_249 = arith.constant 16 : i32
      %mul3A_250 = arith.muli %scan3A_193, %mul3A_249 : i32
      %get3A_251 = arith.constant 8 : i32
      %get3A_252 = arith.index_cast %get3A_251 : i32 to index
      %get3A_253 = arith.index_cast %mul3A_250 : i32 to index
      %get3A_254 = tpu.vector_load %arg8[%get3A_252, %get3A_253] {strides = array<i32>} : memref<16x640xf32, #tpu.memory_space<vmem>>, vector<16xf32>,
      %add3A_255 = arith.addf %add3A_248, %get3A_254 : vector<16xf32>
      %mul3A_256 = arith.constant 16 : i32
      %mul3A_257 = arith.muli %scan3A_193, %mul3A_256 : i32
      %get3A_258 = arith.constant 9 : i32
      %get3A_259 = arith.index_cast %get3A_258 : i32 to index
      %get3A_260 = arith.index_cast %mul3A_257 : i32 to index
      %get3A_261 = tpu.vector_load %arg8[%get3A_259, %get3A_260] {strides = array<i32>} : memref<16x640xf32, #tpu.memory_space<vmem>>, vector<16xf32>,
      %add3A_262 = arith.addf %add3A_255, %get3A_261 : vector<16xf32>
      %mul3A_263 = arith.constant 16 : i32
      %mul3A_264 = arith.muli %scan3A_193, %mul3A_263 : i32
      %get3A_265 = arith.constant 10 : i32
      %get3A_266 = arith.index_cast %get3A_265 : i32 to index
      %get3A_267 = arith.index_cast %mul3A_264 : i32 to index
      %get3A_268 = tpu.vector_load %arg8[%get3A_266, %get3A_267] {strides = array<i32>} : memref<16x640xf32, #tpu.memory_space<vmem>>, vector<16xf32>,
      %add3A_269 = arith.addf %add3A_262, %get3A_268 : vector<16xf32>
      %mul3A_270 = arith.constant 16 : i32
      %mul3A_271 = arith.muli %scan3A_193, %mul3A_270 : i32
      %get3A_272 = arith.constant 11 : i32
      %get3A_273 = arith.index_cast %get3A_272 : i32 to index
      %get3A_274 = arith.index_cast %mul3A_271 : i32 to index
      %get3A_275 = tpu.vector_load %arg8[%get3A_273, %get3A_274] {strides = array<i32>} : memref<16x640xf32, #tpu.memory_space<vmem>>, vector<16xf32>,
      %add3A_276 = arith.addf %add3A_269, %get3A_275 : vector<16xf32>
      %mul3A_277 = arith.constant 16 : i32
      %mul3A_278 = arith.muli %scan3A_193, %mul3A_277 : i32
      %get3A_279 = arith.constant 12 : i32
      %get3A_280 = arith.index_cast %get3A_279 : i32 to index
      %get3A_281 = arith.index_cast %mul3A_278 : i32 to index
      %get3A_282 = tpu.vector_load %arg8[%get3A_280, %get3A_281] {strides = array<i32>} : memref<16x640xf32, #tpu.memory_space<vmem>>, vector<16xf32>,
      %add3A_283 = arith.addf %add3A_276, %get3A_282 : vector<16xf32>
      %mul3A_284 = arith.constant 16 : i32
      %mul3A_285 = arith.muli %scan3A_193, %mul3A_284 : i32
      %get3A_286 = arith.constant 13 : i32
      %get3A_287 = arith.index_cast %get3A_286 : i32 to index
      %get3A_288 = arith.index_cast %mul3A_285 : i32 to index
      %get3A_289 = tpu.vector_load %arg8[%get3A_287, %get3A_288] {strides = array<i32>} : memref<16x640xf32, #tpu.memory_space<vmem>>, vector<16xf32>,
      %add3A_290 = arith.addf %add3A_283, %get3A_289 : vector<16xf32>
      %mul3A_291 = arith.constant 16 : i32
      %mul3A_292 = arith.muli %scan3A_193, %mul3A_291 : i32
      %get3A_293 = arith.constant 14 : i32
      %get3A_294 = arith.index_cast %get3A_293 : i32 to index
      %get3A_295 = arith.index_cast %mul3A_292 : i32 to index
      %get3A_296 = tpu.vector_load %arg8[%get3A_294, %get3A_295] {strides = array<i32>} : memref<16x640xf32, #tpu.memory_space<vmem>>, vector<16xf32>,
      %add3A_297 = arith.addf %add3A_290, %get3A_296 : vector<16xf32>
      %mul3A_298 = arith.constant 16 : i32
      %mul3A_299 = arith.muli %scan3A_193, %mul3A_298 : i32
      %get3A_300 = arith.constant 15 : i32
      %get3A_301 = arith.index_cast %get3A_300 : i32 to index
      %get3A_302 = arith.index_cast %mul3A_299 : i32 to index
      %get3A_303 = tpu.vector_load %arg8[%get3A_301, %get3A_302] {strides = array<i32>} : memref<16x640xf32, #tpu.memory_space<vmem>>, vector<16xf32>,
      %add3A_304 = arith.addf %add3A_297, %get3A_303 : vector<16xf32>
      %mul3A_305 = arith.constant 16 : i32
      %mul3A_306 = arith.muli %scan3A_193, %mul3A_305 : i32
      %swap3A_307 = arith.index_cast %mul3A_306 : i32 to index
      %swap3A_308 = tpu.vector_load %arg9[%swap3A_307] {strides = array<i32>} : memref<640xf32, #tpu.memory_space<vmem>>, vector<16xf32>,
      tpu.vector_store %arg9[%swap3A_307], %add3A_304 {strides = array<i32>} : memref<640xf32, #tpu.memory_space<vmem>>, vector<16xf32>,
    }
    %scan3A_67 = arith.constant 40 : i32
    %run_scoped3A_68 = arith.constant 0 : i32
    "tpu.region"() ({
      %run_scoped3A_76 = tpu.sem_alloc : memref<!tpu.dma_semaphore, #tpu.memory_space<semaphore_mem>>
      %dma_start3A = tpu.memref_slice %arg3[%arg0, %run_scoped3A_68, %mul3A_61] : memref<2x2x10000xf32, #tpu.memory_space<hbm>> -> memref<1x1x640xf32, #tpu.memory_space<hbm>>
      %dma_start3A_77 = tpu.memref_squeeze %dma_start3A : memref<1x1x640xf32, #tpu.memory_space<hbm>> -> memref<640xf32, #tpu.memory_space<hbm>>
      %dma_start3A_78 = tpu.memref_slice %arg3[%arg0, %run_scoped3A_68, %mul3A_61] : memref<2x2x10000xf32, #tpu.memory_space<hbm>> -> memref<1x1x640xf32, #tpu.memory_space<hbm>>
      %dma_start3A_79 = tpu.memref_squeeze %dma_start3A_78 : memref<1x1x640xf32, #tpu.memory_space<hbm>> -> memref<640xf32, #tpu.memory_space<hbm>>
      tpu.enqueue_dma source(%arg9 : memref<640xf32, #tpu.memory_space<vmem>>) target(%dma_start3A_79 : memref<640xf32, #tpu.memory_space<hbm>>) target_semaphore(%run_scoped3A_76 : memref<!tpu.dma_semaphore, #tpu.memory_space<semaphore_mem>>)
      %dma_wait3A = tpu.memref_slice %arg3[%arg0, %run_scoped3A_68, %mul3A_61] : memref<2x2x10000xf32, #tpu.memory_space<hbm>> -> memref<1x1x640xf32, #tpu.memory_space<hbm>>
      %dma_wait3A_80 = tpu.memref_squeeze %dma_wait3A : memref<1x1x640xf32, #tpu.memory_space<hbm>> -> memref<640xf32, #tpu.memory_space<hbm>>
      %dma_wait3A_81 = tpu.memref_slice %arg3[%arg0, %run_scoped3A_68, %mul3A_61] : memref<2x2x10000xf32, #tpu.memory_space<hbm>> -> memref<1x1x640xf32, #tpu.memory_space<hbm>>
      %dma_wait3A_82 = tpu.memref_squeeze %dma_wait3A_81 : memref<1x1x640xf32, #tpu.memory_space<hbm>> -> memref<640xf32, #tpu.memory_space<hbm>>
      tpu.wait_dma2 semaphore(%run_scoped3A_76 : memref<!tpu.dma_semaphore, #tpu.memory_space<semaphore_mem>>) src(%arg9 : memref<640xf32, #tpu.memory_space<vmem>>) dst(%dma_wait3A_82 : memref<640xf32, #tpu.memory_space<hbm>>)
      tpu.yield
    }) : () -> ()
    "tpu.region"() ({
      %run_scoped3A_76 = tpu.sem_alloc : memref<!tpu.dma_semaphore, #tpu.memory_space<semaphore_mem>>
      %dma_start3A = arith.constant 0 : i32
      %dma_start3A_77 = tpu.memref_slice %arg11[%dma_start3A, %mul3A_61] : memref<16x10000xf32, #tpu.memory_space<vmem_shared>> -> memref<16x640xf32, #tpu.memory_space<vmem_shared>>
      %dma_start3A_78 = arith.constant 0 : i32
      %dma_start3A_79 = tpu.memref_slice %arg11[%dma_start3A_78, %mul3A_61] : memref<16x10000xf32, #tpu.memory_space<vmem_shared>> -> memref<16x640xf32, #tpu.memory_space<vmem_shared>>
      tpu.enqueue_dma source(%dma_start3A_79 : memref<16x640xf32, #tpu.memory_space<vmem_shared>>) target(%arg8 : memref<16x640xf32, #tpu.memory_space<vmem>>) target_semaphore(%run_scoped3A_76 : memref<!tpu.dma_semaphore, #tpu.memory_space<semaphore_mem>>)
      %dma_wait3A = arith.constant 0 : i32
      %dma_wait3A_80 = tpu.memref_slice %arg11[%dma_wait3A, %mul3A_61] : memref<16x10000xf32, #tpu.memory_space<vmem_shared>> -> memref<16x640xf32, #tpu.memory_space<vmem_shared>>
      %dma_wait3A_81 = arith.constant 0 : i32
      %dma_wait3A_82 = tpu.memref_slice %arg11[%dma_wait3A_81, %mul3A_61] : memref<16x10000xf32, #tpu.memory_space<vmem_shared>> -> memref<16x640xf32, #tpu.memory_space<vmem_shared>>
      tpu.wait_dma2 semaphore(%run_scoped3A_76 : memref<!tpu.dma_semaphore, #tpu.memory_space<semaphore_mem>>) src(%dma_wait3A_82 : memref<16x640xf32, #tpu.memory_space<vmem_shared>>) dst(%arg8 : memref<16x640xf32, #tpu.memory_space<vmem>>)
      tpu.yield
    }) : () -> ()
    %scan3A_69 = arith.constant 0 : i32
    %scan3A_70 = arith.constant 0 : i32
    %scan3A_71 = arith.constant 40 : i32
    %scan3A_72 = arith.addi %scan3A_70, %scan3A_71 : i32
    %scan3A_73 = arith.constant 2 : i32
    scf.for %scan3A_76 = %scan3A_70 to %scan3A_72 step %scan3A_73  : i32 {
      %mul3A_77 = arith.constant 16 : i32
      %mul3A_78 = arith.muli %scan3A_76, %mul3A_77 : i32
      %get3A_79 = arith.constant 0 : i32
      %get3A_80 = arith.index_cast %get3A_79 : i32 to index
      %get3A_81 = arith.index_cast %mul3A_78 : i32 to index
      %get3A_82 = tpu.vector_load %arg8[%get3A_80, %get3A_81] {strides = array<i32>} : memref<16x640xf32, #tpu.memory_space<vmem>>, vector<16xf32>,
      %mul3A_83 = arith.constant 16 : i32
      %mul3A_84 = arith.muli %scan3A_76, %mul3A_83 : i32
      %get3A_85 = arith.constant 1 : i32
      %get3A_86 = arith.index_cast %get3A_85 : i32 to index
      %get3A_87 = arith.index_cast %mul3A_84 : i32 to index
      %get3A_88 = tpu.vector_load %arg8[%get3A_86, %get3A_87] {strides = array<i32>} : memref<16x640xf32, #tpu.memory_space<vmem>>, vector<16xf32>,
      %add3A_89 = arith.addf %get3A_82, %get3A_88 : vector<16xf32>
      %mul3A_90 = arith.constant 16 : i32
      %mul3A_91 = arith.muli %scan3A_76, %mul3A_90 : i32
      %get3A_92 = arith.constant 2 : i32
      %get3A_93 = arith.index_cast %get3A_92 : i32 to index
      %get3A_94 = arith.index_cast %mul3A_91 : i32 to index
      %get3A_95 = tpu.vector_load %arg8[%get3A_93, %get3A_94] {strides = array<i32>} : memref<16x640xf32, #tpu.memory_space<vmem>>, vector<16xf32>,
      %add3A_96 = arith.addf %add3A_89, %get3A_95 : vector<16xf32>
      %mul3A_97 = arith.constant 16 : i32
      %mul3A_98 = arith.muli %scan3A_76, %mul3A_97 : i32
      %get3A_99 = arith.constant 3 : i32
      %get3A_100 = arith.index_cast %get3A_99 : i32 to index
      %get3A_101 = arith.index_cast %mul3A_98 : i32 to index
      %get3A_102 = tpu.vector_load %arg8[%get3A_100, %get3A_101] {strides = array<i32>} : memref<16x640xf32, #tpu.memory_space<vmem>>, vector<16xf32>,
      %add3A_103 = arith.addf %add3A_96, %get3A_102 : vector<16xf32>
      %mul3A_104 = arith.constant 16 : i32
      %mul3A_105 = arith.muli %scan3A_76, %mul3A_104 : i32
      %get3A_106 = arith.constant 4 : i32
      %get3A_107 = arith.index_cast %get3A_106 : i32 to index
      %get3A_108 = arith.index_cast %mul3A_105 : i32 to index
      %get3A_109 = tpu.vector_load %arg8[%get3A_107, %get3A_108] {strides = array<i32>} : memref<16x640xf32, #tpu.memory_space<vmem>>, vector<16xf32>,
      %add3A_110 = arith.addf %add3A_103, %get3A_109 : vector<16xf32>
      %mul3A_111 = arith.constant 16 : i32
      %mul3A_112 = arith.muli %scan3A_76, %mul3A_111 : i32
      %get3A_113 = arith.constant 5 : i32
      %get3A_114 = arith.index_cast %get3A_113 : i32 to index
      %get3A_115 = arith.index_cast %mul3A_112 : i32 to index
      %get3A_116 = tpu.vector_load %arg8[%get3A_114, %get3A_115] {strides = array<i32>} : memref<16x640xf32, #tpu.memory_space<vmem>>, vector<16xf32>,
      %add3A_117 = arith.addf %add3A_110, %get3A_116 : vector<16xf32>
      %mul3A_118 = arith.constant 16 : i32
      %mul3A_119 = arith.muli %scan3A_76, %mul3A_118 : i32
      %get3A_120 = arith.constant 6 : i32
      %get3A_121 = arith.index_cast %get3A_120 : i32 to index
      %get3A_122 = arith.index_cast %mul3A_119 : i32 to index
      %get3A_123 = tpu.vector_load %arg8[%get3A_121, %get3A_122] {strides = array<i32>} : memref<16x640xf32, #tpu.memory_space<vmem>>, vector<16xf32>,
      %add3A_124 = arith.addf %add3A_117, %get3A_123 : vector<16xf32>
      %mul3A_125 = arith.constant 16 : i32
      %mul3A_126 = arith.muli %scan3A_76, %mul3A_125 : i32
      %get3A_127 = arith.constant 7 : i32
      %get3A_128 = arith.index_cast %get3A_127 : i32 to index
      %get3A_129 = arith.index_cast %mul3A_126 : i32 to index
      %get3A_130 = tpu.vector_load %arg8[%get3A_128, %get3A_129] {strides = array<i32>} : memref<16x640xf32, #tpu.memory_space<vmem>>, vector<16xf32>,
      %add3A_131 = arith.addf %add3A_124, %get3A_130 : vector<16xf32>
      %mul3A_132 = arith.constant 16 : i32
      %mul3A_133 = arith.muli %scan3A_76, %mul3A_132 : i32
      %get3A_134 = arith.constant 8 : i32
      %get3A_135 = arith.index_cast %get3A_134 : i32 to index
      %get3A_136 = arith.index_cast %mul3A_133 : i32 to index
      %get3A_137 = tpu.vector_load %arg8[%get3A_135, %get3A_136] {strides = array<i32>} : memref<16x640xf32, #tpu.memory_space<vmem>>, vector<16xf32>,
      %add3A_138 = arith.addf %add3A_131, %get3A_137 : vector<16xf32>
      %mul3A_139 = arith.constant 16 : i32
      %mul3A_140 = arith.muli %scan3A_76, %mul3A_139 : i32
      %get3A_141 = arith.constant 9 : i32
      %get3A_142 = arith.index_cast %get3A_141 : i32 to index
      %get3A_143 = arith.index_cast %mul3A_140 : i32 to index
      %get3A_144 = tpu.vector_load %arg8[%get3A_142, %get3A_143] {strides = array<i32>} : memref<16x640xf32, #tpu.memory_space<vmem>>, vector<16xf32>,
      %add3A_145 = arith.addf %add3A_138, %get3A_144 : vector<16xf32>
      %mul3A_146 = arith.constant 16 : i32
      %mul3A_147 = arith.muli %scan3A_76, %mul3A_146 : i32
      %get3A_148 = arith.constant 10 : i32
      %get3A_149 = arith.index_cast %get3A_148 : i32 to index
      %get3A_150 = arith.index_cast %mul3A_147 : i32 to index
      %get3A_151 = tpu.vector_load %arg8[%get3A_149, %get3A_150] {strides = array<i32>} : memref<16x640xf32, #tpu.memory_space<vmem>>, vector<16xf32>,
      %add3A_152 = arith.addf %add3A_145, %get3A_151 : vector<16xf32>
      %mul3A_153 = arith.constant 16 : i32
      %mul3A_154 = arith.muli %scan3A_76, %mul3A_153 : i32
      %get3A_155 = arith.constant 11 : i32
      %get3A_156 = arith.index_cast %get3A_155 : i32 to index
      %get3A_157 = arith.index_cast %mul3A_154 : i32 to index
      %get3A_158 = tpu.vector_load %arg8[%get3A_156, %get3A_157] {strides = array<i32>} : memref<16x640xf32, #tpu.memory_space<vmem>>, vector<16xf32>,
      %add3A_159 = arith.addf %add3A_152, %get3A_158 : vector<16xf32>
      %mul3A_160 = arith.constant 16 : i32
      %mul3A_161 = arith.muli %scan3A_76, %mul3A_160 : i32
      %get3A_162 = arith.constant 12 : i32
      %get3A_163 = arith.index_cast %get3A_162 : i32 to index
      %get3A_164 = arith.index_cast %mul3A_161 : i32 to index
      %get3A_165 = tpu.vector_load %arg8[%get3A_163, %get3A_164] {strides = array<i32>} : memref<16x640xf32, #tpu.memory_space<vmem>>, vector<16xf32>,
      %add3A_166 = arith.addf %add3A_159, %get3A_165 : vector<16xf32>
      %mul3A_167 = arith.constant 16 : i32
      %mul3A_168 = arith.muli %scan3A_76, %mul3A_167 : i32
      %get3A_169 = arith.constant 13 : i32
      %get3A_170 = arith.index_cast %get3A_169 : i32 to index
      %get3A_171 = arith.index_cast %mul3A_168 : i32 to index
      %get3A_172 = tpu.vector_load %arg8[%get3A_170, %get3A_171] {strides = array<i32>} : memref<16x640xf32, #tpu.memory_space<vmem>>, vector<16xf32>,
      %add3A_173 = arith.addf %add3A_166, %get3A_172 : vector<16xf32>
      %mul3A_174 = arith.constant 16 : i32
      %mul3A_175 = arith.muli %scan3A_76, %mul3A_174 : i32
      %get3A_176 = arith.constant 14 : i32
      %get3A_177 = arith.index_cast %get3A_176 : i32 to index
      %get3A_178 = arith.index_cast %mul3A_175 : i32 to index
      %get3A_179 = tpu.vector_load %arg8[%get3A_177, %get3A_178] {strides = array<i32>} : memref<16x640xf32, #tpu.memory_space<vmem>>, vector<16xf32>,
      %add3A_180 = arith.addf %add3A_173, %get3A_179 : vector<16xf32>
      %mul3A_181 = arith.constant 16 : i32
      %mul3A_182 = arith.muli %scan3A_76, %mul3A_181 : i32
      %get3A_183 = arith.constant 15 : i32
      %get3A_184 = arith.index_cast %get3A_183 : i32 to index
      %get3A_185 = arith.index_cast %mul3A_182 : i32 to index
      %get3A_186 = tpu.vector_load %arg8[%get3A_184, %get3A_185] {strides = array<i32>} : memref<16x640xf32, #tpu.memory_space<vmem>>, vector<16xf32>,
      %add3A_187 = arith.addf %add3A_180, %get3A_186 : vector<16xf32>
      %mul3A_188 = arith.constant 16 : i32
      %mul3A_189 = arith.muli %scan3A_76, %mul3A_188 : i32
      %swap3A_190 = arith.index_cast %mul3A_189 : i32 to index
      %swap3A_191 = tpu.vector_load %arg9[%swap3A_190] {strides = array<i32>} : memref<640xf32, #tpu.memory_space<vmem>>, vector<16xf32>,
      tpu.vector_store %arg9[%swap3A_190], %add3A_187 {strides = array<i32>} : memref<640xf32, #tpu.memory_space<vmem>>, vector<16xf32>,
      %scan3A_192 = arith.constant 1 : i32
      %scan3A_193 = arith.addi %scan3A_76, %scan3A_192 : i32
      %mul3A_194 = arith.constant 16 : i32
      %mul3A_195 = arith.muli %scan3A_193, %mul3A_194 : i32
      %get3A_196 = arith.constant 0 : i32
      %get3A_197 = arith.index_cast %get3A_196 : i32 to index
      %get3A_198 = arith.index_cast %mul3A_195 : i32 to index
      %get3A_199 = tpu.vector_load %arg8[%get3A_197, %get3A_198] {strides = array<i32>} : memref<16x640xf32, #tpu.memory_space<vmem>>, vector<16xf32>,
      %mul3A_200 = arith.constant 16 : i32
      %mul3A_201 = arith.muli %scan3A_193, %mul3A_200 : i32
      %get3A_202 = arith.constant 1 : i32
      %get3A_203 = arith.index_cast %get3A_202 : i32 to index
      %get3A_204 = arith.index_cast %mul3A_201 : i32 to index
      %get3A_205 = tpu.vector_load %arg8[%get3A_203, %get3A_204] {strides = array<i32>} : memref<16x640xf32, #tpu.memory_space<vmem>>, vector<16xf32>,
      %add3A_206 = arith.addf %get3A_199, %get3A_205 : vector<16xf32>
      %mul3A_207 = arith.constant 16 : i32
      %mul3A_208 = arith.muli %scan3A_193, %mul3A_207 : i32
      %get3A_209 = arith.constant 2 : i32
      %get3A_210 = arith.index_cast %get3A_209 : i32 to index
      %get3A_211 = arith.index_cast %mul3A_208 : i32 to index
      %get3A_212 = tpu.vector_load %arg8[%get3A_210, %get3A_211] {strides = array<i32>} : memref<16x640xf32, #tpu.memory_space<vmem>>, vector<16xf32>,
      %add3A_213 = arith.addf %add3A_206, %get3A_212 : vector<16xf32>
      %mul3A_214 = arith.constant 16 : i32
      %mul3A_215 = arith.muli %scan3A_193, %mul3A_214 : i32
      %get3A_216 = arith.constant 3 : i32
      %get3A_217 = arith.index_cast %get3A_216 : i32 to index
      %get3A_218 = arith.index_cast %mul3A_215 : i32 to index
      %get3A_219 = tpu.vector_load %arg8[%get3A_217, %get3A_218] {strides = array<i32>} : memref<16x640xf32, #tpu.memory_space<vmem>>, vector<16xf32>,
      %add3A_220 = arith.addf %add3A_213, %get3A_219 : vector<16xf32>
      %mul3A_221 = arith.constant 16 : i32
      %mul3A_222 = arith.muli %scan3A_193, %mul3A_221 : i32
      %get3A_223 = arith.constant 4 : i32
      %get3A_224 = arith.index_cast %get3A_223 : i32 to index
      %get3A_225 = arith.index_cast %mul3A_222 : i32 to index
      %get3A_226 = tpu.vector_load %arg8[%get3A_224, %get3A_225] {strides = array<i32>} : memref<16x640xf32, #tpu.memory_space<vmem>>, vector<16xf32>,
      %add3A_227 = arith.addf %add3A_220, %get3A_226 : vector<16xf32>
      %mul3A_228 = arith.constant 16 : i32
      %mul3A_229 = arith.muli %scan3A_193, %mul3A_228 : i32
      %get3A_230 = arith.constant 5 : i32
      %get3A_231 = arith.index_cast %get3A_230 : i32 to index
      %get3A_232 = arith.index_cast %mul3A_229 : i32 to index
      %get3A_233 = tpu.vector_load %arg8[%get3A_231, %get3A_232] {strides = array<i32>} : memref<16x640xf32, #tpu.memory_space<vmem>>, vector<16xf32>,
      %add3A_234 = arith.addf %add3A_227, %get3A_233 : vector<16xf32>
      %mul3A_235 = arith.constant 16 : i32
      %mul3A_236 = arith.muli %scan3A_193, %mul3A_235 : i32
      %get3A_237 = arith.constant 6 : i32
      %get3A_238 = arith.index_cast %get3A_237 : i32 to index
      %get3A_239 = arith.index_cast %mul3A_236 : i32 to index
      %get3A_240 = tpu.vector_load %arg8[%get3A_238, %get3A_239] {strides = array<i32>} : memref<16x640xf32, #tpu.memory_space<vmem>>, vector<16xf32>,
      %add3A_241 = arith.addf %add3A_234, %get3A_240 : vector<16xf32>
      %mul3A_242 = arith.constant 16 : i32
      %mul3A_243 = arith.muli %scan3A_193, %mul3A_242 : i32
      %get3A_244 = arith.constant 7 : i32
      %get3A_245 = arith.index_cast %get3A_244 : i32 to index
      %get3A_246 = arith.index_cast %mul3A_243 : i32 to index
      %get3A_247 = tpu.vector_load %arg8[%get3A_245, %get3A_246] {strides = array<i32>} : memref<16x640xf32, #tpu.memory_space<vmem>>, vector<16xf32>,
      %add3A_248 = arith.addf %add3A_241, %get3A_247 : vector<16xf32>
      %mul3A_249 = arith.constant 16 : i32
      %mul3A_250 = arith.muli %scan3A_193, %mul3A_249 : i32
      %get3A_251 = arith.constant 8 : i32
      %get3A_252 = arith.index_cast %get3A_251 : i32 to index
      %get3A_253 = arith.index_cast %mul3A_250 : i32 to index
      %get3A_254 = tpu.vector_load %arg8[%get3A_252, %get3A_253] {strides = array<i32>} : memref<16x640xf32, #tpu.memory_space<vmem>>, vector<16xf32>,
      %add3A_255 = arith.addf %add3A_248, %get3A_254 : vector<16xf32>
      %mul3A_256 = arith.constant 16 : i32
      %mul3A_257 = arith.muli %scan3A_193, %mul3A_256 : i32
      %get3A_258 = arith.constant 9 : i32
      %get3A_259 = arith.index_cast %get3A_258 : i32 to index
      %get3A_260 = arith.index_cast %mul3A_257 : i32 to index
      %get3A_261 = tpu.vector_load %arg8[%get3A_259, %get3A_260] {strides = array<i32>} : memref<16x640xf32, #tpu.memory_space<vmem>>, vector<16xf32>,
      %add3A_262 = arith.addf %add3A_255, %get3A_261 : vector<16xf32>
      %mul3A_263 = arith.constant 16 : i32
      %mul3A_264 = arith.muli %scan3A_193, %mul3A_263 : i32
      %get3A_265 = arith.constant 10 : i32
      %get3A_266 = arith.index_cast %get3A_265 : i32 to index
      %get3A_267 = arith.index_cast %mul3A_264 : i32 to index
      %get3A_268 = tpu.vector_load %arg8[%get3A_266, %get3A_267] {strides = array<i32>} : memref<16x640xf32, #tpu.memory_space<vmem>>, vector<16xf32>,
      %add3A_269 = arith.addf %add3A_262, %get3A_268 : vector<16xf32>
      %mul3A_270 = arith.constant 16 : i32
      %mul3A_271 = arith.muli %scan3A_193, %mul3A_270 : i32
      %get3A_272 = arith.constant 11 : i32
      %get3A_273 = arith.index_cast %get3A_272 : i32 to index
      %get3A_274 = arith.index_cast %mul3A_271 : i32 to index
      %get3A_275 = tpu.vector_load %arg8[%get3A_273, %get3A_274] {strides = array<i32>} : memref<16x640xf32, #tpu.memory_space<vmem>>, vector<16xf32>,
      %add3A_276 = arith.addf %add3A_269, %get3A_275 : vector<16xf32>
      %mul3A_277 = arith.constant 16 : i32
      %mul3A_278 = arith.muli %scan3A_193, %mul3A_277 : i32
      %get3A_279 = arith.constant 12 : i32
      %get3A_280 = arith.index_cast %get3A_279 : i32 to index
      %get3A_281 = arith.index_cast %mul3A_278 : i32 to index
      %get3A_282 = tpu.vector_load %arg8[%get3A_280, %get3A_281] {strides = array<i32>} : memref<16x640xf32, #tpu.memory_space<vmem>>, vector<16xf32>,
      %add3A_283 = arith.addf %add3A_276, %get3A_282 : vector<16xf32>
      %mul3A_284 = arith.constant 16 : i32
      %mul3A_285 = arith.muli %scan3A_193, %mul3A_284 : i32
      %get3A_286 = arith.constant 13 : i32
      %get3A_287 = arith.index_cast %get3A_286 : i32 to index
      %get3A_288 = arith.index_cast %mul3A_285 : i32 to index
      %get3A_289 = tpu.vector_load %arg8[%get3A_287, %get3A_288] {strides = array<i32>} : memref<16x640xf32, #tpu.memory_space<vmem>>, vector<16xf32>,
      %add3A_290 = arith.addf %add3A_283, %get3A_289 : vector<16xf32>
      %mul3A_291 = arith.constant 16 : i32
      %mul3A_292 = arith.muli %scan3A_193, %mul3A_291 : i32
      %get3A_293 = arith.constant 14 : i32
      %get3A_294 = arith.index_cast %get3A_293 : i32 to index
      %get3A_295 = arith.index_cast %mul3A_292 : i32 to index
      %get3A_296 = tpu.vector_load %arg8[%get3A_294, %get3A_295] {strides = array<i32>} : memref<16x640xf32, #tpu.memory_space<vmem>>, vector<16xf32>,
      %add3A_297 = arith.addf %add3A_290, %get3A_296 : vector<16xf32>
      %mul3A_298 = arith.constant 16 : i32
      %mul3A_299 = arith.muli %scan3A_193, %mul3A_298 : i32
      %get3A_300 = arith.constant 15 : i32
      %get3A_301 = arith.index_cast %get3A_300 : i32 to index
      %get3A_302 = arith.index_cast %mul3A_299 : i32 to index
      %get3A_303 = tpu.vector_load %arg8[%get3A_301, %get3A_302] {strides = array<i32>} : memref<16x640xf32, #tpu.memory_space<vmem>>, vector<16xf32>,
      %add3A_304 = arith.addf %add3A_297, %get3A_303 : vector<16xf32>
      %mul3A_305 = arith.constant 16 : i32
      %mul3A_306 = arith.muli %scan3A_193, %mul3A_305 : i32
      %swap3A_307 = arith.index_cast %mul3A_306 : i32 to index
      %swap3A_308 = tpu.vector_load %arg9[%swap3A_307] {strides = array<i32>} : memref<640xf32, #tpu.memory_space<vmem>>, vector<16xf32>,
      tpu.vector_store %arg9[%swap3A_307], %add3A_304 {strides = array<i32>} : memref<640xf32, #tpu.memory_space<vmem>>, vector<16xf32>,
    }
    %scan3A_74 = arith.constant 40 : i32
    %run_scoped3A_75 = arith.constant 1 : i32
    "tpu.region"() ({
      %run_scoped3A_76 = tpu.sem_alloc : memref<!tpu.dma_semaphore, #tpu.memory_space<semaphore_mem>>
      %dma_start3A = tpu.memref_slice %arg3[%arg0, %run_scoped3A_75, %mul3A_61] : memref<2x2x10000xf32, #tpu.memory_space<hbm>> -> memref<1x1x640xf32, #tpu.memory_space<hbm>>
      %dma_start3A_77 = tpu.memref_squeeze %dma_start3A : memref<1x1x640xf32, #tpu.memory_space<hbm>> -> memref<640xf32, #tpu.memory_space<hbm>>
      %dma_start3A_78 = tpu.memref_slice %arg3[%arg0, %run_scoped3A_75, %mul3A_61] : memref<2x2x10000xf32, #tpu.memory_space<hbm>> -> memref<1x1x640xf32, #tpu.memory_space<hbm>>
      %dma_start3A_79 = tpu.memref_squeeze %dma_start3A_78 : memref<1x1x640xf32, #tpu.memory_space<hbm>> -> memref<640xf32, #tpu.memory_space<hbm>>
      tpu.enqueue_dma source(%arg9 : memref<640xf32, #tpu.memory_space<vmem>>) target(%dma_start3A_79 : memref<640xf32, #tpu.memory_space<hbm>>) target_semaphore(%run_scoped3A_76 : memref<!tpu.dma_semaphore, #tpu.memory_space<semaphore_mem>>)
      %dma_wait3A = tpu.memref_slice %arg3[%arg0, %run_scoped3A_75, %mul3A_61] : memref<2x2x10000xf32, #tpu.memory_space<hbm>> -> memref<1x1x640xf32, #tpu.memory_space<hbm>>
      %dma_wait3A_80 = tpu.memref_squeeze %dma_wait3A : memref<1x1x640xf32, #tpu.memory_space<hbm>> -> memref<640xf32, #tpu.memory_space<hbm>>
      %dma_wait3A_81 = tpu.memref_slice %arg3[%arg0, %run_scoped3A_75, %mul3A_61] : memref<2x2x10000xf32, #tpu.memory_space<hbm>> -> memref<1x1x640xf32, #tpu.memory_space<hbm>>
      %dma_wait3A_82 = tpu.memref_squeeze %dma_wait3A_81 : memref<1x1x640xf32, #tpu.memory_space<hbm>> -> memref<640xf32, #tpu.memory_space<hbm>>
      tpu.wait_dma2 semaphore(%run_scoped3A_76 : memref<!tpu.dma_semaphore, #tpu.memory_space<semaphore_mem>>) src(%arg9 : memref<640xf32, #tpu.memory_space<vmem>>) dst(%dma_wait3A_82 : memref<640xf32, #tpu.memory_space<hbm>>)
      tpu.yield
    }) : () -> ()
    return
  }
}

#map = affine_map<(d0, d1) -> (0, 0)>
#map1 = affine_map<(d0, d1) -> (0, 0, 0)>
#map2 = affine_map<(d0, d1) -> (0)>
module attributes {stable_mosaic.version = 14 : i64} {
  func.func @_sc_agg_rows(%arg0: i32, %arg1: i32, %arg2: memref<10000x16xf32, #tpu.memory_space<hbm>>, %arg3: memref<2x2x10000xf32, #tpu.memory_space<hbm>>, %arg4: memref<2x4000x80xi32, #tpu.memory_space<hbm>>, %arg5: memref<2x10000x16xf32, #tpu.memory_space<hbm>>, %arg6: memref<10000x16xf32, #tpu.memory_space<hbm>>, %arg7: memref<10000xf32, #tpu.memory_space<hbm>>, %arg8: memref<10000xf32, #tpu.memory_space<hbm>>, %arg9: memref<125x80xi32, #tpu.memory_space<vmem>>, %arg10: memref<125x80xi32, #tpu.memory_space<vmem>>, %arg11: memref<5x80x16xf32, #tpu.memory_space<vmem>>, %arg12: memref<625x16xf32, #tpu.memory_space<vmem>>, %arg13: memref<640x16xf32, #tpu.memory_space<vmem>>, %arg14: memref<640xf32, #tpu.memory_space<vmem>>, %arg15: memref<640xf32, #tpu.memory_space<vmem>>, %arg16: memref<640xf32, #tpu.memory_space<vmem>>, %arg17: memref<640xf32, #tpu.memory_space<vmem>>, %arg18: memref<10000x16xf32, #tpu.memory_space<vmem_shared>>, %arg19: memref<10000x16xf32, #tpu.memory_space<vmem_shared>>, %arg20: memref<5x!tpu.dma_semaphore, #tpu.memory_space<semaphore_mem>>, %arg21: memref<5x!tpu.dma_semaphore, #tpu.memory_space<semaphore_mem>>) attributes {dimension_semantics = [#tpu.dimension_semantics<core_parallel>, #tpu.dimension_semantics<subcore_parallel>], iteration_bounds = array<i64: 2, 16>, scalar_prefetch = 0 : i64, scratch_operands = 13 : i64, tpu.core_type = #tpu.core_type<sc_vector_subcore>, window_params = [{transform_indices = #map}, {transform_indices = #map1}, {transform_indices = #map1}, {transform_indices = #map1}, {transform_indices = #map}, {transform_indices = #map2}, {transform_indices = #map2}]} {
    %mul3A = arith.constant 2 : i32
    %mul3A_0 = arith.muli %arg1, %mul3A : i32
    %add3A = arith.addi %mul3A_0, %arg0 : i32
    %mul3A_1 = arith.constant 624 : i32
    %mul3A_2 = arith.muli %arg1, %mul3A_1 : i32
    %mul3A_3 = arith.constant 125 : i32
    %mul3A_4 = arith.muli %add3A, %mul3A_3 : i32
    %dma_start3A = arith.constant 0 : i32
    %dma_start3A_5 = arith.constant 0 : i32
    %dma_start3A_6 = arith.constant 0 : i32
    %dma_start3A_7 = tpu.memref_slice %arg4[%dma_start3A, %mul3A_4, %dma_start3A_6] : memref<2x4000x80xi32, #tpu.memory_space<hbm>> -> memref<1x125x80xi32, #tpu.memory_space<hbm>>
    %dma_start3A_8 = tpu.memref_squeeze %dma_start3A_7 : memref<1x125x80xi32, #tpu.memory_space<hbm>> -> memref<125x80xi32, #tpu.memory_space<hbm>>
    %dma_start3A_9 = tpu.memref_slice %arg20[%dma_start3A_5] : memref<5x!tpu.dma_semaphore, #tpu.memory_space<semaphore_mem>> -> memref<1x!tpu.dma_semaphore, #tpu.memory_space<semaphore_mem>>
    %dma_start3A_10 = tpu.memref_squeeze %dma_start3A_9 : memref<1x!tpu.dma_semaphore, #tpu.memory_space<semaphore_mem>> -> memref<!tpu.dma_semaphore, #tpu.memory_space<semaphore_mem>>
    %dma_start3A_11 = arith.constant 0 : i32
    %dma_start3A_12 = tpu.memref_slice %arg4[%dma_start3A, %mul3A_4, %dma_start3A_11] : memref<2x4000x80xi32, #tpu.memory_space<hbm>> -> memref<1x125x80xi32, #tpu.memory_space<hbm>>
    %dma_start3A_13 = tpu.memref_squeeze %dma_start3A_12 : memref<1x125x80xi32, #tpu.memory_space<hbm>> -> memref<125x80xi32, #tpu.memory_space<hbm>>
    tpu.enqueue_dma source(%dma_start3A_13 : memref<125x80xi32, #tpu.memory_space<hbm>>) target(%arg9 : memref<125x80xi32, #tpu.memory_space<vmem>>) target_semaphore(%dma_start3A_10 : memref<!tpu.dma_semaphore, #tpu.memory_space<semaphore_mem>>)
    %mul3A_14 = arith.constant 125 : i32
    %mul3A_15 = arith.muli %add3A, %mul3A_14 : i32
    %dma_start3A_16 = arith.constant 1 : i32
    %dma_start3A_17 = arith.constant 1 : i32
    %dma_start3A_18 = arith.constant 0 : i32
    %dma_start3A_19 = tpu.memref_slice %arg4[%dma_start3A_16, %mul3A_15, %dma_start3A_18] : memref<2x4000x80xi32, #tpu.memory_space<hbm>> -> memref<1x125x80xi32, #tpu.memory_space<hbm>>
    %dma_start3A_20 = tpu.memref_squeeze %dma_start3A_19 : memref<1x125x80xi32, #tpu.memory_space<hbm>> -> memref<125x80xi32, #tpu.memory_space<hbm>>
    %dma_start3A_21 = tpu.memref_slice %arg20[%dma_start3A_17] : memref<5x!tpu.dma_semaphore, #tpu.memory_space<semaphore_mem>> -> memref<1x!tpu.dma_semaphore, #tpu.memory_space<semaphore_mem>>
    %dma_start3A_22 = tpu.memref_squeeze %dma_start3A_21 : memref<1x!tpu.dma_semaphore, #tpu.memory_space<semaphore_mem>> -> memref<!tpu.dma_semaphore, #tpu.memory_space<semaphore_mem>>
    %dma_start3A_23 = arith.constant 0 : i32
    %dma_start3A_24 = tpu.memref_slice %arg4[%dma_start3A_16, %mul3A_15, %dma_start3A_23] : memref<2x4000x80xi32, #tpu.memory_space<hbm>> -> memref<1x125x80xi32, #tpu.memory_space<hbm>>
    %dma_start3A_25 = tpu.memref_squeeze %dma_start3A_24 : memref<1x125x80xi32, #tpu.memory_space<hbm>> -> memref<125x80xi32, #tpu.memory_space<hbm>>
    tpu.enqueue_dma source(%dma_start3A_25 : memref<125x80xi32, #tpu.memory_space<hbm>>) target(%arg10 : memref<125x80xi32, #tpu.memory_space<vmem>>) target_semaphore(%dma_start3A_22 : memref<!tpu.dma_semaphore, #tpu.memory_space<semaphore_mem>>)
    %dma_start3A_26 = arith.constant 2 : i32
    %dma_start3A_27 = arith.constant 0 : i32
    %dma_start3A_28 = tpu.memref_slice %arg2[%mul3A_2, %dma_start3A_27] : memref<10000x16xf32, #tpu.memory_space<hbm>> -> memref<640x16xf32, #tpu.memory_space<hbm>>
    %dma_start3A_29 = tpu.memref_slice %arg20[%dma_start3A_26] : memref<5x!tpu.dma_semaphore, #tpu.memory_space<semaphore_mem>> -> memref<1x!tpu.dma_semaphore, #tpu.memory_space<semaphore_mem>>
    %dma_start3A_30 = tpu.memref_squeeze %dma_start3A_29 : memref<1x!tpu.dma_semaphore, #tpu.memory_space<semaphore_mem>> -> memref<!tpu.dma_semaphore, #tpu.memory_space<semaphore_mem>>
    %dma_start3A_31 = arith.constant 0 : i32
    %dma_start3A_32 = tpu.memref_slice %arg2[%mul3A_2, %dma_start3A_31] : memref<10000x16xf32, #tpu.memory_space<hbm>> -> memref<640x16xf32, #tpu.memory_space<hbm>>
    tpu.enqueue_dma source(%dma_start3A_32 : memref<640x16xf32, #tpu.memory_space<hbm>>) target(%arg13 : memref<640x16xf32, #tpu.memory_space<vmem>>) target_semaphore(%dma_start3A_30 : memref<!tpu.dma_semaphore, #tpu.memory_space<semaphore_mem>>)
    %dma_start3A_33 = arith.constant 0 : i32
    %dma_start3A_34 = arith.constant 0 : i32
    %dma_start3A_35 = arith.constant 0 : i32
    %dma_start3A_36 = tpu.memref_slice %arg3[%dma_start3A_33, %dma_start3A_34, %mul3A_2] : memref<2x2x10000xf32, #tpu.memory_space<hbm>> -> memref<1x1x640xf32, #tpu.memory_space<hbm>>
    %dma_start3A_37 = tpu.memref_squeeze %dma_start3A_36 : memref<1x1x640xf32, #tpu.memory_space<hbm>> -> memref<640xf32, #tpu.memory_space<hbm>>
    %dma_start3A_38 = tpu.memref_slice %arg21[%dma_start3A_35] : memref<5x!tpu.dma_semaphore, #tpu.memory_space<semaphore_mem>> -> memref<1x!tpu.dma_semaphore, #tpu.memory_space<semaphore_mem>>
    %dma_start3A_39 = tpu.memref_squeeze %dma_start3A_38 : memref<1x!tpu.dma_semaphore, #tpu.memory_space<semaphore_mem>> -> memref<!tpu.dma_semaphore, #tpu.memory_space<semaphore_mem>>
    %dma_start3A_40 = tpu.memref_slice %arg3[%dma_start3A_33, %dma_start3A_34, %mul3A_2] : memref<2x2x10000xf32, #tpu.memory_space<hbm>> -> memref<1x1x640xf32, #tpu.memory_space<hbm>>
    %dma_start3A_41 = tpu.memref_squeeze %dma_start3A_40 : memref<1x1x640xf32, #tpu.memory_space<hbm>> -> memref<640xf32, #tpu.memory_space<hbm>>
    tpu.enqueue_dma source(%dma_start3A_41 : memref<640xf32, #tpu.memory_space<hbm>>) target(%arg15 : memref<640xf32, #tpu.memory_space<vmem>>) target_semaphore(%dma_start3A_39 : memref<!tpu.dma_semaphore, #tpu.memory_space<semaphore_mem>>)
    %dma_start3A_42 = arith.constant 1 : i32
    %dma_start3A_43 = arith.constant 0 : i32
    %dma_start3A_44 = arith.constant 1 : i32
    %dma_start3A_45 = tpu.memref_slice %arg3[%dma_start3A_42, %dma_start3A_43, %mul3A_2] : memref<2x2x10000xf32, #tpu.memory_space<hbm>> -> memref<1x1x640xf32, #tpu.memory_space<hbm>>
    %dma_start3A_46 = tpu.memref_squeeze %dma_start3A_45 : memref<1x1x640xf32, #tpu.memory_space<hbm>> -> memref<640xf32, #tpu.memory_space<hbm>>
    %dma_start3A_47 = tpu.memref_slice %arg21[%dma_start3A_44] : memref<5x!tpu.dma_semaphore, #tpu.memory_space<semaphore_mem>> -> memref<1x!tpu.dma_semaphore, #tpu.memory_space<semaphore_mem>>
    %dma_start3A_48 = tpu.memref_squeeze %dma_start3A_47 : memref<1x!tpu.dma_semaphore, #tpu.memory_space<semaphore_mem>> -> memref<!tpu.dma_semaphore, #tpu.memory_space<semaphore_mem>>
    %dma_start3A_49 = tpu.memref_slice %arg3[%dma_start3A_42, %dma_start3A_43, %mul3A_2] : memref<2x2x10000xf32, #tpu.memory_space<hbm>> -> memref<1x1x640xf32, #tpu.memory_space<hbm>>
    %dma_start3A_50 = tpu.memref_squeeze %dma_start3A_49 : memref<1x1x640xf32, #tpu.memory_space<hbm>> -> memref<640xf32, #tpu.memory_space<hbm>>
    tpu.enqueue_dma source(%dma_start3A_50 : memref<640xf32, #tpu.memory_space<hbm>>) target(%arg16 : memref<640xf32, #tpu.memory_space<vmem>>) target_semaphore(%dma_start3A_48 : memref<!tpu.dma_semaphore, #tpu.memory_space<semaphore_mem>>)
    %broadcast_in_dim3A = arith.constant 0.000000e+00 : f32
    %broadcast_in_dim3A_51 = vector.broadcast %broadcast_in_dim3A : f32 to vector<16xf32>
    %scan3A = arith.constant 0 : i32
    %scan3A_52 = arith.constant 0 : i32
    %scan3A_53 = arith.constant 624 : i32
    %scan3A_54 = arith.addi %scan3A_52, %scan3A_53 : i32
    %scan3A_55 = arith.constant 8 : i32
    scf.for %scan3A_472 = %scan3A_52 to %scan3A_54 step %scan3A_55  : i32 {
      %swap3A_473 = arith.index_cast %scan3A_472 : i32 to index
      %swap3A_474 = arith.constant 0 : index
      %swap3A_475 = tpu.vector_load %arg12[%swap3A_473, %swap3A_474] {strides = array<i32>} : memref<625x16xf32, #tpu.memory_space<vmem>>, vector<16xf32>,
      tpu.vector_store %arg12[%swap3A_473, %swap3A_474], %broadcast_in_dim3A_51 {strides = array<i32>} : memref<625x16xf32, #tpu.memory_space<vmem>>, vector<16xf32>,
      %scan3A_476 = arith.constant 1 : i32
      %scan3A_477 = arith.addi %scan3A_472, %scan3A_476 : i32
      %swap3A_478 = arith.index_cast %scan3A_477 : i32 to index
      %swap3A_479 = arith.constant 0 : index
      %swap3A_480 = tpu.vector_load %arg12[%swap3A_478, %swap3A_479] {strides = array<i32>} : memref<625x16xf32, #tpu.memory_space<vmem>>, vector<16xf32>,
      tpu.vector_store %arg12[%swap3A_478, %swap3A_479], %broadcast_in_dim3A_51 {strides = array<i32>} : memref<625x16xf32, #tpu.memory_space<vmem>>, vector<16xf32>,
      %scan3A_481 = arith.constant 2 : i32
      %scan3A_482 = arith.addi %scan3A_472, %scan3A_481 : i32
      %swap3A_483 = arith.index_cast %scan3A_482 : i32 to index
      %swap3A_484 = arith.constant 0 : index
      %swap3A_485 = tpu.vector_load %arg12[%swap3A_483, %swap3A_484] {strides = array<i32>} : memref<625x16xf32, #tpu.memory_space<vmem>>, vector<16xf32>,
      tpu.vector_store %arg12[%swap3A_483, %swap3A_484], %broadcast_in_dim3A_51 {strides = array<i32>} : memref<625x16xf32, #tpu.memory_space<vmem>>, vector<16xf32>,
      %scan3A_486 = arith.constant 3 : i32
      %scan3A_487 = arith.addi %scan3A_472, %scan3A_486 : i32
      %swap3A_488 = arith.index_cast %scan3A_487 : i32 to index
      %swap3A_489 = arith.constant 0 : index
      %swap3A_490 = tpu.vector_load %arg12[%swap3A_488, %swap3A_489] {strides = array<i32>} : memref<625x16xf32, #tpu.memory_space<vmem>>, vector<16xf32>,
      tpu.vector_store %arg12[%swap3A_488, %swap3A_489], %broadcast_in_dim3A_51 {strides = array<i32>} : memref<625x16xf32, #tpu.memory_space<vmem>>, vector<16xf32>,
      %scan3A_491 = arith.constant 4 : i32
      %scan3A_492 = arith.addi %scan3A_472, %scan3A_491 : i32
      %swap3A_493 = arith.index_cast %scan3A_492 : i32 to index
      %swap3A_494 = arith.constant 0 : index
      %swap3A_495 = tpu.vector_load %arg12[%swap3A_493, %swap3A_494] {strides = array<i32>} : memref<625x16xf32, #tpu.memory_space<vmem>>, vector<16xf32>,
      tpu.vector_store %arg12[%swap3A_493, %swap3A_494], %broadcast_in_dim3A_51 {strides = array<i32>} : memref<625x16xf32, #tpu.memory_space<vmem>>, vector<16xf32>,
      %scan3A_496 = arith.constant 5 : i32
      %scan3A_497 = arith.addi %scan3A_472, %scan3A_496 : i32
      %swap3A_498 = arith.index_cast %scan3A_497 : i32 to index
      %swap3A_499 = arith.constant 0 : index
      %swap3A_500 = tpu.vector_load %arg12[%swap3A_498, %swap3A_499] {strides = array<i32>} : memref<625x16xf32, #tpu.memory_space<vmem>>, vector<16xf32>,
      tpu.vector_store %arg12[%swap3A_498, %swap3A_499], %broadcast_in_dim3A_51 {strides = array<i32>} : memref<625x16xf32, #tpu.memory_space<vmem>>, vector<16xf32>,
      %scan3A_501 = arith.constant 6 : i32
      %scan3A_502 = arith.addi %scan3A_472, %scan3A_501 : i32
      %swap3A_503 = arith.index_cast %scan3A_502 : i32 to index
      %swap3A_504 = arith.constant 0 : index
      %swap3A_505 = tpu.vector_load %arg12[%swap3A_503, %swap3A_504] {strides = array<i32>} : memref<625x16xf32, #tpu.memory_space<vmem>>, vector<16xf32>,
      tpu.vector_store %arg12[%swap3A_503, %swap3A_504], %broadcast_in_dim3A_51 {strides = array<i32>} : memref<625x16xf32, #tpu.memory_space<vmem>>, vector<16xf32>,
      %scan3A_506 = arith.constant 7 : i32
      %scan3A_507 = arith.addi %scan3A_472, %scan3A_506 : i32
      %swap3A_508 = arith.index_cast %scan3A_507 : i32 to index
      %swap3A_509 = arith.constant 0 : index
      %swap3A_510 = tpu.vector_load %arg12[%swap3A_508, %swap3A_509] {strides = array<i32>} : memref<625x16xf32, #tpu.memory_space<vmem>>, vector<16xf32>,
      tpu.vector_store %arg12[%swap3A_508, %swap3A_509], %broadcast_in_dim3A_51 {strides = array<i32>} : memref<625x16xf32, #tpu.memory_space<vmem>>, vector<16xf32>,
    }
    %scan3A_56 = arith.constant 624 : i32
    %scan3A_57 = arith.addi %scan3A_52, %scan3A_56 : i32
    %swap3A = arith.index_cast %scan3A_57 : i32 to index
    %swap3A_58 = arith.constant 0 : index
    %swap3A_59 = tpu.vector_load %arg12[%swap3A, %swap3A_58] {strides = array<i32>} : memref<625x16xf32, #tpu.memory_space<vmem>>, vector<16xf32>,
    tpu.vector_store %arg12[%swap3A, %swap3A_58], %broadcast_in_dim3A_51 {strides = array<i32>} : memref<625x16xf32, #tpu.memory_space<vmem>>, vector<16xf32>,
    %scan3A_60 = arith.constant 625 : i32
    %dma_wait3A = arith.constant 0 : i32
    %dma_wait3A_61 = arith.constant 0 : i32
    %dma_wait3A_62 = arith.constant 0 : i32
    %dma_wait3A_63 = tpu.memref_slice %arg3[%dma_wait3A, %dma_wait3A_61, %mul3A_2] : memref<2x2x10000xf32, #tpu.memory_space<hbm>> -> memref<1x1x640xf32, #tpu.memory_space<hbm>>
    %dma_wait3A_64 = tpu.memref_squeeze %dma_wait3A_63 : memref<1x1x640xf32, #tpu.memory_space<hbm>> -> memref<640xf32, #tpu.memory_space<hbm>>
    %dma_wait3A_65 = tpu.memref_slice %arg21[%dma_wait3A_62] : memref<5x!tpu.dma_semaphore, #tpu.memory_space<semaphore_mem>> -> memref<1x!tpu.dma_semaphore, #tpu.memory_space<semaphore_mem>>
    %dma_wait3A_66 = tpu.memref_squeeze %dma_wait3A_65 : memref<1x!tpu.dma_semaphore, #tpu.memory_space<semaphore_mem>> -> memref<!tpu.dma_semaphore, #tpu.memory_space<semaphore_mem>>
    %dma_wait3A_67 = tpu.memref_slice %arg3[%dma_wait3A, %dma_wait3A_61, %mul3A_2] : memref<2x2x10000xf32, #tpu.memory_space<hbm>> -> memref<1x1x640xf32, #tpu.memory_space<hbm>>
    %dma_wait3A_68 = tpu.memref_squeeze %dma_wait3A_67 : memref<1x1x640xf32, #tpu.memory_space<hbm>> -> memref<640xf32, #tpu.memory_space<hbm>>
    tpu.wait_dma2 semaphore(%dma_wait3A_66 : memref<!tpu.dma_semaphore, #tpu.memory_space<semaphore_mem>>) src(%dma_wait3A_68 : memref<640xf32, #tpu.memory_space<hbm>>) dst(%arg15 : memref<640xf32, #tpu.memory_space<vmem>>)
    %dma_wait3A_69 = arith.constant 1 : i32
    %dma_wait3A_70 = arith.constant 0 : i32
    %dma_wait3A_71 = arith.constant 1 : i32
    %dma_wait3A_72 = tpu.memref_slice %arg3[%dma_wait3A_69, %dma_wait3A_70, %mul3A_2] : memref<2x2x10000xf32, #tpu.memory_space<hbm>> -> memref<1x1x640xf32, #tpu.memory_space<hbm>>
    %dma_wait3A_73 = tpu.memref_squeeze %dma_wait3A_72 : memref<1x1x640xf32, #tpu.memory_space<hbm>> -> memref<640xf32, #tpu.memory_space<hbm>>
    %dma_wait3A_74 = tpu.memref_slice %arg21[%dma_wait3A_71] : memref<5x!tpu.dma_semaphore, #tpu.memory_space<semaphore_mem>> -> memref<1x!tpu.dma_semaphore, #tpu.memory_space<semaphore_mem>>
    %dma_wait3A_75 = tpu.memref_squeeze %dma_wait3A_74 : memref<1x!tpu.dma_semaphore, #tpu.memory_space<semaphore_mem>> -> memref<!tpu.dma_semaphore, #tpu.memory_space<semaphore_mem>>
    %dma_wait3A_76 = tpu.memref_slice %arg3[%dma_wait3A_69, %dma_wait3A_70, %mul3A_2] : memref<2x2x10000xf32, #tpu.memory_space<hbm>> -> memref<1x1x640xf32, #tpu.memory_space<hbm>>
    %dma_wait3A_77 = tpu.memref_squeeze %dma_wait3A_76 : memref<1x1x640xf32, #tpu.memory_space<hbm>> -> memref<640xf32, #tpu.memory_space<hbm>>
    tpu.wait_dma2 semaphore(%dma_wait3A_75 : memref<!tpu.dma_semaphore, #tpu.memory_space<semaphore_mem>>) src(%dma_wait3A_77 : memref<640xf32, #tpu.memory_space<hbm>>) dst(%arg16 : memref<640xf32, #tpu.memory_space<vmem>>)
    %dma_start3A_78 = arith.constant 0 : i32
    %dma_start3A_79 = arith.constant 1 : i32
    %dma_start3A_80 = arith.constant 0 : i32
    %dma_start3A_81 = tpu.memref_slice %arg3[%dma_start3A_78, %dma_start3A_79, %mul3A_2] : memref<2x2x10000xf32, #tpu.memory_space<hbm>> -> memref<1x1x640xf32, #tpu.memory_space<hbm>>
    %dma_start3A_82 = tpu.memref_squeeze %dma_start3A_81 : memref<1x1x640xf32, #tpu.memory_space<hbm>> -> memref<640xf32, #tpu.memory_space<hbm>>
    %dma_start3A_83 = tpu.memref_slice %arg21[%dma_start3A_80] : memref<5x!tpu.dma_semaphore, #tpu.memory_space<semaphore_mem>> -> memref<1x!tpu.dma_semaphore, #tpu.memory_space<semaphore_mem>>
    %dma_start3A_84 = tpu.memref_squeeze %dma_start3A_83 : memref<1x!tpu.dma_semaphore, #tpu.memory_space<semaphore_mem>> -> memref<!tpu.dma_semaphore, #tpu.memory_space<semaphore_mem>>
    %dma_start3A_85 = tpu.memref_slice %arg3[%dma_start3A_78, %dma_start3A_79, %mul3A_2] : memref<2x2x10000xf32, #tpu.memory_space<hbm>> -> memref<1x1x640xf32, #tpu.memory_space<hbm>>
    %dma_start3A_86 = tpu.memref_squeeze %dma_start3A_85 : memref<1x1x640xf32, #tpu.memory_space<hbm>> -> memref<640xf32, #tpu.memory_space<hbm>>
    tpu.enqueue_dma source(%dma_start3A_86 : memref<640xf32, #tpu.memory_space<hbm>>) target(%arg14 : memref<640xf32, #tpu.memory_space<vmem>>) target_semaphore(%dma_start3A_84 : memref<!tpu.dma_semaphore, #tpu.memory_space<semaphore_mem>>)
    %dma_start3A_87 = arith.constant 1 : i32
    %dma_start3A_88 = arith.constant 1 : i32
    %dma_start3A_89 = arith.constant 1 : i32
    %dma_start3A_90 = tpu.memref_slice %arg3[%dma_start3A_87, %dma_start3A_88, %mul3A_2] : memref<2x2x10000xf32, #tpu.memory_space<hbm>> -> memref<1x1x640xf32, #tpu.memory_space<hbm>>
    %dma_start3A_91 = tpu.memref_squeeze %dma_start3A_90 : memref<1x1x640xf32, #tpu.memory_space<hbm>> -> memref<640xf32, #tpu.memory_space<hbm>>
    %dma_start3A_92 = tpu.memref_slice %arg21[%dma_start3A_89] : memref<5x!tpu.dma_semaphore, #tpu.memory_space<semaphore_mem>> -> memref<1x!tpu.dma_semaphore, #tpu.memory_space<semaphore_mem>>
    %dma_start3A_93 = tpu.memref_squeeze %dma_start3A_92 : memref<1x!tpu.dma_semaphore, #tpu.memory_space<semaphore_mem>> -> memref<!tpu.dma_semaphore, #tpu.memory_space<semaphore_mem>>
    %dma_start3A_94 = tpu.memref_slice %arg3[%dma_start3A_87, %dma_start3A_88, %mul3A_2] : memref<2x2x10000xf32, #tpu.memory_space<hbm>> -> memref<1x1x640xf32, #tpu.memory_space<hbm>>
    %dma_start3A_95 = tpu.memref_squeeze %dma_start3A_94 : memref<1x1x640xf32, #tpu.memory_space<hbm>> -> memref<640xf32, #tpu.memory_space<hbm>>
    tpu.enqueue_dma source(%dma_start3A_95 : memref<640xf32, #tpu.memory_space<hbm>>) target(%arg17 : memref<640xf32, #tpu.memory_space<vmem>>) target_semaphore(%dma_start3A_93 : memref<!tpu.dma_semaphore, #tpu.memory_space<semaphore_mem>>)
    %scan3A_96 = arith.constant 0 : i32
    %scan3A_97 = arith.constant 0 : i32
    %scan3A_98 = arith.constant 40 : i32
    %scan3A_99 = arith.addi %scan3A_97, %scan3A_98 : i32
    %scan3A_100 = arith.constant 2 : i32
    scf.for %scan3A_472 = %scan3A_97 to %scan3A_99 step %scan3A_100  : i32 {
      %mul3A_473 = arith.constant 16 : i32
      %mul3A_474 = arith.muli %scan3A_472, %mul3A_473 : i32
      %get3A = arith.index_cast %mul3A_474 : i32 to index
      %get3A_475 = tpu.vector_load %arg15[%get3A] {strides = array<i32>} : memref<640xf32, #tpu.memory_space<vmem>>, vector<16xf32>,
      %mul3A_476 = arith.constant 16 : i32
      %mul3A_477 = arith.muli %scan3A_472, %mul3A_476 : i32
      %get3A_478 = arith.index_cast %mul3A_477 : i32 to index
      %get3A_479 = tpu.vector_load %arg16[%get3A_478] {strides = array<i32>} : memref<640xf32, #tpu.memory_space<vmem>>, vector<16xf32>,
      %add3A_480 = arith.addf %get3A_475, %get3A_479 : vector<16xf32>
      %add3A_481 = arith.constant 1.000000e+00 : f32
      %add3A_482 = vector.broadcast %add3A_481 : f32 to vector<16xf32>
      %add3A_483 = arith.addf %add3A_480, %add3A_482 : vector<16xf32>
      %bitcast3A = vector.bitcast %add3A_483 : vector<16xf32> to vector<16xi32>
      %shift_right_arithmetic3A = arith.constant 1 : i32
      %shift_right_arithmetic3A_484 = vector.broadcast %shift_right_arithmetic3A : i32 to vector<16xi32>
      %shift_right_arithmetic3A_485 = arith.shrsi %bitcast3A, %shift_right_arithmetic3A_484 : vector<16xi32>
      %sub3A = arith.constant 1597463007 : i32
      %sub3A_486 = vector.broadcast %sub3A : i32 to vector<16xi32>
      %sub3A_487 = arith.subi %sub3A_486, %shift_right_arithmetic3A_485 : vector<16xi32>
      %bitcast3A_488 = vector.bitcast %sub3A_487 : vector<16xi32> to vector<16xf32>
      %mul3A_489 = arith.constant 5.000000e-01 : f32
      %mul3A_490 = vector.broadcast %mul3A_489 : f32 to vector<16xf32>
      %mul3A_491 = arith.mulf %mul3A_490, %add3A_483 : vector<16xf32>
      %mul3A_492 = arith.mulf %mul3A_491, %bitcast3A_488 : vector<16xf32>
      %mul3A_493 = arith.mulf %mul3A_492, %bitcast3A_488 : vector<16xf32>
      %sub3A_494 = arith.constant 1.500000e+00 : f32
      %sub3A_495 = vector.broadcast %sub3A_494 : f32 to vector<16xf32>
      %sub3A_496 = arith.subf %sub3A_495, %mul3A_493 : vector<16xf32>
      %mul3A_497 = arith.mulf %bitcast3A_488, %sub3A_496 : vector<16xf32>
      %mul3A_498 = arith.constant 5.000000e-01 : f32
      %mul3A_499 = vector.broadcast %mul3A_498 : f32 to vector<16xf32>
      %mul3A_500 = arith.mulf %mul3A_499, %add3A_483 : vector<16xf32>
      %mul3A_501 = arith.mulf %mul3A_500, %mul3A_497 : vector<16xf32>
      %mul3A_502 = arith.mulf %mul3A_501, %mul3A_497 : vector<16xf32>
      %sub3A_503 = arith.constant 1.500000e+00 : f32
      %sub3A_504 = vector.broadcast %sub3A_503 : f32 to vector<16xf32>
      %sub3A_505 = arith.subf %sub3A_504, %mul3A_502 : vector<16xf32>
      %mul3A_506 = arith.mulf %mul3A_497, %sub3A_505 : vector<16xf32>
      %mul3A_507 = arith.constant 5.000000e-01 : f32
      %mul3A_508 = vector.broadcast %mul3A_507 : f32 to vector<16xf32>
      %mul3A_509 = arith.mulf %mul3A_508, %add3A_483 : vector<16xf32>
      %mul3A_510 = arith.mulf %mul3A_509, %mul3A_506 : vector<16xf32>
      %mul3A_511 = arith.mulf %mul3A_510, %mul3A_506 : vector<16xf32>
      %sub3A_512 = arith.constant 1.500000e+00 : f32
      %sub3A_513 = vector.broadcast %sub3A_512 : f32 to vector<16xf32>
      %sub3A_514 = arith.subf %sub3A_513, %mul3A_511 : vector<16xf32>
      %mul3A_515 = arith.mulf %mul3A_506, %sub3A_514 : vector<16xf32>
      %mul3A_516 = arith.constant 16 : i32
      %mul3A_517 = arith.muli %scan3A_472, %mul3A_516 : i32
      %swap3A_518 = arith.index_cast %mul3A_517 : i32 to index
      %swap3A_519 = tpu.vector_load %arg15[%swap3A_518] {strides = array<i32>} : memref<640xf32, #tpu.memory_space<vmem>>, vector<16xf32>,
      tpu.vector_store %arg15[%swap3A_518], %mul3A_515 {strides = array<i32>} : memref<640xf32, #tpu.memory_space<vmem>>, vector<16xf32>,
      %scan3A_520 = arith.constant 1 : i32
      %scan3A_521 = arith.addi %scan3A_472, %scan3A_520 : i32
      %mul3A_522 = arith.constant 16 : i32
      %mul3A_523 = arith.muli %scan3A_521, %mul3A_522 : i32
      %get3A_524 = arith.index_cast %mul3A_523 : i32 to index
      %get3A_525 = tpu.vector_load %arg15[%get3A_524] {strides = array<i32>} : memref<640xf32, #tpu.memory_space<vmem>>, vector<16xf32>,
      %mul3A_526 = arith.constant 16 : i32
      %mul3A_527 = arith.muli %scan3A_521, %mul3A_526 : i32
      %get3A_528 = arith.index_cast %mul3A_527 : i32 to index
      %get3A_529 = tpu.vector_load %arg16[%get3A_528] {strides = array<i32>} : memref<640xf32, #tpu.memory_space<vmem>>, vector<16xf32>,
      %add3A_530 = arith.addf %get3A_525, %get3A_529 : vector<16xf32>
      %add3A_531 = arith.constant 1.000000e+00 : f32
      %add3A_532 = vector.broadcast %add3A_531 : f32 to vector<16xf32>
      %add3A_533 = arith.addf %add3A_530, %add3A_532 : vector<16xf32>
      %bitcast3A_534 = vector.bitcast %add3A_533 : vector<16xf32> to vector<16xi32>
      %shift_right_arithmetic3A_535 = arith.constant 1 : i32
      %shift_right_arithmetic3A_536 = vector.broadcast %shift_right_arithmetic3A_535 : i32 to vector<16xi32>
      %shift_right_arithmetic3A_537 = arith.shrsi %bitcast3A_534, %shift_right_arithmetic3A_536 : vector<16xi32>
      %sub3A_538 = arith.constant 1597463007 : i32
      %sub3A_539 = vector.broadcast %sub3A_538 : i32 to vector<16xi32>
      %sub3A_540 = arith.subi %sub3A_539, %shift_right_arithmetic3A_537 : vector<16xi32>
      %bitcast3A_541 = vector.bitcast %sub3A_540 : vector<16xi32> to vector<16xf32>
      %mul3A_542 = arith.constant 5.000000e-01 : f32
      %mul3A_543 = vector.broadcast %mul3A_542 : f32 to vector<16xf32>
      %mul3A_544 = arith.mulf %mul3A_543, %add3A_533 : vector<16xf32>
      %mul3A_545 = arith.mulf %mul3A_544, %bitcast3A_541 : vector<16xf32>
      %mul3A_546 = arith.mulf %mul3A_545, %bitcast3A_541 : vector<16xf32>
      %sub3A_547 = arith.constant 1.500000e+00 : f32
      %sub3A_548 = vector.broadcast %sub3A_547 : f32 to vector<16xf32>
      %sub3A_549 = arith.subf %sub3A_548, %mul3A_546 : vector<16xf32>
      %mul3A_550 = arith.mulf %bitcast3A_541, %sub3A_549 : vector<16xf32>
      %mul3A_551 = arith.constant 5.000000e-01 : f32
      %mul3A_552 = vector.broadcast %mul3A_551 : f32 to vector<16xf32>
      %mul3A_553 = arith.mulf %mul3A_552, %add3A_533 : vector<16xf32>
      %mul3A_554 = arith.mulf %mul3A_553, %mul3A_550 : vector<16xf32>
      %mul3A_555 = arith.mulf %mul3A_554, %mul3A_550 : vector<16xf32>
      %sub3A_556 = arith.constant 1.500000e+00 : f32
      %sub3A_557 = vector.broadcast %sub3A_556 : f32 to vector<16xf32>
      %sub3A_558 = arith.subf %sub3A_557, %mul3A_555 : vector<16xf32>
      %mul3A_559 = arith.mulf %mul3A_550, %sub3A_558 : vector<16xf32>
      %mul3A_560 = arith.constant 5.000000e-01 : f32
      %mul3A_561 = vector.broadcast %mul3A_560 : f32 to vector<16xf32>
      %mul3A_562 = arith.mulf %mul3A_561, %add3A_533 : vector<16xf32>
      %mul3A_563 = arith.mulf %mul3A_562, %mul3A_559 : vector<16xf32>
      %mul3A_564 = arith.mulf %mul3A_563, %mul3A_559 : vector<16xf32>
      %sub3A_565 = arith.constant 1.500000e+00 : f32
      %sub3A_566 = vector.broadcast %sub3A_565 : f32 to vector<16xf32>
      %sub3A_567 = arith.subf %sub3A_566, %mul3A_564 : vector<16xf32>
      %mul3A_568 = arith.mulf %mul3A_559, %sub3A_567 : vector<16xf32>
      %mul3A_569 = arith.constant 16 : i32
      %mul3A_570 = arith.muli %scan3A_521, %mul3A_569 : i32
      %swap3A_571 = arith.index_cast %mul3A_570 : i32 to index
      %swap3A_572 = tpu.vector_load %arg15[%swap3A_571] {strides = array<i32>} : memref<640xf32, #tpu.memory_space<vmem>>, vector<16xf32>,
      tpu.vector_store %arg15[%swap3A_571], %mul3A_568 {strides = array<i32>} : memref<640xf32, #tpu.memory_space<vmem>>, vector<16xf32>,
    }
    %scan3A_101 = arith.constant 40 : i32
    %dma_wait3A_102 = arith.constant 0 : i32
    %dma_wait3A_103 = arith.constant 1 : i32
    %dma_wait3A_104 = arith.constant 0 : i32
    %dma_wait3A_105 = tpu.memref_slice %arg3[%dma_wait3A_102, %dma_wait3A_103, %mul3A_2] : memref<2x2x10000xf32, #tpu.memory_space<hbm>> -> memref<1x1x640xf32, #tpu.memory_space<hbm>>
    %dma_wait3A_106 = tpu.memref_squeeze %dma_wait3A_105 : memref<1x1x640xf32, #tpu.memory_space<hbm>> -> memref<640xf32, #tpu.memory_space<hbm>>
    %dma_wait3A_107 = tpu.memref_slice %arg21[%dma_wait3A_104] : memref<5x!tpu.dma_semaphore, #tpu.memory_space<semaphore_mem>> -> memref<1x!tpu.dma_semaphore, #tpu.memory_space<semaphore_mem>>
    %dma_wait3A_108 = tpu.memref_squeeze %dma_wait3A_107 : memref<1x!tpu.dma_semaphore, #tpu.memory_space<semaphore_mem>> -> memref<!tpu.dma_semaphore, #tpu.memory_space<semaphore_mem>>
    %dma_wait3A_109 = tpu.memref_slice %arg3[%dma_wait3A_102, %dma_wait3A_103, %mul3A_2] : memref<2x2x10000xf32, #tpu.memory_space<hbm>> -> memref<1x1x640xf32, #tpu.memory_space<hbm>>
    %dma_wait3A_110 = tpu.memref_squeeze %dma_wait3A_109 : memref<1x1x640xf32, #tpu.memory_space<hbm>> -> memref<640xf32, #tpu.memory_space<hbm>>
    tpu.wait_dma2 semaphore(%dma_wait3A_108 : memref<!tpu.dma_semaphore, #tpu.memory_space<semaphore_mem>>) src(%dma_wait3A_110 : memref<640xf32, #tpu.memory_space<hbm>>) dst(%arg14 : memref<640xf32, #tpu.memory_space<vmem>>)
    %dma_wait3A_111 = arith.constant 1 : i32
    %dma_wait3A_112 = arith.constant 1 : i32
    %dma_wait3A_113 = arith.constant 1 : i32
    %dma_wait3A_114 = tpu.memref_slice %arg3[%dma_wait3A_111, %dma_wait3A_112, %mul3A_2] : memref<2x2x10000xf32, #tpu.memory_space<hbm>> -> memref<1x1x640xf32, #tpu.memory_space<hbm>>
    %dma_wait3A_115 = tpu.memref_squeeze %dma_wait3A_114 : memref<1x1x640xf32, #tpu.memory_space<hbm>> -> memref<640xf32, #tpu.memory_space<hbm>>
    %dma_wait3A_116 = tpu.memref_slice %arg21[%dma_wait3A_113] : memref<5x!tpu.dma_semaphore, #tpu.memory_space<semaphore_mem>> -> memref<1x!tpu.dma_semaphore, #tpu.memory_space<semaphore_mem>>
    %dma_wait3A_117 = tpu.memref_squeeze %dma_wait3A_116 : memref<1x!tpu.dma_semaphore, #tpu.memory_space<semaphore_mem>> -> memref<!tpu.dma_semaphore, #tpu.memory_space<semaphore_mem>>
    %dma_wait3A_118 = tpu.memref_slice %arg3[%dma_wait3A_111, %dma_wait3A_112, %mul3A_2] : memref<2x2x10000xf32, #tpu.memory_space<hbm>> -> memref<1x1x640xf32, #tpu.memory_space<hbm>>
    %dma_wait3A_119 = tpu.memref_squeeze %dma_wait3A_118 : memref<1x1x640xf32, #tpu.memory_space<hbm>> -> memref<640xf32, #tpu.memory_space<hbm>>
    tpu.wait_dma2 semaphore(%dma_wait3A_117 : memref<!tpu.dma_semaphore, #tpu.memory_space<semaphore_mem>>) src(%dma_wait3A_119 : memref<640xf32, #tpu.memory_space<hbm>>) dst(%arg17 : memref<640xf32, #tpu.memory_space<vmem>>)
    %scan3A_120 = arith.constant 0 : i32
    %scan3A_121 = arith.constant 0 : i32
    %scan3A_122 = arith.constant 40 : i32
    %scan3A_123 = arith.addi %scan3A_121, %scan3A_122 : i32
    %scan3A_124 = arith.constant 2 : i32
    scf.for %scan3A_472 = %scan3A_121 to %scan3A_123 step %scan3A_124  : i32 {
      %mul3A_473 = arith.constant 16 : i32
      %mul3A_474 = arith.muli %scan3A_472, %mul3A_473 : i32
      %get3A = arith.index_cast %mul3A_474 : i32 to index
      %get3A_475 = tpu.vector_load %arg14[%get3A] {strides = array<i32>} : memref<640xf32, #tpu.memory_space<vmem>>, vector<16xf32>,
      %mul3A_476 = arith.constant 16 : i32
      %mul3A_477 = arith.muli %scan3A_472, %mul3A_476 : i32
      %get3A_478 = arith.index_cast %mul3A_477 : i32 to index
      %get3A_479 = tpu.vector_load %arg17[%get3A_478] {strides = array<i32>} : memref<640xf32, #tpu.memory_space<vmem>>, vector<16xf32>,
      %add3A_480 = arith.addf %get3A_475, %get3A_479 : vector<16xf32>
      %add3A_481 = arith.constant 1.000000e+00 : f32
      %add3A_482 = vector.broadcast %add3A_481 : f32 to vector<16xf32>
      %add3A_483 = arith.addf %add3A_480, %add3A_482 : vector<16xf32>
      %bitcast3A = vector.bitcast %add3A_483 : vector<16xf32> to vector<16xi32>
      %shift_right_arithmetic3A = arith.constant 1 : i32
      %shift_right_arithmetic3A_484 = vector.broadcast %shift_right_arithmetic3A : i32 to vector<16xi32>
      %shift_right_arithmetic3A_485 = arith.shrsi %bitcast3A, %shift_right_arithmetic3A_484 : vector<16xi32>
      %sub3A = arith.constant 1597463007 : i32
      %sub3A_486 = vector.broadcast %sub3A : i32 to vector<16xi32>
      %sub3A_487 = arith.subi %sub3A_486, %shift_right_arithmetic3A_485 : vector<16xi32>
      %bitcast3A_488 = vector.bitcast %sub3A_487 : vector<16xi32> to vector<16xf32>
      %mul3A_489 = arith.constant 5.000000e-01 : f32
      %mul3A_490 = vector.broadcast %mul3A_489 : f32 to vector<16xf32>
      %mul3A_491 = arith.mulf %mul3A_490, %add3A_483 : vector<16xf32>
      %mul3A_492 = arith.mulf %mul3A_491, %bitcast3A_488 : vector<16xf32>
      %mul3A_493 = arith.mulf %mul3A_492, %bitcast3A_488 : vector<16xf32>
      %sub3A_494 = arith.constant 1.500000e+00 : f32
      %sub3A_495 = vector.broadcast %sub3A_494 : f32 to vector<16xf32>
      %sub3A_496 = arith.subf %sub3A_495, %mul3A_493 : vector<16xf32>
      %mul3A_497 = arith.mulf %bitcast3A_488, %sub3A_496 : vector<16xf32>
      %mul3A_498 = arith.constant 5.000000e-01 : f32
      %mul3A_499 = vector.broadcast %mul3A_498 : f32 to vector<16xf32>
      %mul3A_500 = arith.mulf %mul3A_499, %add3A_483 : vector<16xf32>
      %mul3A_501 = arith.mulf %mul3A_500, %mul3A_497 : vector<16xf32>
      %mul3A_502 = arith.mulf %mul3A_501, %mul3A_497 : vector<16xf32>
      %sub3A_503 = arith.constant 1.500000e+00 : f32
      %sub3A_504 = vector.broadcast %sub3A_503 : f32 to vector<16xf32>
      %sub3A_505 = arith.subf %sub3A_504, %mul3A_502 : vector<16xf32>
      %mul3A_506 = arith.mulf %mul3A_497, %sub3A_505 : vector<16xf32>
      %mul3A_507 = arith.constant 5.000000e-01 : f32
      %mul3A_508 = vector.broadcast %mul3A_507 : f32 to vector<16xf32>
      %mul3A_509 = arith.mulf %mul3A_508, %add3A_483 : vector<16xf32>
      %mul3A_510 = arith.mulf %mul3A_509, %mul3A_506 : vector<16xf32>
      %mul3A_511 = arith.mulf %mul3A_510, %mul3A_506 : vector<16xf32>
      %sub3A_512 = arith.constant 1.500000e+00 : f32
      %sub3A_513 = vector.broadcast %sub3A_512 : f32 to vector<16xf32>
      %sub3A_514 = arith.subf %sub3A_513, %mul3A_511 : vector<16xf32>
      %mul3A_515 = arith.mulf %mul3A_506, %sub3A_514 : vector<16xf32>
      %mul3A_516 = arith.constant 16 : i32
      %mul3A_517 = arith.muli %scan3A_472, %mul3A_516 : i32
      %swap3A_518 = arith.index_cast %mul3A_517 : i32 to index
      %swap3A_519 = tpu.vector_load %arg14[%swap3A_518] {strides = array<i32>} : memref<640xf32, #tpu.memory_space<vmem>>, vector<16xf32>,
      tpu.vector_store %arg14[%swap3A_518], %mul3A_515 {strides = array<i32>} : memref<640xf32, #tpu.memory_space<vmem>>, vector<16xf32>,
      %scan3A_520 = arith.constant 1 : i32
      %scan3A_521 = arith.addi %scan3A_472, %scan3A_520 : i32
      %mul3A_522 = arith.constant 16 : i32
      %mul3A_523 = arith.muli %scan3A_521, %mul3A_522 : i32
      %get3A_524 = arith.index_cast %mul3A_523 : i32 to index
      %get3A_525 = tpu.vector_load %arg14[%get3A_524] {strides = array<i32>} : memref<640xf32, #tpu.memory_space<vmem>>, vector<16xf32>,
      %mul3A_526 = arith.constant 16 : i32
      %mul3A_527 = arith.muli %scan3A_521, %mul3A_526 : i32
      %get3A_528 = arith.index_cast %mul3A_527 : i32 to index
      %get3A_529 = tpu.vector_load %arg17[%get3A_528] {strides = array<i32>} : memref<640xf32, #tpu.memory_space<vmem>>, vector<16xf32>,
      %add3A_530 = arith.addf %get3A_525, %get3A_529 : vector<16xf32>
      %add3A_531 = arith.constant 1.000000e+00 : f32
      %add3A_532 = vector.broadcast %add3A_531 : f32 to vector<16xf32>
      %add3A_533 = arith.addf %add3A_530, %add3A_532 : vector<16xf32>
      %bitcast3A_534 = vector.bitcast %add3A_533 : vector<16xf32> to vector<16xi32>
      %shift_right_arithmetic3A_535 = arith.constant 1 : i32
      %shift_right_arithmetic3A_536 = vector.broadcast %shift_right_arithmetic3A_535 : i32 to vector<16xi32>
      %shift_right_arithmetic3A_537 = arith.shrsi %bitcast3A_534, %shift_right_arithmetic3A_536 : vector<16xi32>
      %sub3A_538 = arith.constant 1597463007 : i32
      %sub3A_539 = vector.broadcast %sub3A_538 : i32 to vector<16xi32>
      %sub3A_540 = arith.subi %sub3A_539, %shift_right_arithmetic3A_537 : vector<16xi32>
      %bitcast3A_541 = vector.bitcast %sub3A_540 : vector<16xi32> to vector<16xf32>
      %mul3A_542 = arith.constant 5.000000e-01 : f32
      %mul3A_543 = vector.broadcast %mul3A_542 : f32 to vector<16xf32>
      %mul3A_544 = arith.mulf %mul3A_543, %add3A_533 : vector<16xf32>
      %mul3A_545 = arith.mulf %mul3A_544, %bitcast3A_541 : vector<16xf32>
      %mul3A_546 = arith.mulf %mul3A_545, %bitcast3A_541 : vector<16xf32>
      %sub3A_547 = arith.constant 1.500000e+00 : f32
      %sub3A_548 = vector.broadcast %sub3A_547 : f32 to vector<16xf32>
      %sub3A_549 = arith.subf %sub3A_548, %mul3A_546 : vector<16xf32>
      %mul3A_550 = arith.mulf %bitcast3A_541, %sub3A_549 : vector<16xf32>
      %mul3A_551 = arith.constant 5.000000e-01 : f32
      %mul3A_552 = vector.broadcast %mul3A_551 : f32 to vector<16xf32>
      %mul3A_553 = arith.mulf %mul3A_552, %add3A_533 : vector<16xf32>
      %mul3A_554 = arith.mulf %mul3A_553, %mul3A_550 : vector<16xf32>
      %mul3A_555 = arith.mulf %mul3A_554, %mul3A_550 : vector<16xf32>
      %sub3A_556 = arith.constant 1.500000e+00 : f32
      %sub3A_557 = vector.broadcast %sub3A_556 : f32 to vector<16xf32>
      %sub3A_558 = arith.subf %sub3A_557, %mul3A_555 : vector<16xf32>
      %mul3A_559 = arith.mulf %mul3A_550, %sub3A_558 : vector<16xf32>
      %mul3A_560 = arith.constant 5.000000e-01 : f32
      %mul3A_561 = vector.broadcast %mul3A_560 : f32 to vector<16xf32>
      %mul3A_562 = arith.mulf %mul3A_561, %add3A_533 : vector<16xf32>
      %mul3A_563 = arith.mulf %mul3A_562, %mul3A_559 : vector<16xf32>
      %mul3A_564 = arith.mulf %mul3A_563, %mul3A_559 : vector<16xf32>
      %sub3A_565 = arith.constant 1.500000e+00 : f32
      %sub3A_566 = vector.broadcast %sub3A_565 : f32 to vector<16xf32>
      %sub3A_567 = arith.subf %sub3A_566, %mul3A_564 : vector<16xf32>
      %mul3A_568 = arith.mulf %mul3A_559, %sub3A_567 : vector<16xf32>
      %mul3A_569 = arith.constant 16 : i32
      %mul3A_570 = arith.muli %scan3A_521, %mul3A_569 : i32
      %swap3A_571 = arith.index_cast %mul3A_570 : i32 to index
      %swap3A_572 = tpu.vector_load %arg14[%swap3A_571] {strides = array<i32>} : memref<640xf32, #tpu.memory_space<vmem>>, vector<16xf32>,
      tpu.vector_store %arg14[%swap3A_571], %mul3A_568 {strides = array<i32>} : memref<640xf32, #tpu.memory_space<vmem>>, vector<16xf32>,
    }
    %scan3A_125 = arith.constant 40 : i32
    "tpu.region"() ({
      %run_scoped3A = tpu.sem_alloc : memref<!tpu.dma_semaphore, #tpu.memory_space<semaphore_mem>>
      %dma_start3A_472 = tpu.memref_slice %arg8[%mul3A_2] : memref<10000xf32, #tpu.memory_space<hbm>> -> memref<640xf32, #tpu.memory_space<hbm>>
      %dma_start3A_473 = tpu.memref_slice %arg8[%mul3A_2] : memref<10000xf32, #tpu.memory_space<hbm>> -> memref<640xf32, #tpu.memory_space<hbm>>
      tpu.enqueue_dma source(%arg15 : memref<640xf32, #tpu.memory_space<vmem>>) target(%dma_start3A_473 : memref<640xf32, #tpu.memory_space<hbm>>) target_semaphore(%run_scoped3A : memref<!tpu.dma_semaphore, #tpu.memory_space<semaphore_mem>>)
      %dma_wait3A_474 = tpu.memref_slice %arg8[%mul3A_2] : memref<10000xf32, #tpu.memory_space<hbm>> -> memref<640xf32, #tpu.memory_space<hbm>>
      %dma_wait3A_475 = tpu.memref_slice %arg8[%mul3A_2] : memref<10000xf32, #tpu.memory_space<hbm>> -> memref<640xf32, #tpu.memory_space<hbm>>
      tpu.wait_dma2 semaphore(%run_scoped3A : memref<!tpu.dma_semaphore, #tpu.memory_space<semaphore_mem>>) src(%arg15 : memref<640xf32, #tpu.memory_space<vmem>>) dst(%dma_wait3A_475 : memref<640xf32, #tpu.memory_space<hbm>>)
      tpu.yield
    }) : () -> ()
    "tpu.region"() ({
      %run_scoped3A = tpu.sem_alloc : memref<!tpu.dma_semaphore, #tpu.memory_space<semaphore_mem>>
      %dma_start3A_472 = tpu.memref_slice %arg7[%mul3A_2] : memref<10000xf32, #tpu.memory_space<hbm>> -> memref<640xf32, #tpu.memory_space<hbm>>
      %dma_start3A_473 = tpu.memref_slice %arg7[%mul3A_2] : memref<10000xf32, #tpu.memory_space<hbm>> -> memref<640xf32, #tpu.memory_space<hbm>>
      tpu.enqueue_dma source(%arg14 : memref<640xf32, #tpu.memory_space<vmem>>) target(%dma_start3A_473 : memref<640xf32, #tpu.memory_space<hbm>>) target_semaphore(%run_scoped3A : memref<!tpu.dma_semaphore, #tpu.memory_space<semaphore_mem>>)
      %dma_wait3A_474 = tpu.memref_slice %arg7[%mul3A_2] : memref<10000xf32, #tpu.memory_space<hbm>> -> memref<640xf32, #tpu.memory_space<hbm>>
      %dma_wait3A_475 = tpu.memref_slice %arg7[%mul3A_2] : memref<10000xf32, #tpu.memory_space<hbm>> -> memref<640xf32, #tpu.memory_space<hbm>>
      tpu.wait_dma2 semaphore(%run_scoped3A : memref<!tpu.dma_semaphore, #tpu.memory_space<semaphore_mem>>) src(%arg14 : memref<640xf32, #tpu.memory_space<vmem>>) dst(%dma_wait3A_475 : memref<640xf32, #tpu.memory_space<hbm>>)
      tpu.yield
    }) : () -> ()
    %dma_wait3A_126 = arith.constant 2 : i32
    %dma_wait3A_127 = arith.constant 0 : i32
    %dma_wait3A_128 = tpu.memref_slice %arg2[%mul3A_2, %dma_wait3A_127] : memref<10000x16xf32, #tpu.memory_space<hbm>> -> memref<640x16xf32, #tpu.memory_space<hbm>>
    %dma_wait3A_129 = tpu.memref_slice %arg20[%dma_wait3A_126] : memref<5x!tpu.dma_semaphore, #tpu.memory_space<semaphore_mem>> -> memref<1x!tpu.dma_semaphore, #tpu.memory_space<semaphore_mem>>
    %dma_wait3A_130 = tpu.memref_squeeze %dma_wait3A_129 : memref<1x!tpu.dma_semaphore, #tpu.memory_space<semaphore_mem>> -> memref<!tpu.dma_semaphore, #tpu.memory_space<semaphore_mem>>
    %dma_wait3A_131 = arith.constant 0 : i32
    %dma_wait3A_132 = tpu.memref_slice %arg2[%mul3A_2, %dma_wait3A_131] : memref<10000x16xf32, #tpu.memory_space<hbm>> -> memref<640x16xf32, #tpu.memory_space<hbm>>
    tpu.wait_dma2 semaphore(%dma_wait3A_130 : memref<!tpu.dma_semaphore, #tpu.memory_space<semaphore_mem>>) src(%dma_wait3A_132 : memref<640x16xf32, #tpu.memory_space<hbm>>) dst(%arg13 : memref<640x16xf32, #tpu.memory_space<vmem>>)
    %scan3A_133 = arith.constant 0 : i32
    %scan3A_134 = arith.constant 0 : i32
    %scan3A_135 = arith.constant 40 : i32
    %scan3A_136 = arith.addi %scan3A_134, %scan3A_135 : i32
    %scan3A_137 = arith.constant 1 : i32
    scf.for %scan3A_472 = %scan3A_134 to %scan3A_136 step %scan3A_137  : i32 {
      %mul3A_473 = arith.constant 16 : i32
      %mul3A_474 = arith.muli %scan3A_472, %mul3A_473 : i32
      %get3A = arith.index_cast %mul3A_474 : i32 to index
      %get3A_475 = tpu.vector_load %arg15[%get3A] {strides = array<i32>} : memref<640xf32, #tpu.memory_space<vmem>>, vector<16xf32>,
      %mul3A_476 = arith.constant 16 : i32
      %mul3A_477 = arith.muli %scan3A_472, %mul3A_476 : i32
      %add3A_478 = arith.constant 0 : i32
      %add3A_479 = arith.addi %mul3A_477, %add3A_478 : i32
      %get3A_480 = arith.index_cast %add3A_479 : i32 to index
      %get3A_481 = arith.constant 0 : index
      %get3A_482 = tpu.vector_load %arg13[%get3A_480, %get3A_481] {strides = array<i32>} : memref<640x16xf32, #tpu.memory_space<vmem>>, vector<16xf32>,
      %slice3A = vector.extract_strided_slice %get3A_475 {offsets = [0], sizes = [1], strides = [1]} : vector<16xf32> to vector<1xf32>
      %squeeze3A = vector.extract %slice3A[0] : f32 from vector<1xf32>
      %mul3A_483 = vector.broadcast %squeeze3A : f32 to vector<16xf32>
      %mul3A_484 = arith.mulf %get3A_482, %mul3A_483 : vector<16xf32>
      %swap3A_485 = arith.index_cast %add3A_479 : i32 to index
      %swap3A_486 = arith.constant 0 : index
      %swap3A_487 = tpu.vector_load %arg13[%swap3A_485, %swap3A_486] {strides = array<i32>} : memref<640x16xf32, #tpu.memory_space<vmem>>, vector<16xf32>,
      tpu.vector_store %arg13[%swap3A_485, %swap3A_486], %mul3A_484 {strides = array<i32>} : memref<640x16xf32, #tpu.memory_space<vmem>>, vector<16xf32>,
      %mul3A_488 = arith.constant 16 : i32
      %mul3A_489 = arith.muli %scan3A_472, %mul3A_488 : i32
      %add3A_490 = arith.constant 1 : i32
      %add3A_491 = arith.addi %mul3A_489, %add3A_490 : i32
      %get3A_492 = arith.index_cast %add3A_491 : i32 to index
      %get3A_493 = arith.constant 0 : index
      %get3A_494 = tpu.vector_load %arg13[%get3A_492, %get3A_493] {strides = array<i32>} : memref<640x16xf32, #tpu.memory_space<vmem>>, vector<16xf32>,
      %slice3A_495 = vector.extract_strided_slice %get3A_475 {offsets = [1], sizes = [1], strides = [1]} : vector<16xf32> to vector<1xf32>
      %squeeze3A_496 = vector.extract %slice3A_495[0] : f32 from vector<1xf32>
      %mul3A_497 = vector.broadcast %squeeze3A_496 : f32 to vector<16xf32>
      %mul3A_498 = arith.mulf %get3A_494, %mul3A_497 : vector<16xf32>
      %swap3A_499 = arith.index_cast %add3A_491 : i32 to index
      %swap3A_500 = arith.constant 0 : index
      %swap3A_501 = tpu.vector_load %arg13[%swap3A_499, %swap3A_500] {strides = array<i32>} : memref<640x16xf32, #tpu.memory_space<vmem>>, vector<16xf32>,
      tpu.vector_store %arg13[%swap3A_499, %swap3A_500], %mul3A_498 {strides = array<i32>} : memref<640x16xf32, #tpu.memory_space<vmem>>, vector<16xf32>,
      %mul3A_502 = arith.constant 16 : i32
      %mul3A_503 = arith.muli %scan3A_472, %mul3A_502 : i32
      %add3A_504 = arith.constant 2 : i32
      %add3A_505 = arith.addi %mul3A_503, %add3A_504 : i32
      %get3A_506 = arith.index_cast %add3A_505 : i32 to index
      %get3A_507 = arith.constant 0 : index
      %get3A_508 = tpu.vector_load %arg13[%get3A_506, %get3A_507] {strides = array<i32>} : memref<640x16xf32, #tpu.memory_space<vmem>>, vector<16xf32>,
      %slice3A_509 = vector.extract_strided_slice %get3A_475 {offsets = [2], sizes = [1], strides = [1]} : vector<16xf32> to vector<1xf32>
      %squeeze3A_510 = vector.extract %slice3A_509[0] : f32 from vector<1xf32>
      %mul3A_511 = vector.broadcast %squeeze3A_510 : f32 to vector<16xf32>
      %mul3A_512 = arith.mulf %get3A_508, %mul3A_511 : vector<16xf32>
      %swap3A_513 = arith.index_cast %add3A_505 : i32 to index
      %swap3A_514 = arith.constant 0 : index
      %swap3A_515 = tpu.vector_load %arg13[%swap3A_513, %swap3A_514] {strides = array<i32>} : memref<640x16xf32, #tpu.memory_space<vmem>>, vector<16xf32>,
      tpu.vector_store %arg13[%swap3A_513, %swap3A_514], %mul3A_512 {strides = array<i32>} : memref<640x16xf32, #tpu.memory_space<vmem>>, vector<16xf32>,
      %mul3A_516 = arith.constant 16 : i32
      %mul3A_517 = arith.muli %scan3A_472, %mul3A_516 : i32
      %add3A_518 = arith.constant 3 : i32
      %add3A_519 = arith.addi %mul3A_517, %add3A_518 : i32
      %get3A_520 = arith.index_cast %add3A_519 : i32 to index
      %get3A_521 = arith.constant 0 : index
      %get3A_522 = tpu.vector_load %arg13[%get3A_520, %get3A_521] {strides = array<i32>} : memref<640x16xf32, #tpu.memory_space<vmem>>, vector<16xf32>,
      %slice3A_523 = vector.extract_strided_slice %get3A_475 {offsets = [3], sizes = [1], strides = [1]} : vector<16xf32> to vector<1xf32>
      %squeeze3A_524 = vector.extract %slice3A_523[0] : f32 from vector<1xf32>
      %mul3A_525 = vector.broadcast %squeeze3A_524 : f32 to vector<16xf32>
      %mul3A_526 = arith.mulf %get3A_522, %mul3A_525 : vector<16xf32>
      %swap3A_527 = arith.index_cast %add3A_519 : i32 to index
      %swap3A_528 = arith.constant 0 : index
      %swap3A_529 = tpu.vector_load %arg13[%swap3A_527, %swap3A_528] {strides = array<i32>} : memref<640x16xf32, #tpu.memory_space<vmem>>, vector<16xf32>,
      tpu.vector_store %arg13[%swap3A_527, %swap3A_528], %mul3A_526 {strides = array<i32>} : memref<640x16xf32, #tpu.memory_space<vmem>>, vector<16xf32>,
      %mul3A_530 = arith.constant 16 : i32
      %mul3A_531 = arith.muli %scan3A_472, %mul3A_530 : i32
      %add3A_532 = arith.constant 4 : i32
      %add3A_533 = arith.addi %mul3A_531, %add3A_532 : i32
      %get3A_534 = arith.index_cast %add3A_533 : i32 to index
      %get3A_535 = arith.constant 0 : index
      %get3A_536 = tpu.vector_load %arg13[%get3A_534, %get3A_535] {strides = array<i32>} : memref<640x16xf32, #tpu.memory_space<vmem>>, vector<16xf32>,
      %slice3A_537 = vector.extract_strided_slice %get3A_475 {offsets = [4], sizes = [1], strides = [1]} : vector<16xf32> to vector<1xf32>
      %squeeze3A_538 = vector.extract %slice3A_537[0] : f32 from vector<1xf32>
      %mul3A_539 = vector.broadcast %squeeze3A_538 : f32 to vector<16xf32>
      %mul3A_540 = arith.mulf %get3A_536, %mul3A_539 : vector<16xf32>
      %swap3A_541 = arith.index_cast %add3A_533 : i32 to index
      %swap3A_542 = arith.constant 0 : index
      %swap3A_543 = tpu.vector_load %arg13[%swap3A_541, %swap3A_542] {strides = array<i32>} : memref<640x16xf32, #tpu.memory_space<vmem>>, vector<16xf32>,
      tpu.vector_store %arg13[%swap3A_541, %swap3A_542], %mul3A_540 {strides = array<i32>} : memref<640x16xf32, #tpu.memory_space<vmem>>, vector<16xf32>,
      %mul3A_544 = arith.constant 16 : i32
      %mul3A_545 = arith.muli %scan3A_472, %mul3A_544 : i32
      %add3A_546 = arith.constant 5 : i32
      %add3A_547 = arith.addi %mul3A_545, %add3A_546 : i32
      %get3A_548 = arith.index_cast %add3A_547 : i32 to index
      %get3A_549 = arith.constant 0 : index
      %get3A_550 = tpu.vector_load %arg13[%get3A_548, %get3A_549] {strides = array<i32>} : memref<640x16xf32, #tpu.memory_space<vmem>>, vector<16xf32>,
      %slice3A_551 = vector.extract_strided_slice %get3A_475 {offsets = [5], sizes = [1], strides = [1]} : vector<16xf32> to vector<1xf32>
      %squeeze3A_552 = vector.extract %slice3A_551[0] : f32 from vector<1xf32>
      %mul3A_553 = vector.broadcast %squeeze3A_552 : f32 to vector<16xf32>
      %mul3A_554 = arith.mulf %get3A_550, %mul3A_553 : vector<16xf32>
      %swap3A_555 = arith.index_cast %add3A_547 : i32 to index
      %swap3A_556 = arith.constant 0 : index
      %swap3A_557 = tpu.vector_load %arg13[%swap3A_555, %swap3A_556] {strides = array<i32>} : memref<640x16xf32, #tpu.memory_space<vmem>>, vector<16xf32>,
      tpu.vector_store %arg13[%swap3A_555, %swap3A_556], %mul3A_554 {strides = array<i32>} : memref<640x16xf32, #tpu.memory_space<vmem>>, vector<16xf32>,
      %mul3A_558 = arith.constant 16 : i32
      %mul3A_559 = arith.muli %scan3A_472, %mul3A_558 : i32
      %add3A_560 = arith.constant 6 : i32
      %add3A_561 = arith.addi %mul3A_559, %add3A_560 : i32
      %get3A_562 = arith.index_cast %add3A_561 : i32 to index
      %get3A_563 = arith.constant 0 : index
      %get3A_564 = tpu.vector_load %arg13[%get3A_562, %get3A_563] {strides = array<i32>} : memref<640x16xf32, #tpu.memory_space<vmem>>, vector<16xf32>,
      %slice3A_565 = vector.extract_strided_slice %get3A_475 {offsets = [6], sizes = [1], strides = [1]} : vector<16xf32> to vector<1xf32>
      %squeeze3A_566 = vector.extract %slice3A_565[0] : f32 from vector<1xf32>
      %mul3A_567 = vector.broadcast %squeeze3A_566 : f32 to vector<16xf32>
      %mul3A_568 = arith.mulf %get3A_564, %mul3A_567 : vector<16xf32>
      %swap3A_569 = arith.index_cast %add3A_561 : i32 to index
      %swap3A_570 = arith.constant 0 : index
      %swap3A_571 = tpu.vector_load %arg13[%swap3A_569, %swap3A_570] {strides = array<i32>} : memref<640x16xf32, #tpu.memory_space<vmem>>, vector<16xf32>,
      tpu.vector_store %arg13[%swap3A_569, %swap3A_570], %mul3A_568 {strides = array<i32>} : memref<640x16xf32, #tpu.memory_space<vmem>>, vector<16xf32>,
      %mul3A_572 = arith.constant 16 : i32
      %mul3A_573 = arith.muli %scan3A_472, %mul3A_572 : i32
      %add3A_574 = arith.constant 7 : i32
      %add3A_575 = arith.addi %mul3A_573, %add3A_574 : i32
      %get3A_576 = arith.index_cast %add3A_575 : i32 to index
      %get3A_577 = arith.constant 0 : index
      %get3A_578 = tpu.vector_load %arg13[%get3A_576, %get3A_577] {strides = array<i32>} : memref<640x16xf32, #tpu.memory_space<vmem>>, vector<16xf32>,
      %slice3A_579 = vector.extract_strided_slice %get3A_475 {offsets = [7], sizes = [1], strides = [1]} : vector<16xf32> to vector<1xf32>
      %squeeze3A_580 = vector.extract %slice3A_579[0] : f32 from vector<1xf32>
      %mul3A_581 = vector.broadcast %squeeze3A_580 : f32 to vector<16xf32>
      %mul3A_582 = arith.mulf %get3A_578, %mul3A_581 : vector<16xf32>
      %swap3A_583 = arith.index_cast %add3A_575 : i32 to index
      %swap3A_584 = arith.constant 0 : index
      %swap3A_585 = tpu.vector_load %arg13[%swap3A_583, %swap3A_584] {strides = array<i32>} : memref<640x16xf32, #tpu.memory_space<vmem>>, vector<16xf32>,
      tpu.vector_store %arg13[%swap3A_583, %swap3A_584], %mul3A_582 {strides = array<i32>} : memref<640x16xf32, #tpu.memory_space<vmem>>, vector<16xf32>,
      %mul3A_586 = arith.constant 16 : i32
      %mul3A_587 = arith.muli %scan3A_472, %mul3A_586 : i32
      %add3A_588 = arith.constant 8 : i32
      %add3A_589 = arith.addi %mul3A_587, %add3A_588 : i32
      %get3A_590 = arith.index_cast %add3A_589 : i32 to index
      %get3A_591 = arith.constant 0 : index
      %get3A_592 = tpu.vector_load %arg13[%get3A_590, %get3A_591] {strides = array<i32>} : memref<640x16xf32, #tpu.memory_space<vmem>>, vector<16xf32>,
      %slice3A_593 = vector.extract_strided_slice %get3A_475 {offsets = [8], sizes = [1], strides = [1]} : vector<16xf32> to vector<1xf32>
      %squeeze3A_594 = vector.extract %slice3A_593[0] : f32 from vector<1xf32>
      %mul3A_595 = vector.broadcast %squeeze3A_594 : f32 to vector<16xf32>
      %mul3A_596 = arith.mulf %get3A_592, %mul3A_595 : vector<16xf32>
      %swap3A_597 = arith.index_cast %add3A_589 : i32 to index
      %swap3A_598 = arith.constant 0 : index
      %swap3A_599 = tpu.vector_load %arg13[%swap3A_597, %swap3A_598] {strides = array<i32>} : memref<640x16xf32, #tpu.memory_space<vmem>>, vector<16xf32>,
      tpu.vector_store %arg13[%swap3A_597, %swap3A_598], %mul3A_596 {strides = array<i32>} : memref<640x16xf32, #tpu.memory_space<vmem>>, vector<16xf32>,
      %mul3A_600 = arith.constant 16 : i32
      %mul3A_601 = arith.muli %scan3A_472, %mul3A_600 : i32
      %add3A_602 = arith.constant 9 : i32
      %add3A_603 = arith.addi %mul3A_601, %add3A_602 : i32
      %get3A_604 = arith.index_cast %add3A_603 : i32 to index
      %get3A_605 = arith.constant 0 : index
      %get3A_606 = tpu.vector_load %arg13[%get3A_604, %get3A_605] {strides = array<i32>} : memref<640x16xf32, #tpu.memory_space<vmem>>, vector<16xf32>,
      %slice3A_607 = vector.extract_strided_slice %get3A_475 {offsets = [9], sizes = [1], strides = [1]} : vector<16xf32> to vector<1xf32>
      %squeeze3A_608 = vector.extract %slice3A_607[0] : f32 from vector<1xf32>
      %mul3A_609 = vector.broadcast %squeeze3A_608 : f32 to vector<16xf32>
      %mul3A_610 = arith.mulf %get3A_606, %mul3A_609 : vector<16xf32>
      %swap3A_611 = arith.index_cast %add3A_603 : i32 to index
      %swap3A_612 = arith.constant 0 : index
      %swap3A_613 = tpu.vector_load %arg13[%swap3A_611, %swap3A_612] {strides = array<i32>} : memref<640x16xf32, #tpu.memory_space<vmem>>, vector<16xf32>,
      tpu.vector_store %arg13[%swap3A_611, %swap3A_612], %mul3A_610 {strides = array<i32>} : memref<640x16xf32, #tpu.memory_space<vmem>>, vector<16xf32>,
      %mul3A_614 = arith.constant 16 : i32
      %mul3A_615 = arith.muli %scan3A_472, %mul3A_614 : i32
      %add3A_616 = arith.constant 10 : i32
      %add3A_617 = arith.addi %mul3A_615, %add3A_616 : i32
      %get3A_618 = arith.index_cast %add3A_617 : i32 to index
      %get3A_619 = arith.constant 0 : index
      %get3A_620 = tpu.vector_load %arg13[%get3A_618, %get3A_619] {strides = array<i32>} : memref<640x16xf32, #tpu.memory_space<vmem>>, vector<16xf32>,
      %slice3A_621 = vector.extract_strided_slice %get3A_475 {offsets = [10], sizes = [1], strides = [1]} : vector<16xf32> to vector<1xf32>
      %squeeze3A_622 = vector.extract %slice3A_621[0] : f32 from vector<1xf32>
      %mul3A_623 = vector.broadcast %squeeze3A_622 : f32 to vector<16xf32>
      %mul3A_624 = arith.mulf %get3A_620, %mul3A_623 : vector<16xf32>
      %swap3A_625 = arith.index_cast %add3A_617 : i32 to index
      %swap3A_626 = arith.constant 0 : index
      %swap3A_627 = tpu.vector_load %arg13[%swap3A_625, %swap3A_626] {strides = array<i32>} : memref<640x16xf32, #tpu.memory_space<vmem>>, vector<16xf32>,
      tpu.vector_store %arg13[%swap3A_625, %swap3A_626], %mul3A_624 {strides = array<i32>} : memref<640x16xf32, #tpu.memory_space<vmem>>, vector<16xf32>,
      %mul3A_628 = arith.constant 16 : i32
      %mul3A_629 = arith.muli %scan3A_472, %mul3A_628 : i32
      %add3A_630 = arith.constant 11 : i32
      %add3A_631 = arith.addi %mul3A_629, %add3A_630 : i32
      %get3A_632 = arith.index_cast %add3A_631 : i32 to index
      %get3A_633 = arith.constant 0 : index
      %get3A_634 = tpu.vector_load %arg13[%get3A_632, %get3A_633] {strides = array<i32>} : memref<640x16xf32, #tpu.memory_space<vmem>>, vector<16xf32>,
      %slice3A_635 = vector.extract_strided_slice %get3A_475 {offsets = [11], sizes = [1], strides = [1]} : vector<16xf32> to vector<1xf32>
      %squeeze3A_636 = vector.extract %slice3A_635[0] : f32 from vector<1xf32>
      %mul3A_637 = vector.broadcast %squeeze3A_636 : f32 to vector<16xf32>
      %mul3A_638 = arith.mulf %get3A_634, %mul3A_637 : vector<16xf32>
      %swap3A_639 = arith.index_cast %add3A_631 : i32 to index
      %swap3A_640 = arith.constant 0 : index
      %swap3A_641 = tpu.vector_load %arg13[%swap3A_639, %swap3A_640] {strides = array<i32>} : memref<640x16xf32, #tpu.memory_space<vmem>>, vector<16xf32>,
      tpu.vector_store %arg13[%swap3A_639, %swap3A_640], %mul3A_638 {strides = array<i32>} : memref<640x16xf32, #tpu.memory_space<vmem>>, vector<16xf32>,
      %mul3A_642 = arith.constant 16 : i32
      %mul3A_643 = arith.muli %scan3A_472, %mul3A_642 : i32
      %add3A_644 = arith.constant 12 : i32
      %add3A_645 = arith.addi %mul3A_643, %add3A_644 : i32
      %get3A_646 = arith.index_cast %add3A_645 : i32 to index
      %get3A_647 = arith.constant 0 : index
      %get3A_648 = tpu.vector_load %arg13[%get3A_646, %get3A_647] {strides = array<i32>} : memref<640x16xf32, #tpu.memory_space<vmem>>, vector<16xf32>,
      %slice3A_649 = vector.extract_strided_slice %get3A_475 {offsets = [12], sizes = [1], strides = [1]} : vector<16xf32> to vector<1xf32>
      %squeeze3A_650 = vector.extract %slice3A_649[0] : f32 from vector<1xf32>
      %mul3A_651 = vector.broadcast %squeeze3A_650 : f32 to vector<16xf32>
      %mul3A_652 = arith.mulf %get3A_648, %mul3A_651 : vector<16xf32>
      %swap3A_653 = arith.index_cast %add3A_645 : i32 to index
      %swap3A_654 = arith.constant 0 : index
      %swap3A_655 = tpu.vector_load %arg13[%swap3A_653, %swap3A_654] {strides = array<i32>} : memref<640x16xf32, #tpu.memory_space<vmem>>, vector<16xf32>,
      tpu.vector_store %arg13[%swap3A_653, %swap3A_654], %mul3A_652 {strides = array<i32>} : memref<640x16xf32, #tpu.memory_space<vmem>>, vector<16xf32>,
      %mul3A_656 = arith.constant 16 : i32
      %mul3A_657 = arith.muli %scan3A_472, %mul3A_656 : i32
      %add3A_658 = arith.constant 13 : i32
      %add3A_659 = arith.addi %mul3A_657, %add3A_658 : i32
      %get3A_660 = arith.index_cast %add3A_659 : i32 to index
      %get3A_661 = arith.constant 0 : index
      %get3A_662 = tpu.vector_load %arg13[%get3A_660, %get3A_661] {strides = array<i32>} : memref<640x16xf32, #tpu.memory_space<vmem>>, vector<16xf32>,
      %slice3A_663 = vector.extract_strided_slice %get3A_475 {offsets = [13], sizes = [1], strides = [1]} : vector<16xf32> to vector<1xf32>
      %squeeze3A_664 = vector.extract %slice3A_663[0] : f32 from vector<1xf32>
      %mul3A_665 = vector.broadcast %squeeze3A_664 : f32 to vector<16xf32>
      %mul3A_666 = arith.mulf %get3A_662, %mul3A_665 : vector<16xf32>
      %swap3A_667 = arith.index_cast %add3A_659 : i32 to index
      %swap3A_668 = arith.constant 0 : index
      %swap3A_669 = tpu.vector_load %arg13[%swap3A_667, %swap3A_668] {strides = array<i32>} : memref<640x16xf32, #tpu.memory_space<vmem>>, vector<16xf32>,
      tpu.vector_store %arg13[%swap3A_667, %swap3A_668], %mul3A_666 {strides = array<i32>} : memref<640x16xf32, #tpu.memory_space<vmem>>, vector<16xf32>,
      %mul3A_670 = arith.constant 16 : i32
      %mul3A_671 = arith.muli %scan3A_472, %mul3A_670 : i32
      %add3A_672 = arith.constant 14 : i32
      %add3A_673 = arith.addi %mul3A_671, %add3A_672 : i32
      %get3A_674 = arith.index_cast %add3A_673 : i32 to index
      %get3A_675 = arith.constant 0 : index
      %get3A_676 = tpu.vector_load %arg13[%get3A_674, %get3A_675] {strides = array<i32>} : memref<640x16xf32, #tpu.memory_space<vmem>>, vector<16xf32>,
      %slice3A_677 = vector.extract_strided_slice %get3A_475 {offsets = [14], sizes = [1], strides = [1]} : vector<16xf32> to vector<1xf32>
      %squeeze3A_678 = vector.extract %slice3A_677[0] : f32 from vector<1xf32>
      %mul3A_679 = vector.broadcast %squeeze3A_678 : f32 to vector<16xf32>
      %mul3A_680 = arith.mulf %get3A_676, %mul3A_679 : vector<16xf32>
      %swap3A_681 = arith.index_cast %add3A_673 : i32 to index
      %swap3A_682 = arith.constant 0 : index
      %swap3A_683 = tpu.vector_load %arg13[%swap3A_681, %swap3A_682] {strides = array<i32>} : memref<640x16xf32, #tpu.memory_space<vmem>>, vector<16xf32>,
      tpu.vector_store %arg13[%swap3A_681, %swap3A_682], %mul3A_680 {strides = array<i32>} : memref<640x16xf32, #tpu.memory_space<vmem>>, vector<16xf32>,
      %mul3A_684 = arith.constant 16 : i32
      %mul3A_685 = arith.muli %scan3A_472, %mul3A_684 : i32
      %add3A_686 = arith.constant 15 : i32
      %add3A_687 = arith.addi %mul3A_685, %add3A_686 : i32
      %get3A_688 = arith.index_cast %add3A_687 : i32 to index
      %get3A_689 = arith.constant 0 : index
      %get3A_690 = tpu.vector_load %arg13[%get3A_688, %get3A_689] {strides = array<i32>} : memref<640x16xf32, #tpu.memory_space<vmem>>, vector<16xf32>,
      %slice3A_691 = vector.extract_strided_slice %get3A_475 {offsets = [15], sizes = [1], strides = [1]} : vector<16xf32> to vector<1xf32>
      %squeeze3A_692 = vector.extract %slice3A_691[0] : f32 from vector<1xf32>
      %mul3A_693 = vector.broadcast %squeeze3A_692 : f32 to vector<16xf32>
      %mul3A_694 = arith.mulf %get3A_690, %mul3A_693 : vector<16xf32>
      %swap3A_695 = arith.index_cast %add3A_687 : i32 to index
      %swap3A_696 = arith.constant 0 : index
      %swap3A_697 = tpu.vector_load %arg13[%swap3A_695, %swap3A_696] {strides = array<i32>} : memref<640x16xf32, #tpu.memory_space<vmem>>, vector<16xf32>,
      tpu.vector_store %arg13[%swap3A_695, %swap3A_696], %mul3A_694 {strides = array<i32>} : memref<640x16xf32, #tpu.memory_space<vmem>>, vector<16xf32>,
    }
    %scan3A_138 = arith.constant 40 : i32
    "tpu.region"() ({
      %run_scoped3A = tpu.sem_alloc : memref<!tpu.dma_semaphore, #tpu.memory_space<semaphore_mem>>
      %dma_start3A_472 = arith.constant 0 : i32
      %dma_start3A_473 = tpu.memref_slice %arg19[%mul3A_2, %dma_start3A_472] : memref<10000x16xf32, #tpu.memory_space<vmem_shared>> -> memref<640x16xf32, #tpu.memory_space<vmem_shared>>
      %dma_start3A_474 = arith.constant 0 : i32
      %dma_start3A_475 = tpu.memref_slice %arg19[%mul3A_2, %dma_start3A_474] : memref<10000x16xf32, #tpu.memory_space<vmem_shared>> -> memref<640x16xf32, #tpu.memory_space<vmem_shared>>
      tpu.enqueue_dma source(%arg13 : memref<640x16xf32, #tpu.memory_space<vmem>>) target(%dma_start3A_475 : memref<640x16xf32, #tpu.memory_space<vmem_shared>>) target_semaphore(%run_scoped3A : memref<!tpu.dma_semaphore, #tpu.memory_space<semaphore_mem>>)
      %dma_wait3A_476 = arith.constant 0 : i32
      %dma_wait3A_477 = tpu.memref_slice %arg19[%mul3A_2, %dma_wait3A_476] : memref<10000x16xf32, #tpu.memory_space<vmem_shared>> -> memref<640x16xf32, #tpu.memory_space<vmem_shared>>
      %dma_wait3A_478 = arith.constant 0 : i32
      %dma_wait3A_479 = tpu.memref_slice %arg19[%mul3A_2, %dma_wait3A_478] : memref<10000x16xf32, #tpu.memory_space<vmem_shared>> -> memref<640x16xf32, #tpu.memory_space<vmem_shared>>
      tpu.wait_dma2 semaphore(%run_scoped3A : memref<!tpu.dma_semaphore, #tpu.memory_space<semaphore_mem>>) src(%arg13 : memref<640x16xf32, #tpu.memory_space<vmem>>) dst(%dma_wait3A_479 : memref<640x16xf32, #tpu.memory_space<vmem_shared>>)
      tpu.yield
    }) : () -> ()
    "tpu.region"() ({
      %run_scoped3A = tpu.sem_alloc : memref<!tpu.dma_semaphore, #tpu.memory_space<semaphore_mem>>
      %dma_start3A_472 = arith.constant 0 : i32
      %dma_start3A_473 = tpu.memref_slice %arg6[%mul3A_2, %dma_start3A_472] : memref<10000x16xf32, #tpu.memory_space<hbm>> -> memref<640x16xf32, #tpu.memory_space<hbm>>
      %dma_start3A_474 = arith.constant 0 : i32
      %dma_start3A_475 = tpu.memref_slice %arg6[%mul3A_2, %dma_start3A_474] : memref<10000x16xf32, #tpu.memory_space<hbm>> -> memref<640x16xf32, #tpu.memory_space<hbm>>
      tpu.enqueue_dma source(%arg13 : memref<640x16xf32, #tpu.memory_space<vmem>>) target(%dma_start3A_475 : memref<640x16xf32, #tpu.memory_space<hbm>>) target_semaphore(%run_scoped3A : memref<!tpu.dma_semaphore, #tpu.memory_space<semaphore_mem>>)
      %dma_wait3A_476 = arith.constant 0 : i32
      %dma_wait3A_477 = tpu.memref_slice %arg6[%mul3A_2, %dma_wait3A_476] : memref<10000x16xf32, #tpu.memory_space<hbm>> -> memref<640x16xf32, #tpu.memory_space<hbm>>
      %dma_wait3A_478 = arith.constant 0 : i32
      %dma_wait3A_479 = tpu.memref_slice %arg6[%mul3A_2, %dma_wait3A_478] : memref<10000x16xf32, #tpu.memory_space<hbm>> -> memref<640x16xf32, #tpu.memory_space<hbm>>
      tpu.wait_dma2 semaphore(%run_scoped3A : memref<!tpu.dma_semaphore, #tpu.memory_space<semaphore_mem>>) src(%arg13 : memref<640x16xf32, #tpu.memory_space<vmem>>) dst(%dma_wait3A_479 : memref<640x16xf32, #tpu.memory_space<hbm>>)
      tpu.yield
    }) : () -> ()
    %mul3A_139 = arith.constant 625 : i32
    %mul3A_140 = arith.muli %arg1, %mul3A_139 : i32
    "tpu.region"() ({
      %run_scoped3A = tpu.sem_alloc : memref<!tpu.dma_semaphore, #tpu.memory_space<semaphore_mem>>
      %dma_start3A_472 = arith.constant 0 : i32
      %dma_start3A_473 = tpu.memref_slice %arg18[%mul3A_140, %dma_start3A_472] : memref<10000x16xf32, #tpu.memory_space<vmem_shared>> -> memref<625x16xf32, #tpu.memory_space<vmem_shared>>
      %dma_start3A_474 = arith.constant 0 : i32
      %dma_start3A_475 = tpu.memref_slice %arg18[%mul3A_140, %dma_start3A_474] : memref<10000x16xf32, #tpu.memory_space<vmem_shared>> -> memref<625x16xf32, #tpu.memory_space<vmem_shared>>
      tpu.enqueue_dma source(%arg12 : memref<625x16xf32, #tpu.memory_space<vmem>>) target(%dma_start3A_475 : memref<625x16xf32, #tpu.memory_space<vmem_shared>>) target_semaphore(%run_scoped3A : memref<!tpu.dma_semaphore, #tpu.memory_space<semaphore_mem>>)
      %dma_wait3A_476 = arith.constant 0 : i32
      %dma_wait3A_477 = tpu.memref_slice %arg18[%mul3A_140, %dma_wait3A_476] : memref<10000x16xf32, #tpu.memory_space<vmem_shared>> -> memref<625x16xf32, #tpu.memory_space<vmem_shared>>
      %dma_wait3A_478 = arith.constant 0 : i32
      %dma_wait3A_479 = tpu.memref_slice %arg18[%mul3A_140, %dma_wait3A_478] : memref<10000x16xf32, #tpu.memory_space<vmem_shared>> -> memref<625x16xf32, #tpu.memory_space<vmem_shared>>
      tpu.wait_dma2 semaphore(%run_scoped3A : memref<!tpu.dma_semaphore, #tpu.memory_space<semaphore_mem>>) src(%arg12 : memref<625x16xf32, #tpu.memory_space<vmem>>) dst(%dma_wait3A_479 : memref<625x16xf32, #tpu.memory_space<vmem_shared>>)
      tpu.yield
    }) : () -> ()
    %dma_wait3A_141 = arith.constant 0 : i32
    %dma_wait3A_142 = arith.constant 0 : i32
    %dma_wait3A_143 = arith.constant 0 : i32
    %dma_wait3A_144 = tpu.memref_slice %arg4[%dma_wait3A_141, %mul3A_4, %dma_wait3A_143] : memref<2x4000x80xi32, #tpu.memory_space<hbm>> -> memref<1x125x80xi32, #tpu.memory_space<hbm>>
    %dma_wait3A_145 = tpu.memref_squeeze %dma_wait3A_144 : memref<1x125x80xi32, #tpu.memory_space<hbm>> -> memref<125x80xi32, #tpu.memory_space<hbm>>
    %dma_wait3A_146 = tpu.memref_slice %arg20[%dma_wait3A_142] : memref<5x!tpu.dma_semaphore, #tpu.memory_space<semaphore_mem>> -> memref<1x!tpu.dma_semaphore, #tpu.memory_space<semaphore_mem>>
    %dma_wait3A_147 = tpu.memref_squeeze %dma_wait3A_146 : memref<1x!tpu.dma_semaphore, #tpu.memory_space<semaphore_mem>> -> memref<!tpu.dma_semaphore, #tpu.memory_space<semaphore_mem>>
    %dma_wait3A_148 = arith.constant 0 : i32
    %dma_wait3A_149 = tpu.memref_slice %arg4[%dma_wait3A_141, %mul3A_4, %dma_wait3A_148] : memref<2x4000x80xi32, #tpu.memory_space<hbm>> -> memref<1x125x80xi32, #tpu.memory_space<hbm>>
    %dma_wait3A_150 = tpu.memref_squeeze %dma_wait3A_149 : memref<1x125x80xi32, #tpu.memory_space<hbm>> -> memref<125x80xi32, #tpu.memory_space<hbm>>
    tpu.wait_dma2 semaphore(%dma_wait3A_147 : memref<!tpu.dma_semaphore, #tpu.memory_space<semaphore_mem>>) src(%dma_wait3A_150 : memref<125x80xi32, #tpu.memory_space<hbm>>) dst(%arg9 : memref<125x80xi32, #tpu.memory_space<vmem>>)
    %dma_wait3A_151 = arith.constant 1 : i32
    %dma_wait3A_152 = arith.constant 1 : i32
    %dma_wait3A_153 = arith.constant 0 : i32
    %dma_wait3A_154 = tpu.memref_slice %arg4[%dma_wait3A_151, %mul3A_15, %dma_wait3A_153] : memref<2x4000x80xi32, #tpu.memory_space<hbm>> -> memref<1x125x80xi32, #tpu.memory_space<hbm>>
    %dma_wait3A_155 = tpu.memref_squeeze %dma_wait3A_154 : memref<1x125x80xi32, #tpu.memory_space<hbm>> -> memref<125x80xi32, #tpu.memory_space<hbm>>
    %dma_wait3A_156 = tpu.memref_slice %arg20[%dma_wait3A_152] : memref<5x!tpu.dma_semaphore, #tpu.memory_space<semaphore_mem>> -> memref<1x!tpu.dma_semaphore, #tpu.memory_space<semaphore_mem>>
    %dma_wait3A_157 = tpu.memref_squeeze %dma_wait3A_156 : memref<1x!tpu.dma_semaphore, #tpu.memory_space<semaphore_mem>> -> memref<!tpu.dma_semaphore, #tpu.memory_space<semaphore_mem>>
    %dma_wait3A_158 = arith.constant 0 : i32
    %dma_wait3A_159 = tpu.memref_slice %arg4[%dma_wait3A_151, %mul3A_15, %dma_wait3A_158] : memref<2x4000x80xi32, #tpu.memory_space<hbm>> -> memref<1x125x80xi32, #tpu.memory_space<hbm>>
    %dma_wait3A_160 = tpu.memref_squeeze %dma_wait3A_159 : memref<1x125x80xi32, #tpu.memory_space<hbm>> -> memref<125x80xi32, #tpu.memory_space<hbm>>
    tpu.wait_dma2 semaphore(%dma_wait3A_157 : memref<!tpu.dma_semaphore, #tpu.memory_space<semaphore_mem>>) src(%dma_wait3A_160 : memref<125x80xi32, #tpu.memory_space<hbm>>) dst(%arg10 : memref<125x80xi32, #tpu.memory_space<vmem>>)
    %barrier3A = arith.constant 0 : index
    tpu.barrier barrier_id(%barrier3A)
    %dma_start3A_161 = arith.constant 0 : i32
    %dma_start3A_162 = arith.constant 0 : i32
    %dma_start3A_163 = arith.constant 0 : i32
    %dma_start3A_164 = arith.constant 0 : i32
    %dma_start3A_165 = arith.constant 0 : i32
    %dma_start3A_166 = tpu.memref_slice %arg11[%dma_start3A_162, %dma_start3A_164, %dma_start3A_165] : memref<5x80x16xf32, #tpu.memory_space<vmem>> -> memref<1x80x16xf32, #tpu.memory_space<vmem>>
    %dma_start3A_167 = tpu.memref_squeeze %dma_start3A_166 : memref<1x80x16xf32, #tpu.memory_space<vmem>> -> memref<80x16xf32, #tpu.memory_space<vmem>>
    %dma_start3A_168 = arith.constant 0 : i32
    %dma_start3A_169 = tpu.memref_slice %arg9[%dma_start3A_161, %dma_start3A_168] : memref<125x80xi32, #tpu.memory_space<vmem>> -> memref<1x80xi32, #tpu.memory_space<vmem>>
    %dma_start3A_170 = tpu.memref_squeeze %dma_start3A_169 : memref<1x80xi32, #tpu.memory_space<vmem>> -> memref<80xi32, #tpu.memory_space<vmem>>
    %dma_start3A_171 = arith.constant 0 : i32
    %dma_start3A_172 = arith.constant 0 : i32
    %dma_start3A_173 = tpu.memref_slice %arg19[%dma_start3A_171, %dma_start3A_172] : memref<10000x16xf32, #tpu.memory_space<vmem_shared>> -> memref<10000x16xf32, #tpu.memory_space<vmem_shared>>
    %dma_start3A_174 = tpu.memref_slice %arg20[%dma_start3A_163] : memref<5x!tpu.dma_semaphore, #tpu.memory_space<semaphore_mem>> -> memref<1x!tpu.dma_semaphore, #tpu.memory_space<semaphore_mem>>
    %dma_start3A_175 = tpu.memref_squeeze %dma_start3A_174 : memref<1x!tpu.dma_semaphore, #tpu.memory_space<semaphore_mem>> -> memref<!tpu.dma_semaphore, #tpu.memory_space<semaphore_mem>>
    tpu.enqueue_indirect_dma source(%dma_start3A_173 : memref<10000x16xf32, #tpu.memory_space<vmem_shared>>) target(%dma_start3A_167 : memref<80x16xf32, #tpu.memory_space<vmem>>) offsets(%dma_start3A_170 : memref<80xi32, #tpu.memory_space<vmem>>) semaphore(%dma_start3A_175 : memref<!tpu.dma_semaphore, #tpu.memory_space<semaphore_mem>>)
    %dma_start3A_176 = arith.constant 1 : i32
    %dma_start3A_177 = arith.constant 1 : i32
    %dma_start3A_178 = arith.constant 1 : i32
    %dma_start3A_179 = arith.constant 0 : i32
    %dma_start3A_180 = arith.constant 0 : i32
    %dma_start3A_181 = tpu.memref_slice %arg11[%dma_start3A_177, %dma_start3A_179, %dma_start3A_180] : memref<5x80x16xf32, #tpu.memory_space<vmem>> -> memref<1x80x16xf32, #tpu.memory_space<vmem>>
    %dma_start3A_182 = tpu.memref_squeeze %dma_start3A_181 : memref<1x80x16xf32, #tpu.memory_space<vmem>> -> memref<80x16xf32, #tpu.memory_space<vmem>>
    %dma_start3A_183 = arith.constant 0 : i32
    %dma_start3A_184 = tpu.memref_slice %arg9[%dma_start3A_176, %dma_start3A_183] : memref<125x80xi32, #tpu.memory_space<vmem>> -> memref<1x80xi32, #tpu.memory_space<vmem>>
    %dma_start3A_185 = tpu.memref_squeeze %dma_start3A_184 : memref<1x80xi32, #tpu.memory_space<vmem>> -> memref<80xi32, #tpu.memory_space<vmem>>
    %dma_start3A_186 = arith.constant 0 : i32
    %dma_start3A_187 = arith.constant 0 : i32
    %dma_start3A_188 = tpu.memref_slice %arg19[%dma_start3A_186, %dma_start3A_187] : memref<10000x16xf32, #tpu.memory_space<vmem_shared>> -> memref<10000x16xf32, #tpu.memory_space<vmem_shared>>
    %dma_start3A_189 = tpu.memref_slice %arg20[%dma_start3A_178] : memref<5x!tpu.dma_semaphore, #tpu.memory_space<semaphore_mem>> -> memref<1x!tpu.dma_semaphore, #tpu.memory_space<semaphore_mem>>
    %dma_start3A_190 = tpu.memref_squeeze %dma_start3A_189 : memref<1x!tpu.dma_semaphore, #tpu.memory_space<semaphore_mem>> -> memref<!tpu.dma_semaphore, #tpu.memory_space<semaphore_mem>>
    tpu.enqueue_indirect_dma source(%dma_start3A_188 : memref<10000x16xf32, #tpu.memory_space<vmem_shared>>) target(%dma_start3A_182 : memref<80x16xf32, #tpu.memory_space<vmem>>) offsets(%dma_start3A_185 : memref<80xi32, #tpu.memory_space<vmem>>) semaphore(%dma_start3A_190 : memref<!tpu.dma_semaphore, #tpu.memory_space<semaphore_mem>>)
    %dma_start3A_191 = arith.constant 2 : i32
    %dma_start3A_192 = arith.constant 2 : i32
    %dma_start3A_193 = arith.constant 2 : i32
    %dma_start3A_194 = arith.constant 0 : i32
    %dma_start3A_195 = arith.constant 0 : i32
    %dma_start3A_196 = tpu.memref_slice %arg11[%dma_start3A_192, %dma_start3A_194, %dma_start3A_195] : memref<5x80x16xf32, #tpu.memory_space<vmem>> -> memref<1x80x16xf32, #tpu.memory_space<vmem>>
    %dma_start3A_197 = tpu.memref_squeeze %dma_start3A_196 : memref<1x80x16xf32, #tpu.memory_space<vmem>> -> memref<80x16xf32, #tpu.memory_space<vmem>>
    %dma_start3A_198 = arith.constant 0 : i32
    %dma_start3A_199 = tpu.memref_slice %arg9[%dma_start3A_191, %dma_start3A_198] : memref<125x80xi32, #tpu.memory_space<vmem>> -> memref<1x80xi32, #tpu.memory_space<vmem>>
    %dma_start3A_200 = tpu.memref_squeeze %dma_start3A_199 : memref<1x80xi32, #tpu.memory_space<vmem>> -> memref<80xi32, #tpu.memory_space<vmem>>
    %dma_start3A_201 = arith.constant 0 : i32
    %dma_start3A_202 = arith.constant 0 : i32
    %dma_start3A_203 = tpu.memref_slice %arg19[%dma_start3A_201, %dma_start3A_202] : memref<10000x16xf32, #tpu.memory_space<vmem_shared>> -> memref<10000x16xf32, #tpu.memory_space<vmem_shared>>
    %dma_start3A_204 = tpu.memref_slice %arg20[%dma_start3A_193] : memref<5x!tpu.dma_semaphore, #tpu.memory_space<semaphore_mem>> -> memref<1x!tpu.dma_semaphore, #tpu.memory_space<semaphore_mem>>
    %dma_start3A_205 = tpu.memref_squeeze %dma_start3A_204 : memref<1x!tpu.dma_semaphore, #tpu.memory_space<semaphore_mem>> -> memref<!tpu.dma_semaphore, #tpu.memory_space<semaphore_mem>>
    tpu.enqueue_indirect_dma source(%dma_start3A_203 : memref<10000x16xf32, #tpu.memory_space<vmem_shared>>) target(%dma_start3A_197 : memref<80x16xf32, #tpu.memory_space<vmem>>) offsets(%dma_start3A_200 : memref<80xi32, #tpu.memory_space<vmem>>) semaphore(%dma_start3A_205 : memref<!tpu.dma_semaphore, #tpu.memory_space<semaphore_mem>>)
    %dma_start3A_206 = arith.constant 3 : i32
    %dma_start3A_207 = arith.constant 3 : i32
    %dma_start3A_208 = arith.constant 3 : i32
    %dma_start3A_209 = arith.constant 0 : i32
    %dma_start3A_210 = arith.constant 0 : i32
    %dma_start3A_211 = tpu.memref_slice %arg11[%dma_start3A_207, %dma_start3A_209, %dma_start3A_210] : memref<5x80x16xf32, #tpu.memory_space<vmem>> -> memref<1x80x16xf32, #tpu.memory_space<vmem>>
    %dma_start3A_212 = tpu.memref_squeeze %dma_start3A_211 : memref<1x80x16xf32, #tpu.memory_space<vmem>> -> memref<80x16xf32, #tpu.memory_space<vmem>>
    %dma_start3A_213 = arith.constant 0 : i32
    %dma_start3A_214 = tpu.memref_slice %arg9[%dma_start3A_206, %dma_start3A_213] : memref<125x80xi32, #tpu.memory_space<vmem>> -> memref<1x80xi32, #tpu.memory_space<vmem>>
    %dma_start3A_215 = tpu.memref_squeeze %dma_start3A_214 : memref<1x80xi32, #tpu.memory_space<vmem>> -> memref<80xi32, #tpu.memory_space<vmem>>
    %dma_start3A_216 = arith.constant 0 : i32
    %dma_start3A_217 = arith.constant 0 : i32
    %dma_start3A_218 = tpu.memref_slice %arg19[%dma_start3A_216, %dma_start3A_217] : memref<10000x16xf32, #tpu.memory_space<vmem_shared>> -> memref<10000x16xf32, #tpu.memory_space<vmem_shared>>
    %dma_start3A_219 = tpu.memref_slice %arg20[%dma_start3A_208] : memref<5x!tpu.dma_semaphore, #tpu.memory_space<semaphore_mem>> -> memref<1x!tpu.dma_semaphore, #tpu.memory_space<semaphore_mem>>
    %dma_start3A_220 = tpu.memref_squeeze %dma_start3A_219 : memref<1x!tpu.dma_semaphore, #tpu.memory_space<semaphore_mem>> -> memref<!tpu.dma_semaphore, #tpu.memory_space<semaphore_mem>>
    tpu.enqueue_indirect_dma source(%dma_start3A_218 : memref<10000x16xf32, #tpu.memory_space<vmem_shared>>) target(%dma_start3A_212 : memref<80x16xf32, #tpu.memory_space<vmem>>) offsets(%dma_start3A_215 : memref<80xi32, #tpu.memory_space<vmem>>) semaphore(%dma_start3A_220 : memref<!tpu.dma_semaphore, #tpu.memory_space<semaphore_mem>>)
    %dma_start3A_221 = arith.constant 4 : i32
    %dma_start3A_222 = arith.constant 4 : i32
    %dma_start3A_223 = arith.constant 4 : i32
    %dma_start3A_224 = arith.constant 0 : i32
    %dma_start3A_225 = arith.constant 0 : i32
    %dma_start3A_226 = tpu.memref_slice %arg11[%dma_start3A_222, %dma_start3A_224, %dma_start3A_225] : memref<5x80x16xf32, #tpu.memory_space<vmem>> -> memref<1x80x16xf32, #tpu.memory_space<vmem>>
    %dma_start3A_227 = tpu.memref_squeeze %dma_start3A_226 : memref<1x80x16xf32, #tpu.memory_space<vmem>> -> memref<80x16xf32, #tpu.memory_space<vmem>>
    %dma_start3A_228 = arith.constant 0 : i32
    %dma_start3A_229 = tpu.memref_slice %arg9[%dma_start3A_221, %dma_start3A_228] : memref<125x80xi32, #tpu.memory_space<vmem>> -> memref<1x80xi32, #tpu.memory_space<vmem>>
    %dma_start3A_230 = tpu.memref_squeeze %dma_start3A_229 : memref<1x80xi32, #tpu.memory_space<vmem>> -> memref<80xi32, #tpu.memory_space<vmem>>
    %dma_start3A_231 = arith.constant 0 : i32
    %dma_start3A_232 = arith.constant 0 : i32
    %dma_start3A_233 = tpu.memref_slice %arg19[%dma_start3A_231, %dma_start3A_232] : memref<10000x16xf32, #tpu.memory_space<vmem_shared>> -> memref<10000x16xf32, #tpu.memory_space<vmem_shared>>
    %dma_start3A_234 = tpu.memref_slice %arg20[%dma_start3A_223] : memref<5x!tpu.dma_semaphore, #tpu.memory_space<semaphore_mem>> -> memref<1x!tpu.dma_semaphore, #tpu.memory_space<semaphore_mem>>
    %dma_start3A_235 = tpu.memref_squeeze %dma_start3A_234 : memref<1x!tpu.dma_semaphore, #tpu.memory_space<semaphore_mem>> -> memref<!tpu.dma_semaphore, #tpu.memory_space<semaphore_mem>>
    tpu.enqueue_indirect_dma source(%dma_start3A_233 : memref<10000x16xf32, #tpu.memory_space<vmem_shared>>) target(%dma_start3A_227 : memref<80x16xf32, #tpu.memory_space<vmem>>) offsets(%dma_start3A_230 : memref<80xi32, #tpu.memory_space<vmem>>) semaphore(%dma_start3A_235 : memref<!tpu.dma_semaphore, #tpu.memory_space<semaphore_mem>>)
    %scan3A_236 = arith.constant 0 : i32
    %scan3A_237 = arith.constant 0 : i32
    %scan3A_238 = arith.constant 24 : i32
    %scan3A_239 = arith.addi %scan3A_237, %scan3A_238 : i32
    %scan3A_240 = arith.constant 1 : i32
    scf.for %scan3A_472 = %scan3A_237 to %scan3A_239 step %scan3A_240  : i32 {
      %mul3A_473 = arith.constant 5 : i32
      %mul3A_474 = arith.muli %scan3A_472, %mul3A_473 : i32
      %add3A_475 = arith.constant 0 : i32
      %add3A_476 = arith.addi %mul3A_474, %add3A_475 : i32
      %dma_wait3A_477 = arith.constant 0 : i32
      %dma_wait3A_478 = arith.constant 0 : i32
      %dma_wait3A_479 = arith.constant 0 : i32
      %dma_wait3A_480 = arith.constant 0 : i32
      %dma_wait3A_481 = tpu.memref_slice %arg11[%dma_wait3A_477, %dma_wait3A_479, %dma_wait3A_480] : memref<5x80x16xf32, #tpu.memory_space<vmem>> -> memref<1x80x16xf32, #tpu.memory_space<vmem>>
      %dma_wait3A_482 = tpu.memref_squeeze %dma_wait3A_481 : memref<1x80x16xf32, #tpu.memory_space<vmem>> -> memref<80x16xf32, #tpu.memory_space<vmem>>
      %dma_wait3A_483 = arith.constant 0 : i32
      %dma_wait3A_484 = tpu.memref_slice %arg9[%add3A_476, %dma_wait3A_483] : memref<125x80xi32, #tpu.memory_space<vmem>> -> memref<1x80xi32, #tpu.memory_space<vmem>>
      %dma_wait3A_485 = tpu.memref_squeeze %dma_wait3A_484 : memref<1x80xi32, #tpu.memory_space<vmem>> -> memref<80xi32, #tpu.memory_space<vmem>>
      %dma_wait3A_486 = arith.constant 0 : i32
      %dma_wait3A_487 = arith.constant 0 : i32
      %dma_wait3A_488 = tpu.memref_slice %arg19[%dma_wait3A_486, %dma_wait3A_487] : memref<10000x16xf32, #tpu.memory_space<vmem_shared>> -> memref<10000x16xf32, #tpu.memory_space<vmem_shared>>
      %dma_wait3A_489 = tpu.memref_slice %arg20[%dma_wait3A_478] : memref<5x!tpu.dma_semaphore, #tpu.memory_space<semaphore_mem>> -> memref<1x!tpu.dma_semaphore, #tpu.memory_space<semaphore_mem>>
      %dma_wait3A_490 = tpu.memref_squeeze %dma_wait3A_489 : memref<1x!tpu.dma_semaphore, #tpu.memory_space<semaphore_mem>> -> memref<!tpu.dma_semaphore, #tpu.memory_space<semaphore_mem>>
      tpu.wait_indirect_dma semaphore(%dma_wait3A_490 : memref<!tpu.dma_semaphore, #tpu.memory_space<semaphore_mem>>) src(%dma_wait3A_488 : memref<10000x16xf32, #tpu.memory_space<vmem_shared>>) dst(%dma_wait3A_482 : memref<80x16xf32, #tpu.memory_space<vmem>>)
      %dma_start3A_491 = arith.constant 0 : i32
      %dma_start3A_492 = arith.constant 0 : i32
      %dma_start3A_493 = arith.constant 0 : i32
      %dma_start3A_494 = arith.constant 0 : i32
      %dma_start3A_495 = tpu.memref_slice %arg11[%dma_start3A_491, %dma_start3A_493, %dma_start3A_494] : memref<5x80x16xf32, #tpu.memory_space<vmem>> -> memref<1x80x16xf32, #tpu.memory_space<vmem>>
      %dma_start3A_496 = tpu.memref_squeeze %dma_start3A_495 : memref<1x80x16xf32, #tpu.memory_space<vmem>> -> memref<80x16xf32, #tpu.memory_space<vmem>>
      %dma_start3A_497 = arith.constant 0 : i32
      %dma_start3A_498 = tpu.memref_slice %arg10[%add3A_476, %dma_start3A_497] : memref<125x80xi32, #tpu.memory_space<vmem>> -> memref<1x80xi32, #tpu.memory_space<vmem>>
      %dma_start3A_499 = tpu.memref_squeeze %dma_start3A_498 : memref<1x80xi32, #tpu.memory_space<vmem>> -> memref<80xi32, #tpu.memory_space<vmem>>
      %dma_start3A_500 = arith.constant 0 : i32
      %dma_start3A_501 = arith.constant 0 : i32
      %dma_start3A_502 = tpu.memref_slice %arg18[%dma_start3A_500, %dma_start3A_501] : memref<10000x16xf32, #tpu.memory_space<vmem_shared>> -> memref<10000x16xf32, #tpu.memory_space<vmem_shared>>
      %dma_start3A_503 = tpu.memref_slice %arg21[%dma_start3A_492] : memref<5x!tpu.dma_semaphore, #tpu.memory_space<semaphore_mem>> -> memref<1x!tpu.dma_semaphore, #tpu.memory_space<semaphore_mem>>
      %dma_start3A_504 = tpu.memref_squeeze %dma_start3A_503 : memref<1x!tpu.dma_semaphore, #tpu.memory_space<semaphore_mem>> -> memref<!tpu.dma_semaphore, #tpu.memory_space<semaphore_mem>>
      tpu.enqueue_indirect_dma source(%dma_start3A_496 : memref<80x16xf32, #tpu.memory_space<vmem>>) target(%dma_start3A_502 : memref<10000x16xf32, #tpu.memory_space<vmem_shared>>) offsets(%dma_start3A_499 : memref<80xi32, #tpu.memory_space<vmem>>) semaphore(%dma_start3A_504 : memref<!tpu.dma_semaphore, #tpu.memory_space<semaphore_mem>>) {add = true}
      %dma_wait3A_505 = arith.constant 0 : i32
      %dma_wait3A_506 = arith.constant 0 : i32
      %dma_wait3A_507 = arith.constant 0 : i32
      %dma_wait3A_508 = arith.constant 0 : i32
      %dma_wait3A_509 = tpu.memref_slice %arg11[%dma_wait3A_505, %dma_wait3A_507, %dma_wait3A_508] : memref<5x80x16xf32, #tpu.memory_space<vmem>> -> memref<1x80x16xf32, #tpu.memory_space<vmem>>
      %dma_wait3A_510 = tpu.memref_squeeze %dma_wait3A_509 : memref<1x80x16xf32, #tpu.memory_space<vmem>> -> memref<80x16xf32, #tpu.memory_space<vmem>>
      %dma_wait3A_511 = arith.constant 0 : i32
      %dma_wait3A_512 = tpu.memref_slice %arg10[%add3A_476, %dma_wait3A_511] : memref<125x80xi32, #tpu.memory_space<vmem>> -> memref<1x80xi32, #tpu.memory_space<vmem>>
      %dma_wait3A_513 = tpu.memref_squeeze %dma_wait3A_512 : memref<1x80xi32, #tpu.memory_space<vmem>> -> memref<80xi32, #tpu.memory_space<vmem>>
      %dma_wait3A_514 = arith.constant 0 : i32
      %dma_wait3A_515 = arith.constant 0 : i32
      %dma_wait3A_516 = tpu.memref_slice %arg18[%dma_wait3A_514, %dma_wait3A_515] : memref<10000x16xf32, #tpu.memory_space<vmem_shared>> -> memref<10000x16xf32, #tpu.memory_space<vmem_shared>>
      %dma_wait3A_517 = tpu.memref_slice %arg21[%dma_wait3A_506] : memref<5x!tpu.dma_semaphore, #tpu.memory_space<semaphore_mem>> -> memref<1x!tpu.dma_semaphore, #tpu.memory_space<semaphore_mem>>
      %dma_wait3A_518 = tpu.memref_squeeze %dma_wait3A_517 : memref<1x!tpu.dma_semaphore, #tpu.memory_space<semaphore_mem>> -> memref<!tpu.dma_semaphore, #tpu.memory_space<semaphore_mem>>
      tpu.wait_indirect_dma semaphore(%dma_wait3A_518 : memref<!tpu.dma_semaphore, #tpu.memory_space<semaphore_mem>>) src(%dma_wait3A_510 : memref<80x16xf32, #tpu.memory_space<vmem>>) dst(%dma_wait3A_516 : memref<10000x16xf32, #tpu.memory_space<vmem_shared>>)
      %add3A_519 = arith.constant 5 : i32
      %add3A_520 = arith.addi %add3A_476, %add3A_519 : i32
      %dma_start3A_521 = arith.constant 0 : i32
      %dma_start3A_522 = arith.constant 0 : i32
      %dma_start3A_523 = arith.constant 0 : i32
      %dma_start3A_524 = arith.constant 0 : i32
      %dma_start3A_525 = tpu.memref_slice %arg11[%dma_start3A_521, %dma_start3A_523, %dma_start3A_524] : memref<5x80x16xf32, #tpu.memory_space<vmem>> -> memref<1x80x16xf32, #tpu.memory_space<vmem>>
      %dma_start3A_526 = tpu.memref_squeeze %dma_start3A_525 : memref<1x80x16xf32, #tpu.memory_space<vmem>> -> memref<80x16xf32, #tpu.memory_space<vmem>>
      %dma_start3A_527 = arith.constant 0 : i32
      %dma_start3A_528 = tpu.memref_slice %arg9[%add3A_520, %dma_start3A_527] : memref<125x80xi32, #tpu.memory_space<vmem>> -> memref<1x80xi32, #tpu.memory_space<vmem>>
      %dma_start3A_529 = tpu.memref_squeeze %dma_start3A_528 : memref<1x80xi32, #tpu.memory_space<vmem>> -> memref<80xi32, #tpu.memory_space<vmem>>
      %dma_start3A_530 = arith.constant 0 : i32
      %dma_start3A_531 = arith.constant 0 : i32
      %dma_start3A_532 = tpu.memref_slice %arg19[%dma_start3A_530, %dma_start3A_531] : memref<10000x16xf32, #tpu.memory_space<vmem_shared>> -> memref<10000x16xf32, #tpu.memory_space<vmem_shared>>
      %dma_start3A_533 = tpu.memref_slice %arg20[%dma_start3A_522] : memref<5x!tpu.dma_semaphore, #tpu.memory_space<semaphore_mem>> -> memref<1x!tpu.dma_semaphore, #tpu.memory_space<semaphore_mem>>
      %dma_start3A_534 = tpu.memref_squeeze %dma_start3A_533 : memref<1x!tpu.dma_semaphore, #tpu.memory_space<semaphore_mem>> -> memref<!tpu.dma_semaphore, #tpu.memory_space<semaphore_mem>>
      tpu.enqueue_indirect_dma source(%dma_start3A_532 : memref<10000x16xf32, #tpu.memory_space<vmem_shared>>) target(%dma_start3A_526 : memref<80x16xf32, #tpu.memory_space<vmem>>) offsets(%dma_start3A_529 : memref<80xi32, #tpu.memory_space<vmem>>) semaphore(%dma_start3A_534 : memref<!tpu.dma_semaphore, #tpu.memory_space<semaphore_mem>>)
      %mul3A_535 = arith.constant 5 : i32
      %mul3A_536 = arith.muli %scan3A_472, %mul3A_535 : i32
      %add3A_537 = arith.constant 1 : i32
      %add3A_538 = arith.addi %mul3A_536, %add3A_537 : i32
      %dma_wait3A_539 = arith.constant 1 : i32
      %dma_wait3A_540 = arith.constant 1 : i32
      %dma_wait3A_541 = arith.constant 0 : i32
      %dma_wait3A_542 = arith.constant 0 : i32
      %dma_wait3A_543 = tpu.memref_slice %arg11[%dma_wait3A_539, %dma_wait3A_541, %dma_wait3A_542] : memref<5x80x16xf32, #tpu.memory_space<vmem>> -> memref<1x80x16xf32, #tpu.memory_space<vmem>>
      %dma_wait3A_544 = tpu.memref_squeeze %dma_wait3A_543 : memref<1x80x16xf32, #tpu.memory_space<vmem>> -> memref<80x16xf32, #tpu.memory_space<vmem>>
      %dma_wait3A_545 = arith.constant 0 : i32
      %dma_wait3A_546 = tpu.memref_slice %arg9[%add3A_538, %dma_wait3A_545] : memref<125x80xi32, #tpu.memory_space<vmem>> -> memref<1x80xi32, #tpu.memory_space<vmem>>
      %dma_wait3A_547 = tpu.memref_squeeze %dma_wait3A_546 : memref<1x80xi32, #tpu.memory_space<vmem>> -> memref<80xi32, #tpu.memory_space<vmem>>
      %dma_wait3A_548 = arith.constant 0 : i32
      %dma_wait3A_549 = arith.constant 0 : i32
      %dma_wait3A_550 = tpu.memref_slice %arg19[%dma_wait3A_548, %dma_wait3A_549] : memref<10000x16xf32, #tpu.memory_space<vmem_shared>> -> memref<10000x16xf32, #tpu.memory_space<vmem_shared>>
      %dma_wait3A_551 = tpu.memref_slice %arg20[%dma_wait3A_540] : memref<5x!tpu.dma_semaphore, #tpu.memory_space<semaphore_mem>> -> memref<1x!tpu.dma_semaphore, #tpu.memory_space<semaphore_mem>>
      %dma_wait3A_552 = tpu.memref_squeeze %dma_wait3A_551 : memref<1x!tpu.dma_semaphore, #tpu.memory_space<semaphore_mem>> -> memref<!tpu.dma_semaphore, #tpu.memory_space<semaphore_mem>>
      tpu.wait_indirect_dma semaphore(%dma_wait3A_552 : memref<!tpu.dma_semaphore, #tpu.memory_space<semaphore_mem>>) src(%dma_wait3A_550 : memref<10000x16xf32, #tpu.memory_space<vmem_shared>>) dst(%dma_wait3A_544 : memref<80x16xf32, #tpu.memory_space<vmem>>)
      %dma_start3A_553 = arith.constant 1 : i32
      %dma_start3A_554 = arith.constant 1 : i32
      %dma_start3A_555 = arith.constant 0 : i32
      %dma_start3A_556 = arith.constant 0 : i32
      %dma_start3A_557 = tpu.memref_slice %arg11[%dma_start3A_553, %dma_start3A_555, %dma_start3A_556] : memref<5x80x16xf32, #tpu.memory_space<vmem>> -> memref<1x80x16xf32, #tpu.memory_space<vmem>>
      %dma_start3A_558 = tpu.memref_squeeze %dma_start3A_557 : memref<1x80x16xf32, #tpu.memory_space<vmem>> -> memref<80x16xf32, #tpu.memory_space<vmem>>
      %dma_start3A_559 = arith.constant 0 : i32
      %dma_start3A_560 = tpu.memref_slice %arg10[%add3A_538, %dma_start3A_559] : memref<125x80xi32, #tpu.memory_space<vmem>> -> memref<1x80xi32, #tpu.memory_space<vmem>>
      %dma_start3A_561 = tpu.memref_squeeze %dma_start3A_560 : memref<1x80xi32, #tpu.memory_space<vmem>> -> memref<80xi32, #tpu.memory_space<vmem>>
      %dma_start3A_562 = arith.constant 0 : i32
      %dma_start3A_563 = arith.constant 0 : i32
      %dma_start3A_564 = tpu.memref_slice %arg18[%dma_start3A_562, %dma_start3A_563] : memref<10000x16xf32, #tpu.memory_space<vmem_shared>> -> memref<10000x16xf32, #tpu.memory_space<vmem_shared>>
      %dma_start3A_565 = tpu.memref_slice %arg21[%dma_start3A_554] : memref<5x!tpu.dma_semaphore, #tpu.memory_space<semaphore_mem>> -> memref<1x!tpu.dma_semaphore, #tpu.memory_space<semaphore_mem>>
      %dma_start3A_566 = tpu.memref_squeeze %dma_start3A_565 : memref<1x!tpu.dma_semaphore, #tpu.memory_space<semaphore_mem>> -> memref<!tpu.dma_semaphore, #tpu.memory_space<semaphore_mem>>
      tpu.enqueue_indirect_dma source(%dma_start3A_558 : memref<80x16xf32, #tpu.memory_space<vmem>>) target(%dma_start3A_564 : memref<10000x16xf32, #tpu.memory_space<vmem_shared>>) offsets(%dma_start3A_561 : memref<80xi32, #tpu.memory_space<vmem>>) semaphore(%dma_start3A_566 : memref<!tpu.dma_semaphore, #tpu.memory_space<semaphore_mem>>) {add = true}
      %dma_wait3A_567 = arith.constant 1 : i32
      %dma_wait3A_568 = arith.constant 1 : i32
      %dma_wait3A_569 = arith.constant 0 : i32
      %dma_wait3A_570 = arith.constant 0 : i32
      %dma_wait3A_571 = tpu.memref_slice %arg11[%dma_wait3A_567, %dma_wait3A_569, %dma_wait3A_570] : memref<5x80x16xf32, #tpu.memory_space<vmem>> -> memref<1x80x16xf32, #tpu.memory_space<vmem>>
      %dma_wait3A_572 = tpu.memref_squeeze %dma_wait3A_571 : memref<1x80x16xf32, #tpu.memory_space<vmem>> -> memref<80x16xf32, #tpu.memory_space<vmem>>
      %dma_wait3A_573 = arith.constant 0 : i32
      %dma_wait3A_574 = tpu.memref_slice %arg10[%add3A_538, %dma_wait3A_573] : memref<125x80xi32, #tpu.memory_space<vmem>> -> memref<1x80xi32, #tpu.memory_space<vmem>>
      %dma_wait3A_575 = tpu.memref_squeeze %dma_wait3A_574 : memref<1x80xi32, #tpu.memory_space<vmem>> -> memref<80xi32, #tpu.memory_space<vmem>>
      %dma_wait3A_576 = arith.constant 0 : i32
      %dma_wait3A_577 = arith.constant 0 : i32
      %dma_wait3A_578 = tpu.memref_slice %arg18[%dma_wait3A_576, %dma_wait3A_577] : memref<10000x16xf32, #tpu.memory_space<vmem_shared>> -> memref<10000x16xf32, #tpu.memory_space<vmem_shared>>
      %dma_wait3A_579 = tpu.memref_slice %arg21[%dma_wait3A_568] : memref<5x!tpu.dma_semaphore, #tpu.memory_space<semaphore_mem>> -> memref<1x!tpu.dma_semaphore, #tpu.memory_space<semaphore_mem>>
      %dma_wait3A_580 = tpu.memref_squeeze %dma_wait3A_579 : memref<1x!tpu.dma_semaphore, #tpu.memory_space<semaphore_mem>> -> memref<!tpu.dma_semaphore, #tpu.memory_space<semaphore_mem>>
      tpu.wait_indirect_dma semaphore(%dma_wait3A_580 : memref<!tpu.dma_semaphore, #tpu.memory_space<semaphore_mem>>) src(%dma_wait3A_572 : memref<80x16xf32, #tpu.memory_space<vmem>>) dst(%dma_wait3A_578 : memref<10000x16xf32, #tpu.memory_space<vmem_shared>>)
      %add3A_581 = arith.constant 5 : i32
      %add3A_582 = arith.addi %add3A_538, %add3A_581 : i32
      %dma_start3A_583 = arith.constant 1 : i32
      %dma_start3A_584 = arith.constant 1 : i32
      %dma_start3A_585 = arith.constant 0 : i32
      %dma_start3A_586 = arith.constant 0 : i32
      %dma_start3A_587 = tpu.memref_slice %arg11[%dma_start3A_583, %dma_start3A_585, %dma_start3A_586] : memref<5x80x16xf32, #tpu.memory_space<vmem>> -> memref<1x80x16xf32, #tpu.memory_space<vmem>>
      %dma_start3A_588 = tpu.memref_squeeze %dma_start3A_587 : memref<1x80x16xf32, #tpu.memory_space<vmem>> -> memref<80x16xf32, #tpu.memory_space<vmem>>
      %dma_start3A_589 = arith.constant 0 : i32
      %dma_start3A_590 = tpu.memref_slice %arg9[%add3A_582, %dma_start3A_589] : memref<125x80xi32, #tpu.memory_space<vmem>> -> memref<1x80xi32, #tpu.memory_space<vmem>>
      %dma_start3A_591 = tpu.memref_squeeze %dma_start3A_590 : memref<1x80xi32, #tpu.memory_space<vmem>> -> memref<80xi32, #tpu.memory_space<vmem>>
      %dma_start3A_592 = arith.constant 0 : i32
      %dma_start3A_593 = arith.constant 0 : i32
      %dma_start3A_594 = tpu.memref_slice %arg19[%dma_start3A_592, %dma_start3A_593] : memref<10000x16xf32, #tpu.memory_space<vmem_shared>> -> memref<10000x16xf32, #tpu.memory_space<vmem_shared>>
      %dma_start3A_595 = tpu.memref_slice %arg20[%dma_start3A_584] : memref<5x!tpu.dma_semaphore, #tpu.memory_space<semaphore_mem>> -> memref<1x!tpu.dma_semaphore, #tpu.memory_space<semaphore_mem>>
      %dma_start3A_596 = tpu.memref_squeeze %dma_start3A_595 : memref<1x!tpu.dma_semaphore, #tpu.memory_space<semaphore_mem>> -> memref<!tpu.dma_semaphore, #tpu.memory_space<semaphore_mem>>
      tpu.enqueue_indirect_dma source(%dma_start3A_594 : memref<10000x16xf32, #tpu.memory_space<vmem_shared>>) target(%dma_start3A_588 : memref<80x16xf32, #tpu.memory_space<vmem>>) offsets(%dma_start3A_591 : memref<80xi32, #tpu.memory_space<vmem>>) semaphore(%dma_start3A_596 : memref<!tpu.dma_semaphore, #tpu.memory_space<semaphore_mem>>)
      %mul3A_597 = arith.constant 5 : i32
      %mul3A_598 = arith.muli %scan3A_472, %mul3A_597 : i32
      %add3A_599 = arith.constant 2 : i32
      %add3A_600 = arith.addi %mul3A_598, %add3A_599 : i32
      %dma_wait3A_601 = arith.constant 2 : i32
      %dma_wait3A_602 = arith.constant 2 : i32
      %dma_wait3A_603 = arith.constant 0 : i32
      %dma_wait3A_604 = arith.constant 0 : i32
      %dma_wait3A_605 = tpu.memref_slice %arg11[%dma_wait3A_601, %dma_wait3A_603, %dma_wait3A_604] : memref<5x80x16xf32, #tpu.memory_space<vmem>> -> memref<1x80x16xf32, #tpu.memory_space<vmem>>
      %dma_wait3A_606 = tpu.memref_squeeze %dma_wait3A_605 : memref<1x80x16xf32, #tpu.memory_space<vmem>> -> memref<80x16xf32, #tpu.memory_space<vmem>>
      %dma_wait3A_607 = arith.constant 0 : i32
      %dma_wait3A_608 = tpu.memref_slice %arg9[%add3A_600, %dma_wait3A_607] : memref<125x80xi32, #tpu.memory_space<vmem>> -> memref<1x80xi32, #tpu.memory_space<vmem>>
      %dma_wait3A_609 = tpu.memref_squeeze %dma_wait3A_608 : memref<1x80xi32, #tpu.memory_space<vmem>> -> memref<80xi32, #tpu.memory_space<vmem>>
      %dma_wait3A_610 = arith.constant 0 : i32
      %dma_wait3A_611 = arith.constant 0 : i32
      %dma_wait3A_612 = tpu.memref_slice %arg19[%dma_wait3A_610, %dma_wait3A_611] : memref<10000x16xf32, #tpu.memory_space<vmem_shared>> -> memref<10000x16xf32, #tpu.memory_space<vmem_shared>>
      %dma_wait3A_613 = tpu.memref_slice %arg20[%dma_wait3A_602] : memref<5x!tpu.dma_semaphore, #tpu.memory_space<semaphore_mem>> -> memref<1x!tpu.dma_semaphore, #tpu.memory_space<semaphore_mem>>
      %dma_wait3A_614 = tpu.memref_squeeze %dma_wait3A_613 : memref<1x!tpu.dma_semaphore, #tpu.memory_space<semaphore_mem>> -> memref<!tpu.dma_semaphore, #tpu.memory_space<semaphore_mem>>
      tpu.wait_indirect_dma semaphore(%dma_wait3A_614 : memref<!tpu.dma_semaphore, #tpu.memory_space<semaphore_mem>>) src(%dma_wait3A_612 : memref<10000x16xf32, #tpu.memory_space<vmem_shared>>) dst(%dma_wait3A_606 : memref<80x16xf32, #tpu.memory_space<vmem>>)
      %dma_start3A_615 = arith.constant 2 : i32
      %dma_start3A_616 = arith.constant 2 : i32
      %dma_start3A_617 = arith.constant 0 : i32
      %dma_start3A_618 = arith.constant 0 : i32
      %dma_start3A_619 = tpu.memref_slice %arg11[%dma_start3A_615, %dma_start3A_617, %dma_start3A_618] : memref<5x80x16xf32, #tpu.memory_space<vmem>> -> memref<1x80x16xf32, #tpu.memory_space<vmem>>
      %dma_start3A_620 = tpu.memref_squeeze %dma_start3A_619 : memref<1x80x16xf32, #tpu.memory_space<vmem>> -> memref<80x16xf32, #tpu.memory_space<vmem>>
      %dma_start3A_621 = arith.constant 0 : i32
      %dma_start3A_622 = tpu.memref_slice %arg10[%add3A_600, %dma_start3A_621] : memref<125x80xi32, #tpu.memory_space<vmem>> -> memref<1x80xi32, #tpu.memory_space<vmem>>
      %dma_start3A_623 = tpu.memref_squeeze %dma_start3A_622 : memref<1x80xi32, #tpu.memory_space<vmem>> -> memref<80xi32, #tpu.memory_space<vmem>>
      %dma_start3A_624 = arith.constant 0 : i32
      %dma_start3A_625 = arith.constant 0 : i32
      %dma_start3A_626 = tpu.memref_slice %arg18[%dma_start3A_624, %dma_start3A_625] : memref<10000x16xf32, #tpu.memory_space<vmem_shared>> -> memref<10000x16xf32, #tpu.memory_space<vmem_shared>>
      %dma_start3A_627 = tpu.memref_slice %arg21[%dma_start3A_616] : memref<5x!tpu.dma_semaphore, #tpu.memory_space<semaphore_mem>> -> memref<1x!tpu.dma_semaphore, #tpu.memory_space<semaphore_mem>>
      %dma_start3A_628 = tpu.memref_squeeze %dma_start3A_627 : memref<1x!tpu.dma_semaphore, #tpu.memory_space<semaphore_mem>> -> memref<!tpu.dma_semaphore, #tpu.memory_space<semaphore_mem>>
      tpu.enqueue_indirect_dma source(%dma_start3A_620 : memref<80x16xf32, #tpu.memory_space<vmem>>) target(%dma_start3A_626 : memref<10000x16xf32, #tpu.memory_space<vmem_shared>>) offsets(%dma_start3A_623 : memref<80xi32, #tpu.memory_space<vmem>>) semaphore(%dma_start3A_628 : memref<!tpu.dma_semaphore, #tpu.memory_space<semaphore_mem>>) {add = true}
      %dma_wait3A_629 = arith.constant 2 : i32
      %dma_wait3A_630 = arith.constant 2 : i32
      %dma_wait3A_631 = arith.constant 0 : i32
      %dma_wait3A_632 = arith.constant 0 : i32
      %dma_wait3A_633 = tpu.memref_slice %arg11[%dma_wait3A_629, %dma_wait3A_631, %dma_wait3A_632] : memref<5x80x16xf32, #tpu.memory_space<vmem>> -> memref<1x80x16xf32, #tpu.memory_space<vmem>>
      %dma_wait3A_634 = tpu.memref_squeeze %dma_wait3A_633 : memref<1x80x16xf32, #tpu.memory_space<vmem>> -> memref<80x16xf32, #tpu.memory_space<vmem>>
      %dma_wait3A_635 = arith.constant 0 : i32
      %dma_wait3A_636 = tpu.memref_slice %arg10[%add3A_600, %dma_wait3A_635] : memref<125x80xi32, #tpu.memory_space<vmem>> -> memref<1x80xi32, #tpu.memory_space<vmem>>
      %dma_wait3A_637 = tpu.memref_squeeze %dma_wait3A_636 : memref<1x80xi32, #tpu.memory_space<vmem>> -> memref<80xi32, #tpu.memory_space<vmem>>
      %dma_wait3A_638 = arith.constant 0 : i32
      %dma_wait3A_639 = arith.constant 0 : i32
      %dma_wait3A_640 = tpu.memref_slice %arg18[%dma_wait3A_638, %dma_wait3A_639] : memref<10000x16xf32, #tpu.memory_space<vmem_shared>> -> memref<10000x16xf32, #tpu.memory_space<vmem_shared>>
      %dma_wait3A_641 = tpu.memref_slice %arg21[%dma_wait3A_630] : memref<5x!tpu.dma_semaphore, #tpu.memory_space<semaphore_mem>> -> memref<1x!tpu.dma_semaphore, #tpu.memory_space<semaphore_mem>>
      %dma_wait3A_642 = tpu.memref_squeeze %dma_wait3A_641 : memref<1x!tpu.dma_semaphore, #tpu.memory_space<semaphore_mem>> -> memref<!tpu.dma_semaphore, #tpu.memory_space<semaphore_mem>>
      tpu.wait_indirect_dma semaphore(%dma_wait3A_642 : memref<!tpu.dma_semaphore, #tpu.memory_space<semaphore_mem>>) src(%dma_wait3A_634 : memref<80x16xf32, #tpu.memory_space<vmem>>) dst(%dma_wait3A_640 : memref<10000x16xf32, #tpu.memory_space<vmem_shared>>)
      %add3A_643 = arith.constant 5 : i32
      %add3A_644 = arith.addi %add3A_600, %add3A_643 : i32
      %dma_start3A_645 = arith.constant 2 : i32
      %dma_start3A_646 = arith.constant 2 : i32
      %dma_start3A_647 = arith.constant 0 : i32
      %dma_start3A_648 = arith.constant 0 : i32
      %dma_start3A_649 = tpu.memref_slice %arg11[%dma_start3A_645, %dma_start3A_647, %dma_start3A_648] : memref<5x80x16xf32, #tpu.memory_space<vmem>> -> memref<1x80x16xf32, #tpu.memory_space<vmem>>
      %dma_start3A_650 = tpu.memref_squeeze %dma_start3A_649 : memref<1x80x16xf32, #tpu.memory_space<vmem>> -> memref<80x16xf32, #tpu.memory_space<vmem>>
      %dma_start3A_651 = arith.constant 0 : i32
      %dma_start3A_652 = tpu.memref_slice %arg9[%add3A_644, %dma_start3A_651] : memref<125x80xi32, #tpu.memory_space<vmem>> -> memref<1x80xi32, #tpu.memory_space<vmem>>
      %dma_start3A_653 = tpu.memref_squeeze %dma_start3A_652 : memref<1x80xi32, #tpu.memory_space<vmem>> -> memref<80xi32, #tpu.memory_space<vmem>>
      %dma_start3A_654 = arith.constant 0 : i32
      %dma_start3A_655 = arith.constant 0 : i32
      %dma_start3A_656 = tpu.memref_slice %arg19[%dma_start3A_654, %dma_start3A_655] : memref<10000x16xf32, #tpu.memory_space<vmem_shared>> -> memref<10000x16xf32, #tpu.memory_space<vmem_shared>>
      %dma_start3A_657 = tpu.memref_slice %arg20[%dma_start3A_646] : memref<5x!tpu.dma_semaphore, #tpu.memory_space<semaphore_mem>> -> memref<1x!tpu.dma_semaphore, #tpu.memory_space<semaphore_mem>>
      %dma_start3A_658 = tpu.memref_squeeze %dma_start3A_657 : memref<1x!tpu.dma_semaphore, #tpu.memory_space<semaphore_mem>> -> memref<!tpu.dma_semaphore, #tpu.memory_space<semaphore_mem>>
      tpu.enqueue_indirect_dma source(%dma_start3A_656 : memref<10000x16xf32, #tpu.memory_space<vmem_shared>>) target(%dma_start3A_650 : memref<80x16xf32, #tpu.memory_space<vmem>>) offsets(%dma_start3A_653 : memref<80xi32, #tpu.memory_space<vmem>>) semaphore(%dma_start3A_658 : memref<!tpu.dma_semaphore, #tpu.memory_space<semaphore_mem>>)
      %mul3A_659 = arith.constant 5 : i32
      %mul3A_660 = arith.muli %scan3A_472, %mul3A_659 : i32
      %add3A_661 = arith.constant 3 : i32
      %add3A_662 = arith.addi %mul3A_660, %add3A_661 : i32
      %dma_wait3A_663 = arith.constant 3 : i32
      %dma_wait3A_664 = arith.constant 3 : i32
      %dma_wait3A_665 = arith.constant 0 : i32
      %dma_wait3A_666 = arith.constant 0 : i32
      %dma_wait3A_667 = tpu.memref_slice %arg11[%dma_wait3A_663, %dma_wait3A_665, %dma_wait3A_666] : memref<5x80x16xf32, #tpu.memory_space<vmem>> -> memref<1x80x16xf32, #tpu.memory_space<vmem>>
      %dma_wait3A_668 = tpu.memref_squeeze %dma_wait3A_667 : memref<1x80x16xf32, #tpu.memory_space<vmem>> -> memref<80x16xf32, #tpu.memory_space<vmem>>
      %dma_wait3A_669 = arith.constant 0 : i32
      %dma_wait3A_670 = tpu.memref_slice %arg9[%add3A_662, %dma_wait3A_669] : memref<125x80xi32, #tpu.memory_space<vmem>> -> memref<1x80xi32, #tpu.memory_space<vmem>>
      %dma_wait3A_671 = tpu.memref_squeeze %dma_wait3A_670 : memref<1x80xi32, #tpu.memory_space<vmem>> -> memref<80xi32, #tpu.memory_space<vmem>>
      %dma_wait3A_672 = arith.constant 0 : i32
      %dma_wait3A_673 = arith.constant 0 : i32
      %dma_wait3A_674 = tpu.memref_slice %arg19[%dma_wait3A_672, %dma_wait3A_673] : memref<10000x16xf32, #tpu.memory_space<vmem_shared>> -> memref<10000x16xf32, #tpu.memory_space<vmem_shared>>
      %dma_wait3A_675 = tpu.memref_slice %arg20[%dma_wait3A_664] : memref<5x!tpu.dma_semaphore, #tpu.memory_space<semaphore_mem>> -> memref<1x!tpu.dma_semaphore, #tpu.memory_space<semaphore_mem>>
      %dma_wait3A_676 = tpu.memref_squeeze %dma_wait3A_675 : memref<1x!tpu.dma_semaphore, #tpu.memory_space<semaphore_mem>> -> memref<!tpu.dma_semaphore, #tpu.memory_space<semaphore_mem>>
      tpu.wait_indirect_dma semaphore(%dma_wait3A_676 : memref<!tpu.dma_semaphore, #tpu.memory_space<semaphore_mem>>) src(%dma_wait3A_674 : memref<10000x16xf32, #tpu.memory_space<vmem_shared>>) dst(%dma_wait3A_668 : memref<80x16xf32, #tpu.memory_space<vmem>>)
      %dma_start3A_677 = arith.constant 3 : i32
      %dma_start3A_678 = arith.constant 3 : i32
      %dma_start3A_679 = arith.constant 0 : i32
      %dma_start3A_680 = arith.constant 0 : i32
      %dma_start3A_681 = tpu.memref_slice %arg11[%dma_start3A_677, %dma_start3A_679, %dma_start3A_680] : memref<5x80x16xf32, #tpu.memory_space<vmem>> -> memref<1x80x16xf32, #tpu.memory_space<vmem>>
      %dma_start3A_682 = tpu.memref_squeeze %dma_start3A_681 : memref<1x80x16xf32, #tpu.memory_space<vmem>> -> memref<80x16xf32, #tpu.memory_space<vmem>>
      %dma_start3A_683 = arith.constant 0 : i32
      %dma_start3A_684 = tpu.memref_slice %arg10[%add3A_662, %dma_start3A_683] : memref<125x80xi32, #tpu.memory_space<vmem>> -> memref<1x80xi32, #tpu.memory_space<vmem>>
      %dma_start3A_685 = tpu.memref_squeeze %dma_start3A_684 : memref<1x80xi32, #tpu.memory_space<vmem>> -> memref<80xi32, #tpu.memory_space<vmem>>
      %dma_start3A_686 = arith.constant 0 : i32
      %dma_start3A_687 = arith.constant 0 : i32
      %dma_start3A_688 = tpu.memref_slice %arg18[%dma_start3A_686, %dma_start3A_687] : memref<10000x16xf32, #tpu.memory_space<vmem_shared>> -> memref<10000x16xf32, #tpu.memory_space<vmem_shared>>
      %dma_start3A_689 = tpu.memref_slice %arg21[%dma_start3A_678] : memref<5x!tpu.dma_semaphore, #tpu.memory_space<semaphore_mem>> -> memref<1x!tpu.dma_semaphore, #tpu.memory_space<semaphore_mem>>
      %dma_start3A_690 = tpu.memref_squeeze %dma_start3A_689 : memref<1x!tpu.dma_semaphore, #tpu.memory_space<semaphore_mem>> -> memref<!tpu.dma_semaphore, #tpu.memory_space<semaphore_mem>>
      tpu.enqueue_indirect_dma source(%dma_start3A_682 : memref<80x16xf32, #tpu.memory_space<vmem>>) target(%dma_start3A_688 : memref<10000x16xf32, #tpu.memory_space<vmem_shared>>) offsets(%dma_start3A_685 : memref<80xi32, #tpu.memory_space<vmem>>) semaphore(%dma_start3A_690 : memref<!tpu.dma_semaphore, #tpu.memory_space<semaphore_mem>>) {add = true}
      %dma_wait3A_691 = arith.constant 3 : i32
      %dma_wait3A_692 = arith.constant 3 : i32
      %dma_wait3A_693 = arith.constant 0 : i32
      %dma_wait3A_694 = arith.constant 0 : i32
      %dma_wait3A_695 = tpu.memref_slice %arg11[%dma_wait3A_691, %dma_wait3A_693, %dma_wait3A_694] : memref<5x80x16xf32, #tpu.memory_space<vmem>> -> memref<1x80x16xf32, #tpu.memory_space<vmem>>
      %dma_wait3A_696 = tpu.memref_squeeze %dma_wait3A_695 : memref<1x80x16xf32, #tpu.memory_space<vmem>> -> memref<80x16xf32, #tpu.memory_space<vmem>>
      %dma_wait3A_697 = arith.constant 0 : i32
      %dma_wait3A_698 = tpu.memref_slice %arg10[%add3A_662, %dma_wait3A_697] : memref<125x80xi32, #tpu.memory_space<vmem>> -> memref<1x80xi32, #tpu.memory_space<vmem>>
      %dma_wait3A_699 = tpu.memref_squeeze %dma_wait3A_698 : memref<1x80xi32, #tpu.memory_space<vmem>> -> memref<80xi32, #tpu.memory_space<vmem>>
      %dma_wait3A_700 = arith.constant 0 : i32
      %dma_wait3A_701 = arith.constant 0 : i32
      %dma_wait3A_702 = tpu.memref_slice %arg18[%dma_wait3A_700, %dma_wait3A_701] : memref<10000x16xf32, #tpu.memory_space<vmem_shared>> -> memref<10000x16xf32, #tpu.memory_space<vmem_shared>>
      %dma_wait3A_703 = tpu.memref_slice %arg21[%dma_wait3A_692] : memref<5x!tpu.dma_semaphore, #tpu.memory_space<semaphore_mem>> -> memref<1x!tpu.dma_semaphore, #tpu.memory_space<semaphore_mem>>
      %dma_wait3A_704 = tpu.memref_squeeze %dma_wait3A_703 : memref<1x!tpu.dma_semaphore, #tpu.memory_space<semaphore_mem>> -> memref<!tpu.dma_semaphore, #tpu.memory_space<semaphore_mem>>
      tpu.wait_indirect_dma semaphore(%dma_wait3A_704 : memref<!tpu.dma_semaphore, #tpu.memory_space<semaphore_mem>>) src(%dma_wait3A_696 : memref<80x16xf32, #tpu.memory_space<vmem>>) dst(%dma_wait3A_702 : memref<10000x16xf32, #tpu.memory_space<vmem_shared>>)
      %add3A_705 = arith.constant 5 : i32
      %add3A_706 = arith.addi %add3A_662, %add3A_705 : i32
      %dma_start3A_707 = arith.constant 3 : i32
      %dma_start3A_708 = arith.constant 3 : i32
      %dma_start3A_709 = arith.constant 0 : i32
      %dma_start3A_710 = arith.constant 0 : i32
      %dma_start3A_711 = tpu.memref_slice %arg11[%dma_start3A_707, %dma_start3A_709, %dma_start3A_710] : memref<5x80x16xf32, #tpu.memory_space<vmem>> -> memref<1x80x16xf32, #tpu.memory_space<vmem>>
      %dma_start3A_712 = tpu.memref_squeeze %dma_start3A_711 : memref<1x80x16xf32, #tpu.memory_space<vmem>> -> memref<80x16xf32, #tpu.memory_space<vmem>>
      %dma_start3A_713 = arith.constant 0 : i32
      %dma_start3A_714 = tpu.memref_slice %arg9[%add3A_706, %dma_start3A_713] : memref<125x80xi32, #tpu.memory_space<vmem>> -> memref<1x80xi32, #tpu.memory_space<vmem>>
      %dma_start3A_715 = tpu.memref_squeeze %dma_start3A_714 : memref<1x80xi32, #tpu.memory_space<vmem>> -> memref<80xi32, #tpu.memory_space<vmem>>
      %dma_start3A_716 = arith.constant 0 : i32
      %dma_start3A_717 = arith.constant 0 : i32
      %dma_start3A_718 = tpu.memref_slice %arg19[%dma_start3A_716, %dma_start3A_717] : memref<10000x16xf32, #tpu.memory_space<vmem_shared>> -> memref<10000x16xf32, #tpu.memory_space<vmem_shared>>
      %dma_start3A_719 = tpu.memref_slice %arg20[%dma_start3A_708] : memref<5x!tpu.dma_semaphore, #tpu.memory_space<semaphore_mem>> -> memref<1x!tpu.dma_semaphore, #tpu.memory_space<semaphore_mem>>
      %dma_start3A_720 = tpu.memref_squeeze %dma_start3A_719 : memref<1x!tpu.dma_semaphore, #tpu.memory_space<semaphore_mem>> -> memref<!tpu.dma_semaphore, #tpu.memory_space<semaphore_mem>>
      tpu.enqueue_indirect_dma source(%dma_start3A_718 : memref<10000x16xf32, #tpu.memory_space<vmem_shared>>) target(%dma_start3A_712 : memref<80x16xf32, #tpu.memory_space<vmem>>) offsets(%dma_start3A_715 : memref<80xi32, #tpu.memory_space<vmem>>) semaphore(%dma_start3A_720 : memref<!tpu.dma_semaphore, #tpu.memory_space<semaphore_mem>>)
      %mul3A_721 = arith.constant 5 : i32
      %mul3A_722 = arith.muli %scan3A_472, %mul3A_721 : i32
      %add3A_723 = arith.constant 4 : i32
      %add3A_724 = arith.addi %mul3A_722, %add3A_723 : i32
      %dma_wait3A_725 = arith.constant 4 : i32
      %dma_wait3A_726 = arith.constant 4 : i32
      %dma_wait3A_727 = arith.constant 0 : i32
      %dma_wait3A_728 = arith.constant 0 : i32
      %dma_wait3A_729 = tpu.memref_slice %arg11[%dma_wait3A_725, %dma_wait3A_727, %dma_wait3A_728] : memref<5x80x16xf32, #tpu.memory_space<vmem>> -> memref<1x80x16xf32, #tpu.memory_space<vmem>>
      %dma_wait3A_730 = tpu.memref_squeeze %dma_wait3A_729 : memref<1x80x16xf32, #tpu.memory_space<vmem>> -> memref<80x16xf32, #tpu.memory_space<vmem>>
      %dma_wait3A_731 = arith.constant 0 : i32
      %dma_wait3A_732 = tpu.memref_slice %arg9[%add3A_724, %dma_wait3A_731] : memref<125x80xi32, #tpu.memory_space<vmem>> -> memref<1x80xi32, #tpu.memory_space<vmem>>
      %dma_wait3A_733 = tpu.memref_squeeze %dma_wait3A_732 : memref<1x80xi32, #tpu.memory_space<vmem>> -> memref<80xi32, #tpu.memory_space<vmem>>
      %dma_wait3A_734 = arith.constant 0 : i32
      %dma_wait3A_735 = arith.constant 0 : i32
      %dma_wait3A_736 = tpu.memref_slice %arg19[%dma_wait3A_734, %dma_wait3A_735] : memref<10000x16xf32, #tpu.memory_space<vmem_shared>> -> memref<10000x16xf32, #tpu.memory_space<vmem_shared>>
      %dma_wait3A_737 = tpu.memref_slice %arg20[%dma_wait3A_726] : memref<5x!tpu.dma_semaphore, #tpu.memory_space<semaphore_mem>> -> memref<1x!tpu.dma_semaphore, #tpu.memory_space<semaphore_mem>>
      %dma_wait3A_738 = tpu.memref_squeeze %dma_wait3A_737 : memref<1x!tpu.dma_semaphore, #tpu.memory_space<semaphore_mem>> -> memref<!tpu.dma_semaphore, #tpu.memory_space<semaphore_mem>>
      tpu.wait_indirect_dma semaphore(%dma_wait3A_738 : memref<!tpu.dma_semaphore, #tpu.memory_space<semaphore_mem>>) src(%dma_wait3A_736 : memref<10000x16xf32, #tpu.memory_space<vmem_shared>>) dst(%dma_wait3A_730 : memref<80x16xf32, #tpu.memory_space<vmem>>)
      %dma_start3A_739 = arith.constant 4 : i32
      %dma_start3A_740 = arith.constant 4 : i32
      %dma_start3A_741 = arith.constant 0 : i32
      %dma_start3A_742 = arith.constant 0 : i32
      %dma_start3A_743 = tpu.memref_slice %arg11[%dma_start3A_739, %dma_start3A_741, %dma_start3A_742] : memref<5x80x16xf32, #tpu.memory_space<vmem>> -> memref<1x80x16xf32, #tpu.memory_space<vmem>>
      %dma_start3A_744 = tpu.memref_squeeze %dma_start3A_743 : memref<1x80x16xf32, #tpu.memory_space<vmem>> -> memref<80x16xf32, #tpu.memory_space<vmem>>
      %dma_start3A_745 = arith.constant 0 : i32
      %dma_start3A_746 = tpu.memref_slice %arg10[%add3A_724, %dma_start3A_745] : memref<125x80xi32, #tpu.memory_space<vmem>> -> memref<1x80xi32, #tpu.memory_space<vmem>>
      %dma_start3A_747 = tpu.memref_squeeze %dma_start3A_746 : memref<1x80xi32, #tpu.memory_space<vmem>> -> memref<80xi32, #tpu.memory_space<vmem>>
      %dma_start3A_748 = arith.constant 0 : i32
      %dma_start3A_749 = arith.constant 0 : i32
      %dma_start3A_750 = tpu.memref_slice %arg18[%dma_start3A_748, %dma_start3A_749] : memref<10000x16xf32, #tpu.memory_space<vmem_shared>> -> memref<10000x16xf32, #tpu.memory_space<vmem_shared>>
      %dma_start3A_751 = tpu.memref_slice %arg21[%dma_start3A_740] : memref<5x!tpu.dma_semaphore, #tpu.memory_space<semaphore_mem>> -> memref<1x!tpu.dma_semaphore, #tpu.memory_space<semaphore_mem>>
      %dma_start3A_752 = tpu.memref_squeeze %dma_start3A_751 : memref<1x!tpu.dma_semaphore, #tpu.memory_space<semaphore_mem>> -> memref<!tpu.dma_semaphore, #tpu.memory_space<semaphore_mem>>
      tpu.enqueue_indirect_dma source(%dma_start3A_744 : memref<80x16xf32, #tpu.memory_space<vmem>>) target(%dma_start3A_750 : memref<10000x16xf32, #tpu.memory_space<vmem_shared>>) offsets(%dma_start3A_747 : memref<80xi32, #tpu.memory_space<vmem>>) semaphore(%dma_start3A_752 : memref<!tpu.dma_semaphore, #tpu.memory_space<semaphore_mem>>) {add = true}
      %dma_wait3A_753 = arith.constant 4 : i32
      %dma_wait3A_754 = arith.constant 4 : i32
      %dma_wait3A_755 = arith.constant 0 : i32
      %dma_wait3A_756 = arith.constant 0 : i32
      %dma_wait3A_757 = tpu.memref_slice %arg11[%dma_wait3A_753, %dma_wait3A_755, %dma_wait3A_756] : memref<5x80x16xf32, #tpu.memory_space<vmem>> -> memref<1x80x16xf32, #tpu.memory_space<vmem>>
      %dma_wait3A_758 = tpu.memref_squeeze %dma_wait3A_757 : memref<1x80x16xf32, #tpu.memory_space<vmem>> -> memref<80x16xf32, #tpu.memory_space<vmem>>
      %dma_wait3A_759 = arith.constant 0 : i32
      %dma_wait3A_760 = tpu.memref_slice %arg10[%add3A_724, %dma_wait3A_759] : memref<125x80xi32, #tpu.memory_space<vmem>> -> memref<1x80xi32, #tpu.memory_space<vmem>>
      %dma_wait3A_761 = tpu.memref_squeeze %dma_wait3A_760 : memref<1x80xi32, #tpu.memory_space<vmem>> -> memref<80xi32, #tpu.memory_space<vmem>>
      %dma_wait3A_762 = arith.constant 0 : i32
      %dma_wait3A_763 = arith.constant 0 : i32
      %dma_wait3A_764 = tpu.memref_slice %arg18[%dma_wait3A_762, %dma_wait3A_763] : memref<10000x16xf32, #tpu.memory_space<vmem_shared>> -> memref<10000x16xf32, #tpu.memory_space<vmem_shared>>
      %dma_wait3A_765 = tpu.memref_slice %arg21[%dma_wait3A_754] : memref<5x!tpu.dma_semaphore, #tpu.memory_space<semaphore_mem>> -> memref<1x!tpu.dma_semaphore, #tpu.memory_space<semaphore_mem>>
      %dma_wait3A_766 = tpu.memref_squeeze %dma_wait3A_765 : memref<1x!tpu.dma_semaphore, #tpu.memory_space<semaphore_mem>> -> memref<!tpu.dma_semaphore, #tpu.memory_space<semaphore_mem>>
      tpu.wait_indirect_dma semaphore(%dma_wait3A_766 : memref<!tpu.dma_semaphore, #tpu.memory_space<semaphore_mem>>) src(%dma_wait3A_758 : memref<80x16xf32, #tpu.memory_space<vmem>>) dst(%dma_wait3A_764 : memref<10000x16xf32, #tpu.memory_space<vmem_shared>>)
      %add3A_767 = arith.constant 5 : i32
      %add3A_768 = arith.addi %add3A_724, %add3A_767 : i32
      %dma_start3A_769 = arith.constant 4 : i32
      %dma_start3A_770 = arith.constant 4 : i32
      %dma_start3A_771 = arith.constant 0 : i32
      %dma_start3A_772 = arith.constant 0 : i32
      %dma_start3A_773 = tpu.memref_slice %arg11[%dma_start3A_769, %dma_start3A_771, %dma_start3A_772] : memref<5x80x16xf32, #tpu.memory_space<vmem>> -> memref<1x80x16xf32, #tpu.memory_space<vmem>>
      %dma_start3A_774 = tpu.memref_squeeze %dma_start3A_773 : memref<1x80x16xf32, #tpu.memory_space<vmem>> -> memref<80x16xf32, #tpu.memory_space<vmem>>
      %dma_start3A_775 = arith.constant 0 : i32
      %dma_start3A_776 = tpu.memref_slice %arg9[%add3A_768, %dma_start3A_775] : memref<125x80xi32, #tpu.memory_space<vmem>> -> memref<1x80xi32, #tpu.memory_space<vmem>>
      %dma_start3A_777 = tpu.memref_squeeze %dma_start3A_776 : memref<1x80xi32, #tpu.memory_space<vmem>> -> memref<80xi32, #tpu.memory_space<vmem>>
      %dma_start3A_778 = arith.constant 0 : i32
      %dma_start3A_779 = arith.constant 0 : i32
      %dma_start3A_780 = tpu.memref_slice %arg19[%dma_start3A_778, %dma_start3A_779] : memref<10000x16xf32, #tpu.memory_space<vmem_shared>> -> memref<10000x16xf32, #tpu.memory_space<vmem_shared>>
      %dma_start3A_781 = tpu.memref_slice %arg20[%dma_start3A_770] : memref<5x!tpu.dma_semaphore, #tpu.memory_space<semaphore_mem>> -> memref<1x!tpu.dma_semaphore, #tpu.memory_space<semaphore_mem>>
      %dma_start3A_782 = tpu.memref_squeeze %dma_start3A_781 : memref<1x!tpu.dma_semaphore, #tpu.memory_space<semaphore_mem>> -> memref<!tpu.dma_semaphore, #tpu.memory_space<semaphore_mem>>
      tpu.enqueue_indirect_dma source(%dma_start3A_780 : memref<10000x16xf32, #tpu.memory_space<vmem_shared>>) target(%dma_start3A_774 : memref<80x16xf32, #tpu.memory_space<vmem>>) offsets(%dma_start3A_777 : memref<80xi32, #tpu.memory_space<vmem>>) semaphore(%dma_start3A_782 : memref<!tpu.dma_semaphore, #tpu.memory_space<semaphore_mem>>)
    }
    %scan3A_241 = arith.constant 24 : i32
    %dma_wait3A_242 = arith.constant 120 : i32
    %dma_wait3A_243 = arith.constant 0 : i32
    %dma_wait3A_244 = arith.constant 0 : i32
    %dma_wait3A_245 = arith.constant 0 : i32
    %dma_wait3A_246 = arith.constant 0 : i32
    %dma_wait3A_247 = tpu.memref_slice %arg11[%dma_wait3A_243, %dma_wait3A_245, %dma_wait3A_246] : memref<5x80x16xf32, #tpu.memory_space<vmem>> -> memref<1x80x16xf32, #tpu.memory_space<vmem>>
    %dma_wait3A_248 = tpu.memref_squeeze %dma_wait3A_247 : memref<1x80x16xf32, #tpu.memory_space<vmem>> -> memref<80x16xf32, #tpu.memory_space<vmem>>
    %dma_wait3A_249 = arith.constant 0 : i32
    %dma_wait3A_250 = tpu.memref_slice %arg9[%dma_wait3A_242, %dma_wait3A_249] : memref<125x80xi32, #tpu.memory_space<vmem>> -> memref<1x80xi32, #tpu.memory_space<vmem>>
    %dma_wait3A_251 = tpu.memref_squeeze %dma_wait3A_250 : memref<1x80xi32, #tpu.memory_space<vmem>> -> memref<80xi32, #tpu.memory_space<vmem>>
    %dma_wait3A_252 = arith.constant 0 : i32
    %dma_wait3A_253 = arith.constant 0 : i32
    %dma_wait3A_254 = tpu.memref_slice %arg19[%dma_wait3A_252, %dma_wait3A_253] : memref<10000x16xf32, #tpu.memory_space<vmem_shared>> -> memref<10000x16xf32, #tpu.memory_space<vmem_shared>>
    %dma_wait3A_255 = tpu.memref_slice %arg20[%dma_wait3A_244] : memref<5x!tpu.dma_semaphore, #tpu.memory_space<semaphore_mem>> -> memref<1x!tpu.dma_semaphore, #tpu.memory_space<semaphore_mem>>
    %dma_wait3A_256 = tpu.memref_squeeze %dma_wait3A_255 : memref<1x!tpu.dma_semaphore, #tpu.memory_space<semaphore_mem>> -> memref<!tpu.dma_semaphore, #tpu.memory_space<semaphore_mem>>
    tpu.wait_indirect_dma semaphore(%dma_wait3A_256 : memref<!tpu.dma_semaphore, #tpu.memory_space<semaphore_mem>>) src(%dma_wait3A_254 : memref<10000x16xf32, #tpu.memory_space<vmem_shared>>) dst(%dma_wait3A_248 : memref<80x16xf32, #tpu.memory_space<vmem>>)
    %dma_start3A_257 = arith.constant 0 : i32
    %dma_start3A_258 = arith.constant 120 : i32
    %dma_start3A_259 = arith.constant 0 : i32
    %dma_start3A_260 = arith.constant 0 : i32
    %dma_start3A_261 = arith.constant 0 : i32
    %dma_start3A_262 = tpu.memref_slice %arg11[%dma_start3A_257, %dma_start3A_260, %dma_start3A_261] : memref<5x80x16xf32, #tpu.memory_space<vmem>> -> memref<1x80x16xf32, #tpu.memory_space<vmem>>
    %dma_start3A_263 = tpu.memref_squeeze %dma_start3A_262 : memref<1x80x16xf32, #tpu.memory_space<vmem>> -> memref<80x16xf32, #tpu.memory_space<vmem>>
    %dma_start3A_264 = arith.constant 0 : i32
    %dma_start3A_265 = tpu.memref_slice %arg10[%dma_start3A_258, %dma_start3A_264] : memref<125x80xi32, #tpu.memory_space<vmem>> -> memref<1x80xi32, #tpu.memory_space<vmem>>
    %dma_start3A_266 = tpu.memref_squeeze %dma_start3A_265 : memref<1x80xi32, #tpu.memory_space<vmem>> -> memref<80xi32, #tpu.memory_space<vmem>>
    %dma_start3A_267 = arith.constant 0 : i32
    %dma_start3A_268 = arith.constant 0 : i32
    %dma_start3A_269 = tpu.memref_slice %arg18[%dma_start3A_267, %dma_start3A_268] : memref<10000x16xf32, #tpu.memory_space<vmem_shared>> -> memref<10000x16xf32, #tpu.memory_space<vmem_shared>>
    %dma_start3A_270 = tpu.memref_slice %arg21[%dma_start3A_259] : memref<5x!tpu.dma_semaphore, #tpu.memory_space<semaphore_mem>> -> memref<1x!tpu.dma_semaphore, #tpu.memory_space<semaphore_mem>>
    %dma_start3A_271 = tpu.memref_squeeze %dma_start3A_270 : memref<1x!tpu.dma_semaphore, #tpu.memory_space<semaphore_mem>> -> memref<!tpu.dma_semaphore, #tpu.memory_space<semaphore_mem>>
    tpu.enqueue_indirect_dma source(%dma_start3A_263 : memref<80x16xf32, #tpu.memory_space<vmem>>) target(%dma_start3A_269 : memref<10000x16xf32, #tpu.memory_space<vmem_shared>>) offsets(%dma_start3A_266 : memref<80xi32, #tpu.memory_space<vmem>>) semaphore(%dma_start3A_271 : memref<!tpu.dma_semaphore, #tpu.memory_space<semaphore_mem>>) {add = true}
    %dma_wait3A_272 = arith.constant 0 : i32
    %dma_wait3A_273 = arith.constant 120 : i32
    %dma_wait3A_274 = arith.constant 0 : i32
    %dma_wait3A_275 = arith.constant 0 : i32
    %dma_wait3A_276 = arith.constant 0 : i32
    %dma_wait3A_277 = tpu.memref_slice %arg11[%dma_wait3A_272, %dma_wait3A_275, %dma_wait3A_276] : memref<5x80x16xf32, #tpu.memory_space<vmem>> -> memref<1x80x16xf32, #tpu.memory_space<vmem>>
    %dma_wait3A_278 = tpu.memref_squeeze %dma_wait3A_277 : memref<1x80x16xf32, #tpu.memory_space<vmem>> -> memref<80x16xf32, #tpu.memory_space<vmem>>
    %dma_wait3A_279 = arith.constant 0 : i32
    %dma_wait3A_280 = tpu.memref_slice %arg10[%dma_wait3A_273, %dma_wait3A_279] : memref<125x80xi32, #tpu.memory_space<vmem>> -> memref<1x80xi32, #tpu.memory_space<vmem>>
    %dma_wait3A_281 = tpu.memref_squeeze %dma_wait3A_280 : memref<1x80xi32, #tpu.memory_space<vmem>> -> memref<80xi32, #tpu.memory_space<vmem>>
    %dma_wait3A_282 = arith.constant 0 : i32
    %dma_wait3A_283 = arith.constant 0 : i32
    %dma_wait3A_284 = tpu.memref_slice %arg18[%dma_wait3A_282, %dma_wait3A_283] : memref<10000x16xf32, #tpu.memory_space<vmem_shared>> -> memref<10000x16xf32, #tpu.memory_space<vmem_shared>>
    %dma_wait3A_285 = tpu.memref_slice %arg21[%dma_wait3A_274] : memref<5x!tpu.dma_semaphore, #tpu.memory_space<semaphore_mem>> -> memref<1x!tpu.dma_semaphore, #tpu.memory_space<semaphore_mem>>
    %dma_wait3A_286 = tpu.memref_squeeze %dma_wait3A_285 : memref<1x!tpu.dma_semaphore, #tpu.memory_space<semaphore_mem>> -> memref<!tpu.dma_semaphore, #tpu.memory_space<semaphore_mem>>
    tpu.wait_indirect_dma semaphore(%dma_wait3A_286 : memref<!tpu.dma_semaphore, #tpu.memory_space<semaphore_mem>>) src(%dma_wait3A_278 : memref<80x16xf32, #tpu.memory_space<vmem>>) dst(%dma_wait3A_284 : memref<10000x16xf32, #tpu.memory_space<vmem_shared>>)
    %dma_wait3A_287 = arith.constant 121 : i32
    %dma_wait3A_288 = arith.constant 1 : i32
    %dma_wait3A_289 = arith.constant 1 : i32
    %dma_wait3A_290 = arith.constant 0 : i32
    %dma_wait3A_291 = arith.constant 0 : i32
    %dma_wait3A_292 = tpu.memref_slice %arg11[%dma_wait3A_288, %dma_wait3A_290, %dma_wait3A_291] : memref<5x80x16xf32, #tpu.memory_space<vmem>> -> memref<1x80x16xf32, #tpu.memory_space<vmem>>
    %dma_wait3A_293 = tpu.memref_squeeze %dma_wait3A_292 : memref<1x80x16xf32, #tpu.memory_space<vmem>> -> memref<80x16xf32, #tpu.memory_space<vmem>>
    %dma_wait3A_294 = arith.constant 0 : i32
    %dma_wait3A_295 = tpu.memref_slice %arg9[%dma_wait3A_287, %dma_wait3A_294] : memref<125x80xi32, #tpu.memory_space<vmem>> -> memref<1x80xi32, #tpu.memory_space<vmem>>
    %dma_wait3A_296 = tpu.memref_squeeze %dma_wait3A_295 : memref<1x80xi32, #tpu.memory_space<vmem>> -> memref<80xi32, #tpu.memory_space<vmem>>
    %dma_wait3A_297 = arith.constant 0 : i32
    %dma_wait3A_298 = arith.constant 0 : i32
    %dma_wait3A_299 = tpu.memref_slice %arg19[%dma_wait3A_297, %dma_wait3A_298] : memref<10000x16xf32, #tpu.memory_space<vmem_shared>> -> memref<10000x16xf32, #tpu.memory_space<vmem_shared>>
    %dma_wait3A_300 = tpu.memref_slice %arg20[%dma_wait3A_289] : memref<5x!tpu.dma_semaphore, #tpu.memory_space<semaphore_mem>> -> memref<1x!tpu.dma_semaphore, #tpu.memory_space<semaphore_mem>>
    %dma_wait3A_301 = tpu.memref_squeeze %dma_wait3A_300 : memref<1x!tpu.dma_semaphore, #tpu.memory_space<semaphore_mem>> -> memref<!tpu.dma_semaphore, #tpu.memory_space<semaphore_mem>>
    tpu.wait_indirect_dma semaphore(%dma_wait3A_301 : memref<!tpu.dma_semaphore, #tpu.memory_space<semaphore_mem>>) src(%dma_wait3A_299 : memref<10000x16xf32, #tpu.memory_space<vmem_shared>>) dst(%dma_wait3A_293 : memref<80x16xf32, #tpu.memory_space<vmem>>)
    %dma_start3A_302 = arith.constant 1 : i32
    %dma_start3A_303 = arith.constant 121 : i32
    %dma_start3A_304 = arith.constant 1 : i32
    %dma_start3A_305 = arith.constant 0 : i32
    %dma_start3A_306 = arith.constant 0 : i32
    %dma_start3A_307 = tpu.memref_slice %arg11[%dma_start3A_302, %dma_start3A_305, %dma_start3A_306] : memref<5x80x16xf32, #tpu.memory_space<vmem>> -> memref<1x80x16xf32, #tpu.memory_space<vmem>>
    %dma_start3A_308 = tpu.memref_squeeze %dma_start3A_307 : memref<1x80x16xf32, #tpu.memory_space<vmem>> -> memref<80x16xf32, #tpu.memory_space<vmem>>
    %dma_start3A_309 = arith.constant 0 : i32
    %dma_start3A_310 = tpu.memref_slice %arg10[%dma_start3A_303, %dma_start3A_309] : memref<125x80xi32, #tpu.memory_space<vmem>> -> memref<1x80xi32, #tpu.memory_space<vmem>>
    %dma_start3A_311 = tpu.memref_squeeze %dma_start3A_310 : memref<1x80xi32, #tpu.memory_space<vmem>> -> memref<80xi32, #tpu.memory_space<vmem>>
    %dma_start3A_312 = arith.constant 0 : i32
    %dma_start3A_313 = arith.constant 0 : i32
    %dma_start3A_314 = tpu.memref_slice %arg18[%dma_start3A_312, %dma_start3A_313] : memref<10000x16xf32, #tpu.memory_space<vmem_shared>> -> memref<10000x16xf32, #tpu.memory_space<vmem_shared>>
    %dma_start3A_315 = tpu.memref_slice %arg21[%dma_start3A_304] : memref<5x!tpu.dma_semaphore, #tpu.memory_space<semaphore_mem>> -> memref<1x!tpu.dma_semaphore, #tpu.memory_space<semaphore_mem>>
    %dma_start3A_316 = tpu.memref_squeeze %dma_start3A_315 : memref<1x!tpu.dma_semaphore, #tpu.memory_space<semaphore_mem>> -> memref<!tpu.dma_semaphore, #tpu.memory_space<semaphore_mem>>
    tpu.enqueue_indirect_dma source(%dma_start3A_308 : memref<80x16xf32, #tpu.memory_space<vmem>>) target(%dma_start3A_314 : memref<10000x16xf32, #tpu.memory_space<vmem_shared>>) offsets(%dma_start3A_311 : memref<80xi32, #tpu.memory_space<vmem>>) semaphore(%dma_start3A_316 : memref<!tpu.dma_semaphore, #tpu.memory_space<semaphore_mem>>) {add = true}
    %dma_wait3A_317 = arith.constant 1 : i32
    %dma_wait3A_318 = arith.constant 121 : i32
    %dma_wait3A_319 = arith.constant 1 : i32
    %dma_wait3A_320 = arith.constant 0 : i32
    %dma_wait3A_321 = arith.constant 0 : i32
    %dma_wait3A_322 = tpu.memref_slice %arg11[%dma_wait3A_317, %dma_wait3A_320, %dma_wait3A_321] : memref<5x80x16xf32, #tpu.memory_space<vmem>> -> memref<1x80x16xf32, #tpu.memory_space<vmem>>
    %dma_wait3A_323 = tpu.memref_squeeze %dma_wait3A_322 : memref<1x80x16xf32, #tpu.memory_space<vmem>> -> memref<80x16xf32, #tpu.memory_space<vmem>>
    %dma_wait3A_324 = arith.constant 0 : i32
    %dma_wait3A_325 = tpu.memref_slice %arg10[%dma_wait3A_318, %dma_wait3A_324] : memref<125x80xi32, #tpu.memory_space<vmem>> -> memref<1x80xi32, #tpu.memory_space<vmem>>
    %dma_wait3A_326 = tpu.memref_squeeze %dma_wait3A_325 : memref<1x80xi32, #tpu.memory_space<vmem>> -> memref<80xi32, #tpu.memory_space<vmem>>
    %dma_wait3A_327 = arith.constant 0 : i32
    %dma_wait3A_328 = arith.constant 0 : i32
    %dma_wait3A_329 = tpu.memref_slice %arg18[%dma_wait3A_327, %dma_wait3A_328] : memref<10000x16xf32, #tpu.memory_space<vmem_shared>> -> memref<10000x16xf32, #tpu.memory_space<vmem_shared>>
    %dma_wait3A_330 = tpu.memref_slice %arg21[%dma_wait3A_319] : memref<5x!tpu.dma_semaphore, #tpu.memory_space<semaphore_mem>> -> memref<1x!tpu.dma_semaphore, #tpu.memory_space<semaphore_mem>>
    %dma_wait3A_331 = tpu.memref_squeeze %dma_wait3A_330 : memref<1x!tpu.dma_semaphore, #tpu.memory_space<semaphore_mem>> -> memref<!tpu.dma_semaphore, #tpu.memory_space<semaphore_mem>>
    tpu.wait_indirect_dma semaphore(%dma_wait3A_331 : memref<!tpu.dma_semaphore, #tpu.memory_space<semaphore_mem>>) src(%dma_wait3A_323 : memref<80x16xf32, #tpu.memory_space<vmem>>) dst(%dma_wait3A_329 : memref<10000x16xf32, #tpu.memory_space<vmem_shared>>)
    %dma_wait3A_332 = arith.constant 122 : i32
    %dma_wait3A_333 = arith.constant 2 : i32
    %dma_wait3A_334 = arith.constant 2 : i32
    %dma_wait3A_335 = arith.constant 0 : i32
    %dma_wait3A_336 = arith.constant 0 : i32
    %dma_wait3A_337 = tpu.memref_slice %arg11[%dma_wait3A_333, %dma_wait3A_335, %dma_wait3A_336] : memref<5x80x16xf32, #tpu.memory_space<vmem>> -> memref<1x80x16xf32, #tpu.memory_space<vmem>>
    %dma_wait3A_338 = tpu.memref_squeeze %dma_wait3A_337 : memref<1x80x16xf32, #tpu.memory_space<vmem>> -> memref<80x16xf32, #tpu.memory_space<vmem>>
    %dma_wait3A_339 = arith.constant 0 : i32
    %dma_wait3A_340 = tpu.memref_slice %arg9[%dma_wait3A_332, %dma_wait3A_339] : memref<125x80xi32, #tpu.memory_space<vmem>> -> memref<1x80xi32, #tpu.memory_space<vmem>>
    %dma_wait3A_341 = tpu.memref_squeeze %dma_wait3A_340 : memref<1x80xi32, #tpu.memory_space<vmem>> -> memref<80xi32, #tpu.memory_space<vmem>>
    %dma_wait3A_342 = arith.constant 0 : i32
    %dma_wait3A_343 = arith.constant 0 : i32
    %dma_wait3A_344 = tpu.memref_slice %arg19[%dma_wait3A_342, %dma_wait3A_343] : memref<10000x16xf32, #tpu.memory_space<vmem_shared>> -> memref<10000x16xf32, #tpu.memory_space<vmem_shared>>
    %dma_wait3A_345 = tpu.memref_slice %arg20[%dma_wait3A_334] : memref<5x!tpu.dma_semaphore, #tpu.memory_space<semaphore_mem>> -> memref<1x!tpu.dma_semaphore, #tpu.memory_space<semaphore_mem>>
    %dma_wait3A_346 = tpu.memref_squeeze %dma_wait3A_345 : memref<1x!tpu.dma_semaphore, #tpu.memory_space<semaphore_mem>> -> memref<!tpu.dma_semaphore, #tpu.memory_space<semaphore_mem>>
    tpu.wait_indirect_dma semaphore(%dma_wait3A_346 : memref<!tpu.dma_semaphore, #tpu.memory_space<semaphore_mem>>) src(%dma_wait3A_344 : memref<10000x16xf32, #tpu.memory_space<vmem_shared>>) dst(%dma_wait3A_338 : memref<80x16xf32, #tpu.memory_space<vmem>>)
    %dma_start3A_347 = arith.constant 2 : i32
    %dma_start3A_348 = arith.constant 122 : i32
    %dma_start3A_349 = arith.constant 2 : i32
    %dma_start3A_350 = arith.constant 0 : i32
    %dma_start3A_351 = arith.constant 0 : i32
    %dma_start3A_352 = tpu.memref_slice %arg11[%dma_start3A_347, %dma_start3A_350, %dma_start3A_351] : memref<5x80x16xf32, #tpu.memory_space<vmem>> -> memref<1x80x16xf32, #tpu.memory_space<vmem>>
    %dma_start3A_353 = tpu.memref_squeeze %dma_start3A_352 : memref<1x80x16xf32, #tpu.memory_space<vmem>> -> memref<80x16xf32, #tpu.memory_space<vmem>>
    %dma_start3A_354 = arith.constant 0 : i32
    %dma_start3A_355 = tpu.memref_slice %arg10[%dma_start3A_348, %dma_start3A_354] : memref<125x80xi32, #tpu.memory_space<vmem>> -> memref<1x80xi32, #tpu.memory_space<vmem>>
    %dma_start3A_356 = tpu.memref_squeeze %dma_start3A_355 : memref<1x80xi32, #tpu.memory_space<vmem>> -> memref<80xi32, #tpu.memory_space<vmem>>
    %dma_start3A_357 = arith.constant 0 : i32
    %dma_start3A_358 = arith.constant 0 : i32
    %dma_start3A_359 = tpu.memref_slice %arg18[%dma_start3A_357, %dma_start3A_358] : memref<10000x16xf32, #tpu.memory_space<vmem_shared>> -> memref<10000x16xf32, #tpu.memory_space<vmem_shared>>
    %dma_start3A_360 = tpu.memref_slice %arg21[%dma_start3A_349] : memref<5x!tpu.dma_semaphore, #tpu.memory_space<semaphore_mem>> -> memref<1x!tpu.dma_semaphore, #tpu.memory_space<semaphore_mem>>
    %dma_start3A_361 = tpu.memref_squeeze %dma_start3A_360 : memref<1x!tpu.dma_semaphore, #tpu.memory_space<semaphore_mem>> -> memref<!tpu.dma_semaphore, #tpu.memory_space<semaphore_mem>>
    tpu.enqueue_indirect_dma source(%dma_start3A_353 : memref<80x16xf32, #tpu.memory_space<vmem>>) target(%dma_start3A_359 : memref<10000x16xf32, #tpu.memory_space<vmem_shared>>) offsets(%dma_start3A_356 : memref<80xi32, #tpu.memory_space<vmem>>) semaphore(%dma_start3A_361 : memref<!tpu.dma_semaphore, #tpu.memory_space<semaphore_mem>>) {add = true}
    %dma_wait3A_362 = arith.constant 2 : i32
    %dma_wait3A_363 = arith.constant 122 : i32
    %dma_wait3A_364 = arith.constant 2 : i32
    %dma_wait3A_365 = arith.constant 0 : i32
    %dma_wait3A_366 = arith.constant 0 : i32
    %dma_wait3A_367 = tpu.memref_slice %arg11[%dma_wait3A_362, %dma_wait3A_365, %dma_wait3A_366] : memref<5x80x16xf32, #tpu.memory_space<vmem>> -> memref<1x80x16xf32, #tpu.memory_space<vmem>>
    %dma_wait3A_368 = tpu.memref_squeeze %dma_wait3A_367 : memref<1x80x16xf32, #tpu.memory_space<vmem>> -> memref<80x16xf32, #tpu.memory_space<vmem>>
    %dma_wait3A_369 = arith.constant 0 : i32
    %dma_wait3A_370 = tpu.memref_slice %arg10[%dma_wait3A_363, %dma_wait3A_369] : memref<125x80xi32, #tpu.memory_space<vmem>> -> memref<1x80xi32, #tpu.memory_space<vmem>>
    %dma_wait3A_371 = tpu.memref_squeeze %dma_wait3A_370 : memref<1x80xi32, #tpu.memory_space<vmem>> -> memref<80xi32, #tpu.memory_space<vmem>>
    %dma_wait3A_372 = arith.constant 0 : i32
    %dma_wait3A_373 = arith.constant 0 : i32
    %dma_wait3A_374 = tpu.memref_slice %arg18[%dma_wait3A_372, %dma_wait3A_373] : memref<10000x16xf32, #tpu.memory_space<vmem_shared>> -> memref<10000x16xf32, #tpu.memory_space<vmem_shared>>
    %dma_wait3A_375 = tpu.memref_slice %arg21[%dma_wait3A_364] : memref<5x!tpu.dma_semaphore, #tpu.memory_space<semaphore_mem>> -> memref<1x!tpu.dma_semaphore, #tpu.memory_space<semaphore_mem>>
    %dma_wait3A_376 = tpu.memref_squeeze %dma_wait3A_375 : memref<1x!tpu.dma_semaphore, #tpu.memory_space<semaphore_mem>> -> memref<!tpu.dma_semaphore, #tpu.memory_space<semaphore_mem>>
    tpu.wait_indirect_dma semaphore(%dma_wait3A_376 : memref<!tpu.dma_semaphore, #tpu.memory_space<semaphore_mem>>) src(%dma_wait3A_368 : memref<80x16xf32, #tpu.memory_space<vmem>>) dst(%dma_wait3A_374 : memref<10000x16xf32, #tpu.memory_space<vmem_shared>>)
    %dma_wait3A_377 = arith.constant 123 : i32
    %dma_wait3A_378 = arith.constant 3 : i32
    %dma_wait3A_379 = arith.constant 3 : i32
    %dma_wait3A_380 = arith.constant 0 : i32
    %dma_wait3A_381 = arith.constant 0 : i32
    %dma_wait3A_382 = tpu.memref_slice %arg11[%dma_wait3A_378, %dma_wait3A_380, %dma_wait3A_381] : memref<5x80x16xf32, #tpu.memory_space<vmem>> -> memref<1x80x16xf32, #tpu.memory_space<vmem>>
    %dma_wait3A_383 = tpu.memref_squeeze %dma_wait3A_382 : memref<1x80x16xf32, #tpu.memory_space<vmem>> -> memref<80x16xf32, #tpu.memory_space<vmem>>
    %dma_wait3A_384 = arith.constant 0 : i32
    %dma_wait3A_385 = tpu.memref_slice %arg9[%dma_wait3A_377, %dma_wait3A_384] : memref<125x80xi32, #tpu.memory_space<vmem>> -> memref<1x80xi32, #tpu.memory_space<vmem>>
    %dma_wait3A_386 = tpu.memref_squeeze %dma_wait3A_385 : memref<1x80xi32, #tpu.memory_space<vmem>> -> memref<80xi32, #tpu.memory_space<vmem>>
    %dma_wait3A_387 = arith.constant 0 : i32
    %dma_wait3A_388 = arith.constant 0 : i32
    %dma_wait3A_389 = tpu.memref_slice %arg19[%dma_wait3A_387, %dma_wait3A_388] : memref<10000x16xf32, #tpu.memory_space<vmem_shared>> -> memref<10000x16xf32, #tpu.memory_space<vmem_shared>>
    %dma_wait3A_390 = tpu.memref_slice %arg20[%dma_wait3A_379] : memref<5x!tpu.dma_semaphore, #tpu.memory_space<semaphore_mem>> -> memref<1x!tpu.dma_semaphore, #tpu.memory_space<semaphore_mem>>
    %dma_wait3A_391 = tpu.memref_squeeze %dma_wait3A_390 : memref<1x!tpu.dma_semaphore, #tpu.memory_space<semaphore_mem>> -> memref<!tpu.dma_semaphore, #tpu.memory_space<semaphore_mem>>
    tpu.wait_indirect_dma semaphore(%dma_wait3A_391 : memref<!tpu.dma_semaphore, #tpu.memory_space<semaphore_mem>>) src(%dma_wait3A_389 : memref<10000x16xf32, #tpu.memory_space<vmem_shared>>) dst(%dma_wait3A_383 : memref<80x16xf32, #tpu.memory_space<vmem>>)
    %dma_start3A_392 = arith.constant 3 : i32
    %dma_start3A_393 = arith.constant 123 : i32
    %dma_start3A_394 = arith.constant 3 : i32
    %dma_start3A_395 = arith.constant 0 : i32
    %dma_start3A_396 = arith.constant 0 : i32
    %dma_start3A_397 = tpu.memref_slice %arg11[%dma_start3A_392, %dma_start3A_395, %dma_start3A_396] : memref<5x80x16xf32, #tpu.memory_space<vmem>> -> memref<1x80x16xf32, #tpu.memory_space<vmem>>
    %dma_start3A_398 = tpu.memref_squeeze %dma_start3A_397 : memref<1x80x16xf32, #tpu.memory_space<vmem>> -> memref<80x16xf32, #tpu.memory_space<vmem>>
    %dma_start3A_399 = arith.constant 0 : i32
    %dma_start3A_400 = tpu.memref_slice %arg10[%dma_start3A_393, %dma_start3A_399] : memref<125x80xi32, #tpu.memory_space<vmem>> -> memref<1x80xi32, #tpu.memory_space<vmem>>
    %dma_start3A_401 = tpu.memref_squeeze %dma_start3A_400 : memref<1x80xi32, #tpu.memory_space<vmem>> -> memref<80xi32, #tpu.memory_space<vmem>>
    %dma_start3A_402 = arith.constant 0 : i32
    %dma_start3A_403 = arith.constant 0 : i32
    %dma_start3A_404 = tpu.memref_slice %arg18[%dma_start3A_402, %dma_start3A_403] : memref<10000x16xf32, #tpu.memory_space<vmem_shared>> -> memref<10000x16xf32, #tpu.memory_space<vmem_shared>>
    %dma_start3A_405 = tpu.memref_slice %arg21[%dma_start3A_394] : memref<5x!tpu.dma_semaphore, #tpu.memory_space<semaphore_mem>> -> memref<1x!tpu.dma_semaphore, #tpu.memory_space<semaphore_mem>>
    %dma_start3A_406 = tpu.memref_squeeze %dma_start3A_405 : memref<1x!tpu.dma_semaphore, #tpu.memory_space<semaphore_mem>> -> memref<!tpu.dma_semaphore, #tpu.memory_space<semaphore_mem>>
    tpu.enqueue_indirect_dma source(%dma_start3A_398 : memref<80x16xf32, #tpu.memory_space<vmem>>) target(%dma_start3A_404 : memref<10000x16xf32, #tpu.memory_space<vmem_shared>>) offsets(%dma_start3A_401 : memref<80xi32, #tpu.memory_space<vmem>>) semaphore(%dma_start3A_406 : memref<!tpu.dma_semaphore, #tpu.memory_space<semaphore_mem>>) {add = true}
    %dma_wait3A_407 = arith.constant 3 : i32
    %dma_wait3A_408 = arith.constant 123 : i32
    %dma_wait3A_409 = arith.constant 3 : i32
    %dma_wait3A_410 = arith.constant 0 : i32
    %dma_wait3A_411 = arith.constant 0 : i32
    %dma_wait3A_412 = tpu.memref_slice %arg11[%dma_wait3A_407, %dma_wait3A_410, %dma_wait3A_411] : memref<5x80x16xf32, #tpu.memory_space<vmem>> -> memref<1x80x16xf32, #tpu.memory_space<vmem>>
    %dma_wait3A_413 = tpu.memref_squeeze %dma_wait3A_412 : memref<1x80x16xf32, #tpu.memory_space<vmem>> -> memref<80x16xf32, #tpu.memory_space<vmem>>
    %dma_wait3A_414 = arith.constant 0 : i32
    %dma_wait3A_415 = tpu.memref_slice %arg10[%dma_wait3A_408, %dma_wait3A_414] : memref<125x80xi32, #tpu.memory_space<vmem>> -> memref<1x80xi32, #tpu.memory_space<vmem>>
    %dma_wait3A_416 = tpu.memref_squeeze %dma_wait3A_415 : memref<1x80xi32, #tpu.memory_space<vmem>> -> memref<80xi32, #tpu.memory_space<vmem>>
    %dma_wait3A_417 = arith.constant 0 : i32
    %dma_wait3A_418 = arith.constant 0 : i32
    %dma_wait3A_419 = tpu.memref_slice %arg18[%dma_wait3A_417, %dma_wait3A_418] : memref<10000x16xf32, #tpu.memory_space<vmem_shared>> -> memref<10000x16xf32, #tpu.memory_space<vmem_shared>>
    %dma_wait3A_420 = tpu.memref_slice %arg21[%dma_wait3A_409] : memref<5x!tpu.dma_semaphore, #tpu.memory_space<semaphore_mem>> -> memref<1x!tpu.dma_semaphore, #tpu.memory_space<semaphore_mem>>
    %dma_wait3A_421 = tpu.memref_squeeze %dma_wait3A_420 : memref<1x!tpu.dma_semaphore, #tpu.memory_space<semaphore_mem>> -> memref<!tpu.dma_semaphore, #tpu.memory_space<semaphore_mem>>
    tpu.wait_indirect_dma semaphore(%dma_wait3A_421 : memref<!tpu.dma_semaphore, #tpu.memory_space<semaphore_mem>>) src(%dma_wait3A_413 : memref<80x16xf32, #tpu.memory_space<vmem>>) dst(%dma_wait3A_419 : memref<10000x16xf32, #tpu.memory_space<vmem_shared>>)
    %dma_wait3A_422 = arith.constant 124 : i32
    %dma_wait3A_423 = arith.constant 4 : i32
    %dma_wait3A_424 = arith.constant 4 : i32
    %dma_wait3A_425 = arith.constant 0 : i32
    %dma_wait3A_426 = arith.constant 0 : i32
    %dma_wait3A_427 = tpu.memref_slice %arg11[%dma_wait3A_423, %dma_wait3A_425, %dma_wait3A_426] : memref<5x80x16xf32, #tpu.memory_space<vmem>> -> memref<1x80x16xf32, #tpu.memory_space<vmem>>
    %dma_wait3A_428 = tpu.memref_squeeze %dma_wait3A_427 : memref<1x80x16xf32, #tpu.memory_space<vmem>> -> memref<80x16xf32, #tpu.memory_space<vmem>>
    %dma_wait3A_429 = arith.constant 0 : i32
    %dma_wait3A_430 = tpu.memref_slice %arg9[%dma_wait3A_422, %dma_wait3A_429] : memref<125x80xi32, #tpu.memory_space<vmem>> -> memref<1x80xi32, #tpu.memory_space<vmem>>
    %dma_wait3A_431 = tpu.memref_squeeze %dma_wait3A_430 : memref<1x80xi32, #tpu.memory_space<vmem>> -> memref<80xi32, #tpu.memory_space<vmem>>
    %dma_wait3A_432 = arith.constant 0 : i32
    %dma_wait3A_433 = arith.constant 0 : i32
    %dma_wait3A_434 = tpu.memref_slice %arg19[%dma_wait3A_432, %dma_wait3A_433] : memref<10000x16xf32, #tpu.memory_space<vmem_shared>> -> memref<10000x16xf32, #tpu.memory_space<vmem_shared>>
    %dma_wait3A_435 = tpu.memref_slice %arg20[%dma_wait3A_424] : memref<5x!tpu.dma_semaphore, #tpu.memory_space<semaphore_mem>> -> memref<1x!tpu.dma_semaphore, #tpu.memory_space<semaphore_mem>>
    %dma_wait3A_436 = tpu.memref_squeeze %dma_wait3A_435 : memref<1x!tpu.dma_semaphore, #tpu.memory_space<semaphore_mem>> -> memref<!tpu.dma_semaphore, #tpu.memory_space<semaphore_mem>>
    tpu.wait_indirect_dma semaphore(%dma_wait3A_436 : memref<!tpu.dma_semaphore, #tpu.memory_space<semaphore_mem>>) src(%dma_wait3A_434 : memref<10000x16xf32, #tpu.memory_space<vmem_shared>>) dst(%dma_wait3A_428 : memref<80x16xf32, #tpu.memory_space<vmem>>)
    %dma_start3A_437 = arith.constant 4 : i32
    %dma_start3A_438 = arith.constant 124 : i32
    %dma_start3A_439 = arith.constant 4 : i32
    %dma_start3A_440 = arith.constant 0 : i32
    %dma_start3A_441 = arith.constant 0 : i32
    %dma_start3A_442 = tpu.memref_slice %arg11[%dma_start3A_437, %dma_start3A_440, %dma_start3A_441] : memref<5x80x16xf32, #tpu.memory_space<vmem>> -> memref<1x80x16xf32, #tpu.memory_space<vmem>>
    %dma_start3A_443 = tpu.memref_squeeze %dma_start3A_442 : memref<1x80x16xf32, #tpu.memory_space<vmem>> -> memref<80x16xf32, #tpu.memory_space<vmem>>
    %dma_start3A_444 = arith.constant 0 : i32
    %dma_start3A_445 = tpu.memref_slice %arg10[%dma_start3A_438, %dma_start3A_444] : memref<125x80xi32, #tpu.memory_space<vmem>> -> memref<1x80xi32, #tpu.memory_space<vmem>>
    %dma_start3A_446 = tpu.memref_squeeze %dma_start3A_445 : memref<1x80xi32, #tpu.memory_space<vmem>> -> memref<80xi32, #tpu.memory_space<vmem>>
    %dma_start3A_447 = arith.constant 0 : i32
    %dma_start3A_448 = arith.constant 0 : i32
    %dma_start3A_449 = tpu.memref_slice %arg18[%dma_start3A_447, %dma_start3A_448] : memref<10000x16xf32, #tpu.memory_space<vmem_shared>> -> memref<10000x16xf32, #tpu.memory_space<vmem_shared>>
    %dma_start3A_450 = tpu.memref_slice %arg21[%dma_start3A_439] : memref<5x!tpu.dma_semaphore, #tpu.memory_space<semaphore_mem>> -> memref<1x!tpu.dma_semaphore, #tpu.memory_space<semaphore_mem>>
    %dma_start3A_451 = tpu.memref_squeeze %dma_start3A_450 : memref<1x!tpu.dma_semaphore, #tpu.memory_space<semaphore_mem>> -> memref<!tpu.dma_semaphore, #tpu.memory_space<semaphore_mem>>
    tpu.enqueue_indirect_dma source(%dma_start3A_443 : memref<80x16xf32, #tpu.memory_space<vmem>>) target(%dma_start3A_449 : memref<10000x16xf32, #tpu.memory_space<vmem_shared>>) offsets(%dma_start3A_446 : memref<80xi32, #tpu.memory_space<vmem>>) semaphore(%dma_start3A_451 : memref<!tpu.dma_semaphore, #tpu.memory_space<semaphore_mem>>) {add = true}
    %dma_wait3A_452 = arith.constant 4 : i32
    %dma_wait3A_453 = arith.constant 124 : i32
    %dma_wait3A_454 = arith.constant 4 : i32
    %dma_wait3A_455 = arith.constant 0 : i32
    %dma_wait3A_456 = arith.constant 0 : i32
    %dma_wait3A_457 = tpu.memref_slice %arg11[%dma_wait3A_452, %dma_wait3A_455, %dma_wait3A_456] : memref<5x80x16xf32, #tpu.memory_space<vmem>> -> memref<1x80x16xf32, #tpu.memory_space<vmem>>
    %dma_wait3A_458 = tpu.memref_squeeze %dma_wait3A_457 : memref<1x80x16xf32, #tpu.memory_space<vmem>> -> memref<80x16xf32, #tpu.memory_space<vmem>>
    %dma_wait3A_459 = arith.constant 0 : i32
    %dma_wait3A_460 = tpu.memref_slice %arg10[%dma_wait3A_453, %dma_wait3A_459] : memref<125x80xi32, #tpu.memory_space<vmem>> -> memref<1x80xi32, #tpu.memory_space<vmem>>
    %dma_wait3A_461 = tpu.memref_squeeze %dma_wait3A_460 : memref<1x80xi32, #tpu.memory_space<vmem>> -> memref<80xi32, #tpu.memory_space<vmem>>
    %dma_wait3A_462 = arith.constant 0 : i32
    %dma_wait3A_463 = arith.constant 0 : i32
    %dma_wait3A_464 = tpu.memref_slice %arg18[%dma_wait3A_462, %dma_wait3A_463] : memref<10000x16xf32, #tpu.memory_space<vmem_shared>> -> memref<10000x16xf32, #tpu.memory_space<vmem_shared>>
    %dma_wait3A_465 = tpu.memref_slice %arg21[%dma_wait3A_454] : memref<5x!tpu.dma_semaphore, #tpu.memory_space<semaphore_mem>> -> memref<1x!tpu.dma_semaphore, #tpu.memory_space<semaphore_mem>>
    %dma_wait3A_466 = tpu.memref_squeeze %dma_wait3A_465 : memref<1x!tpu.dma_semaphore, #tpu.memory_space<semaphore_mem>> -> memref<!tpu.dma_semaphore, #tpu.memory_space<semaphore_mem>>
    tpu.wait_indirect_dma semaphore(%dma_wait3A_466 : memref<!tpu.dma_semaphore, #tpu.memory_space<semaphore_mem>>) src(%dma_wait3A_458 : memref<80x16xf32, #tpu.memory_space<vmem>>) dst(%dma_wait3A_464 : memref<10000x16xf32, #tpu.memory_space<vmem_shared>>)
    %barrier3A_467 = arith.constant 0 : index
    tpu.barrier barrier_id(%barrier3A_467)
    %mul3A_468 = arith.constant 625 : i32
    %mul3A_469 = arith.muli %arg1, %mul3A_468 : i32
    %mul3A_470 = arith.constant 625 : i32
    %mul3A_471 = arith.muli %arg1, %mul3A_470 : i32
    "tpu.region"() ({
      %run_scoped3A = tpu.sem_alloc : memref<!tpu.dma_semaphore, #tpu.memory_space<semaphore_mem>>
      %dma_start3A_472 = arith.constant 0 : i32
      %dma_start3A_473 = tpu.memref_slice %arg5[%arg0, %mul3A_471, %dma_start3A_472] : memref<2x10000x16xf32, #tpu.memory_space<hbm>> -> memref<1x625x16xf32, #tpu.memory_space<hbm>>
      %dma_start3A_474 = tpu.memref_squeeze %dma_start3A_473 : memref<1x625x16xf32, #tpu.memory_space<hbm>> -> memref<625x16xf32, #tpu.memory_space<hbm>>
      %dma_start3A_475 = arith.constant 0 : i32
      %dma_start3A_476 = tpu.memref_slice %arg18[%mul3A_469, %dma_start3A_475] : memref<10000x16xf32, #tpu.memory_space<vmem_shared>> -> memref<625x16xf32, #tpu.memory_space<vmem_shared>>
      tpu.enqueue_dma source(%dma_start3A_476 : memref<625x16xf32, #tpu.memory_space<vmem_shared>>) target(%dma_start3A_474 : memref<625x16xf32, #tpu.memory_space<hbm>>) target_semaphore(%run_scoped3A : memref<!tpu.dma_semaphore, #tpu.memory_space<semaphore_mem>>)
      %dma_wait3A_477 = arith.constant 0 : i32
      %dma_wait3A_478 = tpu.memref_slice %arg5[%arg0, %mul3A_471, %dma_wait3A_477] : memref<2x10000x16xf32, #tpu.memory_space<hbm>> -> memref<1x625x16xf32, #tpu.memory_space<hbm>>
      %dma_wait3A_479 = tpu.memref_squeeze %dma_wait3A_478 : memref<1x625x16xf32, #tpu.memory_space<hbm>> -> memref<625x16xf32, #tpu.memory_space<hbm>>
      %dma_wait3A_480 = arith.constant 0 : i32
      %dma_wait3A_481 = tpu.memref_slice %arg18[%mul3A_469, %dma_wait3A_480] : memref<10000x16xf32, #tpu.memory_space<vmem_shared>> -> memref<625x16xf32, #tpu.memory_space<vmem_shared>>
      tpu.wait_dma2 semaphore(%run_scoped3A : memref<!tpu.dma_semaphore, #tpu.memory_space<semaphore_mem>>) src(%dma_wait3A_481 : memref<625x16xf32, #tpu.memory_space<vmem_shared>>) dst(%dma_wait3A_479 : memref<625x16xf32, #tpu.memory_space<hbm>>)
      tpu.yield
    }) : () -> ()
    return
  }
}

module attributes {stable_mosaic.version = 14 : i64} {
  func.func @_tc0_body(%arg0: memref<10000x128xf32, #tpu.memory_space<vmem>>, %arg1: memref<128x16xf32, #tpu.memory_space<vmem>>, %arg2: memref<10000x16xf32, #tpu.memory_space<vmem>>) attributes {dimension_semantics = [], scalar_prefetch = 0 : i64, scratch_operands = 0 : i64, tpu.core_type = #tpu.core_type<tc>} {
    %get3A = arith.constant 0 : index
    %get3A_0 = arith.constant 0 : index
    %get3A_1 = vector.load %arg0[%get3A, %get3A_0] : memref<10000x128xf32, #tpu.memory_space<vmem>>, vector<10000x128xf32>
    %get3A_2 = arith.constant 0 : index
    %get3A_3 = arith.constant 0 : index
    %get3A_4 = vector.load %arg1[%get3A_2, %get3A_3] : memref<128x16xf32, #tpu.memory_space<vmem>>, vector<128x16xf32>
    %dot_general3A = arith.constant dense<0.000000e+00> : vector<10000x16xf32>
    %dot_general3A_5 = tpu.matmul %get3A_1, %get3A_4, %dot_general3A {dimension_numbers = #tpu.dot_dimension_numbers<[1], [0], [0], [1], [0, 0, 1, 1], [], []>, transpose_lhs_hint = false} : vector<10000x128xf32>, vector<128x16xf32>, vector<10000x16xf32> -> vector<10000x16xf32>
    %swap3A = arith.constant 0 : index
    %swap3A_6 = arith.constant 0 : index
    %swap3A_7 = vector.load %arg2[%swap3A, %swap3A_6] : memref<10000x16xf32, #tpu.memory_space<vmem>>, vector<10000x16xf32>
    tpu.vector_store %arg2[%swap3A, %swap3A_6], %dot_general3A_5 {strides = array<i32>} : memref<10000x16xf32, #tpu.memory_space<vmem>>, vector<10000x16xf32>,
    return
  }
}

module attributes {stable_mosaic.version = 14 : i64} {
  func.func @_tc3_body(%arg0: memref<2x10000xf32, #tpu.memory_space<vmem>>, %arg1: memref<10000xf32, #tpu.memory_space<vmem>>, %arg2: memref<10000xf32, #tpu.memory_space<vmem>>, %arg3: memref<1xf32, #tpu.memory_space<vmem>>, %arg4: memref<10000x1xf32, #tpu.memory_space<vmem>>) attributes {dimension_semantics = [], scalar_prefetch = 0 : i64, scratch_operands = 0 : i64, tpu.core_type = #tpu.core_type<tc>} {
    %get3A = arith.constant 0 : index
    %get3A_0 = arith.constant 0 : index
    %get3A_1 = vector.load %arg0[%get3A, %get3A_0] : memref<2x10000xf32, #tpu.memory_space<vmem>>, vector<1x10000xf32>
    %get3A_2 = vector.shape_cast %get3A_1 : vector<1x10000xf32> to vector<10000xf32>
    %get3A_3 = arith.constant 1 : index
    %get3A_4 = arith.constant 0 : index
    %get3A_5 = vector.load %arg0[%get3A_3, %get3A_4] : memref<2x10000xf32, #tpu.memory_space<vmem>>, vector<1x10000xf32>
    %get3A_6 = vector.shape_cast %get3A_5 : vector<1x10000xf32> to vector<10000xf32>
    %add3A = arith.addf %get3A_2, %get3A_6 : vector<10000xf32>
    %get3A_7 = arith.constant 0 : index
    %get3A_8 = vector.load %arg1[%get3A_7] : memref<10000xf32, #tpu.memory_space<vmem>>, vector<10000xf32>
    %add3A_9 = arith.addf %add3A, %get3A_8 : vector<10000xf32>
    %get3A_10 = arith.constant 0 : index
    %get3A_11 = vector.load %arg2[%get3A_10] : memref<10000xf32, #tpu.memory_space<vmem>>, vector<10000xf32>
    %mul3A = arith.mulf %add3A_9, %get3A_11 : vector<10000xf32>
    %get3A_12 = arith.constant 0 : index
    %get3A_13 = vector.load %arg3[%get3A_12] : memref<1xf32, #tpu.memory_space<vmem>>, vector<1xf32>
    %get3A_14 = vector.extract %get3A_13[0] : f32 from vector<1xf32>
    %add3A_15 = vector.broadcast %get3A_14 : f32 to vector<10000xf32>
    %add3A_16 = arith.addf %mul3A, %add3A_15 : vector<10000xf32>
    %logistic3A = arith.negf %add3A_16 : vector<10000xf32>
    %logistic3A_17 = math.exp %logistic3A : vector<10000xf32>
    %logistic3A_18 = arith.constant 1.000000e+00 : f32
    %logistic3A_19 = vector.broadcast %logistic3A_18 : f32 to vector<10000xf32>
    %logistic3A_20 = arith.addf %logistic3A_19, %logistic3A_17 : vector<10000xf32>
    %logistic3A_21 = arith.divf %logistic3A_19, %logistic3A_20 : vector<10000xf32>
    %broadcast_in_dim3A = vector.shape_cast %logistic3A_21 : vector<10000xf32> to vector<10000x1xf32>
    %swap3A = arith.constant 0 : index
    %swap3A_22 = arith.constant 0 : index
    %swap3A_23 = vector.load %arg4[%swap3A, %swap3A_22] : memref<10000x1xf32, #tpu.memory_space<vmem>>, vector<10000x1xf32>
    tpu.vector_store %arg4[%swap3A, %swap3A_22], %broadcast_in_dim3A {strides = array<i32>} : memref<10000x1xf32, #tpu.memory_space<vmem>>, vector<10000x1xf32>,
    return
  }
}

</mosaic_0001>

<sc_bundles>
// kernel: kernel.10.cloned.1.call-start
scs
__scs_entry_jumppad:
0x0: {  	(pc) =	sbr.rel $0x88, $3  }
0x1: {  	(tag) =	ssettag $0x0;
	lr =	simm.s32 $0x1  }
0x2: {  	[smem:$0x3F9B] =	sst lr;
	_ =	strace $0xD0000000  }
0x3: {  	_ = 	snop  }
0x4: {  	_ = 	snop  }
0x5: {  	_ = 	snop  }
0x6: {  	_ = 	snop  }
0x7: {  	_ = 	snop  }
__scs_overlays_trampoline_lowered:
0x8: {  	[smem:$0x3FAA] =	sst s0  }
0x9: {  	[smem:$0x3FAB] =	sst s1  }
0xa: {  	[smem:$0x3FAC] =	sst s2  }
0xb: {  	[smem:$0x3FAD] =	sst s3  }
0xc: {  	[smem:$0x3FAE] =	sst s4  }
0xd: {  	[smem:$0x3FAF] =	sst s5  }
0xe: {  	[smem:$0x3FB0] =	sst s6  }
0xf: {  	[smem:$0x3FB1] =	sst s7  }
0x10: {  	[smem:$0x3FB2] =	sst s8  }
0x11: {  	[smem:$0x3FB3] =	sst s9;
	s0 =	simm.s32 @!p0 $0x0  }
0x12: {  	s1 =	sld [smem:$0x3F99];
	s0 =	simm.s32 @p0 $0x1  }
0x13: {  	[smem:$0x3FB4] =	sst s0;
	s0 =	simm.s32 @!p1 $0x0  }
0x14: {  	s2 =	sld [smem:$0x3F98];
	s0 =	simm.s32 @p1 $0x1  }
0x15: {  	[smem:$0x3FB5] =	sst s0;
	s0 =	simm.s32 @!p2 $0x0  }
0x16: {  	s3 =	sld [smem:$0x3FDB];
	s0 =	simm.s32 @p2 $0x1  }
0x17: {  	s4 =	simm.s32 $0x1BF5;
	[smem:$0x3FB7] =	sst s0  }
0x18: {  	s0 =	sld [smem:$0x3F9A];
	_ =	swait.ge [sflag:s4], $0x0  }
0x19: {  	s7 =	sld [smem:$0x3F9B]  }
0x1a: {  	s8 =	sadd.s32 $0xFFFFE003, lr  }
0x1b: {  	s9 =	sadd.s32 $0xFFFFFEF7, lr;
	s5 =	simm.s32 $0xFFFFFFFF;
	p2 =	slt.u32 s8, $0xFFFFF086  }
0x1c: {  	p1 =	slt.u32 s9, $0xF7A;
	s5 =	simm.s32 @!p2 $0x0  }
0x1d: {  	s5 =	simm.s32 @p1 $0x1;
	p0 =	seq.s32 s7, s2  }
0x1e: {  	s7 =	smul.u32 @!p0 $0xF7A, s2;
	p2 =	seq.s32 @!p0 s5, $0x0  }
0x1f: {  	s9 =	smul.u32 $0xF7A, s1;
	s8 =	simm.s32 @!p0 $0x1BF5;
	p2 =	por !p2, p0  }
0x20: {  	[sflag:s8] =	ssyncset.s32 @!p0 $0xFFFFF086;
	s6 =	sadd.s32 @!p0 s3, s7;
	s7 =	simm.s32 @!p0 $0x108  }
0x21: {  	s3 =	sadd.s32 s3, s9;
	s6 =	sadd.s32 @!p0 $0x88, s6;
	s7 =	simm.s32 @p2 $0x1082  }
0x22: {  	[simem:s7], [sflag:s8] =	dma.local @!p0 [hbm:s6], $0xF7A  }
0x23: {  	s9 =	sor.u32 $0xD0000000, s2;
	s6 =	simm.s32 $0x108;
	_ =	swait.ge @!p0 [sflag:s8], $0x0  }
0x24: {  	s3 =	sadd.s32 $0x88, s3;
	s6 =	simm.s32 @!p1 $0x1082;
	[sflag:s4] =	ssyncset.s32 $0xFFFFF086  }
0x25: {  	[simem:s6], [sflag:s4] =	dma.local [hbm:s3], $0xF7A  }
0x26: {  	[smem:$0x3F9B] =	sst s1;
	(tag) =	ssettag s2;
	_ =	strace s9  }
0x27: {  	s1 =	sld [smem:$0x3FAB]  }
0x28: {  	s2 =	sld [smem:$0x3FAC]  }
0x29: {  	s4 =	sld [smem:$0x3FAE]  }
0x2a: {  	p0 =	seq.s32 s5, $0x0;
	s5 =	sld [smem:$0x3FAF]  }
0x2b: {  	s6 =	sld [smem:$0x3FB0]  }
0x2c: {  	s7 =	sld [smem:$0x3FB1]  }
0x2d: {  	s3 =	simm.s32 $0x108;
	s8 =	sld [smem:$0x3FB2]  }
0x2e: {  	s3 =	simm.s32 @!p0 $0x1082;
	s9 =	sld [smem:$0x3FB3]  }
0x2f: {  	lr =	sadd.s32 s0, s3;
	s0 =	sld [smem:$0x3FAA]  }
0x30: {  	s3 =	sld [smem:$0x3FAD]  }
0x31: {  	[smem:$0x3FB6] =	sst s10  }
0x32: {  	s10 =	sld [smem:$0x3FB4];
	_ =	sdelay $0x3  }
0x33: {  	p0 =	seq.s32 s10, $0x1;
	s10 =	sld [smem:$0x3FB6];
	_ =	sdelay $0x3  }
0x34: {  	[smem:$0x3FB6] =	sst s10  }
0x35: {  	s10 =	sld [smem:$0x3FB5];
	_ =	sdelay $0x3  }
0x36: {  	p1 =	seq.s32 s10, $0x1;
	s10 =	sld [smem:$0x3FB6];
	_ =	sdelay $0x3  }
0x37: {  	[smem:$0x3FB6] =	sst s10  }
0x38: {  	s10 =	sld [smem:$0x3FB7]  }
0x39: {  	_ = 	snop;
	(pc) =	sbr.ind lr, $3  }
0x3a: {  	_ = 	snop  }
0x3b: {  	_ = 	snop  }
0x3c: {  	p2 =	seq.s32 s10, $0x1;
	s10 =	sld [smem:$0x3FB6]  }
0x3d: {  	_ =	shalt  }
0x3e: {  	_ =	shalt  }
0x3f: {  	_ =	shalt  }
0x40: {  	_ =	shalt  }
0x41: {  	_ =	shalt  }
0x42: {  	_ =	shalt  }
0x43: {  	_ =	shalt  }
0x44: {  	_ =	shalt  }
0x45: {  	_ =	shalt  }
0x46: {  	_ =	shalt  }
0x47: {  	_ =	shalt  }
0x48: {  	_ =	shalt  }
0x49: {  	_ =	shalt  }
0x4a: {  	_ =	shalt  }
0x4b: {  	_ =	shalt  }
0x4c: {  	_ =	shalt  }
0x4d: {  	_ =	shalt  }
0x4e: {  	_ =	shalt  }
0x4f: {  	_ =	shalt  }
0x50: {  	_ =	shalt  }
0x51: {  	_ =	shalt  }
0x52: {  	_ =	shalt  }
0x53: {  	_ =	shalt  }
0x54: {  	_ =	shalt  }
0x55: {  	_ =	shalt  }
0x56: {  	_ =	shalt  }
0x57: {  	_ =	shalt  }
0x58: {  	_ =	shalt  }
0x59: {  	_ =	shalt  }
0x5a: {  	_ =	shalt  }
0x5b: {  	_ =	shalt  }
0x5c: {  	_ =	shalt  }
0x5d: {  	_ =	shalt  }
0x5e: {  	_ =	shalt  }
0x5f: {  	_ =	shalt  }
0x60: {  	_ =	shalt  }
0x61: {  	_ =	shalt  }
0x62: {  	_ =	shalt  }
0x63: {  	_ =	shalt  }
0x64: {  	_ =	shalt  }
0x65: {  	_ =	shalt  }
0x66: {  	_ =	shalt  }
0x67: {  	_ =	shalt  }
0x68: {  	_ =	shalt  }
0x69: {  	_ =	shalt  }
0x6a: {  	_ =	shalt  }
0x6b: {  	_ =	shalt  }
0x6c: {  	_ =	shalt  }
0x6d: {  	_ =	shalt  }
0x6e: {  	_ =	shalt  }
0x6f: {  	_ =	shalt  }
0x70: {  	_ =	shalt  }
0x71: {  	_ =	shalt  }
0x72: {  	_ =	shalt  }
0x73: {  	_ =	shalt  }
0x74: {  	_ =	shalt  }
0x75: {  	_ =	shalt  }
0x76: {  	_ =	shalt  }
0x77: {  	_ =	shalt  }
0x78: {  	_ =	shalt  }
0x79: {  	_ =	shalt  }
0x7a: {  	_ =	shalt  }
0x7b: {  	_ =	shalt  }
0x7c: {  	_ =	shalt  }
0x7d: {  	_ =	shalt  }
0x7e: {  	_ =	shalt  }
0x7f: {  	_ =	shalt  }
0x80: {  	_ =	shalt  }
0x81: {  	_ =	shalt  }
0x82: {  	_ =	shalt  }
0x83: {  	_ =	shalt  }
0x84: {  	_ =	shalt  }
0x85: {  	_ =	shalt  }
0x86: {  	_ =	shalt  }
0x87: {  	_ =	shalt  }
.Lfunc_end0:
.L_simem_size_0:
called_computation.1_lowered:
.L_overlay_start_0:
0x88: {  	s2 =	sld [smem:$0x3FD9]  }
0x89: {  	s3 =	sld [smem:$0x3FFE];
	_ =	sdelay $0x1  }
0x8a: {  	s1 =	srdreg.scid  }
0x8b: {  	s0 =	sand.u32 $0x1, s1  }
0x8c: {  	s16 =	sshll.u32 s0, $0xA;
	s2 =	sadd.s32 s3, s2  }
0x8d: {  	s2 =	sadd.s32 s2, s16  }
0x8e: {  	[smem:$0x3FC2] =	sst s2  }
0x8f: {  	_ = 	snop  }
0x90: {  	(tm) =	ssettm $0x1  }
0x91: {  	s17 =	sld [smem:$0x3FFB];
	_ =	sdelay $0x3  }
0x92: {  	_ =	strace s17  }
0x93: {  	s2 =	sld [smem:$0x3FFC];
	_ =	sdelay $0x3  }
0x94: {  	_ =	strace s2  }
0x95: {  	s2 =	sld [smem:$0x3FFD];
	_ =	sdelay $0x3  }
0x96: {  	_ =	strace s2  }
0x97: {  	_ =	strace $0x8FFFFFFF  }
0x98: {  	s18 =	sld [smem:$0x3FDB];
	_ =	sdelay $0x1  }
0x99: {  	s19 =	simm.s32 $_scs_section_size  }
0x9a: {  	s4 =	simm.s32 $_size__tile_overlayer_lowered;
	s5 =	simm.s32 $_tile_overlayer_lowered  }
0x9b: {  	s22 =	simm.s32 $0x1BFF;
	s21 =	sshll.u32 s5, $0x1;
	s2 =	sadd.s32 s19, s18  }
0x9c: {  	s6 =	simm.s32 $0x0;
	s20 =	sshll.u32 s4, $0x1;
	s4 =	sadd.s32 s21, s2  }
0x9d: {  	[timem:s6], [sflag:s22] =	dma.local [hbm:s4], s20  }
0x9e: {  	_ =	swait.ge [sflag:s22], s20  }
0x9f: {  	s3 =	ssub.s32 $0x0, s20;
	[sflag:s22] =	ssyncset.done $0x0  }
0xa0: {  	[sflag:s22] =	ssyncadd.s32 s3;
	_ =	sdelay $0x1  }
0xa1: {  	s23 =	simm.s32 $0x1B8B  }
0xa2: {  	_ =	swait.ge [sflag:s23], $0x1  }
0xa3: {  	[sflag:s23] =	ssyncset.done $0x0  }
0xa4: {  	s25 =	simm.s32 $0x1B8E;
	s24 =	sld [smem:$0x3FFE];
	[sflag:s23] =	ssyncadd.s32 $0xFFFFFFFF  }
0xa5: {  	s26 =	simm.s32 $execute0_lowered;
	[smem:$0x3FD2] =	sst s25  }
0xa6: {  	s4 =	sshll.u32 s26, $0x1;
	_ =	strace $0x80000049;
	[dreg:$0x1] =	wrdreg $0xFFFFFFFF  }
0xa7: {  	s28 =	simm.s32 $_size_execute0_lowered;
	s2 =	sadd.s32 s2, s4;
	[dreg:$0x0] =	wrdreg $0x0  }
0xa8: {  	s4 =	sshll.u32 s28, $0x1;
	[dreg:$0x2] =	wrdreg s2  }
0xa9: {  	[dreg:$0x3] =	wrdreg s4  }
0xaa: {  	[dreg:$0x4] =	wrdreg $0xC0  }
0xab: {  	_ =	task [dreg:s6], $0x5FFFF  }
0xac: {  	[dreg:$0x1] =	wrdreg $0xFFFFFFFF  }
0xad: {  	[dreg:$0x0] =	wrdreg $0x60  }
0xae: {  	[dreg:$0x2] =	wrdreg s24  }
0xaf: {  	[dreg:$0x3] =	wrdreg $0xE7400  }
0xb0: {  	[dreg:$0x4] =	wrdreg $0xC0300  }
0xb1: {  	[dreg:$0x5] =	wrdreg $0x9  }
0xb2: {  	_ =	task.clear_ibuf [dreg:s6], $0x6FFFF;
	_ =	strace $0x90000049  }
0xb3: {  	s29 =	simm.s32 $0x9;
	_ =	strace $0x8000004B  }
0xb4: {  	_ =	swait.ge [sflag:s29], $0x1  }
0xb5: {  	[sflag:s29] =	ssyncadd.s32 $0xFFFFFFFF  }
0xb6: {  	_ =	strace $0x9000004B  }
0xb7: {  	_ =	sfence  }
0xb8: {  	s30 =	sld [smem:$0x0];
	_ =	sdelay $0x2  }
0xb9: {  	s31 =	sshll.u32 s1, $0xD;
	s1 =	sshrl.u32 s1, $0x2  }
0xba: {  	s3 =	sand.u32 $0x4000, s31;
	s1 =	sadd.s32 s1, s30  }
0xbb: {  	s0 =	sor.u32 s3, s0;
	s1 =	sshll.u32 s1, $0x11  }
0xbc: {  	s0 =	sor.u32 s1, s0  }
0xbd: {  	s0 =	sadd.s32 $0x8F2B, s0  }
0xbe: {  	[sflag:s0] =	ssyncadd.remote.s32 $0x1  }
0xbf: {  	_ =	sfence.sel $0xFFFF  }
0xc0: {  	[dreg:$0x0] =	wrdreg $0xFFFFFFFF;
	(pc) =	sbr.abs _section_cstart, $3  }
0xc1: {  	[dreg:$0x1] =	wrdreg $0xFFFFFFFF  }
0xc2: {  	_ =	task.clear_ibuf [dreg:s6], $0x2FFFF;
	_ =	strace $0x9FFFFFFF  }
0xc3: {  	(tm) =	ssettm $0x7FFFFFFF  }
tec
execute0_lowered:
.L_overlay_start_1:
0x0: {  	(tag) =	ssettag $0x1  }
0x1: {  	s0 =	rddreg [dreg:$0x0]  }
0x2: {  	s1 =	rddreg [dreg:$0x1]  }
0x3: {  	s2 =	srdreg.scid;
	s9 =	stileid.u32  }
0x4: {  	s3 =	rddreg [dreg:$0x2];
	s28 =	simm.s32 $0xB;
	s5 =	smul.u32 $0x2710, s9  }
0x5: {  	s29 =	simm.s32 $0x3;
	s31 =	simm.s32 $0x1;
	s8 =	smul.u32 $0x2700, s9  }
0x6: {  	s2 =	sand.u32 $0x1, s2;
	s4 =	sshll.u32 s9, $0x1;
	s9 =	smul.u32 $0x270, s9  }
0x7: {  	s30 =	simm.s32 $0x5820;
	s6 =	sor.u32 s2, s4;
	s7 =	smul.u32 $0x27100, s2  }
0x8: {  	s4 =	simm.s32 $0x0;
	s2 =	ssub.s32 $0x2, s2;
	s6 =	smul.u32 $0x2710, s6  }
0x9: {  	[smem:$0x7FF] =	sst s4;
	s10 =	sshrl.u32 s8, $0x3;
	s9 =	sshrl.u32 s9, $0x3  }
0xa: {  	s19 =	sshrl.u32 s2, $0x1;
	s14 =	sadd.s32 s8, s1;
	s16 =	sadd.s32 s5, s3  }
0xb: {  	s8 =	simm.s32 $0x9;
	s7 =	sadd.s32 s5, s7;
	_ =	strace $0x8000004A  }
0xc: {  	s10 =	sadd.s32 s10, s0;
	s2 =	ssub.s32 s2, s19;
	s19 =	simm.s32 $0x50  }
0xd: {  	s5 =	simm.s32 $0x6220;
	s6 =	sshrl.u32 s6, $0x3;
	s7 =	sshrl.u32 s7, $0x3  }
0xe: {  	s21 =	sadd.s32 $0x17000, s10;
	s15 =	sadd.s32 $0x25E00, s10;
	s6 =	sadd.s32 s6, s0  }
0xf: {  	s7 =	sadd.s32 s7, s0;
	[dreg:$0x6] =	wrdreg s21;
	s20 =	sadd.s32 $0x2200, s6  }
0x10: {  	s0 =	sadd.s32 s9, s0;
	s6 =	sadd.s32 $0xBE40, s6;
	[dreg:$0x4] =	wrdreg s20  }
0x11: {  	s18 =	smax.u32 s2, $0x1;
	s22 =	sadd.s32 $0x15C00, s0;
	[dreg:$0x5] =	wrdreg s6  }
0x12: {  	s2 =	simm.s32 $0x2;
	s23 =	sadd.s32 $0x165C4, s0;
	[dreg:$0x7] =	wrdreg s22  }
0x13: {  	s10 =	simm.s32 $0x0;
	s24 =	sadd.s32 $0x160E2, s0;
	[dreg:$0x8] =	wrdreg s23  }
0x14: {  	s21 =	simm.s32 $0x5;
	s25 =	sadd.s32 $0x16AA6, s0;
	[dreg:$0x9] =	wrdreg s24  }
0x15: {  	s9 =	simm.s32 $0xA;
	s26 =	sadd.s32 $0x2AE00, s0;
	[dreg:$0xa] =	wrdreg s25  }
0x16: {  	s0 =	sadd.s32 $0x2B400, s0;
	s17 =	sadd.s32 $0x1C000, s7;
	[dreg:$0xb] =	wrdreg s26  }
0x17: {  	s7 =	simm.s32 $0x4;
	[dreg:$0xc] =	wrdreg s0;
	s20 =	simm.s32 $0x8E30  }
0x18: {  	s23 =	simm.s32 $0x6;
	s24 =	simm.s32 $0x7;
	s22 =	simm.s32 $0x4E20  }
0x19: {  	v0 =	vimm.f32 $0.0e+00;
	s26 =	simm.s32 $0x5320;
	s0 =	simm.s32 $0x5D20;
	s6 =	simm.s32 $0x8  }
.LBB2_1:
0x1a: {  	s11 =	rddreg [dreg:$0x4]  }
0x1b: {  	[tilespmem:s4], [sflag:$0x1] =	stream.linear.gather [hbm4b:s11+s4], $0x2710, $0x38;
	[tilespmem:$0x10E50] =	vst v63  }
0x1c: {  	s25 =	rddreg [dreg:$0x5];
	s12 =	simm.s32 $0x2710  }
0x1d: {  	[tilespmem:s12], [sflag:$0x2] =	stream.linear.gather [hbm4b:s25+s4], $0x2710, $0x38;
	[tilespmem:$0x10E50] =	vst v63  }
0x1e: {  	s12 =	rddreg [dreg:$0x6]  }
0x1f: {  	[tilespmem:s20], [sflag:$0x3] =	stream.linear.gather [hbm4b:s12+s4], $0x2800, $0x38;
	[tilespmem:$0x10E50] =	vst v63  }
0x20: {  	s13 =	rddreg [dreg:$0x7];
	s25 =	simm.s32 $0xB8B0  }
0x21: {  	[tilespmem:s25], [sflag:$0x6] =	stream.linear.gather [hbm4b:s13+s4], $0x280, $0x38;
	[tilespmem:$0x10E50] =	vst v63  }
0x22: {  	s11 =	simm.s32 $0x6760;
	s13 =	rddreg [dreg:$0x8];
	s25 =	simm.s32 $0xBB30  }
0x23: {  	[tilespmem:s25], [sflag:$0x7] =	stream.linear.gather [hbm4b:s13+s4], $0x280, $0x38;
	[tilespmem:$0x10E50] =	vst v63  }
0x24: {  	[tilespmem:s11+$0xFFFFFFC0] =	vst v0  }
0x25: {  	[tilespmem:s11+$0x30] =	vst v0  }
0x26: {  	[tilespmem:s11+$0x20] =	vst v0  }
0x27: {  	[tilespmem:s11+$0x10] =	vst v0  }
0x28: {  	[tilespmem:s11+$0x0] =	vst v0  }
0x29: {  	[tilespmem:s11+$0xFFFFFFF0] =	vst v0  }
0x2a: {  	s12 =	simm.s32 $0x0;
	[tilespmem:s11+$0xFFFFFFE0] =	vst v0  }
.LBB2_2:
0x2b: {  	s12 =	sadd.s32 $0x8, s12;
	[tilespmem:s11+$0xFFFFFFD0] =	vst v0;
	s11 =	sadd.s32 $0x80, s11  }
0x2c: {  	[tilespmem:s11+$0xFFFFFFC0] =	vst v0;
	p0 =	slt.u32 s12, $0x268  }
0x2d: {  	[tilespmem:s11+$0x30] =	vst v0  }
.Ltmp0:
0x2e: {  	[tilespmem:s11+$0x20] =	vst v0;
	(pc) =	sbr.rel @p0 .LBB2_2-.Ltmp0, $4  }
0x2f: {  	[tilespmem:s11+$0x10] =	vst v0  }
0x30: {  	[tilespmem:s11+$0x0] =	vst v0  }
0x31: {  	[tilespmem:s11+$0xFFFFFFF0] =	vst v0  }
0x32: {  	[tilespmem:s11+$0xFFFFFFE0] =	vst v0  }
0x33: {  	[tilespmem:s11+$0xFFFFFFD0] =	vst v0  }
0x34: {  	[tilespmem:$0x8E20] =	vst v0  }
0x35: {  	_ =	swait.ge [sflag:s23], $0x280  }
0x36: {  	[sflag:s23] =	ssyncset.done $0x0  }
0x37: {  	[sflag:s23] =	ssyncadd.s32 $0xFFFFFD80  }
0x38: {  	_ =	swait.ge [sflag:s24], $0x280  }
0x39: {  	[sflag:s24] =	ssyncset.done $0x0  }
0x3a: {  	s12 =	simm.s32 $0xB630;
	s25 =	rddreg [dreg:$0x9];
	[sflag:s24] =	ssyncadd.s32 $0xFFFFFD80  }
0x3b: {  	[tilespmem:s12], [sflag:$0x6] =	stream.linear.gather [hbm4b:s25+s4], $0x280, $0x38;
	[tilespmem:$0x10E50] =	vst v63  }
0x3c: {  	s11 =	simm.s32 $0xB8C0;
	s13 =	rddreg [dreg:$0xa];
	s25 =	simm.s32 $0xBDB0  }
0x3d: {  	[tilespmem:s25], [sflag:$0x7] =	stream.linear.gather [hbm4b:s13+s4], $0x280, $0x38;
	[tilespmem:$0x10E50] =	vst v63  }
0x3e: {  	s12 =	simm.s32 $0xBB40;
	v1 =	vld [tilespmem:s11+$0xFFFFFFF0]  }
0x3f: {  	v2 =	vld [tilespmem:s12+$0xFFFFFFF0];
	_ =	sdelay $0x4  }
0x40: {  	v1 =	vadd.f32 v2, v1;
	_ =	sdelay $0x1  }
0x41: {  	v1 =	vadd.f32 $1.000000000e+00, v1;
	_ =	sdelay $0x1  }
0x42: {  	v2 =	vshra.s32 v1, $0x1;
	v1 =	vmul.f32 $5.000000000e-01, v1  }
0x43: {  	v2 =	vsub.s32 $0x5F3759DF, v2  }
0x44: {  	v3 =	vmul.f32 v2, v1;
	_ =	sdelay $0x1  }
0x45: {  	v3 =	vmul.f32 v2, v3;
	_ =	sdelay $0x1  }
0x46: {  	v3 =	vsub.f32 $1.500000000e+00, v3;
	_ =	sdelay $0x1  }
0x47: {  	v2 =	vmul.f32 v2, v3;
	_ =	sdelay $0x1  }
0x48: {  	v3 =	vmul.f32 v2, v1;
	_ =	sdelay $0x1  }
0x49: {  	v3 =	vmul.f32 v3, v2;
	_ =	sdelay $0x1  }
0x4a: {  	v3 =	vsub.f32 $1.500000000e+00, v3;
	_ =	sdelay $0x1  }
0x4b: {  	v2 =	vmul.f32 v3, v2;
	_ =	sdelay $0x1  }
0x4c: {  	v1 =	vmul.f32 v2, v1;
	_ =	sdelay $0x1  }
0x4d: {  	v1 =	vmul.f32 v1, v2;
	_ =	sdelay $0x1  }
0x4e: {  	v1 =	vsub.f32 $1.500000000e+00, v1;
	_ =	sdelay $0x1  }
0x4f: {  	v1 =	vmul.f32 v1, v2;
	_ =	sdelay $0x1  }
0x50: {  	[tilespmem:s11+$0xFFFFFFF0] =	vst v1;
	v1 =	vld [tilespmem:s11+$0x0]  }
0x51: {  	v2 =	vld [tilespmem:s12+$0x0];
	_ =	sdelay $0x4  }
0x52: {  	v1 =	vadd.f32 v2, v1;
	_ =	sdelay $0x1  }
0x53: {  	v1 =	vadd.f32 $1.000000000e+00, v1;
	_ =	sdelay $0x1  }
0x54: {  	v2 =	vshra.s32 v1, $0x1;
	v1 =	vmul.f32 $5.000000000e-01, v1  }
0x55: {  	v2 =	vsub.s32 $0x5F3759DF, v2  }
0x56: {  	v3 =	vmul.f32 v2, v1;
	_ =	sdelay $0x1  }
0x57: {  	v3 =	vmul.f32 v2, v3;
	_ =	sdelay $0x1  }
0x58: {  	v3 =	vsub.f32 $1.500000000e+00, v3;
	_ =	sdelay $0x1  }
0x59: {  	v2 =	vmul.f32 v2, v3;
	_ =	sdelay $0x1  }
0x5a: {  	v3 =	vmul.f32 v2, v1;
	_ =	sdelay $0x1  }
0x5b: {  	v3 =	vmul.f32 v3, v2;
	_ =	sdelay $0x1  }
0x5c: {  	v3 =	vsub.f32 $1.500000000e+00, v3;
	_ =	sdelay $0x1  }
0x5d: {  	v2 =	vmul.f32 v3, v2;
	_ =	sdelay $0x1  }
0x5e: {  	v1 =	vmul.f32 v2, v1;
	_ =	sdelay $0x1  }
0x5f: {  	v1 =	vmul.f32 v1, v2;
	_ =	sdelay $0x1  }
0x60: {  	v1 =	vsub.f32 $1.500000000e+00, v1;
	_ =	sdelay $0x1  }
0x61: {  	v1 =	vmul.f32 v1, v2  }
0x62: {  	s25 =	simm.s32 $0x0;
	s13 =	simm.s32 $0xB8E0  }
.LBB2_4:
0x63: {  	v2 =	vld [tilespmem:s13+$0xFFFFFFF0];
	[tilespmem:s11+$0x0] =	vst v1;
	s12 =	sadd.s32 $0x20, s12;
	s11 =	smov.u32 s13  }
0x64: {  	s25 =	sadd.s32 $0x2, s25;
	v1 =	vld [tilespmem:s12+$0xFFFFFFF0]  }
0x65: {  	p0 =	slt.u32 s25, $0x26;
	_ =	sdelay $0x3  }
0x66: {  	v1 =	vadd.f32 v1, v2;
	_ =	sdelay $0x1  }
0x67: {  	v1 =	vadd.f32 $1.000000000e+00, v1;
	_ =	sdelay $0x1  }
0x68: {  	v2 =	vshra.s32 v1, $0x1;
	v1 =	vmul.f32 $5.000000000e-01, v1  }
0x69: {  	v2 =	vsub.s32 $0x5F3759DF, v2  }
0x6a: {  	v3 =	vmul.f32 v2, v1;
	_ =	sdelay $0x1  }
0x6b: {  	v3 =	vmul.f32 v2, v3;
	_ =	sdelay $0x1  }
0x6c: {  	v3 =	vsub.f32 $1.500000000e+00, v3;
	_ =	sdelay $0x1  }
0x6d: {  	v2 =	vmul.f32 v2, v3;
	_ =	sdelay $0x1  }
0x6e: {  	v3 =	vmul.f32 v2, v1;
	_ =	sdelay $0x1  }
0x6f: {  	v3 =	vmul.f32 v3, v2;
	_ =	sdelay $0x1  }
0x70: {  	v3 =	vsub.f32 $1.500000000e+00, v3;
	_ =	sdelay $0x1  }
0x71: {  	v2 =	vmul.f32 v3, v2;
	_ =	sdelay $0x1  }
0x72: {  	v1 =	vmul.f32 v2, v1;
	_ =	sdelay $0x1  }
0x73: {  	v1 =	vmul.f32 v1, v2;
	_ =	sdelay $0x1  }
0x74: {  	v1 =	vsub.f32 $1.500000000e+00, v1;
	_ =	sdelay $0x1  }
0x75: {  	v1 =	vmul.f32 v1, v2;
	_ =	sdelay $0x1  }
0x76: {  	[tilespmem:s13+$0xFFFFFFF0] =	vst v1;
	v1 =	vld [tilespmem:s13+$0x0]  }
0x77: {  	v2 =	vld [tilespmem:s12+$0x0];
	_ =	sdelay $0x4  }
0x78: {  	v1 =	vadd.f32 v2, v1;
	_ =	sdelay $0x1  }
0x79: {  	v1 =	vadd.f32 $1.000000000e+00, v1;
	_ =	sdelay $0x1  }
0x7a: {  	v2 =	vshra.s32 v1, $0x1;
	v1 =	vmul.f32 $5.000000000e-01, v1  }
0x7b: {  	v2 =	vsub.s32 $0x5F3759DF, v2  }
0x7c: {  	v3 =	vmul.f32 v2, v1;
	_ =	sdelay $0x1  }
0x7d: {  	v3 =	vmul.f32 v2, v3;
	_ =	sdelay $0x1  }
0x7e: {  	v3 =	vsub.f32 $1.500000000e+00, v3;
	_ =	sdelay $0x1  }
0x7f: {  	v2 =	vmul.f32 v2, v3;
	_ =	sdelay $0x1  }
0x80: {  	v3 =	vmul.f32 v2, v1;
	_ =	sdelay $0x1  }
0x81: {  	v3 =	vmul.f32 v3, v2;
	_ =	sdelay $0x1  }
0x82: {  	v3 =	vsub.f32 $1.500000000e+00, v3;
	_ =	sdelay $0x1  }
0x83: {  	v2 =	vmul.f32 v3, v2;
	_ =	sdelay $0x1  }
0x84: {  	v1 =	vmul.f32 v2, v1;
	_ =	sdelay $0x1  }
0x85: {  	v1 =	vmul.f32 v1, v2  }
.Ltmp1:
0x86: {  	(pc) =	sbr.rel @p0 .LBB2_4-.Ltmp1, $3  }
0x87: {  	v1 =	vsub.f32 $1.500000000e+00, v1;
	_ =	sdelay $0x1  }
0x88: {  	v1 =	vmul.f32 v1, v2  }
0x89: {  	s13 =	sadd.s32 $0x20, s13  }
0x8a: {  	[tilespmem:s11+$0x0] =	vst v1  }
0x8b: {  	_ =	swait.ge [sflag:s23], $0x280  }
0x8c: {  	[sflag:s23] =	ssyncset.done $0x0  }
0x8d: {  	[sflag:s23] =	ssyncadd.s32 $0xFFFFFD80  }
0x8e: {  	_ =	swait.ge [sflag:s24], $0x280  }
0x8f: {  	[sflag:s24] =	ssyncset.done $0x0  }
0x90: {  	s11 =	simm.s32 $0xB640;
	[sflag:s24] =	ssyncadd.s32 $0xFFFFFD80  }
0x91: {  	s12 =	simm.s32 $0xBDC0;
	v1 =	vld [tilespmem:s11+$0xFFFFFFF0]  }
0x92: {  	v2 =	vld [tilespmem:s12+$0xFFFFFFF0];
	_ =	sdelay $0x4  }
0x93: {  	v1 =	vadd.f32 v2, v1;
	_ =	sdelay $0x1  }
0x94: {  	v1 =	vadd.f32 $1.000000000e+00, v1;
	_ =	sdelay $0x1  }
0x95: {  	v2 =	vshra.s32 v1, $0x1;
	v1 =	vmul.f32 $5.000000000e-01, v1  }
0x96: {  	v2 =	vsub.s32 $0x5F3759DF, v2  }
0x97: {  	v3 =	vmul.f32 v2, v1;
	_ =	sdelay $0x1  }
0x98: {  	v3 =	vmul.f32 v2, v3;
	_ =	sdelay $0x1  }
0x99: {  	v3 =	vsub.f32 $1.500000000e+00, v3;
	_ =	sdelay $0x1  }
0x9a: {  	v2 =	vmul.f32 v2, v3;
	_ =	sdelay $0x1  }
0x9b: {  	v3 =	vmul.f32 v2, v1;
	_ =	sdelay $0x1  }
0x9c: {  	v3 =	vmul.f32 v3, v2;
	_ =	sdelay $0x1  }
0x9d: {  	v3 =	vsub.f32 $1.500000000e+00, v3;
	_ =	sdelay $0x1  }
0x9e: {  	v2 =	vmul.f32 v3, v2;
	_ =	sdelay $0x1  }
0x9f: {  	v1 =	vmul.f32 v2, v1;
	_ =	sdelay $0x1  }
0xa0: {  	v1 =	vmul.f32 v1, v2;
	_ =	sdelay $0x1  }
0xa1: {  	v1 =	vsub.f32 $1.500000000e+00, v1;
	_ =	sdelay $0x1  }
0xa2: {  	v1 =	vmul.f32 v1, v2;
	_ =	sdelay $0x1  }
0xa3: {  	[tilespmem:s11+$0xFFFFFFF0] =	vst v1;
	v1 =	vld [tilespmem:s11+$0x0]  }
0xa4: {  	v2 =	vld [tilespmem:s12+$0x0];
	_ =	sdelay $0x4  }
0xa5: {  	v1 =	vadd.f32 v2, v1;
	_ =	sdelay $0x1  }
0xa6: {  	v1 =	vadd.f32 $1.000000000e+00, v1;
	_ =	sdelay $0x1  }
0xa7: {  	v2 =	vshra.s32 v1, $0x1;
	v1 =	vmul.f32 $5.000000000e-01, v1  }
0xa8: {  	v2 =	vsub.s32 $0x5F3759DF, v2  }
0xa9: {  	v3 =	vmul.f32 v2, v1;
	_ =	sdelay $0x1  }
0xaa: {  	v3 =	vmul.f32 v2, v3;
	_ =	sdelay $0x1  }
0xab: {  	v3 =	vsub.f32 $1.500000000e+00, v3;
	_ =	sdelay $0x1  }
0xac: {  	v2 =	vmul.f32 v2, v3;
	_ =	sdelay $0x1  }
0xad: {  	v3 =	vmul.f32 v2, v1;
	_ =	sdelay $0x1  }
0xae: {  	v3 =	vmul.f32 v3, v2;
	_ =	sdelay $0x1  }
0xaf: {  	v3 =	vsub.f32 $1.500000000e+00, v3;
	_ =	sdelay $0x1  }
0xb0: {  	v2 =	vmul.f32 v3, v2;
	_ =	sdelay $0x1  }
0xb1: {  	v1 =	vmul.f32 v2, v1;
	_ =	sdelay $0x1  }
0xb2: {  	v1 =	vmul.f32 v1, v2;
	_ =	sdelay $0x1  }
0xb3: {  	v1 =	vsub.f32 $1.500000000e+00, v1;
	_ =	sdelay $0x1  }
0xb4: {  	v1 =	vmul.f32 v1, v2  }
0xb5: {  	s25 =	simm.s32 $0x0;
	s13 =	simm.s32 $0xB660  }
.LBB2_6:
0xb6: {  	v2 =	vld [tilespmem:s13+$0xFFFFFFF0];
	[tilespmem:s11+$0x0] =	vst v1;
	s12 =	sadd.s32 $0x20, s12;
	s11 =	smov.u32 s13  }
0xb7: {  	s25 =	sadd.s32 $0x2, s25;
	v1 =	vld [tilespmem:s12+$0xFFFFFFF0]  }
0xb8: {  	p0 =	slt.u32 s25, $0x26;
	_ =	sdelay $0x3  }
0xb9: {  	v1 =	vadd.f32 v1, v2;
	_ =	sdelay $0x1  }
0xba: {  	v1 =	vadd.f32 $1.000000000e+00, v1;
	_ =	sdelay $0x1  }
0xbb: {  	v2 =	vshra.s32 v1, $0x1;
	v1 =	vmul.f32 $5.000000000e-01, v1  }
0xbc: {  	v2 =	vsub.s32 $0x5F3759DF, v2  }
0xbd: {  	v3 =	vmul.f32 v2, v1;
	_ =	sdelay $0x1  }
0xbe: {  	v3 =	vmul.f32 v2, v3;
	_ =	sdelay $0x1  }
0xbf: {  	v3 =	vsub.f32 $1.500000000e+00, v3;
	_ =	sdelay $0x1  }
0xc0: {  	v2 =	vmul.f32 v2, v3;
	_ =	sdelay $0x1  }
0xc1: {  	v3 =	vmul.f32 v2, v1;
	_ =	sdelay $0x1  }
0xc2: {  	v3 =	vmul.f32 v3, v2;
	_ =	sdelay $0x1  }
0xc3: {  	v3 =	vsub.f32 $1.500000000e+00, v3;
	_ =	sdelay $0x1  }
0xc4: {  	v2 =	vmul.f32 v3, v2;
	_ =	sdelay $0x1  }
0xc5: {  	v1 =	vmul.f32 v2, v1;
	_ =	sdelay $0x1  }
0xc6: {  	v1 =	vmul.f32 v1, v2;
	_ =	sdelay $0x1  }
0xc7: {  	v1 =	vsub.f32 $1.500000000e+00, v1;
	_ =	sdelay $0x1  }
0xc8: {  	v1 =	vmul.f32 v1, v2;
	_ =	sdelay $0x1  }
0xc9: {  	[tilespmem:s13+$0xFFFFFFF0] =	vst v1;
	v1 =	vld [tilespmem:s13+$0x0]  }
0xca: {  	v2 =	vld [tilespmem:s12+$0x0];
	_ =	sdelay $0x4  }
0xcb: {  	v1 =	vadd.f32 v2, v1;
	_ =	sdelay $0x1  }
0xcc: {  	v1 =	vadd.f32 $1.000000000e+00, v1;
	_ =	sdelay $0x1  }
0xcd: {  	v2 =	vshra.s32 v1, $0x1;
	v1 =	vmul.f32 $5.000000000e-01, v1  }
0xce: {  	v2 =	vsub.s32 $0x5F3759DF, v2  }
0xcf: {  	v3 =	vmul.f32 v2, v1;
	_ =	sdelay $0x1  }
0xd0: {  	v3 =	vmul.f32 v2, v3;
	_ =	sdelay $0x1  }
0xd1: {  	v3 =	vsub.f32 $1.500000000e+00, v3;
	_ =	sdelay $0x1  }
0xd2: {  	v2 =	vmul.f32 v2, v3;
	_ =	sdelay $0x1  }
0xd3: {  	v3 =	vmul.f32 v2, v1;
	_ =	sdelay $0x1  }
0xd4: {  	v3 =	vmul.f32 v3, v2;
	_ =	sdelay $0x1  }
0xd5: {  	v3 =	vsub.f32 $1.500000000e+00, v3;
	_ =	sdelay $0x1  }
0xd6: {  	v2 =	vmul.f32 v3, v2;
	_ =	sdelay $0x1  }
0xd7: {  	v1 =	vmul.f32 v2, v1;
	_ =	sdelay $0x1  }
0xd8: {  	v1 =	vmul.f32 v1, v2  }
.Ltmp2:
0xd9: {  	(pc) =	sbr.rel @p0 .LBB2_6-.Ltmp2, $3  }
0xda: {  	v1 =	vsub.f32 $1.500000000e+00, v1;
	_ =	sdelay $0x1  }
0xdb: {  	v1 =	vmul.f32 v1, v2  }
0xdc: {  	s13 =	sadd.s32 $0x20, s13  }
0xdd: {  	[tilespmem:s11+$0x0] =	vst v1;
	s11 =	simm.s32 $0x0;
	s12 =	rddreg [dreg:$0xb];
	s13 =	simm.s32 $0xB8B0  }
0xde: {  	[hbm4b:s12+s11] =	stream.linear.scatter [tilespmem:s13], [sflag:$0xB], $0x280, $0x38;
	[tilespmem:$0x10E50] =	vst v63  }
0xdf: {  	_ =	swait.ge [sflag:s28], $0x280  }
0xe0: {  	[sflag:s28] =	ssyncset.done $0x0  }
0xe1: {  	s25 =	simm.s32 $0xB630;
	s13 =	rddreg [dreg:$0xc];
	[sflag:s28] =	ssyncadd.s32 $0xFFFFFD80  }
0xe2: {  	[hbm4b:s13+s11] =	stream.linear.scatter [tilespmem:s25], [sflag:$0xB], $0x280, $0x38;
	[tilespmem:$0x10E50] =	vst v63  }
0xe3: {  	_ =	swait.ge [sflag:s28], $0x280  }
0xe4: {  	[sflag:s28] =	ssyncset.done $0x0  }
0xe5: {  	[sflag:s28] =	ssyncadd.s32 $0xFFFFFD80  }
0xe6: {  	_ =	swait.ge [sflag:s29], $0x2800  }
0xe7: {  	[sflag:s29] =	ssyncset.done $0x0  }
0xe8: {  	s11 =	simm.s32 $0x8EB0;
	[sflag:s29] =	ssyncadd.s32 $0xFFFFD800  }
0xe9: {  	s12 =	simm.s32 $0x8EB0;
	s25 =	simm.s32 $0x0;
	s13 =	simm.s32 $0x40;
	v1 =	vld [tilespmem:s11+$0xFFFFFFB0]  }
.LBB2_8:
0xea: {  	p0 =	sne.s32 s13, $0x9C0;
	v2 =	vld [tilespmem:s25+$0xB8B0]  }
0xeb: {  	v3 =	vld [tilespmem:s11+$0xFFFFFF90]  }
0xec: {  	v4 =	vld [tilespmem:s11+$0xFFFFFF80]  }
0xed: {  	v5 =	vld [tilespmem:s11+$0xFFFFFFA0]  }
0xee: {  	v6 =	vld [tilespmem:s11+$0xFFFFFFF0]  }
0xef: {  	v7 =	vbroadcast v2, $0x0;
	v8 =	vbroadcast v2, $0x1;
	v9 =	vld [tilespmem:s11+$0xFFFFFFD0]  }
0xf0: {  	v10 =	vbroadcast v2, $0x2;
	v11 =	vbroadcast v2, $0x3;
	v12 =	vld [tilespmem:s11+$0xFFFFFFC0]  }
0xf1: {  	v4 =	vmul.f32 v7, v4;
	v3 =	vmul.f32 v3, v8;
	v7 =	vld [tilespmem:s11+$0xFFFFFFE0]  }
0xf2: {  	v1 =	vmul.f32 v1, v11;
	v5 =	vmul.f32 v5, v10;
	v8 =	vld [tilespmem:s11+$0x30]  }
0xf3: {  	v10 =	vbroadcast v2, $0x5;
	[tilespmem:s11+$0xFFFFFF80] =	vst v4;
	v4 =	vbroadcast v2, $0x4;
	v11 =	vld [tilespmem:s11+$0x10]  }
0xf4: {  	v13 =	vbroadcast v2, $0x7;
	[tilespmem:s11+$0xFFFFFF90] =	vst v3;
	v3 =	vbroadcast v2, $0x6;
	v14 =	vld [tilespmem:s11+$0x0]  }
0xf5: {  	[tilespmem:s11+$0xFFFFFFA0] =	vst v5;
	v4 =	vmul.f32 v12, v4;
	v5 =	vmul.f32 v9, v10;
	v9 =	vld [tilespmem:s11+$0x20]  }
0xf6: {  	[tilespmem:s11+$0xFFFFFFB0] =	vst v1;
	v1 =	vmul.f32 v7, v3;
	v3 =	vmul.f32 v6, v13;
	v6 =	vld [tilespmem:s11+$0x70]  }
0xf7: {  	v7 =	vbroadcast v2, $0x9;
	[tilespmem:s11+$0xFFFFFFC0] =	vst v4;
	v4 =	vbroadcast v2, $0x8;
	v10 =	vld [tilespmem:s11+$0x50]  }
0xf8: {  	v12 =	vbroadcast v2, $0xB;
	[tilespmem:s11+$0xFFFFFFD0] =	vst v5;
	v5 =	vbroadcast v2, $0xA;
	v13 =	vld [tilespmem:s11+$0x40]  }
0xf9: {  	[tilespmem:s11+$0xFFFFFFE0] =	vst v1;
	v1 =	vmul.f32 v14, v4;
	v4 =	vmul.f32 v11, v7;
	v7 =	vld [tilespmem:s11+$0x60]  }
0xfa: {  	[tilespmem:s11+$0xFFFFFFF0] =	vst v3;
	v3 =	vmul.f32 v9, v5;
	v5 =	vmul.f32 v8, v12  }
0xfb: {  	v8 =	vbroadcast v2, $0xD;
	[tilespmem:s11+$0x0] =	vst v1;
	v1 =	vbroadcast v2, $0xC  }
0xfc: {  	[tilespmem:s11+$0x10] =	vst v4;
	v4 =	vbroadcast v2, $0xE;
	v2 =	vbroadcast v2, $0xF  }
0xfd: {  	[tilespmem:s11+$0x20] =	vst v3;
	v1 =	vmul.f32 v13, v1;
	v3 =	vmul.f32 v10, v8  }
.Ltmp3:
0xfe: {  	[tilespmem:s11+$0x30] =	vst v5;
	v4 =	vmul.f32 v7, v4;
	v2 =	vmul.f32 v6, v2;
	(pc) =	sbr.rel @p0 .LBB2_8-.Ltmp3, $4  }
0xff: {  	[tilespmem:s11+$0x40] =	vst v1  }
0x100: {  	[tilespmem:s11+$0x50] =	vst v3  }
0x101: {  	s11 =	sadd.s32 $0x100, s11;
	[tilespmem:s12+$0x60] =	vst v4  }
0x102: {  	s25 =	sshra.s32 s13, $0x2;
	s13 =	sadd.s32 $0x40, s13;
	v1 =	vld [tilespmem:s11+$0xFFFFFFB0];
	[tilespmem:s12+$0x70] =	vst v2;
	s12 =	smov.u32 s11  }
0x103: {  	v2 =	vld [tilespmem:s25+$0xB8B0];
	_ =	sdelay $0x1  }
0x104: {  	v3 =	vld [tilespmem:s11+$0xFFFFFF80]  }
0x105: {  	v4 =	vld [tilespmem:s11+$0xFFFFFF90]  }
0x106: {  	v5 =	vld [tilespmem:s11+$0xFFFFFFA0]  }
0x107: {  	v6 =	vbroadcast v2, $0x0  }
0x108: {  	v9 =	vld [tilespmem:s11+$0xFFFFFFD0];
	v7 =	vbroadcast v2, $0x1  }
0x109: {  	v8 =	vld [tilespmem:s11+$0xFFFFFFC0];
	v10 =	vbroadcast v2, $0x2;
	v3 =	vmul.f32 v6, v3  }
0x10a: {  	v48 =	vld [tilespmem:s11+$0xFFFFFFE0];
	v47 =	vbroadcast v2, $0x3;
	v4 =	vmul.f32 v4, v7  }
0x10b: {  	v51 =	vld [tilespmem:s11+$0x10];
	v49 =	vbroadcast v2, $0x5;
	v5 =	vmul.f32 v5, v10;
	[tilespmem:s11+$0xFFFFFF80] =	vst v3  }
0x10c: {  	v11 =	vld [tilespmem:s11+$0xFFFFFFF0];
	v1 =	vmul.f32 v1, v47;
	v3 =	vbroadcast v2, $0x4;
	[tilespmem:s11+$0xFFFFFF90] =	vst v4  }
0x10d: {  	v50 =	vld [tilespmem:s11+$0x0];
	v12 =	vbroadcast v2, $0x6;
	v6 =	vmul.f32 v9, v49;
	[tilespmem:s11+$0xFFFFFFA0] =	vst v5  }
0x10e: {  	v56 =	vld [tilespmem:s11+$0x50];
	v54 =	vbroadcast v2, $0x9;
	[tilespmem:s11+$0xFFFFFFB0] =	vst v1;
	v3 =	vmul.f32 v8, v3  }
0x10f: {  	v53 =	vld [tilespmem:s11+$0x20];
	v52 =	vbroadcast v2, $0x7;
	v7 =	vmul.f32 v48, v12;
	[tilespmem:s11+$0xFFFFFFD0] =	vst v6  }
0x110: {  	v59 =	vmul.f32 v51, v54;
	v1 =	vld [tilespmem:s11+$0x30];
	[tilespmem:s11+$0xFFFFFFC0] =	vst v3;
	v3 =	vbroadcast v2, $0x8  }
0x111: {  	v55 =	vld [tilespmem:s11+$0x40];
	v62 =	vbroadcast v2, $0xD;
	v5 =	vmul.f32 v11, v52;
	[tilespmem:s11+$0xFFFFFFE0] =	vst v7  }
0x112: {  	v60 =	vld [tilespmem:s11+$0x60];
	v57 =	vbroadcast v2, $0xA;
	[tilespmem:s11+$0x10] =	vst v59;
	v3 =	vmul.f32 v50, v3  }
0x113: {  	v61 =	vld [tilespmem:s11+$0x70];
	v58 =	vbroadcast v2, $0xB;
	v4 =	vmul.f32 v56, v62;
	[tilespmem:s11+$0xFFFFFFF0] =	vst v5  }
0x114: {  	v8 =	vmul.f32 v53, v57;
	[tilespmem:s11+$0x0] =	vst v3;
	v3 =	vbroadcast v2, $0xC  }
0x115: {  	v63 =	vbroadcast v2, $0xE;
	[tilespmem:s11+$0x50] =	vst v4;
	v1 =	vmul.f32 v1, v58  }
0x116: {  	[tilespmem:s11+$0x20] =	vst v8;
	v2 =	vbroadcast v2, $0xF;
	v3 =	vmul.f32 v55, v3  }
0x117: {  	[tilespmem:s11+$0x30] =	vst v1;
	v1 =	vmul.f32 v60, v63  }
0x118: {  	v2 =	vmul.f32 v61, v2;
	[tilespmem:s11+$0x40] =	vst v3  }
0x119: {  	[tilespmem:s12+$0x60] =	vst v1  }
0x11a: {  	[tilespmem:s12+$0x70] =	vst v2  }
0x11b: {  	[spmem:s14] =	stream.linear.scatter [tilespmem:s20], [sflag:$0xB], $0x2800, $0x38;
	[tilespmem:$0x10E50] =	vst v63  }
0x11c: {  	_ =	swait.ge [sflag:s28], $0x2800  }
0x11d: {  	[sflag:s28] =	ssyncset.done $0x0  }
0x11e: {  	s13 =	simm.s32 $0x0;
	[sflag:s28] =	ssyncadd.s32 $0xFFFFD800  }
0x11f: {  	[hbm4b:s15+s13] =	stream.linear.scatter [tilespmem:s20], [sflag:$0xB], $0x2800, $0x38;
	[tilespmem:$0x10E50] =	vst v63  }
0x120: {  	_ =	swait.ge [sflag:s28], $0x2800  }
0x121: {  	[sflag:s28] =	ssyncset.done $0x0  }
0x122: {  	s25 =	simm.s32 $0x6720;
	[sflag:s28] =	ssyncadd.s32 $0xFFFFD800  }
0x123: {  	[spmem:s16] =	stream.linear.scatter [tilespmem:s25], [sflag:$0xB], $0x2710, $0x38;
	[tilespmem:$0x10E50] =	vst v63  }
0x124: {  	_ =	swait.ge [sflag:s28], $0x2710  }
0x125: {  	[sflag:s28] =	ssyncset.done $0x0  }
0x126: {  	[sflag:s28] =	ssyncadd.s32 $0xFFFFD8F0  }
0x127: {  	_ =	swait.ge [sflag:s31], $0x2710  }
0x128: {  	[sflag:s31] =	ssyncset.done $0x0  }
0x129: {  	[sflag:s31] =	ssyncadd.s32 $0xFFFFD8F0  }
0x12a: {  	_ =	swait.ge [sflag:s2], $0x2710  }
0x12b: {  	[sflag:s2] =	ssyncset.done $0x0  }
0x12c: {  	[sflag:s2] =	ssyncadd.s32 $0xFFFFD8F0  }
0x12d: {  	[bflag:$0x0] =	sbarrier.arrive $0xFFFF  }
0x12e: {  	[tilespmem:s22], [sflag:$0x1] =	stream.indirect.gather [spmem:s1], $0x10, s13, s19, $0xb8;
	[tilespmem:$0x10E50] =	vst v63  }
0x12f: {  	_ = 	snop  }
0x130: {  	[tilespmem:s26], [sflag:$0x2] =	stream.indirect.gather [spmem:s1], $0x10, s19, s19, $0xb8;
	[tilespmem:$0x10E50] =	vst v63  }
0x131: {  	s12 =	simm.s32 $0xA0  }
0x132: {  	[tilespmem:s30], [sflag:$0x3] =	stream.indirect.gather [spmem:s1], $0x10, s12, s19, $0xb8;
	[tilespmem:$0x10E50] =	vst v63  }
0x133: {  	s13 =	simm.s32 $0xF0  }
0x134: {  	[tilespmem:s0], [sflag:$0x4] =	stream.indirect.gather [spmem:s1], $0x10, s13, s19, $0xb8;
	[tilespmem:$0x10E50] =	vst v63  }
0x135: {  	s25 =	simm.s32 $0x140  }
0x136: {  	[tilespmem:s5], [sflag:$0x5] =	stream.indirect.gather [spmem:s1], $0x10, s25, s19, $0xb8;
	[tilespmem:$0x10E50] =	vst v63  }
0x137: {  	_ =	swait.ge [sflag:s31], $0x500  }
0x138: {  	[sflag:s31] =	ssyncset.done $0x0  }
0x139: {  	s12 =	simm.s32 $0x2710;
	[sflag:s31] =	ssyncadd.s32 $0xFFFFFB00  }
0x13a: {  	[spmem:s3] =	stream.indirect.scatter.add.f32 [tilespmem:s22], [sflag:$0x6], $0x10, s12, s19, $0xb8;
	[tilespmem:$0x10E50] =	vst v63  }
0x13b: {  	_ =	swait.ge [sflag:s23], $0x500  }
0x13c: {  	[sflag:s23] =	ssyncset.done $0x0  }
0x13d: {  	s13 =	simm.s32 $0x190;
	[sflag:s23] =	ssyncadd.s32 $0xFFFFFB00  }
0x13e: {  	[tilespmem:s22], [sflag:$0x1] =	stream.indirect.gather [spmem:s1], $0x10, s13, s19, $0xb8;
	[tilespmem:$0x10E50] =	vst v63  }
0x13f: {  	_ =	swait.ge [sflag:s2], $0x500  }
0x140: {  	[sflag:s2] =	ssyncset.done $0x0  }
0x141: {  	s25 =	simm.s32 $0x2760;
	[sflag:s2] =	ssyncadd.s32 $0xFFFFFB00  }
0x142: {  	[spmem:s3] =	stream.indirect.scatter.add.f32 [tilespmem:s26], [sflag:$0x7], $0x10, s25, s19, $0xb8;
	[tilespmem:$0x10E50] =	vst v63  }
0x143: {  	_ =	swait.ge [sflag:s24], $0x500  }
0x144: {  	[sflag:s24] =	ssyncset.done $0x0  }
0x145: {  	s12 =	simm.s32 $0x1E0;
	[sflag:s24] =	ssyncadd.s32 $0xFFFFFB00  }
0x146: {  	[tilespmem:s26], [sflag:$0x2] =	stream.indirect.gather [spmem:s1], $0x10, s12, s19, $0xb8;
	[tilespmem:$0x10E50] =	vst v63  }
0x147: {  	_ =	swait.ge [sflag:s29], $0x500  }
0x148: {  	[sflag:s29] =	ssyncset.done $0x0  }
0x149: {  	s13 =	simm.s32 $0x27B0;
	[sflag:s29] =	ssyncadd.s32 $0xFFFFFB00  }
0x14a: {  	[spmem:s3] =	stream.indirect.scatter.add.f32 [tilespmem:s30], [sflag:$0x8], $0x10, s13, s19, $0xb8;
	[tilespmem:$0x10E50] =	vst v63  }
0x14b: {  	_ =	swait.ge [sflag:s6], $0x500  }
0x14c: {  	[sflag:s6] =	ssyncset.done $0x0  }
0x14d: {  	s25 =	simm.s32 $0x230;
	[sflag:s6] =	ssyncadd.s32 $0xFFFFFB00  }
0x14e: {  	[tilespmem:s30], [sflag:$0x3] =	stream.indirect.gather [spmem:s1], $0x10, s25, s19, $0xb8;
	[tilespmem:$0x10E50] =	vst v63  }
0x14f: {  	_ =	swait.ge [sflag:s7], $0x500  }
0x150: {  	[sflag:s7] =	ssyncset.done $0x0  }
0x151: {  	s12 =	simm.s32 $0x2800;
	[sflag:s7] =	ssyncadd.s32 $0xFFFFFB00  }
0x152: {  	[spmem:s3] =	stream.indirect.scatter.add.f32 [tilespmem:s0], [sflag:$0x9], $0x10, s12, s19, $0xb8;
	[tilespmem:$0x10E50] =	vst v63  }
0x153: {  	_ =	swait.ge [sflag:s8], $0x500  }
0x154: {  	[sflag:s8] =	ssyncset.done $0x0  }
0x155: {  	s13 =	simm.s32 $0x280;
	[sflag:s8] =	ssyncadd.s32 $0xFFFFFB00  }
0x156: {  	[tilespmem:s0], [sflag:$0x4] =	stream.indirect.gather [spmem:s1], $0x10, s13, s19, $0xb8;
	[tilespmem:$0x10E50] =	vst v63  }
0x157: {  	_ =	swait.ge [sflag:s21], $0x500  }
0x158: {  	[sflag:s21] =	ssyncset.done $0x0  }
0x159: {  	s25 =	simm.s32 $0x2850;
	[sflag:s21] =	ssyncadd.s32 $0xFFFFFB00  }
0x15a: {  	[spmem:s3] =	stream.indirect.scatter.add.f32 [tilespmem:s5], [sflag:$0xA], $0x10, s25, s19, $0xb8;
	[tilespmem:$0x10E50] =	vst v63  }
0x15b: {  	_ =	swait.ge [sflag:s9], $0x500  }
0x15c: {  	[sflag:s9] =	ssyncset.done $0x0  }
0x15d: {  	s11 =	simm.s32 $0x640;
	s12 =	simm.s32 $0x2D0;
	[sflag:s9] =	ssyncadd.s32 $0xFFFFFB00  }
.LBB2_10:
0x15e: {  	[tilespmem:s5], [sflag:$0x5] =	stream.indirect.gather [spmem:s1], $0x10, s12, s19, $0xb8;
	[tilespmem:$0x10E50] =	vst v63  }
0x15f: {  	s12 =	smov.u32 s11  }
0x160: {  	p0 =	sne.s32 s11, $0x8FC0;
	s11 =	sadd.s32 $0x640, s11;
	_ =	swait.ge [sflag:s31], $0x500  }
0x161: {  	s12 =	sshra.s32 s12, $0x2;
	[sflag:s31] =	ssyncset.done $0x0  }
0x162: {  	s13 =	sadd.s32 $0x2710, s12;
	[sflag:s31] =	ssyncadd.s32 $0xFFFFFB00  }
0x163: {  	[spmem:s3] =	stream.indirect.scatter.add.f32 [tilespmem:s22], [sflag:$0x6], $0x10, s13, s19, $0xb8;
	[tilespmem:$0x10E50] =	vst v63  }
0x164: {  	_ =	swait.ge [sflag:s23], $0x500  }
0x165: {  	[sflag:s23] =	ssyncset.done $0x0  }
0x166: {  	s13 =	sadd.s32 $0x190, s12;
	[sflag:s23] =	ssyncadd.s32 $0xFFFFFB00  }
0x167: {  	[tilespmem:s22], [sflag:$0x1] =	stream.indirect.gather [spmem:s1], $0x10, s13, s19, $0xb8;
	[tilespmem:$0x10E50] =	vst v63  }
0x168: {  	_ =	swait.ge [sflag:s2], $0x500  }
0x169: {  	[sflag:s2] =	ssyncset.done $0x0  }
0x16a: {  	s13 =	sadd.s32 $0x2760, s12;
	[sflag:s2] =	ssyncadd.s32 $0xFFFFFB00  }
0x16b: {  	[spmem:s3] =	stream.indirect.scatter.add.f32 [tilespmem:s26], [sflag:$0x7], $0x10, s13, s19, $0xb8;
	[tilespmem:$0x10E50] =	vst v63  }
0x16c: {  	_ =	swait.ge [sflag:s24], $0x500  }
0x16d: {  	[sflag:s24] =	ssyncset.done $0x0  }
0x16e: {  	s13 =	sadd.s32 $0x1E0, s12;
	[sflag:s24] =	ssyncadd.s32 $0xFFFFFB00  }
0x16f: {  	[tilespmem:s26], [sflag:$0x2] =	stream.indirect.gather [spmem:s1], $0x10, s13, s19, $0xb8;
	[tilespmem:$0x10E50] =	vst v63  }
0x170: {  	_ =	swait.ge [sflag:s29], $0x500  }
0x171: {  	[sflag:s29] =	ssyncset.done $0x0  }
0x172: {  	s13 =	sadd.s32 $0x27B0, s12;
	[sflag:s29] =	ssyncadd.s32 $0xFFFFFB00  }
0x173: {  	[spmem:s3] =	stream.indirect.scatter.add.f32 [tilespmem:s30], [sflag:$0x8], $0x10, s13, s19, $0xb8;
	[tilespmem:$0x10E50] =	vst v63  }
0x174: {  	_ =	swait.ge [sflag:s6], $0x500  }
0x175: {  	[sflag:s6] =	ssyncset.done $0x0  }
0x176: {  	s13 =	sadd.s32 $0x230, s12;
	[sflag:s6] =	ssyncadd.s32 $0xFFFFFB00  }
0x177: {  	[tilespmem:s30], [sflag:$0x3] =	stream.indirect.gather [spmem:s1], $0x10, s13, s19, $0xb8;
	[tilespmem:$0x10E50] =	vst v63  }
0x178: {  	_ =	swait.ge [sflag:s7], $0x500  }
0x179: {  	[sflag:s7] =	ssyncset.done $0x0  }
0x17a: {  	s13 =	sadd.s32 $0x2800, s12;
	[sflag:s7] =	ssyncadd.s32 $0xFFFFFB00  }
0x17b: {  	[spmem:s3] =	stream.indirect.scatter.add.f32 [tilespmem:s0], [sflag:$0x9], $0x10, s13, s19, $0xb8;
	[tilespmem:$0x10E50] =	vst v63  }
0x17c: {  	_ =	swait.ge [sflag:s8], $0x500  }
0x17d: {  	[sflag:s8] =	ssyncset.done $0x0  }
0x17e: {  	s13 =	sadd.s32 $0x280, s12;
	[sflag:s8] =	ssyncadd.s32 $0xFFFFFB00  }
0x17f: {  	[tilespmem:s0], [sflag:$0x4] =	stream.indirect.gather [spmem:s1], $0x10, s13, s19, $0xb8;
	[tilespmem:$0x10E50] =	vst v63  }
0x180: {  	_ =	swait.ge [sflag:s21], $0x500  }
0x181: {  	[sflag:s21] =	ssyncset.done $0x0  }
.Ltmp4:
0x182: {  	s13 =	sadd.s32 $0x2850, s12;
	[sflag:s21] =	ssyncadd.s32 $0xFFFFFB00;
	(pc) =	sbr.rel @p0 .LBB2_10-.Ltmp4, $4  }
0x183: {  	[spmem:s3] =	stream.indirect.scatter.add.f32 [tilespmem:s5], [sflag:$0xA], $0x10, s13, s19, $0xb8;
	[tilespmem:$0x10E50] =	vst v63  }
0x184: {  	_ =	swait.ge [sflag:s9], $0x500  }
0x185: {  	[sflag:s9] =	ssyncset.done $0x0  }
0x186: {  	s12 =	sadd.s32 $0x2D0, s12;
	[sflag:s9] =	ssyncadd.s32 $0xFFFFFB00  }
0x187: {  	[tilespmem:s5], [sflag:$0x5] =	stream.indirect.gather [spmem:s1], $0x10, s12, s19, $0xb8;
	[tilespmem:$0x10E50] =	vst v63  }
0x188: {  	_ =	swait.ge [sflag:s31], $0x500  }
0x189: {  	[sflag:s31] =	ssyncset.done $0x0  }
0x18a: {  	s11 =	simm.s32 $0x4C90;
	[sflag:s31] =	ssyncadd.s32 $0xFFFFFB00  }
0x18b: {  	[spmem:s3] =	stream.indirect.scatter.add.f32 [tilespmem:s22], [sflag:$0x6], $0x10, s11, s19, $0xb8;
	[tilespmem:$0x10E50] =	vst v63  }
0x18c: {  	_ =	swait.ge [sflag:s23], $0x500  }
0x18d: {  	[sflag:s23] =	ssyncset.done $0x0  }
0x18e: {  	[sflag:s23] =	ssyncadd.s32 $0xFFFFFB00  }
0x18f: {  	_ =	swait.ge [sflag:s2], $0x500  }
0x190: {  	[sflag:s2] =	ssyncset.done $0x0  }
0x191: {  	s12 =	simm.s32 $0x4CE0;
	[sflag:s2] =	ssyncadd.s32 $0xFFFFFB00  }
0x192: {  	[spmem:s3] =	stream.indirect.scatter.add.f32 [tilespmem:s26], [sflag:$0x7], $0x10, s12, s19, $0xb8;
	[tilespmem:$0x10E50] =	vst v63  }
0x193: {  	_ =	swait.ge [sflag:s24], $0x500  }
0x194: {  	[sflag:s24] =	ssyncset.done $0x0  }
0x195: {  	[sflag:s24] =	ssyncadd.s32 $0xFFFFFB00  }
0x196: {  	_ =	swait.ge [sflag:s29], $0x500  }
0x197: {  	[sflag:s29] =	ssyncset.done $0x0  }
0x198: {  	s13 =	simm.s32 $0x4D30;
	[sflag:s29] =	ssyncadd.s32 $0xFFFFFB00  }
0x199: {  	[spmem:s3] =	stream.indirect.scatter.add.f32 [tilespmem:s30], [sflag:$0x8], $0x10, s13, s19, $0xb8;
	[tilespmem:$0x10E50] =	vst v63  }
0x19a: {  	_ =	swait.ge [sflag:s6], $0x500  }
0x19b: {  	[sflag:s6] =	ssyncset.done $0x0  }
0x19c: {  	[sflag:s6] =	ssyncadd.s32 $0xFFFFFB00  }
0x19d: {  	_ =	swait.ge [sflag:s7], $0x500  }
0x19e: {  	[sflag:s7] =	ssyncset.done $0x0  }
0x19f: {  	s25 =	simm.s32 $0x4D80;
	[sflag:s7] =	ssyncadd.s32 $0xFFFFFB00  }
0x1a0: {  	[spmem:s3] =	stream.indirect.scatter.add.f32 [tilespmem:s0], [sflag:$0x9], $0x10, s25, s19, $0xb8;
	[tilespmem:$0x10E50] =	vst v63  }
0x1a1: {  	_ =	swait.ge [sflag:s8], $0x500  }
0x1a2: {  	[sflag:s8] =	ssyncset.done $0x0  }
0x1a3: {  	[sflag:s8] =	ssyncadd.s32 $0xFFFFFB00  }
0x1a4: {  	_ =	swait.ge [sflag:s21], $0x500  }
0x1a5: {  	[sflag:s21] =	ssyncset.done $0x0  }
0x1a6: {  	s12 =	simm.s32 $0x4DD0;
	[sflag:s21] =	ssyncadd.s32 $0xFFFFFB00  }
0x1a7: {  	[spmem:s3] =	stream.indirect.scatter.add.f32 [tilespmem:s5], [sflag:$0xA], $0x10, s12, s19, $0xb8;
	[tilespmem:$0x10E50] =	vst v63  }
0x1a8: {  	s13 =	stileid.u32;
	_ =	swait.ge [sflag:s9], $0x500  }
0x1a9: {  	s10 =	sadd.s32 $0x1, s10;
	s11 =	sshll.u32 s13, $0x6;
	[sflag:s9] =	ssyncset.done $0x0  }
0x1aa: {  	p0 =	sne.s32 s10, s18;
	s11 =	sor.u32 $0x1C0B, s11;
	[sflag:s9] =	ssyncadd.s32 $0xFFFFFB00  }
.Ltmp5:
0x1ab: {  	s25 =	sshrl.u32 s16, $0x3;
	[bflag:$0x0] =	sbarrier.arrive $0xFFFF;
	(pc) =	sbr.rel @p0 .LBB2_1-.Ltmp5, $4  }
0x1ac: {  	[hbm:s17], [sflag:s11] =	dma.local [spmem:s25], $0x4E2  }
0x1ad: {  	_ =	swait.ge [sflag:s28], $0x4E2  }
0x1ae: {  	[sflag:s28] =	ssyncset.done $0x0  }
0x1af: {  	[sflag:s28] =	ssyncadd.s32 $0xFFFFFB1E  }
0x1b0: {  	_ =	sfence.sel $0x180000  }
0x1b1: {  	[bflag:$0x0] =	sbarrier.arrive $0xFFFF  }
0x1b2: {  	_ =	strace $0x9000004A  }
0x1b3: {  	s0 =	stileid.u32;
	[bflag:$0x2] =	sbarrier.arrive $0xFFFF  }
0x1b4: {  	p0 =	sne.s32 s0, $0x0;
	s0 =	rddreg [dreg:$0x3]  }
0x1b5: {  	s0 =	sadd.s32 @!p0 $0x100000, s0  }
0x1b6: {  	[sflag:s0] =	ssyncadd.tile.s32 @!p0 $0x1;
	_ =	shalt  }
.Lfunc_end2:
_tile_overlayer_lowered:
.L_overlay_start_2:
0x1b7: {  	(tag) =	ssettag $0x2  }
0x1b8: {  	s0 =	rddreg [dreg:$0x0];
	s2 =	stileid.u32  }
0x1b9: {  	s1 =	rddreg [dreg:$0x1];
	p0 =	sne.s32 s2, $0x0  }
0x1ba: {  	s3 =	rddreg [dreg:$0x2];
	[bflag:$0x3] =	sbarrier.arrive $0xFFFF;
	s2 =	simm.s32 @!p0 $0x1C0B  }
0x1bb: {  	[timem:s3], [sflag:s2] =	dma.local @!p0 [hbm:s0], s1  }
0x1bc: {  	s0 =	simm.s32 @!p0 $0xB  }
0x1bd: {  	_ =	swait.ge @!p0 [sflag:s0], s1  }
0x1be: {  	s1 =	ssub.s32 @!p0 $0x0, s1;
	[sflag:s0] =	ssyncset.done @!p0 $0x0  }
0x1bf: {  	[sflag:s0] =	ssyncadd.s32 @!p0 s1  }
0x1c0: {  	[bflag:$0x3] =	sbarrier.arrive $0xFFFF  }
0x1c1: {  	_ =	shalt  }

// kernel: kernel.13.cloned.1.call-start
scs
__scs_entry_jumppad:
0x0: {  	(pc) =	sbr.rel $0x88, $3  }
0x1: {  	(tag) =	ssettag $0x0;
	lr =	simm.s32 $0x1  }
0x2: {  	[smem:$0x3F9B] =	sst lr;
	_ =	strace $0xD0000000  }
0x3: {  	_ = 	snop  }
0x4: {  	_ = 	snop  }
0x5: {  	_ = 	snop  }
0x6: {  	_ = 	snop  }
0x7: {  	_ = 	snop  }
__scs_overlays_trampoline_lowered:
0x8: {  	[smem:$0x3FAA] =	sst s0  }
0x9: {  	[smem:$0x3FAB] =	sst s1  }
0xa: {  	[smem:$0x3FAC] =	sst s2  }
0xb: {  	[smem:$0x3FAD] =	sst s3  }
0xc: {  	[smem:$0x3FAE] =	sst s4  }
0xd: {  	[smem:$0x3FAF] =	sst s5  }
0xe: {  	[smem:$0x3FB0] =	sst s6  }
0xf: {  	[smem:$0x3FB1] =	sst s7  }
0x10: {  	[smem:$0x3FB2] =	sst s8  }
0x11: {  	[smem:$0x3FB3] =	sst s9;
	s0 =	simm.s32 @!p0 $0x0  }
0x12: {  	s1 =	sld [smem:$0x3F99];
	s0 =	simm.s32 @p0 $0x1  }
0x13: {  	[smem:$0x3FB4] =	sst s0;
	s0 =	simm.s32 @!p1 $0x0  }
0x14: {  	s2 =	sld [smem:$0x3F98];
	s0 =	simm.s32 @p1 $0x1  }
0x15: {  	[smem:$0x3FB5] =	sst s0;
	s0 =	simm.s32 @!p2 $0x0  }
0x16: {  	s3 =	sld [smem:$0x3FDB];
	s0 =	simm.s32 @p2 $0x1  }
0x17: {  	s4 =	simm.s32 $0x1BF5;
	[smem:$0x3FB7] =	sst s0  }
0x18: {  	s0 =	sld [smem:$0x3F9A];
	_ =	swait.ge [sflag:s4], $0x0  }
0x19: {  	s7 =	sld [smem:$0x3F9B]  }
0x1a: {  	s8 =	sadd.s32 $0xFFFFE003, lr  }
0x1b: {  	s9 =	sadd.s32 $0xFFFFFEF7, lr;
	s5 =	simm.s32 $0xFFFFFFFF;
	p2 =	slt.u32 s8, $0xFFFFF086  }
0x1c: {  	p1 =	slt.u32 s9, $0xF7A;
	s5 =	simm.s32 @!p2 $0x0  }
0x1d: {  	s5 =	simm.s32 @p1 $0x1;
	p0 =	seq.s32 s7, s2  }
0x1e: {  	s7 =	smul.u32 @!p0 $0xF7A, s2;
	p2 =	seq.s32 @!p0 s5, $0x0  }
0x1f: {  	s9 =	smul.u32 $0xF7A, s1;
	s8 =	simm.s32 @!p0 $0x1BF5;
	p2 =	por !p2, p0  }
0x20: {  	[sflag:s8] =	ssyncset.s32 @!p0 $0xFFFFF086;
	s6 =	sadd.s32 @!p0 s3, s7;
	s7 =	simm.s32 @!p0 $0x108  }
0x21: {  	s3 =	sadd.s32 s3, s9;
	s6 =	sadd.s32 @!p0 $0x88, s6;
	s7 =	simm.s32 @p2 $0x1082  }
0x22: {  	[simem:s7], [sflag:s8] =	dma.local @!p0 [hbm:s6], $0xF7A  }
0x23: {  	s9 =	sor.u32 $0xD0000000, s2;
	s6 =	simm.s32 $0x108;
	_ =	swait.ge @!p0 [sflag:s8], $0x0  }
0x24: {  	s3 =	sadd.s32 $0x88, s3;
	s6 =	simm.s32 @!p1 $0x1082;
	[sflag:s4] =	ssyncset.s32 $0xFFFFF086  }
0x25: {  	[simem:s6], [sflag:s4] =	dma.local [hbm:s3], $0xF7A  }
0x26: {  	[smem:$0x3F9B] =	sst s1;
	(tag) =	ssettag s2;
	_ =	strace s9  }
0x27: {  	s1 =	sld [smem:$0x3FAB]  }
0x28: {  	s2 =	sld [smem:$0x3FAC]  }
0x29: {  	s4 =	sld [smem:$0x3FAE]  }
0x2a: {  	p0 =	seq.s32 s5, $0x0;
	s5 =	sld [smem:$0x3FAF]  }
0x2b: {  	s6 =	sld [smem:$0x3FB0]  }
0x2c: {  	s7 =	sld [smem:$0x3FB1]  }
0x2d: {  	s3 =	simm.s32 $0x108;
	s8 =	sld [smem:$0x3FB2]  }
0x2e: {  	s3 =	simm.s32 @!p0 $0x1082;
	s9 =	sld [smem:$0x3FB3]  }
0x2f: {  	lr =	sadd.s32 s0, s3;
	s0 =	sld [smem:$0x3FAA]  }
0x30: {  	s3 =	sld [smem:$0x3FAD]  }
0x31: {  	[smem:$0x3FB6] =	sst s10  }
0x32: {  	s10 =	sld [smem:$0x3FB4];
	_ =	sdelay $0x3  }
0x33: {  	p0 =	seq.s32 s10, $0x1;
	s10 =	sld [smem:$0x3FB6];
	_ =	sdelay $0x3  }
0x34: {  	[smem:$0x3FB6] =	sst s10  }
0x35: {  	s10 =	sld [smem:$0x3FB5];
	_ =	sdelay $0x3  }
0x36: {  	p1 =	seq.s32 s10, $0x1;
	s10 =	sld [smem:$0x3FB6];
	_ =	sdelay $0x3  }
0x37: {  	[smem:$0x3FB6] =	sst s10  }
0x38: {  	s10 =	sld [smem:$0x3FB7]  }
0x39: {  	_ = 	snop;
	(pc) =	sbr.ind lr, $3  }
0x3a: {  	_ = 	snop  }
0x3b: {  	_ = 	snop  }
0x3c: {  	p2 =	seq.s32 s10, $0x1;
	s10 =	sld [smem:$0x3FB6]  }
0x3d: {  	_ =	shalt  }
0x3e: {  	_ =	shalt  }
0x3f: {  	_ =	shalt  }
0x40: {  	_ =	shalt  }
0x41: {  	_ =	shalt  }
0x42: {  	_ =	shalt  }
0x43: {  	_ =	shalt  }
0x44: {  	_ =	shalt  }
0x45: {  	_ =	shalt  }
0x46: {  	_ =	shalt  }
0x47: {  	_ =	shalt  }
0x48: {  	_ =	shalt  }
0x49: {  	_ =	shalt  }
0x4a: {  	_ =	shalt  }
0x4b: {  	_ =	shalt  }
0x4c: {  	_ =	shalt  }
0x4d: {  	_ =	shalt  }
0x4e: {  	_ =	shalt  }
0x4f: {  	_ =	shalt  }
0x50: {  	_ =	shalt  }
0x51: {  	_ =	shalt  }
0x52: {  	_ =	shalt  }
0x53: {  	_ =	shalt  }
0x54: {  	_ =	shalt  }
0x55: {  	_ =	shalt  }
0x56: {  	_ =	shalt  }
0x57: {  	_ =	shalt  }
0x58: {  	_ =	shalt  }
0x59: {  	_ =	shalt  }
0x5a: {  	_ =	shalt  }
0x5b: {  	_ =	shalt  }
0x5c: {  	_ =	shalt  }
0x5d: {  	_ =	shalt  }
0x5e: {  	_ =	shalt  }
0x5f: {  	_ =	shalt  }
0x60: {  	_ =	shalt  }
0x61: {  	_ =	shalt  }
0x62: {  	_ =	shalt  }
0x63: {  	_ =	shalt  }
0x64: {  	_ =	shalt  }
0x65: {  	_ =	shalt  }
0x66: {  	_ =	shalt  }
0x67: {  	_ =	shalt  }
0x68: {  	_ =	shalt  }
0x69: {  	_ =	shalt  }
0x6a: {  	_ =	shalt  }
0x6b: {  	_ =	shalt  }
0x6c: {  	_ =	shalt  }
0x6d: {  	_ =	shalt  }
0x6e: {  	_ =	shalt  }
0x6f: {  	_ =	shalt  }
0x70: {  	_ =	shalt  }
0x71: {  	_ =	shalt  }
0x72: {  	_ =	shalt  }
0x73: {  	_ =	shalt  }
0x74: {  	_ =	shalt  }
0x75: {  	_ =	shalt  }
0x76: {  	_ =	shalt  }
0x77: {  	_ =	shalt  }
0x78: {  	_ =	shalt  }
0x79: {  	_ =	shalt  }
0x7a: {  	_ =	shalt  }
0x7b: {  	_ =	shalt  }
0x7c: {  	_ =	shalt  }
0x7d: {  	_ =	shalt  }
0x7e: {  	_ =	shalt  }
0x7f: {  	_ =	shalt  }
0x80: {  	_ =	shalt  }
0x81: {  	_ =	shalt  }
0x82: {  	_ =	shalt  }
0x83: {  	_ =	shalt  }
0x84: {  	_ =	shalt  }
0x85: {  	_ =	shalt  }
0x86: {  	_ =	shalt  }
0x87: {  	_ =	shalt  }
.Lfunc_end0:
.L_simem_size_0:
called_computation.2_lowered:
.L_overlay_start_0:
0x88: {  	s2 =	sld [smem:$0x3FD9]  }
0x89: {  	s3 =	sld [smem:$0x3FFE];
	_ =	sdelay $0x1  }
0x8a: {  	s1 =	srdreg.scid  }
0x8b: {  	s0 =	sand.u32 $0x1, s1  }
0x8c: {  	s17 =	sshll.u32 s0, $0xA;
	s2 =	sadd.s32 s3, s2  }
0x8d: {  	s2 =	sadd.s32 s2, s17  }
0x8e: {  	[smem:$0x3FC2] =	sst s2  }
0x8f: {  	_ = 	snop  }
0x90: {  	s2 =	sld [smem:$0x3FC6]  }
0x91: {  	s18 =	sld [smem:$0x3FC5];
	(tm) =	ssettm $0x1  }
0x92: {  	s4 =	sld [smem:$0x3FFB];
	_ =	sdelay $0x3  }
0x93: {  	_ =	strace s4  }
0x94: {  	s4 =	sld [smem:$0x3FFC];
	_ =	sdelay $0x3  }
0x95: {  	_ =	strace s4  }
0x96: {  	s4 =	sld [smem:$0x3FFD];
	_ =	sdelay $0x3  }
0x97: {  	_ =	strace s4  }
0x98: {  	_ =	strace $0x8FFFFFFF  }
0x99: {  	s19 =	sld [smem:$0x3FDB];
	_ =	sdelay $0x1  }
0x9a: {  	s5 =	simm.s32 $_scs_section_size  }
0x9b: {  	s6 =	simm.s32 $_size__tile_overlayer_lowered;
	s7 =	simm.s32 $_tile_overlayer_lowered  }
0x9c: {  	s22 =	simm.s32 $0x1BFF;
	s21 =	sshll.u32 s7, $0x1;
	s4 =	sadd.s32 s5, s19  }
0x9d: {  	s8 =	simm.s32 $0x0;
	s20 =	sshll.u32 s6, $0x1;
	s6 =	sadd.s32 s21, s4  }
0x9e: {  	[timem:s8], [sflag:s22] =	dma.local [hbm:s6], s20  }
0x9f: {  	_ =	swait.ge [sflag:s22], s20  }
0xa0: {  	s5 =	ssub.s32 $0x0, s20;
	[sflag:s22] =	ssyncset.done $0x0  }
0xa1: {  	[sflag:s22] =	ssyncadd.s32 s5;
	_ =	sdelay $0x1  }
0xa2: {  	s23 =	simm.s32 $0x1B8B  }
0xa3: {  	_ =	swait.ge [sflag:s23], $0x1  }
0xa4: {  	[sflag:s23] =	ssyncset.done $0x0  }
0xa5: {  	s25 =	simm.s32 $0x1B8E;
	s24 =	sld [smem:$0x3FFE];
	[sflag:s23] =	ssyncadd.s32 $0xFFFFFFFF  }
0xa6: {  	s26 =	simm.s32 $execute0_lowered;
	[smem:$0x3FD2] =	sst s25  }
0xa7: {  	s6 =	sshll.u32 s26, $0x1;
	_ =	strace $0x8000004C;
	[dreg:$0x1] =	wrdreg $0xFFFFFFFF  }
0xa8: {  	s28 =	simm.s32 $_size_execute0_lowered;
	s4 =	sadd.s32 s4, s6;
	[dreg:$0x0] =	wrdreg $0x0  }
0xa9: {  	s6 =	sshll.u32 s28, $0x1;
	[dreg:$0x2] =	wrdreg s4  }
0xaa: {  	[dreg:$0x3] =	wrdreg s6  }
0xab: {  	[dreg:$0x4] =	wrdreg $0xC0  }
0xac: {  	_ =	task [dreg:s8], $0x5FFFF  }
0xad: {  	[dreg:$0x1] =	wrdreg $0xFFFFFFFF  }
0xae: {  	[dreg:$0x0] =	wrdreg $0x60  }
0xaf: {  	[dreg:$0x2] =	wrdreg s24  }
0xb0: {  	[dreg:$0x3] =	wrdreg s2  }
0xb1: {  	[dreg:$0x4] =	wrdreg s18  }
0xb2: {  	[dreg:$0x5] =	wrdreg $0x16D700  }
0xb3: {  	[dreg:$0x6] =	wrdreg $0xC6C00  }
0xb4: {  	[dreg:$0x7] =	wrdreg $0x9  }
0xb5: {  	_ =	task.clear_ibuf [dreg:s8], $0x8FFFF;
	_ =	strace $0x9000004C  }
0xb6: {  	s29 =	simm.s32 $0x9;
	_ =	strace $0x8000004E  }
0xb7: {  	_ =	swait.ge [sflag:s29], $0x1  }
0xb8: {  	[sflag:s29] =	ssyncadd.s32 $0xFFFFFFFF  }
0xb9: {  	_ =	strace $0x9000004E  }
0xba: {  	_ =	sfence  }
0xbb: {  	s30 =	sld [smem:$0x0];
	_ =	sdelay $0x2  }
0xbc: {  	s31 =	sshll.u32 s1, $0xD;
	s1 =	sshrl.u32 s1, $0x2  }
0xbd: {  	s3 =	sand.u32 $0x4000, s31;
	s1 =	sadd.s32 s1, s30  }
0xbe: {  	s0 =	sor.u32 s3, s0;
	s1 =	sshll.u32 s1, $0x11  }
0xbf: {  	s0 =	sor.u32 s1, s0  }
0xc0: {  	s0 =	sadd.s32 $0x8F2B, s0  }
0xc1: {  	[sflag:s0] =	ssyncadd.remote.s32 $0x1  }
0xc2: {  	_ =	sfence.sel $0xFFFF  }
0xc3: {  	[dreg:$0x0] =	wrdreg $0xFFFFFFFF;
	(pc) =	sbr.abs _section_cstart, $3  }
0xc4: {  	[dreg:$0x1] =	wrdreg $0xFFFFFFFF  }
0xc5: {  	_ =	task.clear_ibuf [dreg:s8], $0x2FFFF;
	_ =	strace $0x9FFFFFFF  }
0xc6: {  	(tm) =	ssettm $0x7FFFFFFF  }
0xc7: {  	_ =	shalt  }
tec
execute0_lowered:
.L_overlay_start_1:
0x0: {  	(tag) =	ssettag $0x1  }
0x1: {  	s0 =	rddreg [dreg:$0x0]  }
0x2: {  	s10 =	stileid.u32;
	s13 =	rddreg [dreg:$0x3]  }
0x3: {  	s1 =	srdreg.scid;
	s4 =	rddreg [dreg:$0x4]  }
0x4: {  	s5 =	simm.s32 $0x0;
	s29 =	simm.s32 $0x1;
	s30 =	simm.s32 $0x2  }
0x5: {  	s31 =	simm.s32 $0x3;
	s19 =	simm.s32 $0xA;
	s20 =	simm.s32 $0x8  }
0x6: {  	s21 =	simm.s32 $0x9;
	s22 =	simm.s32 $0x7530;
	s3 =	smul.u32 $0x2700, s10  }
0x7: {  	s28 =	simm.s32 $0x0;
	s1 =	sand.u32 $0x1, s1;
	s6 =	smul.u32 $0x270, s10  }
0x8: {  	s2 =	sshll.u32 s10, $0x1;
	[smem:$0x7FF] =	sst s5;
	s25 =	smul.u32 $0x9C40, s10  }
0x9: {  	s2 =	sor.u32 s1, s2;
	s7 =	smul.u32 $0x2710, s1;
	_ =	strace $0x8000004D  }
0xa: {  	s1 =	ssub.s32 $0x2, s1;
	s2 =	smul.u32 $0x2710, s2;
	s3 =	sshrl.u32 s3, $0x3  }
0xb: {  	s8 =	sshrl.u32 s6, $0x3;
	s9 =	sshrl.u32 s1, $0x1;
	s13 =	sadd.s32 s6, s13  }
0xc: {  	s26 =	sshrl.u32 s25, $0x2;
	s16 =	sadd.s32 s6, s4;
	s3 =	sadd.s32 s3, s0  }
0xd: {  	s7 =	sadd.s32 s6, s7;
	s1 =	ssub.s32 s1, s9;
	s15 =	sadd.s32 s26, s4  }
0xe: {  	s26 =	simm.s32 $0x2710;
	s4 =	simm.s32 $0x16AD0;
	s2 =	sshrl.u32 s2, $0x3  }
0xf: {  	s7 =	sshrl.u32 s7, $0x3;
	s23 =	sadd.s32 $0x1C000, s3;
	s24 =	sadd.s32 $0x20E20, s3  }
0x10: {  	v0 =	vimm.f32 $0.0e+00;
	s3 =	sadd.s32 $0x25E00, s3;
	s18 =	smax.u32 s1, $0x1;
	[dreg:$0x6] =	wrdreg s23  }
0x11: {  	vm0 =	vmmov $0x1;
	vm1 =	vmmov $0x3;
	vm2 =	vmmov $0x7;
	s1 =	simm.s32 $0x6;
	s2 =	sadd.s32 s2, s0;
	[dreg:$0x7] =	wrdreg s24  }
0x12: {  	vm3 =	vmmov $0xf;
	vm4 =	vmmov $0x1f;
	vm5 =	vmmov $0x3f;
	s7 =	sadd.s32 s7, s0;
	s0 =	sadd.s32 s8, s0;
	[dreg:$0x8] =	wrdreg s3  }
0x13: {  	vm6 =	vmmov $0x7f;
	vm7 =	vmmov $0xff;
	vm8 =	vmmov $0x1ff;
	s3 =	simm.s32 $0x4;
	s9 =	sadd.s32 $0x2B400, s0;
	s10 =	sadd.s32 $0x2AE00, s0  }
0x14: {  	vm9 =	vmmov $0x3ff;
	vm10 =	vmmov $0x7ff;
	vm11 =	vmmov $0xfff;
	s11 =	sadd.s32 $0x2200, s2;
	s12 =	sadd.s32 $0xBE40, s2;
	s14 =	sadd.s32 $0x16600, s0  }
0x15: {  	vm12 =	vmmov $0x1fff;
	vm13 =	vmmov $0x3fff;
	vm14 =	vmmov $0x7fff;
	s17 =	sadd.s32 $0x15C00, s7;
	s0 =	simm.s32 $0x5;
	s2 =	simm.s32 $0x7  }
.LBB2_1:
0x16: {  	s6 =	rddreg [dreg:$0x6];
	s7 =	simm.s32 $0xEDD0  }
0x17: {  	[tilespmem:s7], [sflag:$0x1] =	stream.linear.gather [hbm4b:s6+s5], $0x2800, $0x38;
	[tilespmem:$0x16FE8] =	vst v63  }
0x18: {  	s24 =	rddreg [dreg:$0x7];
	s25 =	simm.s32 $0x115D0  }
0x19: {  	[tilespmem:s25], [sflag:$0x2] =	stream.linear.gather [hbm4b:s24+s5], $0x2800, $0x38;
	[tilespmem:$0x16FE8] =	vst v63  }
0x1a: {  	s8 =	rddreg [dreg:$0x8];
	s23 =	simm.s32 $0x13DD0  }
0x1b: {  	[tilespmem:s23], [sflag:$0x3] =	stream.linear.gather [hbm4b:s8+s5], $0x2800, $0x38;
	[tilespmem:$0x16FE8] =	vst v63  }
0x1c: {  	s24 =	simm.s32 $0x165D0  }
0x1d: {  	[tilespmem:s24], [sflag:$0x4] =	stream.linear.gather [hbm4b:s9+s5], $0x280, $0x38;
	[tilespmem:$0x16FE8] =	vst v63  }
0x1e: {  	s25 =	simm.s32 $0x16850  }
0x1f: {  	[tilespmem:s25], [sflag:$0x5] =	stream.linear.gather [hbm4b:s10+s5], $0x280, $0x38;
	[tilespmem:$0x16FE8] =	vst v63  }
0x20: {  	s7 =	rddreg [dreg:$0x1];
	s8 =	simm.s32 $0x16D50  }
0x21: {  	[tilespmem:s8], [sflag:$0x6] =	stream.linear.gather [hbm4b:s7+s5], $0x10, $0x38;
	[tilespmem:$0x16FE8] =	vst v63  }
0x22: {  	s23 =	rddreg [dreg:$0x2];
	s24 =	simm.s32 $0x16D60  }
0x23: {  	[tilespmem:s24], [sflag:$0x7] =	stream.linear.gather [hbm4b:s23+s5], $0x10, $0x38;
	[tilespmem:$0x16FE8] =	vst v63  }
0x24: {  	_ = 	snop  }
0x25: {  	[tilespmem:s26], [sflag:$0x8] =	stream.linear.gather [hbm4b:s11+s5], $0x2710, $0x38;
	[tilespmem:$0x16FE8] =	vst v63  }
0x26: {  	s6 =	simm.s32 $0x7570;
	s25 =	simm.s32 $0x4E20  }
0x27: {  	[tilespmem:s25], [sflag:$0x9] =	stream.linear.gather [hbm4b:s12+s5], $0x2710, $0x38;
	[tilespmem:$0x16FE8] =	vst v63  }
0x28: {  	[tilespmem:s6+$0xFFFFFFC0] =	vst v0  }
0x29: {  	[tilespmem:s6+$0x30] =	vst v0  }
0x2a: {  	[tilespmem:s6+$0x20] =	vst v0  }
0x2b: {  	[tilespmem:s6+$0x10] =	vst v0  }
0x2c: {  	[tilespmem:s6+$0x0] =	vst v0  }
0x2d: {  	[tilespmem:s6+$0xFFFFFFF0] =	vst v0  }
0x2e: {  	s7 =	simm.s32 $0x0;
	[tilespmem:s6+$0xFFFFFFE0] =	vst v0  }
.LBB2_2:
0x2f: {  	s7 =	sadd.s32 $0x8, s7;
	[tilespmem:s6+$0xFFFFFFD0] =	vst v0;
	s6 =	sadd.s32 $0x80, s6  }
0x30: {  	[tilespmem:s6+$0xFFFFFFC0] =	vst v0;
	p0 =	slt.u32 s7, $0x268  }
0x31: {  	[tilespmem:s6+$0x30] =	vst v0  }
.Ltmp0:
0x32: {  	[tilespmem:s6+$0x20] =	vst v0;
	(pc) =	sbr.rel @p0 .LBB2_2-.Ltmp0, $4  }
0x33: {  	[tilespmem:s6+$0x10] =	vst v0  }
0x34: {  	[tilespmem:s6+$0x0] =	vst v0  }
0x35: {  	[tilespmem:s6+$0xFFFFFFF0] =	vst v0  }
0x36: {  	[tilespmem:s6+$0xFFFFFFE0] =	vst v0  }
0x37: {  	[tilespmem:s6+$0xFFFFFFD0] =	vst v0  }
0x38: {  	[tilespmem:$0x9C30] =	vst v0  }
0x39: {  	_ =	swait.ge [sflag:s29], $0x2800  }
0x3a: {  	[sflag:s29] =	ssyncset.done $0x0  }
0x3b: {  	[sflag:s29] =	ssyncadd.s32 $0xFFFFD800  }
0x3c: {  	_ =	swait.ge [sflag:s30], $0x2800  }
0x3d: {  	[sflag:s30] =	ssyncset.done $0x0  }
0x3e: {  	[sflag:s30] =	ssyncadd.s32 $0xFFFFD800  }
0x3f: {  	_ =	swait.ge [sflag:s31], $0x2800  }
0x40: {  	[sflag:s31] =	ssyncset.done $0x0  }
0x41: {  	[sflag:s31] =	ssyncadd.s32 $0xFFFFD800  }
0x42: {  	_ =	swait.ge [sflag:s3], $0x280  }
0x43: {  	[sflag:s3] =	ssyncset.done $0x0  }
0x44: {  	[sflag:s3] =	ssyncadd.s32 $0xFFFFFD80  }
0x45: {  	_ =	swait.ge [sflag:s0], $0x280  }
0x46: {  	[sflag:s0] =	ssyncset.done $0x0  }
0x47: {  	[sflag:s0] =	ssyncadd.s32 $0xFFFFFD80  }
0x48: {  	_ =	swait.ge [sflag:s1], $0x10  }
0x49: {  	[sflag:s1] =	ssyncset.done $0x0  }
0x4a: {  	[sflag:s1] =	ssyncadd.s32 $0xFFFFFFF0  }
0x4b: {  	_ =	swait.ge [sflag:s2], $0x10  }
0x4c: {  	[sflag:s2] =	ssyncset.done $0x0  }
0x4d: {  	[sflag:s2] =	ssyncadd.s32 $0xFFFFFFF0  }
0x4e: {  	v2 =	vld [tilespmem:$0x16D50]  }
0x4f: {  	s23 =	simm.s32 $0x0;
	v1 =	vld [tilespmem:$0x16D60]  }
0x50: {  	s6 =	simm.s32 $0xEE50;
	v3 =	vld [tilespmem:s23+$0x165D0]  }
0x51: {  	s25 =	simm.s32 $0x11650;
	v4 =	vld [tilespmem:s6+$0x60]  }
0x52: {  	s24 =	simm.s32 $0x13E50;
	v5 =	vld [tilespmem:s25+$0x60]  }
0x53: {  	v6 =	vld [tilespmem:s24+$0x60]  }
0x54: {  	v7 =	vld [tilespmem:s6+$0x40]  }
0x55: {  	v8 =	vld [tilespmem:s25+$0x40]  }
0x56: {  	v10 =	vld [tilespmem:s6+$0x30]  }
0x57: {  	v11 =	vld [tilespmem:s25+$0x30]  }
0x58: {  	v9 =	vld [tilespmem:s24+$0x40]  }
0x59: {  	v12 =	vld [tilespmem:s6+$0x10];
	v4 =	vadd.f32 v5, v4  }
0x5a: {  	v5 =	vld [tilespmem:s24+$0x30]  }
0x5b: {  	v7 =	vadd.f32 v8, v7;
	v8 =	vld [tilespmem:s25+$0x10];
	v4 =	vadd.f32 v6, v4;
	v6 =	vbroadcast v3, $0xE  }
0x5c: {  	v13 =	vld [tilespmem:s24+$0x10];
	v10 =	vadd.f32 v11, v10  }
0x5d: {  	v14 =	vld [tilespmem:s6+$0xFFFFFFE0];
	v4 =	vmul.f32 v4, v6;
	v6 =	vadd.f32 v9, v7;
	v7 =	vbroadcast v3, $0xC  }
0x5e: {  	v11 =	vld [tilespmem:s25+$0x0]  }
0x5f: {  	v9 =	vld [tilespmem:s6+$0x0];
	v5 =	vadd.f32 v5, v10;
	v6 =	vmul.f32 v6, v7  }
0x60: {  	v15 =	vld [tilespmem:s24+$0xFFFFFFE0];
	v10 =	vbroadcast v3, $0xB;
	v8 =	vadd.f32 v8, v12;
	v4 =	vadd.f32 v4, v2  }
0x61: {  	v12 =	vld [tilespmem:s25+$0xFFFFFFE0];
	v6 =	vadd.f32 v6, v2  }
0x62: {  	v7 =	vld [tilespmem:s24+$0x0];
	v5 =	vmul.f32 v5, v10;
	v8 =	vadd.f32 v13, v8;
	v4 =	vmax.f32 v4, $0.0e+00  }
0x63: {  	v10 =	vld [tilespmem:s6+$0xFFFFFFD0];
	v13 =	vbroadcast v3, $0x9;
	v4 =	vmul.f32 v4, v1;
	v6 =	vmax.f32 v6, $0.0e+00  }
0x64: {  	v9 =	vadd.f32 v11, v9;
	v11 =	vld [tilespmem:s25+$0xFFFFFFD0];
	v6 =	vmul.f32 v6, v1  }
0x65: {  	v8 =	vmul.f32 v8, v13;
	v13 =	vld [tilespmem:s6+$0xFFFFFFB0];
	(xrf2) =	vadd.scan.msk.f32 $0xffff, v4;
	v4 =	vadd.f32 v5, v2  }
0x66: {  	(xrf2) =	vadd.scan.msk.f32 $0xffff, v6;
	v6 =	vadd.f32 v12, v14;
	v12 =	vld [tilespmem:s25+$0xFFFFFFB0]  }
0x67: {  	v5 =	vld [tilespmem:s24+$0xFFFFFFD0];
	v7 =	vadd.f32 v7, v9;
	v9 =	vbroadcast v3, $0x8;
	v4 =	vmax.f32 v4, $0.0e+00  }
0x68: {  	v8 =	vadd.f32 v8, v2;
	v4 =	vmul.f32 v4, v1  }
0x69: {  	v7 =	vmul.f32 v7, v9;
	v14 =	vbroadcast v3, $0x6  }
0x6a: {  	v16 =	vld [tilespmem:s25+$0xFFFFFFA0];
	v8 =	vmax.f32 v8, $0.0e+00;
	v10 =	vadd.f32 v11, v10;
	v6 =	vadd.f32 v15, v6;
	(xrf2) =	vadd.scan.msk.f32 $0xffff, v4  }
0x6b: {  	v9 =	vld [tilespmem:s24+$0xFFFFFFB0];
	v7 =	vadd.f32 v7, v2;
	v12 =	vadd.f32 v12, v13;
	v13 =	vmul.f32 v8, v1  }
0x6c: {  	v15 =	vld [tilespmem:s6+$0xFFFFFFA0];
	v5 =	vadd.f32 v5, v10;
	v10 =	vbroadcast v3, $0x5;
	v11 =	vmul.f32 v6, v14  }
0x6d: {  	v6 =	vld [tilespmem:s24+$0xFFFFFFA0];
	v14 =	vmax.f32 v7, $0.0e+00;
	(xrf2) =	vadd.scan.msk.f32 $0xffff, v13  }
0x6e: {  	v7 =	vld [tilespmem:s25+$0xFFFFFF80];
	v14 =	vmul.f32 v14, v1;
	v5 =	vmul.f32 v5, v10;
	v17 =	vadd.f32 v11, v2  }
0x6f: {  	v11 =	vld [tilespmem:s6+$0xFFFFFF80]  }
0x70: {  	v19 =	vbroadcast v3, $0x3;
	v8 =	vld [tilespmem:s24+$0xFFFFFF80];
	v18 =	vadd.f32 v9, v12;
	v4, _, _ =	vpop (xrf2);
	v10 =	vmax.f32 v17, $0.0e+00;
	(xrf2) =	vadd.scan.msk.f32 $0xffff, v14  }
0x71: {  	v9 =	vld [tilespmem:s6+$0xFFFFFF90];
	v15 =	vadd.f32 v16, v15;
	v13 =	vadd.f32 v5, v2;
	v10 =	vmul.f32 v10, v1  }
0x72: {  	s7 =	simm.s32 $0x40;
	v12 =	vld [tilespmem:s25+$0xFFFFFF90];
	v14 =	vmul.f32 v18, v19;
	v5, _, _ =	vpop (xrf2)  }
.LBB2_4:
0x73: {  	p0 =	sne.s32 s7, $0x9C0;
	v15 =	vadd.f32 v6, v15;
	v16 =	vbroadcast v3, $0x2;
	v17 =	vld [tilespmem:s6+$0xFFFFFFC0];
	v18 =	vmax.f32 v13, $0.0e+00;
	(xrf2) =	vadd.scan.msk.f32 $0xffff, v10  }
0x74: {  	v7 =	vadd.f32 v7, v11;
	v10 =	vld [tilespmem:s24+$0xFFFFFF90];
	v11 =	vadd.f32 v14, v2;
	v13 =	vmul.f32 v18, v1;
	v6, _, _ =	vpop (xrf2)  }
0x75: {  	v18 =	vmul.f32 v15, v16;
	v15 =	vld [tilespmem:s25+$0xFFFFFFC0]  }
0x76: {  	v7 =	vadd.f32 v8, v7;
	v8 =	vbroadcast v3, $0x0;
	v11 =	vmax.f32 v11, $0.0e+00;
	v16 =	vld [tilespmem:s6+$0xFFFFFFF0];
	(xrf2) =	vadd.scan.msk.f32 $0xffff, v13  }
0x77: {  	v9 =	vadd.f32 v12, v9;
	v12 =	vadd.f32 v18, v2;
	v11 =	vmul.f32 v11, v1;
	v13 =	vld [tilespmem:s24+$0xFFFFFFC0];
	v14, _, _ =	vpop (xrf2)  }
0x78: {  	v7 =	vmul.f32 v7, v8;
	v8 =	vld [tilespmem:s25+$0xFFFFFFF0]  }
0x79: {  	v9 =	vadd.f32 v10, v9;
	v10 =	vbroadcast v3, $0x1;
	v12 =	vmax.f32 v12, $0.0e+00;
	v18 =	vld [tilespmem:s6+$0x20];
	(xrf2) =	vadd.scan.msk.f32 $0xffff, v11  }
0x7a: {  	v7 =	vadd.f32 v7, v2;
	v11 =	vmul.f32 v12, v1;
	v12 =	vadd.f32 v15, v17;
	v15 =	vld [tilespmem:s24+$0xFFFFFFF0];
	v17, _, _ =	vpop (xrf2)  }
0x7b: {  	v9 =	vmul.f32 v9, v10;
	v10 =	vld [tilespmem:s25+$0x20]  }
0x7c: {  	v7 =	vmax.f32 v7, $0.0e+00;
	v12 =	vadd.f32 v13, v12;
	v13 =	vbroadcast v3, $0x4;
	v19 =	vld [tilespmem:s6+$0x50];
	(xrf2) =	vadd.scan.msk.f32 $0xffff, v11  }
0x7d: {  	v7 =	vmul.f32 v7, v1;
	v9 =	vadd.f32 v9, v2;
	v8 =	vadd.f32 v8, v16;
	v11 =	vld [tilespmem:s24+$0x20];
	v16, _, _ =	vpop (xrf2)  }
0x7e: {  	v12 =	vmul.f32 v12, v13;
	v13 =	vld [tilespmem:s25+$0x50]  }
0x7f: {  	v9 =	vmax.f32 v9, $0.0e+00;
	v8 =	vadd.f32 v15, v8;
	v15 =	vbroadcast v3, $0x7;
	(xrf2) =	vadd.scan.msk.f32 $0xffff, v7  }
0x80: {  	v7 =	vmul.f32 v9, v1;
	v9 =	vadd.f32 v12, v2;
	v10 =	vadd.f32 v10, v18;
	v12 =	vld [tilespmem:s24+$0x50];
	v18, _, _ =	vpop (xrf2)  }
0x81: {  	v8 =	vmul.f32 v8, v15;
	v15 =	vld [tilespmem:s6+$0x70]  }
0x82: {  	v9 =	vmax.f32 v9, $0.0e+00;
	v10 =	vadd.f32 v11, v10;
	v11 =	vbroadcast v3, $0xA;
	v20 =	vld [tilespmem:s25+$0x70];
	(xrf2) =	vadd.scan.msk.f32 $0xffff, v7  }
0x83: {  	v7 =	vmul.f32 v9, v1;
	v8 =	vadd.f32 v8, v2;
	v9 =	vadd.f32 v13, v19;
	v13, _, _ =	vpop (xrf2)  }
0x84: {  	v19 =	vmul.f32 v10, v11;
	v11 =	vld [tilespmem:s24+$0x70]  }
0x85: {  	v8 =	vmax.f32 v8, $0.0e+00;
	v9 =	vadd.f32 v12, v9;
	v12 =	vbroadcast v3, $0xD;
	(xrf2) =	vadd.scan.msk.f32 $0xffff, v7  }
0x86: {  	v7 =	vmul.f32 v8, v1;
	v8 =	vadd.f32 v19, v2;
	v10, _, _ =	vpop (xrf2)  }
0x87: {  	v9 =	vmul.f32 v9, v12;
	v12 =	vadd.f32 v20, v15  }
0x88: {  	v3 =	vbroadcast v3, $0xF;
	v8 =	vmax.f32 v8, $0.0e+00;
	(xrf2) =	vadd.scan.msk.f32 $0xffff, v7  }
0x89: {  	v7 =	vmul.f32 v8, v1;
	v15 =	vadd.f32 v9, v2;
	v9 =	vadd.f32 v11, v12;
	v11, _, _ =	vpop (xrf2);
	_ =	sdelay $0x1  }
0x8a: {  	v12 =	vmax.f32 v15, $0.0e+00;
	v3 =	vmul.f32 v9, v3;
	(xrf2) =	vadd.scan.msk.f32 $0xffff, v7  }
0x8b: {  	v7 =	vmul.f32 v12, v1;
	v8, _, _ =	vpop (xrf2)  }
0x8c: {  	v11 =	vbroadcast v11, $0xF;
	v8 =	vbroadcast v8, $0xF;
	v3 =	vadd.f32 v3, v2  }
0x8d: {  	v10 =	vbroadcast v10, $0xF;
	(xrf2) =	vadd.scan.msk.f32 $0xffff, v7  }
0x8e: {  	v7 =	vsel vm0, v11, v8;
	v8 =	vbroadcast v13, $0xF;
	v3 =	vmax.f32 v3, $0.0e+00;
	v9, _, _ =	vpop (xrf2)  }
0x8f: {  	v7 =	vsel vm1, v7, v10;
	v9 =	vbroadcast v9, $0xF;
	v3 =	vmul.f32 v3, v1  }
0x90: {  	v7 =	vsel vm2, v7, v8;
	v8 =	vbroadcast v18, $0xF  }
0x91: {  	v11 =	vbroadcast v16, $0xF;
	v7 =	vsel vm3, v7, v9;
	v10, _, _ =	vpop (xrf2);
	(xrf2) =	vadd.scan.msk.f32 $0xffff, v3  }
0x92: {  	v3 =	vsel vm4, v7, v8;
	v7 =	vbroadcast v10, $0xF  }
0x93: {  	v8 =	vbroadcast v17, $0xF;
	v3 =	vsel vm5, v3, v11  }
0x94: {  	v10 =	vbroadcast v14, $0xF;
	v3 =	vsel vm6, v3, v7;
	v9, _, _ =	vpop (xrf2)  }
0x95: {  	v3 =	vsel vm7, v3, v8;
	v8 =	vbroadcast v9, $0xF  }
0x96: {  	v6 =	vbroadcast v6, $0xF;
	v3 =	vsel vm8, v3, v10  }
0x97: {  	v5 =	vbroadcast v5, $0xF;
	v3 =	vsel vm9, v3, v8;
	v7, _, _ =	vpop (xrf2)  }
0x98: {  	v8 =	vld [tilespmem:s23+$0x16850];
	v3 =	vsel vm10, v3, v6;
	v6 =	vbroadcast v7, $0xF  }
0x99: {  	v3 =	vsel vm11, v3, v5;
	v5 =	vbroadcast v4, $0xF  }
0x9a: {  	v3 =	vsel vm12, v3, v6  }
0x9b: {  	v3 =	vsel vm13, v3, v5;
	v4, _, _ =	vpop (xrf2)  }
0x9c: {  	v3 =	vsel vm14, v3, v4  }
0x9d: {  	v4 =	vmul.f32 v3, v8  }
0x9e: {  	s8 =	sshra.s32 s7, $0x2  }
0x9f: {  	s6 =	sadd.s32 $0x100, s6;
	v3 =	vld [tilespmem:s8+$0x165D0];
	[tilespmem:s23+$0x16AD0] =	vst v4;
	s23 =	smov.u32 s8  }
0xa0: {  	s25 =	sadd.s32 $0x100, s25;
	v4 =	vld [tilespmem:s6+$0x60]  }
0xa1: {  	s24 =	sadd.s32 $0x100, s24;
	v5 =	vld [tilespmem:s25+$0x60]  }
0xa2: {  	v6 =	vld [tilespmem:s24+$0x60]  }
0xa3: {  	v7 =	vld [tilespmem:s6+$0x40]  }
0xa4: {  	v8 =	vld [tilespmem:s25+$0x40]  }
0xa5: {  	v9 =	vld [tilespmem:s24+$0x40]  }
0xa6: {  	v10 =	vld [tilespmem:s6+$0x30];
	v4 =	vadd.f32 v5, v4  }
0xa7: {  	v5 =	vld [tilespmem:s25+$0x30]  }
0xa8: {  	v11 =	vld [tilespmem:s24+$0x30];
	v4 =	vadd.f32 v6, v4;
	v6 =	vbroadcast v3, $0xE  }
0xa9: {  	v12 =	vld [tilespmem:s6+$0x10];
	v7 =	vadd.f32 v8, v7  }
0xaa: {  	v8 =	vld [tilespmem:s25+$0x10];
	v4 =	vmul.f32 v4, v6  }
0xab: {  	v6 =	vld [tilespmem:s24+$0x10];
	v7 =	vadd.f32 v9, v7;
	v9 =	vbroadcast v3, $0xC  }
0xac: {  	v13 =	vld [tilespmem:s6+$0x0];
	v5 =	vadd.f32 v5, v10;
	v4 =	vadd.f32 v4, v2  }
0xad: {  	v10 =	vld [tilespmem:s25+$0x0];
	v7 =	vmul.f32 v7, v9  }
0xae: {  	v9 =	vld [tilespmem:s24+$0x0];
	v5 =	vadd.f32 v11, v5;
	v11 =	vbroadcast v3, $0xB;
	v4 =	vmax.f32 v4, $0.0e+00  }
0xaf: {  	v14 =	vld [tilespmem:s6+$0xFFFFFFE0];
	v8 =	vadd.f32 v8, v12;
	v7 =	vadd.f32 v7, v2;
	v4 =	vmul.f32 v4, v1  }
0xb0: {  	v12 =	vld [tilespmem:s25+$0xFFFFFFE0];
	v5 =	vmul.f32 v5, v11  }
0xb1: {  	v11 =	vld [tilespmem:s24+$0xFFFFFFE0];
	v6 =	vadd.f32 v6, v8;
	v8 =	vbroadcast v3, $0x9;
	v7 =	vmax.f32 v7, $0.0e+00;
	(xrf2) =	vadd.scan.msk.f32 $0xffff, v4  }
0xb2: {  	v4 =	vld [tilespmem:s6+$0xFFFFFFD0];
	v10 =	vadd.f32 v10, v13;
	v5 =	vadd.f32 v5, v2;
	v7 =	vmul.f32 v7, v1  }
0xb3: {  	v13 =	vld [tilespmem:s25+$0xFFFFFFD0];
	v6 =	vmul.f32 v6, v8  }
0xb4: {  	v8 =	vld [tilespmem:s24+$0xFFFFFFD0];
	v9 =	vadd.f32 v9, v10;
	v10 =	vbroadcast v3, $0x8;
	v5 =	vmax.f32 v5, $0.0e+00;
	(xrf2) =	vadd.scan.msk.f32 $0xffff, v7  }
0xb5: {  	v15 =	vld [tilespmem:s6+$0xFFFFFFB0];
	v7 =	vadd.f32 v12, v14;
	v6 =	vadd.f32 v6, v2;
	v5 =	vmul.f32 v5, v1  }
0xb6: {  	v12 =	vld [tilespmem:s25+$0xFFFFFFB0];
	v9 =	vmul.f32 v9, v10  }
0xb7: {  	v10 =	vld [tilespmem:s24+$0xFFFFFFB0];
	v7 =	vadd.f32 v11, v7;
	v11 =	vbroadcast v3, $0x6;
	v6 =	vmax.f32 v6, $0.0e+00;
	(xrf2) =	vadd.scan.msk.f32 $0xffff, v5  }
0xb8: {  	v5 =	vld [tilespmem:s6+$0xFFFFFFA0];
	v18 =	vadd.f32 v13, v4;
	v9 =	vadd.f32 v9, v2;
	v13 =	vmul.f32 v6, v1  }
0xb9: {  	v14 =	vld [tilespmem:s25+$0xFFFFFFA0];
	v11 =	vmul.f32 v7, v11  }
0xba: {  	v16 =	vbroadcast v3, $0x5;
	v6 =	vld [tilespmem:s24+$0xFFFFFFA0];
	v8 =	vadd.f32 v8, v18;
	v17 =	vmax.f32 v9, $0.0e+00;
	(xrf2) =	vadd.scan.msk.f32 $0xffff, v13  }
.Ltmp1:
0xbb: {  	v7 =	vld [tilespmem:s25+$0xFFFFFF80];
	v9 =	vadd.f32 v12, v15;
	v12 =	vadd.f32 v11, v2;
	v13 =	vmul.f32 v17, v1;
	v4, _, _ =	vpop (xrf2);
	(pc) =	sbr.rel @p0 .LBB2_4-.Ltmp1, $4  }
0xbc: {  	v11 =	vld [tilespmem:s6+$0xFFFFFF80];
	v16 =	vmul.f32 v8, v16  }
0xbd: {  	v18 =	vbroadcast v3, $0x3;
	v8 =	vld [tilespmem:s24+$0xFFFFFF80];
	v17 =	vadd.f32 v10, v9;
	v10 =	vmax.f32 v12, $0.0e+00;
	(xrf2) =	vadd.scan.msk.f32 $0xffff, v13  }
0xbe: {  	v9 =	vld [tilespmem:s6+$0xFFFFFF90];
	v15 =	vadd.f32 v14, v5;
	v13 =	vadd.f32 v16, v2;
	v10 =	vmul.f32 v10, v1;
	v5, _, _ =	vpop (xrf2)  }
0xbf: {  	s7 =	sadd.s32 $0x40, s7;
	v12 =	vld [tilespmem:s25+$0xFFFFFF90];
	v14 =	vmul.f32 v17, v18  }
0xc0: {  	v16 =	vld [tilespmem:s6+$0xFFFFFFC0]  }
0xc1: {  	v17 =	vld [tilespmem:s24+$0xFFFFFF90]  }
0xc2: {  	v6 =	vadd.f32 v6, v15;
	v21 =	vld [tilespmem:s25+$0xFFFFFFC0]  }
0xc3: {  	v20 =	vbroadcast v3, $0x2;
	v22 =	vld [tilespmem:s6+$0xFFFFFFF0];
	v23 =	vbroadcast v3, $0x0;
	v7 =	vadd.f32 v7, v11  }
0xc4: {  	v24 =	vld [tilespmem:s24+$0xFFFFFFC0];
	v13 =	vmax.f32 v13, $0.0e+00;
	v26 =	vbroadcast v3, $0x1;
	v9 =	vadd.f32 v12, v9  }
0xc5: {  	v18 =	vld [tilespmem:s25+$0xFFFFFFF0];
	v30 =	vbroadcast v3, $0x4;
	v34 =	vbroadcast v3, $0x7;
	v7 =	vadd.f32 v8, v7  }
0xc6: {  	v27 =	vld [tilespmem:s6+$0x20];
	v14 =	vadd.f32 v14, v2;
	v6 =	vmul.f32 v6, v20;
	v25 =	vadd.f32 v17, v9  }
0xc7: {  	v28 =	vld [tilespmem:s24+$0xFFFFFFF0];
	v13 =	vmul.f32 v13, v1;
	v7 =	vmul.f32 v7, v23;
	v11 =	vadd.f32 v21, v16  }
0xc8: {  	v29 =	vld [tilespmem:s25+$0x20];
	v14 =	vmax.f32 v14, $0.0e+00;
	v6 =	vadd.f32 v6, v2;
	v8 =	vmul.f32 v25, v26  }
0xc9: {  	v19 =	vld [tilespmem:s6+$0x50];
	v14 =	vmul.f32 v14, v1;
	v7 =	vadd.f32 v7, v2;
	v11 =	vadd.f32 v24, v11  }
0xca: {  	(xrf2) =	vadd.scan.msk.f32 $0xffff, v10;
	v32 =	vld [tilespmem:s24+$0x20];
	v31 =	vadd.f32 v18, v22;
	v6 =	vmax.f32 v6, $0.0e+00;
	v8 =	vadd.f32 v8, v2  }
0xcb: {  	v33 =	vld [tilespmem:s25+$0x50];
	(xrf2) =	vadd.scan.msk.f32 $0xffff, v13;
	v6 =	vmul.f32 v6, v1;
	v7 =	vmax.f32 v7, $0.0e+00;
	v11 =	vmul.f32 v11, v30  }
0xcc: {  	(xrf2) =	vadd.scan.msk.f32 $0xffff, v14;
	v10 =	vadd.f32 v28, v31;
	v7 =	vmul.f32 v7, v1;
	v8 =	vmax.f32 v8, $0.0e+00  }
0xcd: {  	v37 =	vld [tilespmem:s24+$0x50];
	v9 =	vadd.f32 v29, v27;
	(xrf2) =	vadd.scan.msk.f32 $0xffff, v6;
	v36 =	vadd.f32 v11, v2;
	v35 =	vmul.f32 v8, v1  }
0xce: {  	v38 =	vmul.f32 v10, v34;
	(xrf2) =	vadd.scan.msk.f32 $0xffff, v7  }
0xcf: {  	v39 =	vld [tilespmem:s6+$0x70];
	v40 =	vbroadcast v3, $0xA;
	v9 =	vadd.f32 v32, v9;
	v8 =	vmax.f32 v36, $0.0e+00;
	(xrf2) =	vadd.scan.msk.f32 $0xffff, v35  }
0xd0: {  	v41 =	vld [tilespmem:s25+$0x70];
	v43 =	vadd.f32 v33, v19;
	v7 =	vadd.f32 v38, v2;
	v42 =	vmul.f32 v8, v1  }
0xd1: {  	v44, _, _ =	vpop (xrf2);
	v9 =	vmul.f32 v9, v40  }
0xd2: {  	v45 =	vld [tilespmem:s24+$0x70];
	v47 =	vbroadcast v3, $0xD;
	v46, _, _ =	vpop (xrf2);
	v7 =	vmax.f32 v7, $0.0e+00;
	v8 =	vadd.f32 v37, v43;
	(xrf2) =	vadd.scan.msk.f32 $0xffff, v42  }
0xd3: {  	v48, _, _ =	vpop (xrf2);
	v9 =	vadd.f32 v9, v2;
	v7 =	vmul.f32 v7, v1  }
0xd4: {  	v49, _, _ =	vpop (xrf2);
	v8 =	vmul.f32 v8, v47  }
0xd5: {  	v10 =	vadd.f32 v41, v39;
	v50, _, _ =	vpop (xrf2);
	v9 =	vmax.f32 v9, $0.0e+00;
	(xrf2) =	vadd.scan.msk.f32 $0xffff, v7  }
0xd6: {  	v9 =	vmul.f32 v9, v1;
	v51, _, _ =	vpop (xrf2);
	v8 =	vadd.f32 v8, v2  }
0xd7: {  	v3 =	vbroadcast v3, $0xF;
	v10 =	vadd.f32 v45, v10;
	v52, _, _ =	vpop (xrf2)  }
0xd8: {  	(xrf2) =	vadd.scan.msk.f32 $0xffff, v9;
	v8 =	vmax.f32 v8, $0.0e+00;
	v53, _, _ =	vpop (xrf2)  }
0xd9: {  	v3 =	vmul.f32 v10, v3;
	v8 =	vmul.f32 v8, v1;
	v54, _, _ =	vpop (xrf2)  }
0xda: {  	v55 =	vbroadcast v53, $0xF;
	v9 =	vbroadcast v54, $0xF  }
0xdb: {  	v2 =	vadd.f32 v3, v2;
	v3 =	vbroadcast v52, $0xF;
	(xrf2) =	vadd.scan.msk.f32 $0xffff, v8  }
0xdc: {  	v7 =	vbroadcast v51, $0xF;
	v57, _, _ =	vpop (xrf2);
	v56 =	vsel vm0, v55, v9  }
0xdd: {  	v2 =	vmax.f32 v2, $0.0e+00;
	v58 =	vbroadcast v57, $0xF;
	v3 =	vsel vm1, v56, v3  }
0xde: {  	v1 =	vmul.f32 v2, v1;
	v2 =	vsel vm2, v3, v7;
	v3 =	vbroadcast v50, $0xF  }
0xdf: {  	v59 =	vbroadcast v49, $0xF;
	v60, _, _ =	vpop (xrf2);
	v2 =	vsel vm3, v2, v58  }
0xe0: {  	(xrf2) =	vadd.scan.msk.f32 $0xffff, v1;
	v1 =	vsel vm4, v2, v3;
	v2 =	vbroadcast v60, $0xF  }
0xe1: {  	v3 =	vbroadcast v48, $0xF;
	v1 =	vsel vm5, v1, v59  }
0xe2: {  	v61, _, _ =	vpop (xrf2);
	v1 =	vsel vm6, v1, v2;
	v2 =	vbroadcast v46, $0xF  }
0xe3: {  	v1 =	vsel vm7, v1, v3;
	v3 =	vbroadcast v61, $0xF  }
0xe4: {  	v1 =	vsel vm8, v1, v2;
	v2 =	vbroadcast v44, $0xF  }
0xe5: {  	v62, _, _ =	vpop (xrf2);
	v1 =	vsel vm9, v1, v3  }
0xe6: {  	v3 =	vbroadcast v5, $0xF;
	v1 =	vsel vm10, v1, v2;
	v2 =	vbroadcast v62, $0xF  }
0xe7: {  	v63 =	vld [tilespmem:s23+$0x16850]  }
0xe8: {  	v1 =	vsel vm11, v1, v3;
	v3 =	vbroadcast v4, $0xF  }
0xe9: {  	v1 =	vsel vm12, v1, v2  }
0xea: {  	v1 =	vsel vm13, v1, v3;
	v2, _, _ =	vpop (xrf2)  }
0xeb: {  	v1 =	vsel vm14, v1, v2  }
0xec: {  	v1 =	vmul.f32 v1, v63;
	_ =	sdelay $0x1  }
0xed: {  	[tilespmem:s23+$0x16AD0] =	vst v1  }
0xee: {  	[spmem:s13] =	stream.linear.scatter [tilespmem:s4], [sflag:$0xA], $0x280, $0x38;
	[tilespmem:$0x16FE8] =	vst v63  }
0xef: {  	_ =	swait.ge [sflag:s19], $0x280  }
0xf0: {  	[sflag:s19] =	ssyncset.done $0x0  }
0xf1: {  	[sflag:s19] =	ssyncadd.s32 $0xFFFFFD80  }
0xf2: {  	[hbm4b:s14+s5] =	stream.linear.scatter [tilespmem:s4], [sflag:$0xA], $0x280, $0x38;
	[tilespmem:$0x16FE8] =	vst v63  }
0xf3: {  	_ =	swait.ge [sflag:s19], $0x280  }
0xf4: {  	[sflag:s19] =	ssyncset.done $0x0  }
0xf5: {  	[sflag:s19] =	ssyncadd.s32 $0xFFFFFD80  }
0xf6: {  	_ =	swait.ge [sflag:s20], $0x2710  }
0xf7: {  	[sflag:s20] =	ssyncset.done $0x0  }
0xf8: {  	[sflag:s20] =	ssyncadd.s32 $0xFFFFD8F0  }
0xf9: {  	_ =	swait.ge [sflag:s21], $0x2710  }
0xfa: {  	[sflag:s21] =	ssyncset.done $0x0  }
0xfb: {  	[sflag:s21] =	ssyncadd.s32 $0xFFFFD8F0  }
0xfc: {  	[bflag:$0x0] =	sbarrier.arrive $0xFFFF  }
0xfd: {  	s25 =	rddreg [dreg:$0x3]  }
0xfe: {  	[tilespmem:s5], [sflag:$0xA] =	stream.linear.gather [spmem:s25], $0x2710, $0x38;
	[tilespmem:$0x16FE8] =	vst v63  }
0xff: {  	_ =	swait.ge [sflag:s19], $0x2710  }
0x100: {  	s6 =	simm.s32 $0xFFFFFFFE;
	[sflag:s19] =	ssyncset.done $0x0  }
0x101: {  	s7 =	simm.s32 $0x2760;
	s23 =	simm.s32 $0x4E70;
	[sflag:s19] =	ssyncadd.s32 $0xFFFFD8F0  }
.LBB2_6:
0x102: {  	v1 =	vld [tilespmem:s7+$0xFFFFFFB0];
	_ =	sdelay $0x4  }
0x103: {  	v2 =	vld [tilespmem:s23+$0xFFFFFFB0];
	_ =	sdelay $0x2  }
0x104: {  	v1 =	vld.idx.msk [tilespmem:v1+s5+$0x0], $0xffff;
	_ =	sdelay $0x4  }
0x105: {  	[tilespmem:v2+s22+$0x0] =	vst.idx.add.f32.msk $0xffff, v1  }
0x106: {  	v1 =	vld [tilespmem:s7+$0xFFFFFFC0];
	_ =	sdelay $0x4  }
0x107: {  	v2 =	vld [tilespmem:s23+$0xFFFFFFC0];
	_ =	sdelay $0x2  }
0x108: {  	v1 =	vld.idx.msk [tilespmem:v1+s5+$0x0], $0xffff;
	_ =	sdelay $0x4  }
0x109: {  	[tilespmem:v2+s22+$0x0] =	vst.idx.add.f32.msk $0xffff, v1  }
0x10a: {  	v1 =	vld [tilespmem:s7+$0xFFFFFFD0];
	_ =	sdelay $0x4  }
0x10b: {  	v2 =	vld [tilespmem:s23+$0xFFFFFFD0];
	_ =	sdelay $0x2  }
0x10c: {  	v1 =	vld.idx.msk [tilespmem:v1+s5+$0x0], $0xffff;
	_ =	sdelay $0x4  }
0x10d: {  	[tilespmem:v2+s22+$0x0] =	vst.idx.add.f32.msk $0xffff, v1  }
0x10e: {  	v1 =	vld [tilespmem:s7+$0xFFFFFFE0];
	_ =	sdelay $0x4  }
0x10f: {  	v2 =	vld [tilespmem:s23+$0xFFFFFFE0];
	_ =	sdelay $0x2  }
0x110: {  	v1 =	vld.idx.msk [tilespmem:v1+s5+$0x0], $0xffff;
	_ =	sdelay $0x4  }
0x111: {  	[tilespmem:v2+s22+$0x0] =	vst.idx.add.f32.msk $0xffff, v1  }
0x112: {  	v1 =	vld [tilespmem:s7+$0xFFFFFFF0];
	_ =	sdelay $0x4  }
0x113: {  	v2 =	vld [tilespmem:s23+$0xFFFFFFF0];
	_ =	sdelay $0x2  }
0x114: {  	v1 =	vld.idx.msk [tilespmem:v1+s5+$0x0], $0xffff;
	_ =	sdelay $0x4  }
0x115: {  	[tilespmem:v2+s22+$0x0] =	vst.idx.add.f32.msk $0xffff, v1  }
0x116: {  	v1 =	vld [tilespmem:s7+$0x0];
	_ =	sdelay $0x4  }
0x117: {  	v2 =	vld [tilespmem:s23+$0x0];
	_ =	sdelay $0x2  }
0x118: {  	v1 =	vld.idx.msk [tilespmem:v1+s5+$0x0], $0xffff;
	_ =	sdelay $0x4  }
0x119: {  	[tilespmem:v2+s22+$0x0] =	vst.idx.add.f32.msk $0xffff, v1  }
0x11a: {  	v1 =	vld [tilespmem:s7+$0x10];
	_ =	sdelay $0x4  }
0x11b: {  	v2 =	vld [tilespmem:s23+$0x10];
	_ =	sdelay $0x2  }
0x11c: {  	v1 =	vld.idx.msk [tilespmem:v1+s5+$0x0], $0xffff;
	_ =	sdelay $0x4  }
0x11d: {  	[tilespmem:v2+s22+$0x0] =	vst.idx.add.f32.msk $0xffff, v1  }
0x11e: {  	v1 =	vld [tilespmem:s7+$0x20];
	_ =	sdelay $0x4  }
0x11f: {  	v2 =	vld [tilespmem:s23+$0x20];
	_ =	sdelay $0x2  }
0x120: {  	v1 =	vld.idx.msk [tilespmem:v1+s5+$0x0], $0xffff;
	_ =	sdelay $0x4  }
0x121: {  	[tilespmem:v2+s22+$0x0] =	vst.idx.add.f32.msk $0xffff, v1  }
0x122: {  	v1 =	vld [tilespmem:s7+$0x30];
	_ =	sdelay $0x4  }
0x123: {  	v2 =	vld [tilespmem:s23+$0x30];
	_ =	sdelay $0x2  }
0x124: {  	v1 =	vld.idx.msk [tilespmem:v1+s5+$0x0], $0xffff;
	_ =	sdelay $0x4  }
0x125: {  	[tilespmem:v2+s22+$0x0] =	vst.idx.add.f32.msk $0xffff, v1  }
0x126: {  	v1 =	vld [tilespmem:s7+$0x40];
	_ =	sdelay $0x4  }
0x127: {  	v2 =	vld [tilespmem:s23+$0x40];
	_ =	sdelay $0x1  }
0x128: {  	s6 =	sadd.s32 $0x2, s6  }
0x129: {  	p0 =	slt.u32 s6, $0x7A;
	v1 =	vld.idx.msk [tilespmem:v1+s5+$0x0], $0xffff  }
.Ltmp2:
0x12a: {  	_ = 	snop;
	(pc) =	sbr.rel @p0 .LBB2_6-.Ltmp2, $2  }
0x12b: {  	_ =	sdelay $0x2  }
0x12c: {  	s7 =	sadd.s32 $0xA0, s7;
	s23 =	sadd.s32 $0xA0, s23;
	[tilespmem:v2+s22+$0x0] =	vst.idx.add.f32.msk $0xffff, v1  }
0x12d: {  	v1 =	vld [tilespmem:$0x4DD0];
	_ =	sdelay $0x4  }
0x12e: {  	v2 =	vld [tilespmem:$0x74E0];
	_ =	sdelay $0x2  }
0x12f: {  	v1 =	vld.idx.msk [tilespmem:v1+s5+$0x0], $0xffff;
	_ =	sdelay $0x4  }
0x130: {  	[tilespmem:v2+s22+$0x0] =	vst.idx.add.f32.msk $0xffff, v1  }
0x131: {  	v1 =	vld [tilespmem:$0x4DE0];
	_ =	sdelay $0x4  }
0x132: {  	v2 =	vld [tilespmem:$0x74F0];
	_ =	sdelay $0x2  }
0x133: {  	v1 =	vld.idx.msk [tilespmem:v1+s5+$0x0], $0xffff;
	_ =	sdelay $0x4  }
0x134: {  	[tilespmem:v2+s22+$0x0] =	vst.idx.add.f32.msk $0xffff, v1  }
0x135: {  	v1 =	vld [tilespmem:$0x4DF0];
	_ =	sdelay $0x4  }
0x136: {  	v2 =	vld [tilespmem:$0x7500];
	_ =	sdelay $0x2  }
0x137: {  	v1 =	vld.idx.msk [tilespmem:v1+s5+$0x0], $0xffff;
	_ =	sdelay $0x4  }
0x138: {  	[tilespmem:v2+s22+$0x0] =	vst.idx.add.f32.msk $0xffff, v1  }
0x139: {  	v1 =	vld [tilespmem:$0x4E00];
	_ =	sdelay $0x4  }
0x13a: {  	v2 =	vld [tilespmem:$0x7510];
	_ =	sdelay $0x2  }
0x13b: {  	v1 =	vld.idx.msk [tilespmem:v1+s5+$0x0], $0xffff;
	_ =	sdelay $0x4  }
0x13c: {  	[tilespmem:v2+s22+$0x0] =	vst.idx.add.f32.msk $0xffff, v1  }
0x13d: {  	v1 =	vld [tilespmem:$0x4E10];
	_ =	sdelay $0x4  }
0x13e: {  	v2 =	vld [tilespmem:$0x7520];
	_ =	sdelay $0x2  }
0x13f: {  	v1 =	vld.idx.msk [tilespmem:v1+s5+$0x0], $0xffff;
	_ =	sdelay $0x4  }
0x140: {  	[tilespmem:v2+s22+$0x0] =	vst.idx.add.f32.msk $0xffff, v1  }
0x141: {  	[spmem:s15] =	stream.linear.scatter [tilespmem:s22], [sflag:$0xA], $0x2710, $0x38;
	[tilespmem:$0x16FE8] =	vst v63  }
0x142: {  	_ =	swait.ge [sflag:s19], $0x2710  }
0x143: {  	[sflag:s19] =	ssyncset.done $0x0  }
0x144: {  	[sflag:s19] =	ssyncadd.s32 $0xFFFFD8F0  }
0x145: {  	s6 =	simm.s32 $0x280;
	s7 =	simm.s32 $0x9C40;
	[bflag:$0x0] =	sbarrier.arrive $0xFFFF  }
0x146: {  	[tilespmem:s7], [sflag:$0xA] =	stream.strided.gather [spmem:s16], $0x2800, s26, s6, $0x38;
	[tilespmem:$0x16FE8] =	vst v63  }
0x147: {  	_ =	swait.ge [sflag:s19], $0x2800  }
0x148: {  	[sflag:s19] =	ssyncset.done $0x0  }
0x149: {  	s6 =	simm.s32 $0xB040;
	[sflag:s19] =	ssyncadd.s32 $0xFFFFD800  }
0x14a: {  	v1 =	vld [tilespmem:s6+$0xFFFFEC00]  }
0x14b: {  	v2 =	vld [tilespmem:s6+$0xFFFFEE80];
	_ =	sdelay $0x1  }
0x14c: {  	v3 =	vld [tilespmem:s6+$0xFFFFF100];
	_ =	sdelay $0x1  }
0x14d: {  	v4 =	vld [tilespmem:s6+$0xFFFFF380]  }
0x14e: {  	v1 =	vadd.f32 v2, v1  }
0x14f: {  	v2 =	vld [tilespmem:s6+$0xFFFFF600]  }
0x150: {  	v1 =	vadd.f32 v3, v1  }
0x151: {  	v3 =	vld [tilespmem:s6+$0xFFFFF880]  }
0x152: {  	v1 =	vadd.f32 v4, v1  }
0x153: {  	v55 =	vld [tilespmem:s6+$0xFFFFFB00]  }
0x154: {  	v1 =	vadd.f32 v2, v1  }
0x155: {  	v2 =	vld [tilespmem:s6+$0xFFFFFD80]  }
0x156: {  	v1 =	vadd.f32 v3, v1  }
0x157: {  	v3 =	vld [tilespmem:s6+$0x0]  }
0x158: {  	v1 =	vadd.f32 v55, v1  }
0x159: {  	v56 =	vld [tilespmem:s6+$0x280]  }
0x15a: {  	v1 =	vadd.f32 v2, v1  }
0x15b: {  	v2 =	vld [tilespmem:s6+$0x500]  }
0x15c: {  	v1 =	vadd.f32 v3, v1  }
0x15d: {  	v3 =	vld [tilespmem:s6+$0x780]  }
0x15e: {  	v1 =	vadd.f32 v56, v1  }
0x15f: {  	v57 =	vld [tilespmem:s6+$0xA00]  }
0x160: {  	v1 =	vadd.f32 v2, v1  }
0x161: {  	v2 =	vld [tilespmem:s6+$0xC80]  }
0x162: {  	v1 =	vadd.f32 v3, v1  }
0x163: {  	v3 =	vld [tilespmem:s6+$0xF00]  }
0x164: {  	v1 =	vadd.f32 v57, v1  }
0x165: {  	v58 =	vld [tilespmem:s6+$0x1180]  }
0x166: {  	v1 =	vadd.f32 v2, v1;
	_ =	sdelay $0x1  }
0x167: {  	v1 =	vadd.f32 v3, v1;
	_ =	sdelay $0x1  }
0x168: {  	v1 =	vadd.f32 v58, v1  }
0x169: {  	s7 =	simm.s32 $0xC450  }
0x16a: {  	[tilespmem:s7+$0xFFFFFFF0] =	vst v1  }
0x16b: {  	v1 =	vld [tilespmem:s6+$0xFFFFEC10]  }
0x16c: {  	v2 =	vld [tilespmem:s6+$0xFFFFEE90];
	_ =	sdelay $0x1  }
0x16d: {  	v3 =	vld [tilespmem:s6+$0xFFFFF110];
	_ =	sdelay $0x1  }
0x16e: {  	v59 =	vld [tilespmem:s6+$0xFFFFF390]  }
0x16f: {  	v1 =	vadd.f32 v2, v1  }
0x170: {  	v2 =	vld [tilespmem:s6+$0xFFFFF610]  }
0x171: {  	v1 =	vadd.f32 v3, v1  }
0x172: {  	v3 =	vld [tilespmem:s6+$0xFFFFF890]  }
0x173: {  	v1 =	vadd.f32 v59, v1  }
0x174: {  	v60 =	vld [tilespmem:s6+$0xFFFFFB10]  }
0x175: {  	v1 =	vadd.f32 v2, v1  }
0x176: {  	v2 =	vld [tilespmem:s6+$0xFFFFFD90]  }
0x177: {  	v1 =	vadd.f32 v3, v1  }
0x178: {  	v3 =	vld [tilespmem:s6+$0x10]  }
0x179: {  	v1 =	vadd.f32 v60, v1  }
0x17a: {  	v61 =	vld [tilespmem:s6+$0x290]  }
0x17b: {  	v1 =	vadd.f32 v2, v1  }
0x17c: {  	v2 =	vld [tilespmem:s6+$0x510]  }
0x17d: {  	v1 =	vadd.f32 v3, v1  }
0x17e: {  	v3 =	vld [tilespmem:s6+$0x790]  }
0x17f: {  	v1 =	vadd.f32 v61, v1  }
0x180: {  	v62 =	vld [tilespmem:s6+$0xA10]  }
0x181: {  	v1 =	vadd.f32 v2, v1  }
0x182: {  	v2 =	vld [tilespmem:s6+$0xC90]  }
0x183: {  	v1 =	vadd.f32 v3, v1  }
0x184: {  	v3 =	vld [tilespmem:s6+$0xF10]  }
0x185: {  	v1 =	vadd.f32 v62, v1  }
0x186: {  	v63 =	vld [tilespmem:s6+$0x1190]  }
0x187: {  	v1 =	vadd.f32 v2, v1;
	_ =	sdelay $0x1  }
0x188: {  	v1 =	vadd.f32 v3, v1;
	_ =	sdelay $0x1  }
0x189: {  	s23 =	simm.s32 $0x0;
	s24 =	simm.s32 $0xC450;
	v1 =	vadd.f32 v63, v1  }
.LBB2_8:
0x18a: {  	s23 =	sadd.s32 $0x2, s23;
	s6 =	sadd.s32 $0x20, s6;
	s7 =	sadd.s32 $0x20, s7  }
0x18b: {  	p0 =	slt.u32 s23, $0x26;
	[tilespmem:s24+$0x0] =	vst v1;
	s24 =	smov.u32 s7  }
0x18c: {  	v1 =	vld [tilespmem:s6+$0xFFFFEC00]  }
0x18d: {  	v2 =	vld [tilespmem:s6+$0xFFFFEE80];
	_ =	sdelay $0x1  }
0x18e: {  	v3 =	vld [tilespmem:s6+$0xFFFFF100];
	_ =	sdelay $0x1  }
0x18f: {  	v4 =	vld [tilespmem:s6+$0xFFFFF380]  }
0x190: {  	v1 =	vadd.f32 v2, v1  }
0x191: {  	v2 =	vld [tilespmem:s6+$0xFFFFF600]  }
0x192: {  	v1 =	vadd.f32 v3, v1  }
0x193: {  	v3 =	vld [tilespmem:s6+$0xFFFFF880]  }
0x194: {  	v1 =	vadd.f32 v4, v1  }
0x195: {  	v4 =	vld [tilespmem:s6+$0xFFFFFB00]  }
0x196: {  	v1 =	vadd.f32 v2, v1  }
0x197: {  	v2 =	vld [tilespmem:s6+$0xFFFFFD80]  }
0x198: {  	v1 =	vadd.f32 v3, v1  }
0x199: {  	v3 =	vld [tilespmem:s6+$0x0]  }
0x19a: {  	v1 =	vadd.f32 v4, v1  }
0x19b: {  	v4 =	vld [tilespmem:s6+$0x280]  }
0x19c: {  	v1 =	vadd.f32 v2, v1  }
0x19d: {  	v2 =	vld [tilespmem:s6+$0x500]  }
0x19e: {  	v1 =	vadd.f32 v3, v1  }
0x19f: {  	v3 =	vld [tilespmem:s6+$0x780]  }
0x1a0: {  	v1 =	vadd.f32 v4, v1  }
0x1a1: {  	v4 =	vld [tilespmem:s6+$0xA00]  }
0x1a2: {  	v1 =	vadd.f32 v2, v1  }
0x1a3: {  	v2 =	vld [tilespmem:s6+$0xC80]  }
0x1a4: {  	v1 =	vadd.f32 v3, v1  }
0x1a5: {  	v3 =	vld [tilespmem:s6+$0xF00]  }
0x1a6: {  	v1 =	vadd.f32 v4, v1  }
0x1a7: {  	v4 =	vld [tilespmem:s6+$0x1180]  }
0x1a8: {  	v1 =	vadd.f32 v2, v1;
	_ =	sdelay $0x1  }
0x1a9: {  	v1 =	vadd.f32 v3, v1;
	_ =	sdelay $0x1  }
0x1aa: {  	v1 =	vadd.f32 v4, v1;
	_ =	sdelay $0x1  }
0x1ab: {  	[tilespmem:s7+$0xFFFFFFF0] =	vst v1  }
0x1ac: {  	v1 =	vld [tilespmem:s6+$0xFFFFEC10]  }
0x1ad: {  	v2 =	vld [tilespmem:s6+$0xFFFFEE90]  }
0x1ae: {  	v3 =	vld [tilespmem:s6+$0xFFFFF110];
	_ =	sdelay $0x1  }
0x1af: {  	v4 =	vld [tilespmem:s6+$0xFFFFF390];
	_ =	sdelay $0x1  }
0x1b0: {  	v1 =	vadd.f32 v2, v1;
	v2 =	vld [tilespmem:s6+$0xFFFFF610];
	_ =	sdelay $0x1  }
0x1b1: {  	v1 =	vadd.f32 v3, v1;
	v3 =	vld [tilespmem:s6+$0xFFFFF890];
	_ =	sdelay $0x1  }
0x1b2: {  	v1 =	vadd.f32 v4, v1;
	v4 =	vld [tilespmem:s6+$0xFFFFFB10];
	_ =	sdelay $0x1  }
0x1b3: {  	v1 =	vadd.f32 v2, v1;
	v2 =	vld [tilespmem:s6+$0xFFFFFD90];
	_ =	sdelay $0x1  }
0x1b4: {  	v1 =	vadd.f32 v3, v1;
	v3 =	vld [tilespmem:s6+$0x10];
	_ =	sdelay $0x1  }
0x1b5: {  	v1 =	vadd.f32 v4, v1;
	v4 =	vld [tilespmem:s6+$0x290];
	_ =	sdelay $0x1  }
0x1b6: {  	v1 =	vadd.f32 v2, v1;
	v2 =	vld [tilespmem:s6+$0x510];
	_ =	sdelay $0x1  }
0x1b7: {  	v1 =	vadd.f32 v3, v1;
	v3 =	vld [tilespmem:s6+$0x790];
	_ =	sdelay $0x1  }
0x1b8: {  	v1 =	vadd.f32 v4, v1;
	v4 =	vld [tilespmem:s6+$0xA10];
	_ =	sdelay $0x1  }
0x1b9: {  	v1 =	vadd.f32 v2, v1;
	v2 =	vld [tilespmem:s6+$0xC90];
	_ =	sdelay $0x1  }
0x1ba: {  	v1 =	vadd.f32 v3, v1;
	v3 =	vld [tilespmem:s6+$0xF10];
	_ =	sdelay $0x1  }
0x1bb: {  	v1 =	vadd.f32 v4, v1;
	v4 =	vld [tilespmem:s6+$0x1190];
	_ =	sdelay $0x1  }
.Ltmp3:
0x1bc: {  	v1 =	vadd.f32 v2, v1;
	(pc) =	sbr.rel @p0 .LBB2_8-.Ltmp3, $3  }
0x1bd: {  	_ = 	snop  }
0x1be: {  	v1 =	vadd.f32 v3, v1;
	_ =	sdelay $0x1  }
0x1bf: {  	v1 =	vadd.f32 v4, v1  }
0x1c0: {  	s28 =	sadd.s32 $0x1, s28  }
0x1c1: {  	p0 =	sne.s32 s28, s18  }
.Ltmp4:
0x1c2: {  	s6 =	simm.s32 $0xC440;
	[tilespmem:s24+$0x0] =	vst v1;
	(pc) =	sbr.rel @p0 .LBB2_1-.Ltmp4, $4  }
0x1c3: {  	[hbm4b:s17+s5] =	stream.linear.scatter [tilespmem:s6], [sflag:$0xA], $0x280, $0x38;
	[tilespmem:$0x16FE8] =	vst v63  }
0x1c4: {  	_ =	swait.ge [sflag:s19], $0x280  }
0x1c5: {  	[sflag:s19] =	ssyncset.done $0x0  }
0x1c6: {  	[sflag:s19] =	ssyncadd.s32 $0xFFFFFD80  }
0x1c7: {  	_ =	sfence.sel $0x180000  }
0x1c8: {  	[bflag:$0x0] =	sbarrier.arrive $0xFFFF  }
0x1c9: {  	_ =	strace $0x9000004D  }
0x1ca: {  	s0 =	stileid.u32;
	[bflag:$0x2] =	sbarrier.arrive $0xFFFF  }
0x1cb: {  	p0 =	sne.s32 s0, $0x0;
	s0 =	rddreg [dreg:$0x5]  }
0x1cc: {  	s0 =	sadd.s32 @!p0 $0x100000, s0  }
0x1cd: {  	[sflag:s0] =	ssyncadd.tile.s32 @!p0 $0x1;
	_ =	shalt  }
.Lfunc_end2:
_tile_overlayer_lowered:
.L_overlay_start_2:
0x1ce: {  	(tag) =	ssettag $0x2  }
0x1cf: {  	s0 =	rddreg [dreg:$0x0];
	s2 =	stileid.u32  }
0x1d0: {  	s1 =	rddreg [dreg:$0x1];
	p0 =	sne.s32 s2, $0x0  }
0x1d1: {  	s3 =	rddreg [dreg:$0x2];
	[bflag:$0x3] =	sbarrier.arrive $0xFFFF;
	s2 =	simm.s32 @!p0 $0x1C0A  }
0x1d2: {  	[timem:s3], [sflag:s2] =	dma.local @!p0 [hbm:s0], s1  }
0x1d3: {  	s0 =	simm.s32 @!p0 $0xA  }
0x1d4: {  	_ =	swait.ge @!p0 [sflag:s0], s1  }
0x1d5: {  	s1 =	ssub.s32 @!p0 $0x0, s1;
	[sflag:s0] =	ssyncset.done @!p0 $0x0  }
0x1d6: {  	[sflag:s0] =	ssyncadd.s32 @!p0 s1  }
0x1d7: {  	[bflag:$0x3] =	sbarrier.arrive $0xFFFF  }
0x1d8: {  	_ =	shalt  }

// kernel: kernel.7.cloned.1.call-start
scs
__scs_entry_jumppad:
0x0: {  	(pc) =	sbr.rel $0x88, $3  }
0x1: {  	(tag) =	ssettag $0x0;
	lr =	simm.s32 $0x1  }
0x2: {  	[smem:$0x3F9B] =	sst lr;
	_ =	strace $0xD0000000  }
0x3: {  	_ = 	snop  }
0x4: {  	_ = 	snop  }
0x5: {  	_ = 	snop  }
0x6: {  	_ = 	snop  }
0x7: {  	_ = 	snop  }
__scs_overlays_trampoline_lowered:
0x8: {  	[smem:$0x3FAA] =	sst s0  }
0x9: {  	[smem:$0x3FAB] =	sst s1  }
0xa: {  	[smem:$0x3FAC] =	sst s2  }
0xb: {  	[smem:$0x3FAD] =	sst s3  }
0xc: {  	[smem:$0x3FAE] =	sst s4  }
0xd: {  	[smem:$0x3FAF] =	sst s5  }
0xe: {  	[smem:$0x3FB0] =	sst s6  }
0xf: {  	[smem:$0x3FB1] =	sst s7  }
0x10: {  	[smem:$0x3FB2] =	sst s8  }
0x11: {  	[smem:$0x3FB3] =	sst s9;
	s0 =	simm.s32 @!p0 $0x0  }
0x12: {  	s1 =	sld [smem:$0x3F99];
	s0 =	simm.s32 @p0 $0x1  }
0x13: {  	[smem:$0x3FB4] =	sst s0;
	s0 =	simm.s32 @!p1 $0x0  }
0x14: {  	s2 =	sld [smem:$0x3F98];
	s0 =	simm.s32 @p1 $0x1  }
0x15: {  	[smem:$0x3FB5] =	sst s0;
	s0 =	simm.s32 @!p2 $0x0  }
0x16: {  	s3 =	sld [smem:$0x3FDB];
	s0 =	simm.s32 @p2 $0x1  }
0x17: {  	s4 =	simm.s32 $0x1BF5;
	[smem:$0x3FB7] =	sst s0  }
0x18: {  	s0 =	sld [smem:$0x3F9A];
	_ =	swait.ge [sflag:s4], $0x0  }
0x19: {  	s7 =	sld [smem:$0x3F9B]  }
0x1a: {  	s8 =	sadd.s32 $0xFFFFE003, lr  }
0x1b: {  	s9 =	sadd.s32 $0xFFFFFEF7, lr;
	s5 =	simm.s32 $0xFFFFFFFF;
	p2 =	slt.u32 s8, $0xFFFFF086  }
0x1c: {  	p1 =	slt.u32 s9, $0xF7A;
	s5 =	simm.s32 @!p2 $0x0  }
0x1d: {  	s5 =	simm.s32 @p1 $0x1;
	p0 =	seq.s32 s7, s2  }
0x1e: {  	s7 =	smul.u32 @!p0 $0xF7A, s2;
	p2 =	seq.s32 @!p0 s5, $0x0  }
0x1f: {  	s9 =	smul.u32 $0xF7A, s1;
	s8 =	simm.s32 @!p0 $0x1BF5;
	p2 =	por !p2, p0  }
0x20: {  	[sflag:s8] =	ssyncset.s32 @!p0 $0xFFFFF086;
	s6 =	sadd.s32 @!p0 s3, s7;
	s7 =	simm.s32 @!p0 $0x108  }
0x21: {  	s3 =	sadd.s32 s3, s9;
	s6 =	sadd.s32 @!p0 $0x88, s6;
	s7 =	simm.s32 @p2 $0x1082  }
0x22: {  	[simem:s7], [sflag:s8] =	dma.local @!p0 [hbm:s6], $0xF7A  }
0x23: {  	s9 =	sor.u32 $0xD0000000, s2;
	s6 =	simm.s32 $0x108;
	_ =	swait.ge @!p0 [sflag:s8], $0x0  }
0x24: {  	s3 =	sadd.s32 $0x88, s3;
	s6 =	simm.s32 @!p1 $0x1082;
	[sflag:s4] =	ssyncset.s32 $0xFFFFF086  }
0x25: {  	[simem:s6], [sflag:s4] =	dma.local [hbm:s3], $0xF7A  }
0x26: {  	[smem:$0x3F9B] =	sst s1;
	(tag) =	ssettag s2;
	_ =	strace s9  }
0x27: {  	s1 =	sld [smem:$0x3FAB]  }
0x28: {  	s2 =	sld [smem:$0x3FAC]  }
0x29: {  	s4 =	sld [smem:$0x3FAE]  }
0x2a: {  	p0 =	seq.s32 s5, $0x0;
	s5 =	sld [smem:$0x3FAF]  }
0x2b: {  	s6 =	sld [smem:$0x3FB0]  }
0x2c: {  	s7 =	sld [smem:$0x3FB1]  }
0x2d: {  	s3 =	simm.s32 $0x108;
	s8 =	sld [smem:$0x3FB2]  }
0x2e: {  	s3 =	simm.s32 @!p0 $0x1082;
	s9 =	sld [smem:$0x3FB3]  }
0x2f: {  	lr =	sadd.s32 s0, s3;
	s0 =	sld [smem:$0x3FAA]  }
0x30: {  	s3 =	sld [smem:$0x3FAD]  }
0x31: {  	[smem:$0x3FB6] =	sst s10  }
0x32: {  	s10 =	sld [smem:$0x3FB4];
	_ =	sdelay $0x3  }
0x33: {  	p0 =	seq.s32 s10, $0x1;
	s10 =	sld [smem:$0x3FB6];
	_ =	sdelay $0x3  }
0x34: {  	[smem:$0x3FB6] =	sst s10  }
0x35: {  	s10 =	sld [smem:$0x3FB5];
	_ =	sdelay $0x3  }
0x36: {  	p1 =	seq.s32 s10, $0x1;
	s10 =	sld [smem:$0x3FB6];
	_ =	sdelay $0x3  }
0x37: {  	[smem:$0x3FB6] =	sst s10  }
0x38: {  	s10 =	sld [smem:$0x3FB7]  }
0x39: {  	_ = 	snop;
	(pc) =	sbr.ind lr, $3  }
0x3a: {  	_ = 	snop  }
0x3b: {  	_ = 	snop  }
0x3c: {  	p2 =	seq.s32 s10, $0x1;
	s10 =	sld [smem:$0x3FB6]  }
0x3d: {  	_ =	shalt  }
0x3e: {  	_ =	shalt  }
0x3f: {  	_ =	shalt  }
0x40: {  	_ =	shalt  }
0x41: {  	_ =	shalt  }
0x42: {  	_ =	shalt  }
0x43: {  	_ =	shalt  }
0x44: {  	_ =	shalt  }
0x45: {  	_ =	shalt  }
0x46: {  	_ =	shalt  }
0x47: {  	_ =	shalt  }
0x48: {  	_ =	shalt  }
0x49: {  	_ =	shalt  }
0x4a: {  	_ =	shalt  }
0x4b: {  	_ =	shalt  }
0x4c: {  	_ =	shalt  }
0x4d: {  	_ =	shalt  }
0x4e: {  	_ =	shalt  }
0x4f: {  	_ =	shalt  }
0x50: {  	_ =	shalt  }
0x51: {  	_ =	shalt  }
0x52: {  	_ =	shalt  }
0x53: {  	_ =	shalt  }
0x54: {  	_ =	shalt  }
0x55: {  	_ =	shalt  }
0x56: {  	_ =	shalt  }
0x57: {  	_ =	shalt  }
0x58: {  	_ =	shalt  }
0x59: {  	_ =	shalt  }
0x5a: {  	_ =	shalt  }
0x5b: {  	_ =	shalt  }
0x5c: {  	_ =	shalt  }
0x5d: {  	_ =	shalt  }
0x5e: {  	_ =	shalt  }
0x5f: {  	_ =	shalt  }
0x60: {  	_ =	shalt  }
0x61: {  	_ =	shalt  }
0x62: {  	_ =	shalt  }
0x63: {  	_ =	shalt  }
0x64: {  	_ =	shalt  }
0x65: {  	_ =	shalt  }
0x66: {  	_ =	shalt  }
0x67: {  	_ =	shalt  }
0x68: {  	_ =	shalt  }
0x69: {  	_ =	shalt  }
0x6a: {  	_ =	shalt  }
0x6b: {  	_ =	shalt  }
0x6c: {  	_ =	shalt  }
0x6d: {  	_ =	shalt  }
0x6e: {  	_ =	shalt  }
0x6f: {  	_ =	shalt  }
0x70: {  	_ =	shalt  }
0x71: {  	_ =	shalt  }
0x72: {  	_ =	shalt  }
0x73: {  	_ =	shalt  }
0x74: {  	_ =	shalt  }
0x75: {  	_ =	shalt  }
0x76: {  	_ =	shalt  }
0x77: {  	_ =	shalt  }
0x78: {  	_ =	shalt  }
0x79: {  	_ =	shalt  }
0x7a: {  	_ =	shalt  }
0x7b: {  	_ =	shalt  }
0x7c: {  	_ =	shalt  }
0x7d: {  	_ =	shalt  }
0x7e: {  	_ =	shalt  }
0x7f: {  	_ =	shalt  }
0x80: {  	_ =	shalt  }
0x81: {  	_ =	shalt  }
0x82: {  	_ =	shalt  }
0x83: {  	_ =	shalt  }
0x84: {  	_ =	shalt  }
0x85: {  	_ =	shalt  }
0x86: {  	_ =	shalt  }
0x87: {  	_ =	shalt  }
.Lfunc_end0:
.L_simem_size_0:
called_computation_lowered:
.L_overlay_start_0:
0x88: {  	s2 =	sld [smem:$0x3FD9]  }
0x89: {  	s3 =	sld [smem:$0x3FFE];
	_ =	sdelay $0x1  }
0x8a: {  	s1 =	srdreg.scid  }
0x8b: {  	s0 =	sand.u32 $0x1, s1  }
0x8c: {  	s16 =	sshll.u32 s0, $0xA;
	s2 =	sadd.s32 s3, s2  }
0x8d: {  	s2 =	sadd.s32 s2, s16  }
0x8e: {  	[smem:$0x3FC2] =	sst s2  }
0x8f: {  	_ = 	snop  }
0x90: {  	(tm) =	ssettm $0x1  }
0x91: {  	s17 =	sld [smem:$0x3FFB];
	_ =	sdelay $0x3  }
0x92: {  	_ =	strace s17  }
0x93: {  	s2 =	sld [smem:$0x3FFC];
	_ =	sdelay $0x3  }
0x94: {  	_ =	strace s2  }
0x95: {  	s2 =	sld [smem:$0x3FFD];
	_ =	sdelay $0x3  }
0x96: {  	_ =	strace s2  }
0x97: {  	_ =	strace $0x8FFFFFFF  }
0x98: {  	s18 =	sld [smem:$0x3FDB];
	_ =	sdelay $0x1  }
0x99: {  	s19 =	simm.s32 $_scs_section_size  }
0x9a: {  	s4 =	simm.s32 $_size__tile_overlayer_lowered;
	s5 =	simm.s32 $_tile_overlayer_lowered  }
0x9b: {  	s22 =	simm.s32 $0x1BFF;
	s21 =	sshll.u32 s5, $0x1;
	s2 =	sadd.s32 s19, s18  }
0x9c: {  	s6 =	simm.s32 $0x0;
	s20 =	sshll.u32 s4, $0x1;
	s4 =	sadd.s32 s21, s2  }
0x9d: {  	[timem:s6], [sflag:s22] =	dma.local [hbm:s4], s20  }
0x9e: {  	_ =	swait.ge [sflag:s22], s20  }
0x9f: {  	s3 =	ssub.s32 $0x0, s20;
	[sflag:s22] =	ssyncset.done $0x0  }
0xa0: {  	[sflag:s22] =	ssyncadd.s32 s3;
	_ =	sdelay $0x1  }
0xa1: {  	s23 =	simm.s32 $0x1B8B  }
0xa2: {  	_ =	swait.ge [sflag:s23], $0x1  }
0xa3: {  	[sflag:s23] =	ssyncset.done $0x0  }
0xa4: {  	s25 =	simm.s32 $0x1B8E;
	s24 =	sld [smem:$0x3FFE];
	[sflag:s23] =	ssyncadd.s32 $0xFFFFFFFF  }
0xa5: {  	s26 =	simm.s32 $execute0_lowered;
	[smem:$0x3FD2] =	sst s25  }
0xa6: {  	s4 =	sshll.u32 s26, $0x1;
	_ =	strace $0x80000046;
	[dreg:$0x1] =	wrdreg $0xFFFFFFFF  }
0xa7: {  	s28 =	simm.s32 $_size_execute0_lowered;
	s2 =	sadd.s32 s2, s4;
	[dreg:$0x0] =	wrdreg $0x0  }
0xa8: {  	s4 =	sshll.u32 s28, $0x1;
	[dreg:$0x2] =	wrdreg s2  }
0xa9: {  	[dreg:$0x3] =	wrdreg s4  }
0xaa: {  	[dreg:$0x4] =	wrdreg $0xC0  }
0xab: {  	_ =	task [dreg:s6], $0x5FFFF  }
0xac: {  	[dreg:$0x1] =	wrdreg $0xFFFFFFFF  }
0xad: {  	[dreg:$0x0] =	wrdreg $0x60  }
0xae: {  	[dreg:$0x2] =	wrdreg s24  }
0xaf: {  	[dreg:$0x3] =	wrdreg $0xC6C00  }
0xb0: {  	[dreg:$0x4] =	wrdreg $0xEDD00  }
0xb1: {  	[dreg:$0x5] =	wrdreg $0x9  }
0xb2: {  	_ =	task.clear_ibuf [dreg:s6], $0x6FFFF;
	_ =	strace $0x90000046  }
0xb3: {  	s29 =	simm.s32 $0x9;
	_ =	strace $0x80000048  }
0xb4: {  	_ =	swait.ge [sflag:s29], $0x1  }
0xb5: {  	[sflag:s29] =	ssyncadd.s32 $0xFFFFFFFF  }
0xb6: {  	_ =	strace $0x90000048  }
0xb7: {  	_ =	sfence  }
0xb8: {  	s30 =	sld [smem:$0x0];
	_ =	sdelay $0x2  }
0xb9: {  	s31 =	sshll.u32 s1, $0xD;
	s1 =	sshrl.u32 s1, $0x2  }
0xba: {  	s3 =	sand.u32 $0x4000, s31;
	s1 =	sadd.s32 s1, s30  }
0xbb: {  	s0 =	sor.u32 s3, s0;
	s1 =	sshll.u32 s1, $0x11  }
0xbc: {  	s0 =	sor.u32 s1, s0  }
0xbd: {  	s0 =	sadd.s32 $0x8F2B, s0  }
0xbe: {  	[sflag:s0] =	ssyncadd.remote.s32 $0x1  }
0xbf: {  	_ =	sfence.sel $0xFFFF  }
0xc0: {  	[dreg:$0x0] =	wrdreg $0xFFFFFFFF;
	(pc) =	sbr.abs _section_cstart, $3  }
0xc1: {  	[dreg:$0x1] =	wrdreg $0xFFFFFFFF  }
0xc2: {  	_ =	task.clear_ibuf [dreg:s6], $0x2FFFF;
	_ =	strace $0x9FFFFFFF  }
0xc3: {  	(tm) =	ssettm $0x7FFFFFFF  }
tec
execute0_lowered:
.L_overlay_start_1:
0x0: {  	(tag) =	ssettag $0x1  }
0x1: {  	s4 =	rddreg [dreg:$0x0]  }
0x2: {  	s1 =	srdreg.scid;
	s7 =	rddreg [dreg:$0x1]  }
0x3: {  	s0 =	stileid.u32;
	s9 =	rddreg [dreg:$0x2]  }
0x4: {  	s2 =	simm.s32 $0x0;
	s13 =	simm.s32 $0x2710;
	s14 =	simm.s32 $0x4E20  }
0x5: {  	s15 =	simm.s32 $0x7530;
	s16 =	simm.s32 $0x280;
	s17 =	simm.s32 $0x9C40  }
0x6: {  	s18 =	simm.s32 $0xC440;
	s19 =	simm.s32 $0x0;
	s10 =	smul.u32 $0x270, s0  }
0x7: {  	s3 =	sand.u32 $0x1, s1;
	s29 =	sshll.u32 s0, $0x1;
	s31 =	smul.u32 $0x2710, s0  }
0x8: {  	[smem:$0x7FF] =	sst s2;
	s1 =	sor.u32 s3, s29;
	s6 =	smul.u32 $0x4E20, s3  }
0x9: {  	s3 =	ssub.s32 $0x2, s3;
	s5 =	smul.u32 $0x2710, s1;
	s1 =	rddreg [dreg:$0x3]  }
0xa: {  	_ =	strace $0x80000047;
	s30 =	sshrl.u32 s3, $0x1;
	s6 =	sadd.s32 s10, s6  }
0xb: {  	s12 =	ssub.s32 s3, s30;
	s5 =	sshrl.u32 s5, $0x3;
	s6 =	sshrl.u32 s6, $0x3  }
0xc: {  	s5 =	sadd.s32 s5, s4;
	s11 =	sadd.s32 s6, s4;
	s6 =	sadd.s32 s31, s9  }
0xd: {  	s9 =	sadd.s32 s10, s9;
	s3 =	sadd.s32 $0x2200, s5;
	s4 =	sadd.s32 $0xBE40, s5  }
0xe: {  	s5 =	sadd.s32 s31, s7;
	s7 =	sadd.s32 s10, s7;
	s8 =	sadd.s32 $0x15C00, s11  }
0xf: {  	v0 =	vimm.f32 $0.0e+00;
	v1 =	vimm.f32 $1.000000000e+00;
	s10 =	sadd.s32 $0x160E2, s11;
	s11 =	smax.u32 s12, $0x1;
	s12 =	simm.s32 $0x1  }
.LBB2_1:
0x10: {  	[tilespmem:s2], [sflag:$0x1] =	stream.linear.gather [hbm4b:s3+s2], $0x2710, $0x38;
	[tilespmem:$0x114E0] =	vst v63  }
0x11: {  	_ =	swait.ge [sflag:s12], $0x2710  }
0x12: {  	[sflag:s12] =	ssyncset.done $0x0  }
0x13: {  	[sflag:s12] =	ssyncadd.s32 $0xFFFFD8F0  }
0x14: {  	[tilespmem:s13], [sflag:$0x1] =	stream.linear.gather [hbm4b:s4+s2], $0x2710, $0x38;
	[tilespmem:$0x114E0] =	vst v63  }
0x15: {  	_ =	swait.ge [sflag:s12], $0x2710  }
0x16: {  	[sflag:s12] =	ssyncset.done $0x0  }
0x17: {  	s21 =	simm.s32 $0x4E60;
	[sflag:s12] =	ssyncadd.s32 $0xFFFFD8F0  }
0x18: {  	s20 =	simm.s32 $0x7570;
	[tilespmem:s21+$0xFFFFFFC0] =	vst v0  }
0x19: {  	[tilespmem:s20+$0xFFFFFFC0] =	vst v0  }
0x1a: {  	[tilespmem:s21+$0xFFFFFFD0] =	vst v0  }
0x1b: {  	[tilespmem:s20+$0xFFFFFFD0] =	vst v0  }
0x1c: {  	[tilespmem:s21+$0xFFFFFFE0] =	vst v0  }
0x1d: {  	[tilespmem:s20+$0xFFFFFFE0] =	vst v0  }
0x1e: {  	[tilespmem:s21+$0xFFFFFFF0] =	vst v0  }
0x1f: {  	[tilespmem:s20+$0xFFFFFFF0] =	vst v0  }
0x20: {  	[tilespmem:s21+$0x0] =	vst v0  }
0x21: {  	[tilespmem:s20+$0x0] =	vst v0  }
0x22: {  	[tilespmem:s21+$0x10] =	vst v0  }
0x23: {  	[tilespmem:s20+$0x10] =	vst v0  }
0x24: {  	[tilespmem:s21+$0x20] =	vst v0  }
0x25: {  	[tilespmem:s20+$0x20] =	vst v0  }
0x26: {  	[tilespmem:s21+$0x30] =	vst v0  }
0x27: {  	s22 =	simm.s32 $0x4EE0;
	s21 =	simm.s32 $0x0;
	[tilespmem:s20+$0x30] =	vst v0  }
.LBB2_2:
0x28: {  	[tilespmem:s22+$0xFFFFFFC0] =	vst v0;
	s20 =	sadd.s32 $0x80, s20  }
0x29: {  	[tilespmem:s20+$0xFFFFFFC0] =	vst v0  }
0x2a: {  	[tilespmem:s22+$0xFFFFFFD0] =	vst v0  }
0x2b: {  	[tilespmem:s20+$0xFFFFFFD0] =	vst v0  }
0x2c: {  	[tilespmem:s22+$0xFFFFFFE0] =	vst v0  }
0x2d: {  	[tilespmem:s20+$0xFFFFFFE0] =	vst v0  }
0x2e: {  	[tilespmem:s22+$0xFFFFFFF0] =	vst v0  }
0x2f: {  	[tilespmem:s20+$0xFFFFFFF0] =	vst v0  }
0x30: {  	[tilespmem:s22+$0x0] =	vst v0  }
0x31: {  	s21 =	sadd.s32 $0x8, s21;
	[tilespmem:s20+$0x0] =	vst v0  }
0x32: {  	p0 =	slt.u32 s21, $0x268;
	[tilespmem:s22+$0x10] =	vst v0  }
.Ltmp0:
0x33: {  	[tilespmem:s20+$0x10] =	vst v0;
	(pc) =	sbr.rel @p0 .LBB2_2-.Ltmp0, $4  }
0x34: {  	[tilespmem:s22+$0x20] =	vst v0  }
0x35: {  	[tilespmem:s20+$0x20] =	vst v0  }
0x36: {  	[tilespmem:s22+$0x30] =	vst v0  }
0x37: {  	s22 =	sadd.s32 $0x80, s22;
	[tilespmem:s20+$0x30] =	vst v0  }
0x38: {  	[tilespmem:$0x7520] =	vst v0  }
0x39: {  	[tilespmem:$0x9C30] =	vst v0;
	s20 =	simm.s32 $0xFFFFFFFE;
	s21 =	simm.s32 $0x50;
	s22 =	simm.s32 $0x2760  }
.LBB2_4:
0x3a: {  	v2 =	vld [tilespmem:s21+$0xFFFFFFB0];
	_ =	sdelay $0x7  }
0x3b: {  	[tilespmem:v2+s14+$0x0] =	vst.idx.add.f32.msk $0xffff, v1  }
0x3c: {  	v2 =	vld [tilespmem:s22+$0xFFFFFFB0];
	_ =	sdelay $0x7  }
0x3d: {  	[tilespmem:v2+s15+$0x0] =	vst.idx.add.f32.msk $0xffff, v1  }
0x3e: {  	v2 =	vld [tilespmem:s21+$0xFFFFFFC0];
	_ =	sdelay $0x7  }
0x3f: {  	[tilespmem:v2+s14+$0x0] =	vst.idx.add.f32.msk $0xffff, v1  }
0x40: {  	v2 =	vld [tilespmem:s22+$0xFFFFFFC0];
	_ =	sdelay $0x7  }
0x41: {  	[tilespmem:v2+s15+$0x0] =	vst.idx.add.f32.msk $0xffff, v1  }
0x42: {  	v2 =	vld [tilespmem:s21+$0xFFFFFFD0];
	_ =	sdelay $0x7  }
0x43: {  	[tilespmem:v2+s14+$0x0] =	vst.idx.add.f32.msk $0xffff, v1  }
0x44: {  	v2 =	vld [tilespmem:s22+$0xFFFFFFD0];
	_ =	sdelay $0x7  }
0x45: {  	[tilespmem:v2+s15+$0x0] =	vst.idx.add.f32.msk $0xffff, v1  }
0x46: {  	v2 =	vld [tilespmem:s21+$0xFFFFFFE0];
	_ =	sdelay $0x7  }
0x47: {  	[tilespmem:v2+s14+$0x0] =	vst.idx.add.f32.msk $0xffff, v1  }
0x48: {  	v2 =	vld [tilespmem:s22+$0xFFFFFFE0];
	_ =	sdelay $0x7  }
0x49: {  	[tilespmem:v2+s15+$0x0] =	vst.idx.add.f32.msk $0xffff, v1  }
0x4a: {  	v2 =	vld [tilespmem:s21+$0xFFFFFFF0];
	_ =	sdelay $0x7  }
0x4b: {  	[tilespmem:v2+s14+$0x0] =	vst.idx.add.f32.msk $0xffff, v1  }
0x4c: {  	v2 =	vld [tilespmem:s22+$0xFFFFFFF0];
	_ =	sdelay $0x7  }
0x4d: {  	[tilespmem:v2+s15+$0x0] =	vst.idx.add.f32.msk $0xffff, v1  }
0x4e: {  	v2 =	vld [tilespmem:s21+$0x0];
	_ =	sdelay $0x7  }
0x4f: {  	[tilespmem:v2+s14+$0x0] =	vst.idx.add.f32.msk $0xffff, v1  }
0x50: {  	v2 =	vld [tilespmem:s22+$0x0];
	_ =	sdelay $0x7  }
0x51: {  	[tilespmem:v2+s15+$0x0] =	vst.idx.add.f32.msk $0xffff, v1  }
0x52: {  	v2 =	vld [tilespmem:s21+$0x10];
	_ =	sdelay $0x7  }
0x53: {  	[tilespmem:v2+s14+$0x0] =	vst.idx.add.f32.msk $0xffff, v1  }
0x54: {  	v2 =	vld [tilespmem:s22+$0x10];
	_ =	sdelay $0x7  }
0x55: {  	[tilespmem:v2+s15+$0x0] =	vst.idx.add.f32.msk $0xffff, v1  }
0x56: {  	v2 =	vld [tilespmem:s21+$0x20];
	_ =	sdelay $0x7  }
0x57: {  	[tilespmem:v2+s14+$0x0] =	vst.idx.add.f32.msk $0xffff, v1  }
0x58: {  	v2 =	vld [tilespmem:s22+$0x20];
	_ =	sdelay $0x7  }
0x59: {  	[tilespmem:v2+s15+$0x0] =	vst.idx.add.f32.msk $0xffff, v1  }
0x5a: {  	v2 =	vld [tilespmem:s21+$0x30];
	_ =	sdelay $0x7  }
0x5b: {  	[tilespmem:v2+s14+$0x0] =	vst.idx.add.f32.msk $0xffff, v1  }
0x5c: {  	v2 =	vld [tilespmem:s22+$0x30];
	_ =	sdelay $0x7  }
0x5d: {  	[tilespmem:v2+s15+$0x0] =	vst.idx.add.f32.msk $0xffff, v1  }
0x5e: {  	v2 =	vld [tilespmem:s21+$0x40];
	_ =	sdelay $0x7  }
0x5f: {  	[tilespmem:v2+s14+$0x0] =	vst.idx.add.f32.msk $0xffff, v1  }
0x60: {  	v2 =	vld [tilespmem:s22+$0x40];
	_ =	sdelay $0x1  }
0x61: {  	s20 =	sadd.s32 $0x2, s20  }
0x62: {  	p0 =	slt.u32 s20, $0x7A  }
.Ltmp1:
0x63: {  	_ = 	snop;
	(pc) =	sbr.rel @p0 .LBB2_4-.Ltmp1, $2  }
0x64: {  	_ =	sdelay $0x2  }
0x65: {  	s21 =	sadd.s32 $0xA0, s21;
	s22 =	sadd.s32 $0xA0, s22;
	[tilespmem:v2+s15+$0x0] =	vst.idx.add.f32.msk $0xffff, v1  }
0x66: {  	v2 =	vld [tilespmem:$0x26C0];
	_ =	sdelay $0x7  }
0x67: {  	[tilespmem:v2+s14+$0x0] =	vst.idx.add.f32.msk $0xffff, v1  }
0x68: {  	v2 =	vld [tilespmem:$0x4DD0];
	_ =	sdelay $0x7  }
0x69: {  	[tilespmem:v2+s15+$0x0] =	vst.idx.add.f32.msk $0xffff, v1  }
0x6a: {  	v2 =	vld [tilespmem:$0x26D0];
	_ =	sdelay $0x7  }
0x6b: {  	[tilespmem:v2+s14+$0x0] =	vst.idx.add.f32.msk $0xffff, v1  }
0x6c: {  	v2 =	vld [tilespmem:$0x4DE0];
	_ =	sdelay $0x7  }
0x6d: {  	[tilespmem:v2+s15+$0x0] =	vst.idx.add.f32.msk $0xffff, v1  }
0x6e: {  	v2 =	vld [tilespmem:$0x26E0];
	_ =	sdelay $0x7  }
0x6f: {  	[tilespmem:v2+s14+$0x0] =	vst.idx.add.f32.msk $0xffff, v1  }
0x70: {  	v2 =	vld [tilespmem:$0x4DF0];
	_ =	sdelay $0x7  }
0x71: {  	[tilespmem:v2+s15+$0x0] =	vst.idx.add.f32.msk $0xffff, v1  }
0x72: {  	v2 =	vld [tilespmem:$0x26F0];
	_ =	sdelay $0x7  }
0x73: {  	[tilespmem:v2+s14+$0x0] =	vst.idx.add.f32.msk $0xffff, v1  }
0x74: {  	v2 =	vld [tilespmem:$0x4E00];
	_ =	sdelay $0x7  }
0x75: {  	[tilespmem:v2+s15+$0x0] =	vst.idx.add.f32.msk $0xffff, v1  }
0x76: {  	v2 =	vld [tilespmem:$0x2700];
	_ =	sdelay $0x7  }
0x77: {  	[tilespmem:v2+s14+$0x0] =	vst.idx.add.f32.msk $0xffff, v1  }
0x78: {  	v2 =	vld [tilespmem:$0x4E10];
	_ =	sdelay $0x7  }
0x79: {  	[tilespmem:v2+s15+$0x0] =	vst.idx.add.f32.msk $0xffff, v1  }
0x7a: {  	[spmem:s5] =	stream.linear.scatter [tilespmem:s14], [sflag:$0x1], $0x2710, $0x38;
	[tilespmem:$0x114E0] =	vst v63  }
0x7b: {  	_ =	swait.ge [sflag:s12], $0x2710  }
0x7c: {  	[sflag:s12] =	ssyncset.done $0x0  }
0x7d: {  	[sflag:s12] =	ssyncadd.s32 $0xFFFFD8F0  }
0x7e: {  	[spmem:s6] =	stream.linear.scatter [tilespmem:s15], [sflag:$0x1], $0x2710, $0x38;
	[tilespmem:$0x114E0] =	vst v63  }
0x7f: {  	_ =	swait.ge [sflag:s12], $0x2710  }
0x80: {  	[sflag:s12] =	ssyncset.done $0x0  }
0x81: {  	[sflag:s12] =	ssyncadd.s32 $0xFFFFD8F0  }
0x82: {  	[bflag:$0x0] =	sbarrier.arrive $0xFFFF  }
0x83: {  	[tilespmem:s17], [sflag:$0x1] =	stream.strided.gather [spmem:s7], $0x2800, s13, s16, $0x38;
	[tilespmem:$0x114E0] =	vst v63  }
0x84: {  	_ =	swait.ge [sflag:s12], $0x2800  }
0x85: {  	[sflag:s12] =	ssyncset.done $0x0  }
0x86: {  	s20 =	simm.s32 $0xB040;
	[sflag:s12] =	ssyncadd.s32 $0xFFFFD800  }
0x87: {  	v2 =	vld [tilespmem:s20+$0xFFFFEC00]  }
0x88: {  	v3 =	vld [tilespmem:s20+$0xFFFFEE80];
	_ =	sdelay $0x1  }
0x89: {  	v4 =	vld [tilespmem:s20+$0xFFFFF100];
	_ =	sdelay $0x1  }
0x8a: {  	v5 =	vld [tilespmem:s20+$0xFFFFF380]  }
0x8b: {  	v2 =	vadd.f32 v3, v2  }
0x8c: {  	v3 =	vld [tilespmem:s20+$0xFFFFF600]  }
0x8d: {  	v2 =	vadd.f32 v4, v2  }
0x8e: {  	v46 =	vld [tilespmem:s20+$0xFFFFF880]  }
0x8f: {  	v2 =	vadd.f32 v5, v2  }
0x90: {  	v47 =	vld [tilespmem:s20+$0xFFFFFB00]  }
0x91: {  	v2 =	vadd.f32 v3, v2  }
0x92: {  	v3 =	vld [tilespmem:s20+$0xFFFFFD80]  }
0x93: {  	v2 =	vadd.f32 v46, v2  }
0x94: {  	v48 =	vld [tilespmem:s20+$0x0]  }
0x95: {  	v2 =	vadd.f32 v47, v2  }
0x96: {  	v49 =	vld [tilespmem:s20+$0x280]  }
0x97: {  	v2 =	vadd.f32 v3, v2  }
0x98: {  	v3 =	vld [tilespmem:s20+$0x500]  }
0x99: {  	v2 =	vadd.f32 v48, v2  }
0x9a: {  	v50 =	vld [tilespmem:s20+$0x780]  }
0x9b: {  	v2 =	vadd.f32 v49, v2  }
0x9c: {  	v51 =	vld [tilespmem:s20+$0xA00]  }
0x9d: {  	v2 =	vadd.f32 v3, v2  }
0x9e: {  	v3 =	vld [tilespmem:s20+$0xC80]  }
0x9f: {  	v2 =	vadd.f32 v50, v2  }
0xa0: {  	v52 =	vld [tilespmem:s20+$0xF00]  }
0xa1: {  	v2 =	vadd.f32 v51, v2  }
0xa2: {  	v53 =	vld [tilespmem:s20+$0x1180]  }
0xa3: {  	v2 =	vadd.f32 v3, v2;
	_ =	sdelay $0x1  }
0xa4: {  	v2 =	vadd.f32 v52, v2;
	_ =	sdelay $0x1  }
0xa5: {  	v2 =	vadd.f32 v53, v2  }
0xa6: {  	s21 =	simm.s32 $0xC450  }
0xa7: {  	[tilespmem:s21+$0xFFFFFFF0] =	vst v2  }
0xa8: {  	v2 =	vld [tilespmem:s20+$0xFFFFEC10]  }
0xa9: {  	v3 =	vld [tilespmem:s20+$0xFFFFEE90];
	_ =	sdelay $0x1  }
0xaa: {  	v54 =	vld [tilespmem:s20+$0xFFFFF110];
	_ =	sdelay $0x1  }
0xab: {  	v55 =	vld [tilespmem:s20+$0xFFFFF390]  }
0xac: {  	v2 =	vadd.f32 v3, v2  }
0xad: {  	v3 =	vld [tilespmem:s20+$0xFFFFF610]  }
0xae: {  	v2 =	vadd.f32 v54, v2  }
0xaf: {  	v56 =	vld [tilespmem:s20+$0xFFFFF890]  }
0xb0: {  	v2 =	vadd.f32 v55, v2  }
0xb1: {  	v57 =	vld [tilespmem:s20+$0xFFFFFB10]  }
0xb2: {  	v2 =	vadd.f32 v3, v2  }
0xb3: {  	v3 =	vld [tilespmem:s20+$0xFFFFFD90]  }
0xb4: {  	v2 =	vadd.f32 v56, v2  }
0xb5: {  	v58 =	vld [tilespmem:s20+$0x10]  }
0xb6: {  	v2 =	vadd.f32 v57, v2  }
0xb7: {  	v59 =	vld [tilespmem:s20+$0x290]  }
0xb8: {  	v2 =	vadd.f32 v3, v2  }
0xb9: {  	v3 =	vld [tilespmem:s20+$0x510]  }
0xba: {  	v2 =	vadd.f32 v58, v2  }
0xbb: {  	v60 =	vld [tilespmem:s20+$0x790]  }
0xbc: {  	v2 =	vadd.f32 v59, v2  }
0xbd: {  	v61 =	vld [tilespmem:s20+$0xA10]  }
0xbe: {  	v2 =	vadd.f32 v3, v2  }
0xbf: {  	v3 =	vld [tilespmem:s20+$0xC90]  }
0xc0: {  	v2 =	vadd.f32 v60, v2  }
0xc1: {  	v62 =	vld [tilespmem:s20+$0xF10]  }
0xc2: {  	v2 =	vadd.f32 v61, v2  }
0xc3: {  	v63 =	vld [tilespmem:s20+$0x1190]  }
0xc4: {  	v2 =	vadd.f32 v3, v2;
	_ =	sdelay $0x1  }
0xc5: {  	v2 =	vadd.f32 v62, v2;
	_ =	sdelay $0x1  }
0xc6: {  	s22 =	simm.s32 $0x0;
	s23 =	simm.s32 $0xC450;
	v2 =	vadd.f32 v63, v2  }
.LBB2_6:
0xc7: {  	s22 =	sadd.s32 $0x2, s22;
	s20 =	sadd.s32 $0x20, s20;
	s21 =	sadd.s32 $0x20, s21  }
0xc8: {  	p0 =	slt.u32 s22, $0x26;
	[tilespmem:s23+$0x0] =	vst v2;
	s23 =	smov.u32 s21  }
0xc9: {  	v2 =	vld [tilespmem:s20+$0xFFFFEC00]  }
0xca: {  	v3 =	vld [tilespmem:s20+$0xFFFFEE80];
	_ =	sdelay $0x1  }
0xcb: {  	v4 =	vld [tilespmem:s20+$0xFFFFF100];
	_ =	sdelay $0x1  }
0xcc: {  	v5 =	vld [tilespmem:s20+$0xFFFFF380]  }
0xcd: {  	v2 =	vadd.f32 v3, v2  }
0xce: {  	v3 =	vld [tilespmem:s20+$0xFFFFF600]  }
0xcf: {  	v2 =	vadd.f32 v4, v2  }
0xd0: {  	v4 =	vld [tilespmem:s20+$0xFFFFF880]  }
0xd1: {  	v2 =	vadd.f32 v5, v2  }
0xd2: {  	v5 =	vld [tilespmem:s20+$0xFFFFFB00]  }
0xd3: {  	v2 =	vadd.f32 v3, v2  }
0xd4: {  	v3 =	vld [tilespmem:s20+$0xFFFFFD80]  }
0xd5: {  	v2 =	vadd.f32 v4, v2  }
0xd6: {  	v4 =	vld [tilespmem:s20+$0x0]  }
0xd7: {  	v2 =	vadd.f32 v5, v2  }
0xd8: {  	v5 =	vld [tilespmem:s20+$0x280]  }
0xd9: {  	v2 =	vadd.f32 v3, v2  }
0xda: {  	v3 =	vld [tilespmem:s20+$0x500]  }
0xdb: {  	v2 =	vadd.f32 v4, v2  }
0xdc: {  	v4 =	vld [tilespmem:s20+$0x780]  }
0xdd: {  	v2 =	vadd.f32 v5, v2  }
0xde: {  	v5 =	vld [tilespmem:s20+$0xA00]  }
0xdf: {  	v2 =	vadd.f32 v3, v2  }
0xe0: {  	v3 =	vld [tilespmem:s20+$0xC80]  }
0xe1: {  	v2 =	vadd.f32 v4, v2  }
0xe2: {  	v4 =	vld [tilespmem:s20+$0xF00]  }
0xe3: {  	v2 =	vadd.f32 v5, v2  }
0xe4: {  	v5 =	vld [tilespmem:s20+$0x1180]  }
0xe5: {  	v2 =	vadd.f32 v3, v2;
	_ =	sdelay $0x1  }
0xe6: {  	v2 =	vadd.f32 v4, v2;
	_ =	sdelay $0x1  }
0xe7: {  	v2 =	vadd.f32 v5, v2;
	_ =	sdelay $0x1  }
0xe8: {  	[tilespmem:s21+$0xFFFFFFF0] =	vst v2  }
0xe9: {  	v2 =	vld [tilespmem:s20+$0xFFFFEC10]  }
0xea: {  	v3 =	vld [tilespmem:s20+$0xFFFFEE90]  }
0xeb: {  	v4 =	vld [tilespmem:s20+$0xFFFFF110];
	_ =	sdelay $0x1  }
0xec: {  	v5 =	vld [tilespmem:s20+$0xFFFFF390];
	_ =	sdelay $0x1  }
0xed: {  	v2 =	vadd.f32 v3, v2;
	v3 =	vld [tilespmem:s20+$0xFFFFF610];
	_ =	sdelay $0x1  }
0xee: {  	v2 =	vadd.f32 v4, v2;
	v4 =	vld [tilespmem:s20+$0xFFFFF890];
	_ =	sdelay $0x1  }
0xef: {  	v2 =	vadd.f32 v5, v2;
	v5 =	vld [tilespmem:s20+$0xFFFFFB10];
	_ =	sdelay $0x1  }
0xf0: {  	v2 =	vadd.f32 v3, v2;
	v3 =	vld [tilespmem:s20+$0xFFFFFD90];
	_ =	sdelay $0x1  }
0xf1: {  	v2 =	vadd.f32 v4, v2;
	v4 =	vld [tilespmem:s20+$0x10];
	_ =	sdelay $0x1  }
0xf2: {  	v2 =	vadd.f32 v5, v2;
	v5 =	vld [tilespmem:s20+$0x290];
	_ =	sdelay $0x1  }
0xf3: {  	v2 =	vadd.f32 v3, v2;
	v3 =	vld [tilespmem:s20+$0x510];
	_ =	sdelay $0x1  }
0xf4: {  	v2 =	vadd.f32 v4, v2;
	v4 =	vld [tilespmem:s20+$0x790];
	_ =	sdelay $0x1  }
0xf5: {  	v2 =	vadd.f32 v5, v2;
	v5 =	vld [tilespmem:s20+$0xA10];
	_ =	sdelay $0x1  }
0xf6: {  	v2 =	vadd.f32 v3, v2;
	v3 =	vld [tilespmem:s20+$0xC90];
	_ =	sdelay $0x1  }
0xf7: {  	v2 =	vadd.f32 v4, v2;
	v4 =	vld [tilespmem:s20+$0xF10];
	_ =	sdelay $0x1  }
0xf8: {  	v2 =	vadd.f32 v5, v2;
	v5 =	vld [tilespmem:s20+$0x1190];
	_ =	sdelay $0x1  }
.Ltmp2:
0xf9: {  	v2 =	vadd.f32 v3, v2;
	(pc) =	sbr.rel @p0 .LBB2_6-.Ltmp2, $3  }
0xfa: {  	_ = 	snop  }
0xfb: {  	v2 =	vadd.f32 v4, v2;
	_ =	sdelay $0x1  }
0xfc: {  	v2 =	vadd.f32 v5, v2  }
0xfd: {  	_ = 	snop  }
0xfe: {  	[tilespmem:s23+$0x0] =	vst v2  }
0xff: {  	[hbm4b:s8+s2] =	stream.linear.scatter [tilespmem:s18], [sflag:$0x1], $0x280, $0x38;
	[tilespmem:$0x114E0] =	vst v63  }
0x100: {  	_ =	swait.ge [sflag:s12], $0x280  }
0x101: {  	[sflag:s12] =	ssyncset.done $0x0  }
0x102: {  	[sflag:s12] =	ssyncadd.s32 $0xFFFFFD80  }
0x103: {  	[tilespmem:s17], [sflag:$0x1] =	stream.strided.gather [spmem:s9], $0x2800, s13, s16, $0x38;
	[tilespmem:$0x114E0] =	vst v63  }
0x104: {  	_ =	swait.ge [sflag:s12], $0x2800  }
0x105: {  	[sflag:s12] =	ssyncset.done $0x0  }
0x106: {  	s20 =	simm.s32 $0xB040;
	[sflag:s12] =	ssyncadd.s32 $0xFFFFD800  }
0x107: {  	v2 =	vld [tilespmem:s20+$0xFFFFEC00]  }
0x108: {  	v3 =	vld [tilespmem:s20+$0xFFFFEE80];
	_ =	sdelay $0x1  }
0x109: {  	v4 =	vld [tilespmem:s20+$0xFFFFF100];
	_ =	sdelay $0x1  }
0x10a: {  	v5 =	vld [tilespmem:s20+$0xFFFFF380]  }
0x10b: {  	v2 =	vadd.f32 v3, v2  }
0x10c: {  	v3 =	vld [tilespmem:s20+$0xFFFFF600]  }
0x10d: {  	v2 =	vadd.f32 v4, v2  }
0x10e: {  	v46 =	vld [tilespmem:s20+$0xFFFFF880]  }
0x10f: {  	v2 =	vadd.f32 v5, v2  }
0x110: {  	v47 =	vld [tilespmem:s20+$0xFFFFFB00]  }
0x111: {  	v2 =	vadd.f32 v3, v2  }
0x112: {  	v3 =	vld [tilespmem:s20+$0xFFFFFD80]  }
0x113: {  	v2 =	vadd.f32 v46, v2  }
0x114: {  	v48 =	vld [tilespmem:s20+$0x0]  }
0x115: {  	v2 =	vadd.f32 v47, v2  }
0x116: {  	v49 =	vld [tilespmem:s20+$0x280]  }
0x117: {  	v2 =	vadd.f32 v3, v2  }
0x118: {  	v3 =	vld [tilespmem:s20+$0x500]  }
0x119: {  	v2 =	vadd.f32 v48, v2  }
0x11a: {  	v50 =	vld [tilespmem:s20+$0x780]  }
0x11b: {  	v2 =	vadd.f32 v49, v2  }
0x11c: {  	v51 =	vld [tilespmem:s20+$0xA00]  }
0x11d: {  	v2 =	vadd.f32 v3, v2  }
0x11e: {  	v3 =	vld [tilespmem:s20+$0xC80]  }
0x11f: {  	v2 =	vadd.f32 v50, v2  }
0x120: {  	v52 =	vld [tilespmem:s20+$0xF00]  }
0x121: {  	v2 =	vadd.f32 v51, v2  }
0x122: {  	v53 =	vld [tilespmem:s20+$0x1180]  }
0x123: {  	v2 =	vadd.f32 v3, v2;
	_ =	sdelay $0x1  }
0x124: {  	v2 =	vadd.f32 v52, v2;
	_ =	sdelay $0x1  }
0x125: {  	v2 =	vadd.f32 v53, v2  }
0x126: {  	s21 =	simm.s32 $0xC450  }
0x127: {  	[tilespmem:s21+$0xFFFFFFF0] =	vst v2  }
0x128: {  	v2 =	vld [tilespmem:s20+$0xFFFFEC10]  }
0x129: {  	v3 =	vld [tilespmem:s20+$0xFFFFEE90];
	_ =	sdelay $0x1  }
0x12a: {  	v54 =	vld [tilespmem:s20+$0xFFFFF110];
	_ =	sdelay $0x1  }
0x12b: {  	v55 =	vld [tilespmem:s20+$0xFFFFF390]  }
0x12c: {  	v2 =	vadd.f32 v3, v2  }
0x12d: {  	v3 =	vld [tilespmem:s20+$0xFFFFF610]  }
0x12e: {  	v2 =	vadd.f32 v54, v2  }
0x12f: {  	v56 =	vld [tilespmem:s20+$0xFFFFF890]  }
0x130: {  	v2 =	vadd.f32 v55, v2  }
0x131: {  	v57 =	vld [tilespmem:s20+$0xFFFFFB10]  }
0x132: {  	v2 =	vadd.f32 v3, v2  }
0x133: {  	v3 =	vld [tilespmem:s20+$0xFFFFFD90]  }
0x134: {  	v2 =	vadd.f32 v56, v2  }
0x135: {  	v58 =	vld [tilespmem:s20+$0x10]  }
0x136: {  	v2 =	vadd.f32 v57, v2  }
0x137: {  	v59 =	vld [tilespmem:s20+$0x290]  }
0x138: {  	v2 =	vadd.f32 v3, v2  }
0x139: {  	v3 =	vld [tilespmem:s20+$0x510]  }
0x13a: {  	v2 =	vadd.f32 v58, v2  }
0x13b: {  	v60 =	vld [tilespmem:s20+$0x790]  }
0x13c: {  	v2 =	vadd.f32 v59, v2  }
0x13d: {  	v61 =	vld [tilespmem:s20+$0xA10]  }
0x13e: {  	v2 =	vadd.f32 v3, v2  }
0x13f: {  	v3 =	vld [tilespmem:s20+$0xC90]  }
0x140: {  	v2 =	vadd.f32 v60, v2  }
0x141: {  	v62 =	vld [tilespmem:s20+$0xF10]  }
0x142: {  	v2 =	vadd.f32 v61, v2  }
0x143: {  	v63 =	vld [tilespmem:s20+$0x1190]  }
0x144: {  	v2 =	vadd.f32 v3, v2;
	_ =	sdelay $0x1  }
0x145: {  	v2 =	vadd.f32 v62, v2;
	_ =	sdelay $0x1  }
0x146: {  	s22 =	simm.s32 $0x0;
	s23 =	simm.s32 $0xC450;
	v2 =	vadd.f32 v63, v2  }
.LBB2_8:
0x147: {  	s22 =	sadd.s32 $0x2, s22;
	s20 =	sadd.s32 $0x20, s20;
	s21 =	sadd.s32 $0x20, s21  }
0x148: {  	p0 =	slt.u32 s22, $0x26;
	[tilespmem:s23+$0x0] =	vst v2;
	s23 =	smov.u32 s21  }
0x149: {  	v2 =	vld [tilespmem:s20+$0xFFFFEC00]  }
0x14a: {  	v3 =	vld [tilespmem:s20+$0xFFFFEE80];
	_ =	sdelay $0x1  }
0x14b: {  	v4 =	vld [tilespmem:s20+$0xFFFFF100];
	_ =	sdelay $0x1  }
0x14c: {  	v5 =	vld [tilespmem:s20+$0xFFFFF380]  }
0x14d: {  	v2 =	vadd.f32 v3, v2  }
0x14e: {  	v3 =	vld [tilespmem:s20+$0xFFFFF600]  }
0x14f: {  	v2 =	vadd.f32 v4, v2  }
0x150: {  	v4 =	vld [tilespmem:s20+$0xFFFFF880]  }
0x151: {  	v2 =	vadd.f32 v5, v2  }
0x152: {  	v5 =	vld [tilespmem:s20+$0xFFFFFB00]  }
0x153: {  	v2 =	vadd.f32 v3, v2  }
0x154: {  	v3 =	vld [tilespmem:s20+$0xFFFFFD80]  }
0x155: {  	v2 =	vadd.f32 v4, v2  }
0x156: {  	v4 =	vld [tilespmem:s20+$0x0]  }
0x157: {  	v2 =	vadd.f32 v5, v2  }
0x158: {  	v5 =	vld [tilespmem:s20+$0x280]  }
0x159: {  	v2 =	vadd.f32 v3, v2  }
0x15a: {  	v3 =	vld [tilespmem:s20+$0x500]  }
0x15b: {  	v2 =	vadd.f32 v4, v2  }
0x15c: {  	v4 =	vld [tilespmem:s20+$0x780]  }
0x15d: {  	v2 =	vadd.f32 v5, v2  }
0x15e: {  	v5 =	vld [tilespmem:s20+$0xA00]  }
0x15f: {  	v2 =	vadd.f32 v3, v2  }
0x160: {  	v3 =	vld [tilespmem:s20+$0xC80]  }
0x161: {  	v2 =	vadd.f32 v4, v2  }
0x162: {  	v4 =	vld [tilespmem:s20+$0xF00]  }
0x163: {  	v2 =	vadd.f32 v5, v2  }
0x164: {  	v5 =	vld [tilespmem:s20+$0x1180]  }
0x165: {  	v2 =	vadd.f32 v3, v2;
	_ =	sdelay $0x1  }
0x166: {  	v2 =	vadd.f32 v4, v2;
	_ =	sdelay $0x1  }
0x167: {  	v2 =	vadd.f32 v5, v2;
	_ =	sdelay $0x1  }
0x168: {  	[tilespmem:s21+$0xFFFFFFF0] =	vst v2  }
0x169: {  	v2 =	vld [tilespmem:s20+$0xFFFFEC10]  }
0x16a: {  	v3 =	vld [tilespmem:s20+$0xFFFFEE90]  }
0x16b: {  	v4 =	vld [tilespmem:s20+$0xFFFFF110];
	_ =	sdelay $0x1  }
0x16c: {  	v5 =	vld [tilespmem:s20+$0xFFFFF390];
	_ =	sdelay $0x1  }
0x16d: {  	v2 =	vadd.f32 v3, v2;
	v3 =	vld [tilespmem:s20+$0xFFFFF610];
	_ =	sdelay $0x1  }
0x16e: {  	v2 =	vadd.f32 v4, v2;
	v4 =	vld [tilespmem:s20+$0xFFFFF890];
	_ =	sdelay $0x1  }
0x16f: {  	v2 =	vadd.f32 v5, v2;
	v5 =	vld [tilespmem:s20+$0xFFFFFB10];
	_ =	sdelay $0x1  }
0x170: {  	v2 =	vadd.f32 v3, v2;
	v3 =	vld [tilespmem:s20+$0xFFFFFD90];
	_ =	sdelay $0x1  }
0x171: {  	v2 =	vadd.f32 v4, v2;
	v4 =	vld [tilespmem:s20+$0x10];
	_ =	sdelay $0x1  }
0x172: {  	v2 =	vadd.f32 v5, v2;
	v5 =	vld [tilespmem:s20+$0x290];
	_ =	sdelay $0x1  }
0x173: {  	v2 =	vadd.f32 v3, v2;
	v3 =	vld [tilespmem:s20+$0x510];
	_ =	sdelay $0x1  }
0x174: {  	v2 =	vadd.f32 v4, v2;
	v4 =	vld [tilespmem:s20+$0x790];
	_ =	sdelay $0x1  }
0x175: {  	v2 =	vadd.f32 v5, v2;
	v5 =	vld [tilespmem:s20+$0xA10];
	_ =	sdelay $0x1  }
0x176: {  	v2 =	vadd.f32 v3, v2;
	v3 =	vld [tilespmem:s20+$0xC90];
	_ =	sdelay $0x1  }
0x177: {  	v2 =	vadd.f32 v4, v2;
	v4 =	vld [tilespmem:s20+$0xF10];
	_ =	sdelay $0x1  }
0x178: {  	v2 =	vadd.f32 v5, v2;
	v5 =	vld [tilespmem:s20+$0x1190];
	_ =	sdelay $0x1  }
.Ltmp3:
0x179: {  	v2 =	vadd.f32 v3, v2;
	(pc) =	sbr.rel @p0 .LBB2_8-.Ltmp3, $3  }
0x17a: {  	_ = 	snop  }
0x17b: {  	v2 =	vadd.f32 v4, v2;
	_ =	sdelay $0x1  }
0x17c: {  	v2 =	vadd.f32 v5, v2  }
0x17d: {  	s19 =	sadd.s32 $0x1, s19  }
0x17e: {  	p0 =	sne.s32 s19, s11  }
.Ltmp4:
0x17f: {  	[tilespmem:s23+$0x0] =	vst v2;
	(pc) =	sbr.rel @p0 .LBB2_1-.Ltmp4, $4  }
0x180: {  	[hbm4b:s10+s2] =	stream.linear.scatter [tilespmem:s18], [sflag:$0x1], $0x280, $0x38;
	[tilespmem:$0x114E0] =	vst v63  }
0x181: {  	_ =	swait.ge [sflag:s12], $0x280  }
0x182: {  	[sflag:s12] =	ssyncset.done $0x0  }
0x183: {  	[sflag:s12] =	ssyncadd.s32 $0xFFFFFD80  }
0x184: {  	_ =	sfence.sel $0x180000  }
0x185: {  	[bflag:$0x0] =	sbarrier.arrive $0xFFFF  }
0x186: {  	p0 =	sne.s32 s0, $0x0;
	_ =	strace $0x90000047  }
0x187: {  	s0 =	sadd.s32 @!p0 $0x100000, s1;
	[bflag:$0x2] =	sbarrier.arrive $0xFFFF  }
0x188: {  	[sflag:s0] =	ssyncadd.tile.s32 @!p0 $0x1;
	_ =	shalt  }
.Lfunc_end2:
_tile_overlayer_lowered:
.L_overlay_start_2:
0x189: {  	(tag) =	ssettag $0x2  }
0x18a: {  	s0 =	rddreg [dreg:$0x0];
	s2 =	stileid.u32  }
0x18b: {  	s1 =	rddreg [dreg:$0x1];
	p0 =	sne.s32 s2, $0x0  }
0x18c: {  	s3 =	rddreg [dreg:$0x2];
	[bflag:$0x3] =	sbarrier.arrive $0xFFFF;
	s2 =	simm.s32 @!p0 $0x1C01  }
0x18d: {  	[timem:s3], [sflag:s2] =	dma.local @!p0 [hbm:s0], s1  }
0x18e: {  	s0 =	simm.s32 @!p0 $0x1  }
0x18f: {  	_ =	swait.ge @!p0 [sflag:s0], s1  }
0x190: {  	s1 =	ssub.s32 @!p0 $0x0, s1;
	[sflag:s0] =	ssyncset.done @!p0 $0x0  }
0x191: {  	[sflag:s0] =	ssyncadd.s32 @!p0 s1  }
0x192: {  	[bflag:$0x3] =	sbarrier.arrive $0xFFFF  }
0x193: {  	_ =	shalt  }

</sc_bundles>
